<compile_context>
chip_gen: v7x
topology: tpu7x:2x2x1
jax: 0.10.2.dev20260603
libtpu: 0.0.44.dev20260713+nightly
codegen_flags: <defaults>
</compile_context>

<pallas_src>
import jax
import jax.numpy as jnp
from jax import lax
from jax.experimental import pallas as pl
from jax.experimental.pallas import tpu as pltpu
from jax.experimental.pallas import tpu_sc as plsc

_B, _S, _D = 4, 8192, 1024
_NC, _NS = 2, 16
_NW = _NC * _NS
_SPW = _S // _NW
_CH = 8
_NCHUNK = _SPW // _CH
_NPAR = 3


def _sc_body(x_hbm, emb_hbm, out_hbm,
             xb0, xb1, xb2, xb3, xb4, xb5, xb6, xb7, xb8, xb9, xb10, xb11,
             eb0, eb1, eb2, xsem, osem, esem):
    xb = (xb0, xb1, xb2, xb3, xb4, xb5, xb6, xb7, xb8, xb9, xb10, xb11)
    eb = (eb0, eb1, eb2)
    wid = lax.axis_index("s") * _NC + lax.axis_index("c")
    s0 = wid * _SPW

    def row(c):
        return s0 + c * _CH

    def ein_desc(c, par):
        return pltpu.make_async_copy(
            emb_hbm.at[pl.ds(row(c), _CH)], eb[par], esem.at[par])

    def xin_desc(c, k, par):
        r = par * 4 + k
        return pltpu.make_async_copy(
            x_hbm.at[k, pl.ds(row(c), _CH)], xb[r], xsem.at[r])

    def out_desc(c, k, par):
        r = par * 4 + k
        return pltpu.make_async_copy(
            xb[r], out_hbm.at[k, pl.ds(row(c), _CH)], osem.at[r])

    def chunk(c, par, issue_next=True, wait_out_prev=True):
        par2 = (par + 2) % _NPAR
        par1 = (par + _NPAR - 1) % _NPAR
        if issue_next:
            ein_desc(c + 2, par2).start()
        ein_desc(c, par).wait()
        e = eb[par]
        for k in range(_B):
            xin_desc(c, k, par).wait()
            if wait_out_prev:
                out_desc(c - 1, k, par1).wait()
            if issue_next:
                xin_desc(c + 2, k, par2).start()
            buf = xb[par * 4 + k]

            @plsc.parallel_loop(0, _CH * _D, 16, unroll=8)
            def add_body(i):
                r = i >> 10
                col = pl.multiple_of(i & (_D - 1), 16)
                buf[r, pl.ds(col, 16)] = buf[r, pl.ds(col, 16)] + e[r, pl.ds(col, 16)]

            out_desc(c, k, par).start()

    for c in range(2):
        ein_desc(c, c).start()
        for k in range(_B):
            xin_desc(c, k, c).start()
    chunk(0, 0, wait_out_prev=False)
    chunk(1, 1)

    def triple_body(p, carry):
        c1 = 2 + 3 * p
        chunk(c1, 2)
        chunk(c1 + 1, 0)
        chunk(c1 + 2, 1)
        return carry

    lax.fori_loop(0, (_NCHUNK - 5) // 3, triple_body, 0)

    chunk(_NCHUNK - 3, 2)
    chunk(_NCHUNK - 2, 0, issue_next=False)
    chunk(_NCHUNK - 1, 1, issue_next=False)
    for k in range(_B):
        out_desc(_NCHUNK - 1, k, 1).wait()


def kernel(x, emb_table):
    B, S, D = x.shape
    mesh = plsc.VectorSubcoreMesh(core_axis_name="c", subcore_axis_name="s")
    return pl.kernel(
        _sc_body,
        out_type=jax.ShapeDtypeStruct((B, S, D), jnp.float32),
        mesh=mesh,
        scratch_types=(
            [pltpu.VMEM((_CH, _D), jnp.float32) for _ in range(15)]
            + [pltpu.SemaphoreType.DMA((12,)),
               pltpu.SemaphoreType.DMA((12,)),
               pltpu.SemaphoreType.DMA((3,))]
        ),
    )(x, emb_table)

# --- scband reference (transcript-rebuilt; emitter-appended) ---
"""Pipeline reference for scband-position-embedding-317827580113 (READ-ONLY COPY).

The authoritative reference and input builder live on the scoring server;
editing this copy changes nothing except your own understanding.
"""

import jax, jax.numpy as jnp
import numpy as np

B, S, D = 4, 8192, 1024
MAX_LEN = 8192


def setup_inputs(seed: int = 0) -> dict:
    key = jax.random.key(seed)
    k_x, k_emb = jax.random.split(key)
    x = jax.random.normal(k_x, (B, S, D), dtype=jnp.float32)
    emb_table = jax.random.normal(k_emb, (MAX_LEN, D), dtype=jnp.float32) * 0.02
    return {"x": x, "emb_table": emb_table}


def reference(x, emb_table):
    # PositionEmbedding with emb_type='learn':
    #   tmp = arange(x.size(1)); embedding = Embedding(tmp); repeat over batch; x + embedding
    seq_len = x.shape[1]
    idx = jnp.arange(seq_len)
    embedding = jnp.take(emb_table, idx, axis=0)            # [S, D] gather
    embedding = jnp.broadcast_to(embedding[None, :, :], x.shape)  # repeat([B,1,1])
    return x + embedding

if __name__ == "__main__":
    import jax
    _d = setup_inputs()
    print(jax.jit(kernel)(*tuple(_d.values())))

</pallas_src>

<mosaic_0001>
#map = affine_map<(d0, d1) -> (0, 0, 0)>
#map1 = affine_map<(d0, d1) -> (0, 0)>
module attributes {stable_mosaic.version = 14 : i64} {
  func.func @_sc_body(%arg0: i32, %arg1: i32, %arg2: memref<4x8192x1024xf32, #tpu.memory_space<hbm>>, %arg3: memref<8192x1024xf32, #tpu.memory_space<hbm>>, %arg4: memref<4x8192x1024xf32, #tpu.memory_space<hbm>>, %arg5: memref<8x1024xf32, #tpu.memory_space<vmem>>, %arg6: memref<8x1024xf32, #tpu.memory_space<vmem>>, %arg7: memref<8x1024xf32, #tpu.memory_space<vmem>>, %arg8: memref<8x1024xf32, #tpu.memory_space<vmem>>, %arg9: memref<8x1024xf32, #tpu.memory_space<vmem>>, %arg10: memref<8x1024xf32, #tpu.memory_space<vmem>>, %arg11: memref<8x1024xf32, #tpu.memory_space<vmem>>, %arg12: memref<8x1024xf32, #tpu.memory_space<vmem>>, %arg13: memref<8x1024xf32, #tpu.memory_space<vmem>>, %arg14: memref<8x1024xf32, #tpu.memory_space<vmem>>, %arg15: memref<8x1024xf32, #tpu.memory_space<vmem>>, %arg16: memref<8x1024xf32, #tpu.memory_space<vmem>>, %arg17: memref<8x1024xf32, #tpu.memory_space<vmem>>, %arg18: memref<8x1024xf32, #tpu.memory_space<vmem>>, %arg19: memref<8x1024xf32, #tpu.memory_space<vmem>>, %arg20: memref<12x!tpu.dma_semaphore, #tpu.memory_space<semaphore_mem>>, %arg21: memref<12x!tpu.dma_semaphore, #tpu.memory_space<semaphore_mem>>, %arg22: memref<3x!tpu.dma_semaphore, #tpu.memory_space<semaphore_mem>>) attributes {dimension_semantics = [#tpu.dimension_semantics<core_parallel>, #tpu.dimension_semantics<subcore_parallel>], iteration_bounds = array<i64: 2, 16>, scalar_prefetch = 0 : i64, scratch_operands = 18 : i64, tpu.core_type = #tpu.core_type<sc_vector_subcore>, window_params = [{transform_indices = #map}, {transform_indices = #map1}, {transform_indices = #map}]} {
    %mul3A = arith.constant 2 : i32
    %mul3A_0 = arith.muli %arg1, %mul3A : i32
    %add3A = arith.addi %mul3A_0, %arg0 : i32
    %mul3A_1 = arith.constant 256 : i32
    %mul3A_2 = arith.muli %add3A, %mul3A_1 : i32
    %add3A_3 = arith.constant 0 : i32
    %add3A_4 = arith.addi %mul3A_2, %add3A_3 : i32
    %dma_start3A = arith.constant 0 : i32
    %dma_start3A_5 = arith.constant 0 : i32
    %dma_start3A_6 = tpu.memref_slice %arg3[%add3A_4, %dma_start3A_5] : memref<8192x1024xf32, #tpu.memory_space<hbm>> -> memref<8x1024xf32, #tpu.memory_space<hbm>>
    %dma_start3A_7 = tpu.memref_slice %arg22[%dma_start3A] : memref<3x!tpu.dma_semaphore, #tpu.memory_space<semaphore_mem>> -> memref<1x!tpu.dma_semaphore, #tpu.memory_space<semaphore_mem>>
    %dma_start3A_8 = tpu.memref_squeeze %dma_start3A_7 : memref<1x!tpu.dma_semaphore, #tpu.memory_space<semaphore_mem>> -> memref<!tpu.dma_semaphore, #tpu.memory_space<semaphore_mem>>
    %dma_start3A_9 = arith.constant 0 : i32
    %dma_start3A_10 = tpu.memref_slice %arg3[%add3A_4, %dma_start3A_9] : memref<8192x1024xf32, #tpu.memory_space<hbm>> -> memref<8x1024xf32, #tpu.memory_space<hbm>>
    tpu.enqueue_dma source(%dma_start3A_10 : memref<8x1024xf32, #tpu.memory_space<hbm>>) target(%arg17 : memref<8x1024xf32, #tpu.memory_space<vmem>>) target_semaphore(%dma_start3A_8 : memref<!tpu.dma_semaphore, #tpu.memory_space<semaphore_mem>>)
    %add3A_11 = arith.constant 0 : i32
    %add3A_12 = arith.addi %mul3A_2, %add3A_11 : i32
    %dma_start3A_13 = arith.constant 0 : i32
    %dma_start3A_14 = arith.constant 0 : i32
    %dma_start3A_15 = arith.constant 0 : i32
    %dma_start3A_16 = tpu.memref_slice %arg2[%dma_start3A_13, %add3A_12, %dma_start3A_15] : memref<4x8192x1024xf32, #tpu.memory_space<hbm>> -> memref<1x8x1024xf32, #tpu.memory_space<hbm>>
    %dma_start3A_17 = tpu.memref_squeeze %dma_start3A_16 : memref<1x8x1024xf32, #tpu.memory_space<hbm>> -> memref<8x1024xf32, #tpu.memory_space<hbm>>
    %dma_start3A_18 = tpu.memref_slice %arg20[%dma_start3A_14] : memref<12x!tpu.dma_semaphore, #tpu.memory_space<semaphore_mem>> -> memref<1x!tpu.dma_semaphore, #tpu.memory_space<semaphore_mem>>
    %dma_start3A_19 = tpu.memref_squeeze %dma_start3A_18 : memref<1x!tpu.dma_semaphore, #tpu.memory_space<semaphore_mem>> -> memref<!tpu.dma_semaphore, #tpu.memory_space<semaphore_mem>>
    %dma_start3A_20 = arith.constant 0 : i32
    %dma_start3A_21 = tpu.memref_slice %arg2[%dma_start3A_13, %add3A_12, %dma_start3A_20] : memref<4x8192x1024xf32, #tpu.memory_space<hbm>> -> memref<1x8x1024xf32, #tpu.memory_space<hbm>>
    %dma_start3A_22 = tpu.memref_squeeze %dma_start3A_21 : memref<1x8x1024xf32, #tpu.memory_space<hbm>> -> memref<8x1024xf32, #tpu.memory_space<hbm>>
    tpu.enqueue_dma source(%dma_start3A_22 : memref<8x1024xf32, #tpu.memory_space<hbm>>) target(%arg5 : memref<8x1024xf32, #tpu.memory_space<vmem>>) target_semaphore(%dma_start3A_19 : memref<!tpu.dma_semaphore, #tpu.memory_space<semaphore_mem>>)
    %add3A_23 = arith.constant 0 : i32
    %add3A_24 = arith.addi %mul3A_2, %add3A_23 : i32
    %dma_start3A_25 = arith.constant 1 : i32
    %dma_start3A_26 = arith.constant 1 : i32
    %dma_start3A_27 = arith.constant 0 : i32
    %dma_start3A_28 = tpu.memref_slice %arg2[%dma_start3A_25, %add3A_24, %dma_start3A_27] : memref<4x8192x1024xf32, #tpu.memory_space<hbm>> -> memref<1x8x1024xf32, #tpu.memory_space<hbm>>
    %dma_start3A_29 = tpu.memref_squeeze %dma_start3A_28 : memref<1x8x1024xf32, #tpu.memory_space<hbm>> -> memref<8x1024xf32, #tpu.memory_space<hbm>>
    %dma_start3A_30 = tpu.memref_slice %arg20[%dma_start3A_26] : memref<12x!tpu.dma_semaphore, #tpu.memory_space<semaphore_mem>> -> memref<1x!tpu.dma_semaphore, #tpu.memory_space<semaphore_mem>>
    %dma_start3A_31 = tpu.memref_squeeze %dma_start3A_30 : memref<1x!tpu.dma_semaphore, #tpu.memory_space<semaphore_mem>> -> memref<!tpu.dma_semaphore, #tpu.memory_space<semaphore_mem>>
    %dma_start3A_32 = arith.constant 0 : i32
    %dma_start3A_33 = tpu.memref_slice %arg2[%dma_start3A_25, %add3A_24, %dma_start3A_32] : memref<4x8192x1024xf32, #tpu.memory_space<hbm>> -> memref<1x8x1024xf32, #tpu.memory_space<hbm>>
    %dma_start3A_34 = tpu.memref_squeeze %dma_start3A_33 : memref<1x8x1024xf32, #tpu.memory_space<hbm>> -> memref<8x1024xf32, #tpu.memory_space<hbm>>
    tpu.enqueue_dma source(%dma_start3A_34 : memref<8x1024xf32, #tpu.memory_space<hbm>>) target(%arg6 : memref<8x1024xf32, #tpu.memory_space<vmem>>) target_semaphore(%dma_start3A_31 : memref<!tpu.dma_semaphore, #tpu.memory_space<semaphore_mem>>)
    %add3A_35 = arith.constant 0 : i32
    %add3A_36 = arith.addi %mul3A_2, %add3A_35 : i32
    %dma_start3A_37 = arith.constant 2 : i32
    %dma_start3A_38 = arith.constant 2 : i32
    %dma_start3A_39 = arith.constant 0 : i32
    %dma_start3A_40 = tpu.memref_slice %arg2[%dma_start3A_37, %add3A_36, %dma_start3A_39] : memref<4x8192x1024xf32, #tpu.memory_space<hbm>> -> memref<1x8x1024xf32, #tpu.memory_space<hbm>>
    %dma_start3A_41 = tpu.memref_squeeze %dma_start3A_40 : memref<1x8x1024xf32, #tpu.memory_space<hbm>> -> memref<8x1024xf32, #tpu.memory_space<hbm>>
    %dma_start3A_42 = tpu.memref_slice %arg20[%dma_start3A_38] : memref<12x!tpu.dma_semaphore, #tpu.memory_space<semaphore_mem>> -> memref<1x!tpu.dma_semaphore, #tpu.memory_space<semaphore_mem>>
    %dma_start3A_43 = tpu.memref_squeeze %dma_start3A_42 : memref<1x!tpu.dma_semaphore, #tpu.memory_space<semaphore_mem>> -> memref<!tpu.dma_semaphore, #tpu.memory_space<semaphore_mem>>
    %dma_start3A_44 = arith.constant 0 : i32
    %dma_start3A_45 = tpu.memref_slice %arg2[%dma_start3A_37, %add3A_36, %dma_start3A_44] : memref<4x8192x1024xf32, #tpu.memory_space<hbm>> -> memref<1x8x1024xf32, #tpu.memory_space<hbm>>
    %dma_start3A_46 = tpu.memref_squeeze %dma_start3A_45 : memref<1x8x1024xf32, #tpu.memory_space<hbm>> -> memref<8x1024xf32, #tpu.memory_space<hbm>>
    tpu.enqueue_dma source(%dma_start3A_46 : memref<8x1024xf32, #tpu.memory_space<hbm>>) target(%arg7 : memref<8x1024xf32, #tpu.memory_space<vmem>>) target_semaphore(%dma_start3A_43 : memref<!tpu.dma_semaphore, #tpu.memory_space<semaphore_mem>>)
    %add3A_47 = arith.constant 0 : i32
    %add3A_48 = arith.addi %mul3A_2, %add3A_47 : i32
    %dma_start3A_49 = arith.constant 3 : i32
    %dma_start3A_50 = arith.constant 3 : i32
    %dma_start3A_51 = arith.constant 0 : i32
    %dma_start3A_52 = tpu.memref_slice %arg2[%dma_start3A_49, %add3A_48, %dma_start3A_51] : memref<4x8192x1024xf32, #tpu.memory_space<hbm>> -> memref<1x8x1024xf32, #tpu.memory_space<hbm>>
    %dma_start3A_53 = tpu.memref_squeeze %dma_start3A_52 : memref<1x8x1024xf32, #tpu.memory_space<hbm>> -> memref<8x1024xf32, #tpu.memory_space<hbm>>
    %dma_start3A_54 = tpu.memref_slice %arg20[%dma_start3A_50] : memref<12x!tpu.dma_semaphore, #tpu.memory_space<semaphore_mem>> -> memref<1x!tpu.dma_semaphore, #tpu.memory_space<semaphore_mem>>
    %dma_start3A_55 = tpu.memref_squeeze %dma_start3A_54 : memref<1x!tpu.dma_semaphore, #tpu.memory_space<semaphore_mem>> -> memref<!tpu.dma_semaphore, #tpu.memory_space<semaphore_mem>>
    %dma_start3A_56 = arith.constant 0 : i32
    %dma_start3A_57 = tpu.memref_slice %arg2[%dma_start3A_49, %add3A_48, %dma_start3A_56] : memref<4x8192x1024xf32, #tpu.memory_space<hbm>> -> memref<1x8x1024xf32, #tpu.memory_space<hbm>>
    %dma_start3A_58 = tpu.memref_squeeze %dma_start3A_57 : memref<1x8x1024xf32, #tpu.memory_space<hbm>> -> memref<8x1024xf32, #tpu.memory_space<hbm>>
    tpu.enqueue_dma source(%dma_start3A_58 : memref<8x1024xf32, #tpu.memory_space<hbm>>) target(%arg8 : memref<8x1024xf32, #tpu.memory_space<vmem>>) target_semaphore(%dma_start3A_55 : memref<!tpu.dma_semaphore, #tpu.memory_space<semaphore_mem>>)
    %add3A_59 = arith.constant 8 : i32
    %add3A_60 = arith.addi %mul3A_2, %add3A_59 : i32
    %dma_start3A_61 = arith.constant 1 : i32
    %dma_start3A_62 = arith.constant 0 : i32
    %dma_start3A_63 = tpu.memref_slice %arg3[%add3A_60, %dma_start3A_62] : memref<8192x1024xf32, #tpu.memory_space<hbm>> -> memref<8x1024xf32, #tpu.memory_space<hbm>>
    %dma_start3A_64 = tpu.memref_slice %arg22[%dma_start3A_61] : memref<3x!tpu.dma_semaphore, #tpu.memory_space<semaphore_mem>> -> memref<1x!tpu.dma_semaphore, #tpu.memory_space<semaphore_mem>>
    %dma_start3A_65 = tpu.memref_squeeze %dma_start3A_64 : memref<1x!tpu.dma_semaphore, #tpu.memory_space<semaphore_mem>> -> memref<!tpu.dma_semaphore, #tpu.memory_space<semaphore_mem>>
    %dma_start3A_66 = arith.constant 0 : i32
    %dma_start3A_67 = tpu.memref_slice %arg3[%add3A_60, %dma_start3A_66] : memref<8192x1024xf32, #tpu.memory_space<hbm>> -> memref<8x1024xf32, #tpu.memory_space<hbm>>
    tpu.enqueue_dma source(%dma_start3A_67 : memref<8x1024xf32, #tpu.memory_space<hbm>>) target(%arg18 : memref<8x1024xf32, #tpu.memory_space<vmem>>) target_semaphore(%dma_start3A_65 : memref<!tpu.dma_semaphore, #tpu.memory_space<semaphore_mem>>)
    %add3A_68 = arith.constant 8 : i32
    %add3A_69 = arith.addi %mul3A_2, %add3A_68 : i32
    %dma_start3A_70 = arith.constant 0 : i32
    %dma_start3A_71 = arith.constant 4 : i32
    %dma_start3A_72 = arith.constant 0 : i32
    %dma_start3A_73 = tpu.memref_slice %arg2[%dma_start3A_70, %add3A_69, %dma_start3A_72] : memref<4x8192x1024xf32, #tpu.memory_space<hbm>> -> memref<1x8x1024xf32, #tpu.memory_space<hbm>>
    %dma_start3A_74 = tpu.memref_squeeze %dma_start3A_73 : memref<1x8x1024xf32, #tpu.memory_space<hbm>> -> memref<8x1024xf32, #tpu.memory_space<hbm>>
    %dma_start3A_75 = tpu.memref_slice %arg20[%dma_start3A_71] : memref<12x!tpu.dma_semaphore, #tpu.memory_space<semaphore_mem>> -> memref<1x!tpu.dma_semaphore, #tpu.memory_space<semaphore_mem>>
    %dma_start3A_76 = tpu.memref_squeeze %dma_start3A_75 : memref<1x!tpu.dma_semaphore, #tpu.memory_space<semaphore_mem>> -> memref<!tpu.dma_semaphore, #tpu.memory_space<semaphore_mem>>
    %dma_start3A_77 = arith.constant 0 : i32
    %dma_start3A_78 = tpu.memref_slice %arg2[%dma_start3A_70, %add3A_69, %dma_start3A_77] : memref<4x8192x1024xf32, #tpu.memory_space<hbm>> -> memref<1x8x1024xf32, #tpu.memory_space<hbm>>
    %dma_start3A_79 = tpu.memref_squeeze %dma_start3A_78 : memref<1x8x1024xf32, #tpu.memory_space<hbm>> -> memref<8x1024xf32, #tpu.memory_space<hbm>>
    tpu.enqueue_dma source(%dma_start3A_79 : memref<8x1024xf32, #tpu.memory_space<hbm>>) target(%arg9 : memref<8x1024xf32, #tpu.memory_space<vmem>>) target_semaphore(%dma_start3A_76 : memref<!tpu.dma_semaphore, #tpu.memory_space<semaphore_mem>>)
    %add3A_80 = arith.constant 8 : i32
    %add3A_81 = arith.addi %mul3A_2, %add3A_80 : i32
    %dma_start3A_82 = arith.constant 1 : i32
    %dma_start3A_83 = arith.constant 5 : i32
    %dma_start3A_84 = arith.constant 0 : i32
    %dma_start3A_85 = tpu.memref_slice %arg2[%dma_start3A_82, %add3A_81, %dma_start3A_84] : memref<4x8192x1024xf32, #tpu.memory_space<hbm>> -> memref<1x8x1024xf32, #tpu.memory_space<hbm>>
    %dma_start3A_86 = tpu.memref_squeeze %dma_start3A_85 : memref<1x8x1024xf32, #tpu.memory_space<hbm>> -> memref<8x1024xf32, #tpu.memory_space<hbm>>
    %dma_start3A_87 = tpu.memref_slice %arg20[%dma_start3A_83] : memref<12x!tpu.dma_semaphore, #tpu.memory_space<semaphore_mem>> -> memref<1x!tpu.dma_semaphore, #tpu.memory_space<semaphore_mem>>
    %dma_start3A_88 = tpu.memref_squeeze %dma_start3A_87 : memref<1x!tpu.dma_semaphore, #tpu.memory_space<semaphore_mem>> -> memref<!tpu.dma_semaphore, #tpu.memory_space<semaphore_mem>>
    %dma_start3A_89 = arith.constant 0 : i32
    %dma_start3A_90 = tpu.memref_slice %arg2[%dma_start3A_82, %add3A_81, %dma_start3A_89] : memref<4x8192x1024xf32, #tpu.memory_space<hbm>> -> memref<1x8x1024xf32, #tpu.memory_space<hbm>>
    %dma_start3A_91 = tpu.memref_squeeze %dma_start3A_90 : memref<1x8x1024xf32, #tpu.memory_space<hbm>> -> memref<8x1024xf32, #tpu.memory_space<hbm>>
    tpu.enqueue_dma source(%dma_start3A_91 : memref<8x1024xf32, #tpu.memory_space<hbm>>) target(%arg10 : memref<8x1024xf32, #tpu.memory_space<vmem>>) target_semaphore(%dma_start3A_88 : memref<!tpu.dma_semaphore, #tpu.memory_space<semaphore_mem>>)
    %add3A_92 = arith.constant 8 : i32
    %add3A_93 = arith.addi %mul3A_2, %add3A_92 : i32
    %dma_start3A_94 = arith.constant 2 : i32
    %dma_start3A_95 = arith.constant 6 : i32
    %dma_start3A_96 = arith.constant 0 : i32
    %dma_start3A_97 = tpu.memref_slice %arg2[%dma_start3A_94, %add3A_93, %dma_start3A_96] : memref<4x8192x1024xf32, #tpu.memory_space<hbm>> -> memref<1x8x1024xf32, #tpu.memory_space<hbm>>
    %dma_start3A_98 = tpu.memref_squeeze %dma_start3A_97 : memref<1x8x1024xf32, #tpu.memory_space<hbm>> -> memref<8x1024xf32, #tpu.memory_space<hbm>>
    %dma_start3A_99 = tpu.memref_slice %arg20[%dma_start3A_95] : memref<12x!tpu.dma_semaphore, #tpu.memory_space<semaphore_mem>> -> memref<1x!tpu.dma_semaphore, #tpu.memory_space<semaphore_mem>>
    %dma_start3A_100 = tpu.memref_squeeze %dma_start3A_99 : memref<1x!tpu.dma_semaphore, #tpu.memory_space<semaphore_mem>> -> memref<!tpu.dma_semaphore, #tpu.memory_space<semaphore_mem>>
    %dma_start3A_101 = arith.constant 0 : i32
    %dma_start3A_102 = tpu.memref_slice %arg2[%dma_start3A_94, %add3A_93, %dma_start3A_101] : memref<4x8192x1024xf32, #tpu.memory_space<hbm>> -> memref<1x8x1024xf32, #tpu.memory_space<hbm>>
    %dma_start3A_103 = tpu.memref_squeeze %dma_start3A_102 : memref<1x8x1024xf32, #tpu.memory_space<hbm>> -> memref<8x1024xf32, #tpu.memory_space<hbm>>
    tpu.enqueue_dma source(%dma_start3A_103 : memref<8x1024xf32, #tpu.memory_space<hbm>>) target(%arg11 : memref<8x1024xf32, #tpu.memory_space<vmem>>) target_semaphore(%dma_start3A_100 : memref<!tpu.dma_semaphore, #tpu.memory_space<semaphore_mem>>)
    %add3A_104 = arith.constant 8 : i32
    %add3A_105 = arith.addi %mul3A_2, %add3A_104 : i32
    %dma_start3A_106 = arith.constant 3 : i32
    %dma_start3A_107 = arith.constant 7 : i32
    %dma_start3A_108 = arith.constant 0 : i32
    %dma_start3A_109 = tpu.memref_slice %arg2[%dma_start3A_106, %add3A_105, %dma_start3A_108] : memref<4x8192x1024xf32, #tpu.memory_space<hbm>> -> memref<1x8x1024xf32, #tpu.memory_space<hbm>>
    %dma_start3A_110 = tpu.memref_squeeze %dma_start3A_109 : memref<1x8x1024xf32, #tpu.memory_space<hbm>> -> memref<8x1024xf32, #tpu.memory_space<hbm>>
    %dma_start3A_111 = tpu.memref_slice %arg20[%dma_start3A_107] : memref<12x!tpu.dma_semaphore, #tpu.memory_space<semaphore_mem>> -> memref<1x!tpu.dma_semaphore, #tpu.memory_space<semaphore_mem>>
    %dma_start3A_112 = tpu.memref_squeeze %dma_start3A_111 : memref<1x!tpu.dma_semaphore, #tpu.memory_space<semaphore_mem>> -> memref<!tpu.dma_semaphore, #tpu.memory_space<semaphore_mem>>
    %dma_start3A_113 = arith.constant 0 : i32
    %dma_start3A_114 = tpu.memref_slice %arg2[%dma_start3A_106, %add3A_105, %dma_start3A_113] : memref<4x8192x1024xf32, #tpu.memory_space<hbm>> -> memref<1x8x1024xf32, #tpu.memory_space<hbm>>
    %dma_start3A_115 = tpu.memref_squeeze %dma_start3A_114 : memref<1x8x1024xf32, #tpu.memory_space<hbm>> -> memref<8x1024xf32, #tpu.memory_space<hbm>>
    tpu.enqueue_dma source(%dma_start3A_115 : memref<8x1024xf32, #tpu.memory_space<hbm>>) target(%arg12 : memref<8x1024xf32, #tpu.memory_space<vmem>>) target_semaphore(%dma_start3A_112 : memref<!tpu.dma_semaphore, #tpu.memory_space<semaphore_mem>>)
    %add3A_116 = arith.constant 16 : i32
    %add3A_117 = arith.addi %mul3A_2, %add3A_116 : i32
    %dma_start3A_118 = arith.constant 2 : i32
    %dma_start3A_119 = arith.constant 0 : i32
    %dma_start3A_120 = tpu.memref_slice %arg3[%add3A_117, %dma_start3A_119] : memref<8192x1024xf32, #tpu.memory_space<hbm>> -> memref<8x1024xf32, #tpu.memory_space<hbm>>
    %dma_start3A_121 = tpu.memref_slice %arg22[%dma_start3A_118] : memref<3x!tpu.dma_semaphore, #tpu.memory_space<semaphore_mem>> -> memref<1x!tpu.dma_semaphore, #tpu.memory_space<semaphore_mem>>
    %dma_start3A_122 = tpu.memref_squeeze %dma_start3A_121 : memref<1x!tpu.dma_semaphore, #tpu.memory_space<semaphore_mem>> -> memref<!tpu.dma_semaphore, #tpu.memory_space<semaphore_mem>>
    %dma_start3A_123 = arith.constant 0 : i32
    %dma_start3A_124 = tpu.memref_slice %arg3[%add3A_117, %dma_start3A_123] : memref<8192x1024xf32, #tpu.memory_space<hbm>> -> memref<8x1024xf32, #tpu.memory_space<hbm>>
    tpu.enqueue_dma source(%dma_start3A_124 : memref<8x1024xf32, #tpu.memory_space<hbm>>) target(%arg19 : memref<8x1024xf32, #tpu.memory_space<vmem>>) target_semaphore(%dma_start3A_122 : memref<!tpu.dma_semaphore, #tpu.memory_space<semaphore_mem>>)
    %add3A_125 = arith.constant 0 : i32
    %add3A_126 = arith.addi %mul3A_2, %add3A_125 : i32
    %dma_wait3A = arith.constant 0 : i32
    %dma_wait3A_127 = arith.constant 0 : i32
    %dma_wait3A_128 = tpu.memref_slice %arg3[%add3A_126, %dma_wait3A_127] : memref<8192x1024xf32, #tpu.memory_space<hbm>> -> memref<8x1024xf32, #tpu.memory_space<hbm>>
    %dma_wait3A_129 = tpu.memref_slice %arg22[%dma_wait3A] : memref<3x!tpu.dma_semaphore, #tpu.memory_space<semaphore_mem>> -> memref<1x!tpu.dma_semaphore, #tpu.memory_space<semaphore_mem>>
    %dma_wait3A_130 = tpu.memref_squeeze %dma_wait3A_129 : memref<1x!tpu.dma_semaphore, #tpu.memory_space<semaphore_mem>> -> memref<!tpu.dma_semaphore, #tpu.memory_space<semaphore_mem>>
    %dma_wait3A_131 = arith.constant 0 : i32
    %dma_wait3A_132 = tpu.memref_slice %arg3[%add3A_126, %dma_wait3A_131] : memref<8192x1024xf32, #tpu.memory_space<hbm>> -> memref<8x1024xf32, #tpu.memory_space<hbm>>
    tpu.wait_dma2 semaphore(%dma_wait3A_130 : memref<!tpu.dma_semaphore, #tpu.memory_space<semaphore_mem>>) src(%dma_wait3A_132 : memref<8x1024xf32, #tpu.memory_space<hbm>>) dst(%arg17 : memref<8x1024xf32, #tpu.memory_space<vmem>>)
    %add3A_133 = arith.constant 0 : i32
    %add3A_134 = arith.addi %mul3A_2, %add3A_133 : i32
    %dma_wait3A_135 = arith.constant 0 : i32
    %dma_wait3A_136 = arith.constant 0 : i32
    %dma_wait3A_137 = arith.constant 0 : i32
    %dma_wait3A_138 = tpu.memref_slice %arg2[%dma_wait3A_135, %add3A_134, %dma_wait3A_137] : memref<4x8192x1024xf32, #tpu.memory_space<hbm>> -> memref<1x8x1024xf32, #tpu.memory_space<hbm>>
    %dma_wait3A_139 = tpu.memref_squeeze %dma_wait3A_138 : memref<1x8x1024xf32, #tpu.memory_space<hbm>> -> memref<8x1024xf32, #tpu.memory_space<hbm>>
    %dma_wait3A_140 = tpu.memref_slice %arg20[%dma_wait3A_136] : memref<12x!tpu.dma_semaphore, #tpu.memory_space<semaphore_mem>> -> memref<1x!tpu.dma_semaphore, #tpu.memory_space<semaphore_mem>>
    %dma_wait3A_141 = tpu.memref_squeeze %dma_wait3A_140 : memref<1x!tpu.dma_semaphore, #tpu.memory_space<semaphore_mem>> -> memref<!tpu.dma_semaphore, #tpu.memory_space<semaphore_mem>>
    %dma_wait3A_142 = arith.constant 0 : i32
    %dma_wait3A_143 = tpu.memref_slice %arg2[%dma_wait3A_135, %add3A_134, %dma_wait3A_142] : memref<4x8192x1024xf32, #tpu.memory_space<hbm>> -> memref<1x8x1024xf32, #tpu.memory_space<hbm>>
    %dma_wait3A_144 = tpu.memref_squeeze %dma_wait3A_143 : memref<1x8x1024xf32, #tpu.memory_space<hbm>> -> memref<8x1024xf32, #tpu.memory_space<hbm>>
    tpu.wait_dma2 semaphore(%dma_wait3A_141 : memref<!tpu.dma_semaphore, #tpu.memory_space<semaphore_mem>>) src(%dma_wait3A_144 : memref<8x1024xf32, #tpu.memory_space<hbm>>) dst(%arg5 : memref<8x1024xf32, #tpu.memory_space<vmem>>)
    %add3A_145 = arith.constant 16 : i32
    %add3A_146 = arith.addi %mul3A_2, %add3A_145 : i32
    %dma_start3A_147 = arith.constant 0 : i32
    %dma_start3A_148 = arith.constant 8 : i32
    %dma_start3A_149 = arith.constant 0 : i32
    %dma_start3A_150 = tpu.memref_slice %arg2[%dma_start3A_147, %add3A_146, %dma_start3A_149] : memref<4x8192x1024xf32, #tpu.memory_space<hbm>> -> memref<1x8x1024xf32, #tpu.memory_space<hbm>>
    %dma_start3A_151 = tpu.memref_squeeze %dma_start3A_150 : memref<1x8x1024xf32, #tpu.memory_space<hbm>> -> memref<8x1024xf32, #tpu.memory_space<hbm>>
    %dma_start3A_152 = tpu.memref_slice %arg20[%dma_start3A_148] : memref<12x!tpu.dma_semaphore, #tpu.memory_space<semaphore_mem>> -> memref<1x!tpu.dma_semaphore, #tpu.memory_space<semaphore_mem>>
    %dma_start3A_153 = tpu.memref_squeeze %dma_start3A_152 : memref<1x!tpu.dma_semaphore, #tpu.memory_space<semaphore_mem>> -> memref<!tpu.dma_semaphore, #tpu.memory_space<semaphore_mem>>
    %dma_start3A_154 = arith.constant 0 : i32
    %dma_start3A_155 = tpu.memref_slice %arg2[%dma_start3A_147, %add3A_146, %dma_start3A_154] : memref<4x8192x1024xf32, #tpu.memory_space<hbm>> -> memref<1x8x1024xf32, #tpu.memory_space<hbm>>
    %dma_start3A_156 = tpu.memref_squeeze %dma_start3A_155 : memref<1x8x1024xf32, #tpu.memory_space<hbm>> -> memref<8x1024xf32, #tpu.memory_space<hbm>>
    tpu.enqueue_dma source(%dma_start3A_156 : memref<8x1024xf32, #tpu.memory_space<hbm>>) target(%arg13 : memref<8x1024xf32, #tpu.memory_space<vmem>>) target_semaphore(%dma_start3A_153 : memref<!tpu.dma_semaphore, #tpu.memory_space<semaphore_mem>>)
    %parallel_loop3A = arith.constant 0 : i32
    %parallel_loop3A_157 = arith.constant 8192 : i32
    %parallel_loop3A_158 = arith.constant 16 : i32
    scf.for %parallel_loop3A_1115 = %parallel_loop3A to %parallel_loop3A_157 step %parallel_loop3A_158  : i32 {
      %parallel_loop3A_1116 = arith.constant 10 : i32
      %parallel_loop3A_1117 = arith.shrsi %parallel_loop3A_1115, %parallel_loop3A_1116 : i32
      %parallel_loop3A_1118 = arith.constant 1023 : i32
      %parallel_loop3A_1119 = arith.andi %parallel_loop3A_1115, %parallel_loop3A_1118 : i32
      %parallel_loop3A_1120 = tpu.assume_multiple %parallel_loop3A_1119, 16 : i32
      %parallel_loop3A_1121 = arith.index_cast %parallel_loop3A_1117 : i32 to index
      %parallel_loop3A_1122 = arith.index_cast %parallel_loop3A_1120 : i32 to index
      %parallel_loop3A_1123 = tpu.vector_load %arg5[%parallel_loop3A_1121, %parallel_loop3A_1122] {strides = array<i32>} : memref<8x1024xf32, #tpu.memory_space<vmem>>, vector<1x16xf32>,
      %parallel_loop3A_1124 = vector.shape_cast %parallel_loop3A_1123 : vector<1x16xf32> to vector<16xf32>
      %parallel_loop3A_1125 = arith.index_cast %parallel_loop3A_1117 : i32 to index
      %parallel_loop3A_1126 = arith.index_cast %parallel_loop3A_1120 : i32 to index
      %parallel_loop3A_1127 = tpu.vector_load %arg17[%parallel_loop3A_1125, %parallel_loop3A_1126] {strides = array<i32>} : memref<8x1024xf32, #tpu.memory_space<vmem>>, vector<1x16xf32>,
      %parallel_loop3A_1128 = vector.shape_cast %parallel_loop3A_1127 : vector<1x16xf32> to vector<16xf32>
      %parallel_loop3A_1129 = arith.addf %parallel_loop3A_1124, %parallel_loop3A_1128 : vector<16xf32>
      %parallel_loop3A_1130 = arith.index_cast %parallel_loop3A_1117 : i32 to index
      %parallel_loop3A_1131 = arith.index_cast %parallel_loop3A_1120 : i32 to index
      %parallel_loop3A_1132 = tpu.vector_load %arg5[%parallel_loop3A_1130, %parallel_loop3A_1131] {strides = array<i32>} : memref<8x1024xf32, #tpu.memory_space<vmem>>, vector<1x16xf32>,
      %parallel_loop3A_1133 = vector.shape_cast %parallel_loop3A_1132 : vector<1x16xf32> to vector<16xf32>
      %parallel_loop3A_1134 = vector.shape_cast %parallel_loop3A_1129 : vector<16xf32> to vector<1x16xf32>
      tpu.vector_store %arg5[%parallel_loop3A_1130, %parallel_loop3A_1131], %parallel_loop3A_1134 {strides = array<i32>} : memref<8x1024xf32, #tpu.memory_space<vmem>>, vector<1x16xf32>,
    } {sc.loop_unroll_factor = 8 : i64, sc.parallel_access}
    %add3A_159 = arith.constant 0 : i32
    %add3A_160 = arith.addi %mul3A_2, %add3A_159 : i32
    %dma_start3A_161 = arith.constant 0 : i32
    %dma_start3A_162 = arith.constant 0 : i32
    %dma_start3A_163 = arith.constant 0 : i32
    %dma_start3A_164 = tpu.memref_slice %arg4[%dma_start3A_161, %add3A_160, %dma_start3A_163] : memref<4x8192x1024xf32, #tpu.memory_space<hbm>> -> memref<1x8x1024xf32, #tpu.memory_space<hbm>>
    %dma_start3A_165 = tpu.memref_squeeze %dma_start3A_164 : memref<1x8x1024xf32, #tpu.memory_space<hbm>> -> memref<8x1024xf32, #tpu.memory_space<hbm>>
    %dma_start3A_166 = tpu.memref_slice %arg21[%dma_start3A_162] : memref<12x!tpu.dma_semaphore, #tpu.memory_space<semaphore_mem>> -> memref<1x!tpu.dma_semaphore, #tpu.memory_space<semaphore_mem>>
    %dma_start3A_167 = tpu.memref_squeeze %dma_start3A_166 : memref<1x!tpu.dma_semaphore, #tpu.memory_space<semaphore_mem>> -> memref<!tpu.dma_semaphore, #tpu.memory_space<semaphore_mem>>
    %dma_start3A_168 = arith.constant 0 : i32
    %dma_start3A_169 = tpu.memref_slice %arg4[%dma_start3A_161, %add3A_160, %dma_start3A_168] : memref<4x8192x1024xf32, #tpu.memory_space<hbm>> -> memref<1x8x1024xf32, #tpu.memory_space<hbm>>
    %dma_start3A_170 = tpu.memref_squeeze %dma_start3A_169 : memref<1x8x1024xf32, #tpu.memory_space<hbm>> -> memref<8x1024xf32, #tpu.memory_space<hbm>>
    tpu.enqueue_dma source(%arg5 : memref<8x1024xf32, #tpu.memory_space<vmem>>) target(%dma_start3A_170 : memref<8x1024xf32, #tpu.memory_space<hbm>>) target_semaphore(%dma_start3A_167 : memref<!tpu.dma_semaphore, #tpu.memory_space<semaphore_mem>>)
    %add3A_171 = arith.constant 0 : i32
    %add3A_172 = arith.addi %mul3A_2, %add3A_171 : i32
    %dma_wait3A_173 = arith.constant 1 : i32
    %dma_wait3A_174 = arith.constant 1 : i32
    %dma_wait3A_175 = arith.constant 0 : i32
    %dma_wait3A_176 = tpu.memref_slice %arg2[%dma_wait3A_173, %add3A_172, %dma_wait3A_175] : memref<4x8192x1024xf32, #tpu.memory_space<hbm>> -> memref<1x8x1024xf32, #tpu.memory_space<hbm>>
    %dma_wait3A_177 = tpu.memref_squeeze %dma_wait3A_176 : memref<1x8x1024xf32, #tpu.memory_space<hbm>> -> memref<8x1024xf32, #tpu.memory_space<hbm>>
    %dma_wait3A_178 = tpu.memref_slice %arg20[%dma_wait3A_174] : memref<12x!tpu.dma_semaphore, #tpu.memory_space<semaphore_mem>> -> memref<1x!tpu.dma_semaphore, #tpu.memory_space<semaphore_mem>>
    %dma_wait3A_179 = tpu.memref_squeeze %dma_wait3A_178 : memref<1x!tpu.dma_semaphore, #tpu.memory_space<semaphore_mem>> -> memref<!tpu.dma_semaphore, #tpu.memory_space<semaphore_mem>>
    %dma_wait3A_180 = arith.constant 0 : i32
    %dma_wait3A_181 = tpu.memref_slice %arg2[%dma_wait3A_173, %add3A_172, %dma_wait3A_180] : memref<4x8192x1024xf32, #tpu.memory_space<hbm>> -> memref<1x8x1024xf32, #tpu.memory_space<hbm>>
    %dma_wait3A_182 = tpu.memref_squeeze %dma_wait3A_181 : memref<1x8x1024xf32, #tpu.memory_space<hbm>> -> memref<8x1024xf32, #tpu.memory_space<hbm>>
    tpu.wait_dma2 semaphore(%dma_wait3A_179 : memref<!tpu.dma_semaphore, #tpu.memory_space<semaphore_mem>>) src(%dma_wait3A_182 : memref<8x1024xf32, #tpu.memory_space<hbm>>) dst(%arg6 : memref<8x1024xf32, #tpu.memory_space<vmem>>)
    %add3A_183 = arith.constant 16 : i32
    %add3A_184 = arith.addi %mul3A_2, %add3A_183 : i32
    %dma_start3A_185 = arith.constant 1 : i32
    %dma_start3A_186 = arith.constant 9 : i32
    %dma_start3A_187 = arith.constant 0 : i32
    %dma_start3A_188 = tpu.memref_slice %arg2[%dma_start3A_185, %add3A_184, %dma_start3A_187] : memref<4x8192x1024xf32, #tpu.memory_space<hbm>> -> memref<1x8x1024xf32, #tpu.memory_space<hbm>>
    %dma_start3A_189 = tpu.memref_squeeze %dma_start3A_188 : memref<1x8x1024xf32, #tpu.memory_space<hbm>> -> memref<8x1024xf32, #tpu.memory_space<hbm>>
    %dma_start3A_190 = tpu.memref_slice %arg20[%dma_start3A_186] : memref<12x!tpu.dma_semaphore, #tpu.memory_space<semaphore_mem>> -> memref<1x!tpu.dma_semaphore, #tpu.memory_space<semaphore_mem>>
    %dma_start3A_191 = tpu.memref_squeeze %dma_start3A_190 : memref<1x!tpu.dma_semaphore, #tpu.memory_space<semaphore_mem>> -> memref<!tpu.dma_semaphore, #tpu.memory_space<semaphore_mem>>
    %dma_start3A_192 = arith.constant 0 : i32
    %dma_start3A_193 = tpu.memref_slice %arg2[%dma_start3A_185, %add3A_184, %dma_start3A_192] : memref<4x8192x1024xf32, #tpu.memory_space<hbm>> -> memref<1x8x1024xf32, #tpu.memory_space<hbm>>
    %dma_start3A_194 = tpu.memref_squeeze %dma_start3A_193 : memref<1x8x1024xf32, #tpu.memory_space<hbm>> -> memref<8x1024xf32, #tpu.memory_space<hbm>>
    tpu.enqueue_dma source(%dma_start3A_194 : memref<8x1024xf32, #tpu.memory_space<hbm>>) target(%arg14 : memref<8x1024xf32, #tpu.memory_space<vmem>>) target_semaphore(%dma_start3A_191 : memref<!tpu.dma_semaphore, #tpu.memory_space<semaphore_mem>>)
    %parallel_loop3A_195 = arith.constant 0 : i32
    %parallel_loop3A_196 = arith.constant 8192 : i32
    %parallel_loop3A_197 = arith.constant 16 : i32
    scf.for %parallel_loop3A_1115 = %parallel_loop3A_195 to %parallel_loop3A_196 step %parallel_loop3A_197  : i32 {
      %parallel_loop3A_1116 = arith.constant 10 : i32
      %parallel_loop3A_1117 = arith.shrsi %parallel_loop3A_1115, %parallel_loop3A_1116 : i32
      %parallel_loop3A_1118 = arith.constant 1023 : i32
      %parallel_loop3A_1119 = arith.andi %parallel_loop3A_1115, %parallel_loop3A_1118 : i32
      %parallel_loop3A_1120 = tpu.assume_multiple %parallel_loop3A_1119, 16 : i32
      %parallel_loop3A_1121 = arith.index_cast %parallel_loop3A_1117 : i32 to index
      %parallel_loop3A_1122 = arith.index_cast %parallel_loop3A_1120 : i32 to index
      %parallel_loop3A_1123 = tpu.vector_load %arg6[%parallel_loop3A_1121, %parallel_loop3A_1122] {strides = array<i32>} : memref<8x1024xf32, #tpu.memory_space<vmem>>, vector<1x16xf32>,
      %parallel_loop3A_1124 = vector.shape_cast %parallel_loop3A_1123 : vector<1x16xf32> to vector<16xf32>
      %parallel_loop3A_1125 = arith.index_cast %parallel_loop3A_1117 : i32 to index
      %parallel_loop3A_1126 = arith.index_cast %parallel_loop3A_1120 : i32 to index
      %parallel_loop3A_1127 = tpu.vector_load %arg17[%parallel_loop3A_1125, %parallel_loop3A_1126] {strides = array<i32>} : memref<8x1024xf32, #tpu.memory_space<vmem>>, vector<1x16xf32>,
      %parallel_loop3A_1128 = vector.shape_cast %parallel_loop3A_1127 : vector<1x16xf32> to vector<16xf32>
      %parallel_loop3A_1129 = arith.addf %parallel_loop3A_1124, %parallel_loop3A_1128 : vector<16xf32>
      %parallel_loop3A_1130 = arith.index_cast %parallel_loop3A_1117 : i32 to index
      %parallel_loop3A_1131 = arith.index_cast %parallel_loop3A_1120 : i32 to index
      %parallel_loop3A_1132 = tpu.vector_load %arg6[%parallel_loop3A_1130, %parallel_loop3A_1131] {strides = array<i32>} : memref<8x1024xf32, #tpu.memory_space<vmem>>, vector<1x16xf32>,
      %parallel_loop3A_1133 = vector.shape_cast %parallel_loop3A_1132 : vector<1x16xf32> to vector<16xf32>
      %parallel_loop3A_1134 = vector.shape_cast %parallel_loop3A_1129 : vector<16xf32> to vector<1x16xf32>
      tpu.vector_store %arg6[%parallel_loop3A_1130, %parallel_loop3A_1131], %parallel_loop3A_1134 {strides = array<i32>} : memref<8x1024xf32, #tpu.memory_space<vmem>>, vector<1x16xf32>,
    } {sc.loop_unroll_factor = 8 : i64, sc.parallel_access}
    %add3A_198 = arith.constant 0 : i32
    %add3A_199 = arith.addi %mul3A_2, %add3A_198 : i32
    %dma_start3A_200 = arith.constant 1 : i32
    %dma_start3A_201 = arith.constant 1 : i32
    %dma_start3A_202 = arith.constant 0 : i32
    %dma_start3A_203 = tpu.memref_slice %arg4[%dma_start3A_200, %add3A_199, %dma_start3A_202] : memref<4x8192x1024xf32, #tpu.memory_space<hbm>> -> memref<1x8x1024xf32, #tpu.memory_space<hbm>>
    %dma_start3A_204 = tpu.memref_squeeze %dma_start3A_203 : memref<1x8x1024xf32, #tpu.memory_space<hbm>> -> memref<8x1024xf32, #tpu.memory_space<hbm>>
    %dma_start3A_205 = tpu.memref_slice %arg21[%dma_start3A_201] : memref<12x!tpu.dma_semaphore, #tpu.memory_space<semaphore_mem>> -> memref<1x!tpu.dma_semaphore, #tpu.memory_space<semaphore_mem>>
    %dma_start3A_206 = tpu.memref_squeeze %dma_start3A_205 : memref<1x!tpu.dma_semaphore, #tpu.memory_space<semaphore_mem>> -> memref<!tpu.dma_semaphore, #tpu.memory_space<semaphore_mem>>
    %dma_start3A_207 = arith.constant 0 : i32
    %dma_start3A_208 = tpu.memref_slice %arg4[%dma_start3A_200, %add3A_199, %dma_start3A_207] : memref<4x8192x1024xf32, #tpu.memory_space<hbm>> -> memref<1x8x1024xf32, #tpu.memory_space<hbm>>
    %dma_start3A_209 = tpu.memref_squeeze %dma_start3A_208 : memref<1x8x1024xf32, #tpu.memory_space<hbm>> -> memref<8x1024xf32, #tpu.memory_space<hbm>>
    tpu.enqueue_dma source(%arg6 : memref<8x1024xf32, #tpu.memory_space<vmem>>) target(%dma_start3A_209 : memref<8x1024xf32, #tpu.memory_space<hbm>>) target_semaphore(%dma_start3A_206 : memref<!tpu.dma_semaphore, #tpu.memory_space<semaphore_mem>>)
    %add3A_210 = arith.constant 0 : i32
    %add3A_211 = arith.addi %mul3A_2, %add3A_210 : i32
    %dma_wait3A_212 = arith.constant 2 : i32
    %dma_wait3A_213 = arith.constant 2 : i32
    %dma_wait3A_214 = arith.constant 0 : i32
    %dma_wait3A_215 = tpu.memref_slice %arg2[%dma_wait3A_212, %add3A_211, %dma_wait3A_214] : memref<4x8192x1024xf32, #tpu.memory_space<hbm>> -> memref<1x8x1024xf32, #tpu.memory_space<hbm>>
    %dma_wait3A_216 = tpu.memref_squeeze %dma_wait3A_215 : memref<1x8x1024xf32, #tpu.memory_space<hbm>> -> memref<8x1024xf32, #tpu.memory_space<hbm>>
    %dma_wait3A_217 = tpu.memref_slice %arg20[%dma_wait3A_213] : memref<12x!tpu.dma_semaphore, #tpu.memory_space<semaphore_mem>> -> memref<1x!tpu.dma_semaphore, #tpu.memory_space<semaphore_mem>>
    %dma_wait3A_218 = tpu.memref_squeeze %dma_wait3A_217 : memref<1x!tpu.dma_semaphore, #tpu.memory_space<semaphore_mem>> -> memref<!tpu.dma_semaphore, #tpu.memory_space<semaphore_mem>>
    %dma_wait3A_219 = arith.constant 0 : i32
    %dma_wait3A_220 = tpu.memref_slice %arg2[%dma_wait3A_212, %add3A_211, %dma_wait3A_219] : memref<4x8192x1024xf32, #tpu.memory_space<hbm>> -> memref<1x8x1024xf32, #tpu.memory_space<hbm>>
    %dma_wait3A_221 = tpu.memref_squeeze %dma_wait3A_220 : memref<1x8x1024xf32, #tpu.memory_space<hbm>> -> memref<8x1024xf32, #tpu.memory_space<hbm>>
    tpu.wait_dma2 semaphore(%dma_wait3A_218 : memref<!tpu.dma_semaphore, #tpu.memory_space<semaphore_mem>>) src(%dma_wait3A_221 : memref<8x1024xf32, #tpu.memory_space<hbm>>) dst(%arg7 : memref<8x1024xf32, #tpu.memory_space<vmem>>)
    %add3A_222 = arith.constant 16 : i32
    %add3A_223 = arith.addi %mul3A_2, %add3A_222 : i32
    %dma_start3A_224 = arith.constant 2 : i32
    %dma_start3A_225 = arith.constant 10 : i32
    %dma_start3A_226 = arith.constant 0 : i32
    %dma_start3A_227 = tpu.memref_slice %arg2[%dma_start3A_224, %add3A_223, %dma_start3A_226] : memref<4x8192x1024xf32, #tpu.memory_space<hbm>> -> memref<1x8x1024xf32, #tpu.memory_space<hbm>>
    %dma_start3A_228 = tpu.memref_squeeze %dma_start3A_227 : memref<1x8x1024xf32, #tpu.memory_space<hbm>> -> memref<8x1024xf32, #tpu.memory_space<hbm>>
    %dma_start3A_229 = tpu.memref_slice %arg20[%dma_start3A_225] : memref<12x!tpu.dma_semaphore, #tpu.memory_space<semaphore_mem>> -> memref<1x!tpu.dma_semaphore, #tpu.memory_space<semaphore_mem>>
    %dma_start3A_230 = tpu.memref_squeeze %dma_start3A_229 : memref<1x!tpu.dma_semaphore, #tpu.memory_space<semaphore_mem>> -> memref<!tpu.dma_semaphore, #tpu.memory_space<semaphore_mem>>
    %dma_start3A_231 = arith.constant 0 : i32
    %dma_start3A_232 = tpu.memref_slice %arg2[%dma_start3A_224, %add3A_223, %dma_start3A_231] : memref<4x8192x1024xf32, #tpu.memory_space<hbm>> -> memref<1x8x1024xf32, #tpu.memory_space<hbm>>
    %dma_start3A_233 = tpu.memref_squeeze %dma_start3A_232 : memref<1x8x1024xf32, #tpu.memory_space<hbm>> -> memref<8x1024xf32, #tpu.memory_space<hbm>>
    tpu.enqueue_dma source(%dma_start3A_233 : memref<8x1024xf32, #tpu.memory_space<hbm>>) target(%arg15 : memref<8x1024xf32, #tpu.memory_space<vmem>>) target_semaphore(%dma_start3A_230 : memref<!tpu.dma_semaphore, #tpu.memory_space<semaphore_mem>>)
    %parallel_loop3A_234 = arith.constant 0 : i32
    %parallel_loop3A_235 = arith.constant 8192 : i32
    %parallel_loop3A_236 = arith.constant 16 : i32
    scf.for %parallel_loop3A_1115 = %parallel_loop3A_234 to %parallel_loop3A_235 step %parallel_loop3A_236  : i32 {
      %parallel_loop3A_1116 = arith.constant 10 : i32
      %parallel_loop3A_1117 = arith.shrsi %parallel_loop3A_1115, %parallel_loop3A_1116 : i32
      %parallel_loop3A_1118 = arith.constant 1023 : i32
      %parallel_loop3A_1119 = arith.andi %parallel_loop3A_1115, %parallel_loop3A_1118 : i32
      %parallel_loop3A_1120 = tpu.assume_multiple %parallel_loop3A_1119, 16 : i32
      %parallel_loop3A_1121 = arith.index_cast %parallel_loop3A_1117 : i32 to index
      %parallel_loop3A_1122 = arith.index_cast %parallel_loop3A_1120 : i32 to index
      %parallel_loop3A_1123 = tpu.vector_load %arg7[%parallel_loop3A_1121, %parallel_loop3A_1122] {strides = array<i32>} : memref<8x1024xf32, #tpu.memory_space<vmem>>, vector<1x16xf32>,
      %parallel_loop3A_1124 = vector.shape_cast %parallel_loop3A_1123 : vector<1x16xf32> to vector<16xf32>
      %parallel_loop3A_1125 = arith.index_cast %parallel_loop3A_1117 : i32 to index
      %parallel_loop3A_1126 = arith.index_cast %parallel_loop3A_1120 : i32 to index
      %parallel_loop3A_1127 = tpu.vector_load %arg17[%parallel_loop3A_1125, %parallel_loop3A_1126] {strides = array<i32>} : memref<8x1024xf32, #tpu.memory_space<vmem>>, vector<1x16xf32>,
      %parallel_loop3A_1128 = vector.shape_cast %parallel_loop3A_1127 : vector<1x16xf32> to vector<16xf32>
      %parallel_loop3A_1129 = arith.addf %parallel_loop3A_1124, %parallel_loop3A_1128 : vector<16xf32>
      %parallel_loop3A_1130 = arith.index_cast %parallel_loop3A_1117 : i32 to index
      %parallel_loop3A_1131 = arith.index_cast %parallel_loop3A_1120 : i32 to index
      %parallel_loop3A_1132 = tpu.vector_load %arg7[%parallel_loop3A_1130, %parallel_loop3A_1131] {strides = array<i32>} : memref<8x1024xf32, #tpu.memory_space<vmem>>, vector<1x16xf32>,
      %parallel_loop3A_1133 = vector.shape_cast %parallel_loop3A_1132 : vector<1x16xf32> to vector<16xf32>
      %parallel_loop3A_1134 = vector.shape_cast %parallel_loop3A_1129 : vector<16xf32> to vector<1x16xf32>
      tpu.vector_store %arg7[%parallel_loop3A_1130, %parallel_loop3A_1131], %parallel_loop3A_1134 {strides = array<i32>} : memref<8x1024xf32, #tpu.memory_space<vmem>>, vector<1x16xf32>,
    } {sc.loop_unroll_factor = 8 : i64, sc.parallel_access}
    %add3A_237 = arith.constant 0 : i32
    %add3A_238 = arith.addi %mul3A_2, %add3A_237 : i32
    %dma_start3A_239 = arith.constant 2 : i32
    %dma_start3A_240 = arith.constant 2 : i32
    %dma_start3A_241 = arith.constant 0 : i32
    %dma_start3A_242 = tpu.memref_slice %arg4[%dma_start3A_239, %add3A_238, %dma_start3A_241] : memref<4x8192x1024xf32, #tpu.memory_space<hbm>> -> memref<1x8x1024xf32, #tpu.memory_space<hbm>>
    %dma_start3A_243 = tpu.memref_squeeze %dma_start3A_242 : memref<1x8x1024xf32, #tpu.memory_space<hbm>> -> memref<8x1024xf32, #tpu.memory_space<hbm>>
    %dma_start3A_244 = tpu.memref_slice %arg21[%dma_start3A_240] : memref<12x!tpu.dma_semaphore, #tpu.memory_space<semaphore_mem>> -> memref<1x!tpu.dma_semaphore, #tpu.memory_space<semaphore_mem>>
    %dma_start3A_245 = tpu.memref_squeeze %dma_start3A_244 : memref<1x!tpu.dma_semaphore, #tpu.memory_space<semaphore_mem>> -> memref<!tpu.dma_semaphore, #tpu.memory_space<semaphore_mem>>
    %dma_start3A_246 = arith.constant 0 : i32
    %dma_start3A_247 = tpu.memref_slice %arg4[%dma_start3A_239, %add3A_238, %dma_start3A_246] : memref<4x8192x1024xf32, #tpu.memory_space<hbm>> -> memref<1x8x1024xf32, #tpu.memory_space<hbm>>
    %dma_start3A_248 = tpu.memref_squeeze %dma_start3A_247 : memref<1x8x1024xf32, #tpu.memory_space<hbm>> -> memref<8x1024xf32, #tpu.memory_space<hbm>>
    tpu.enqueue_dma source(%arg7 : memref<8x1024xf32, #tpu.memory_space<vmem>>) target(%dma_start3A_248 : memref<8x1024xf32, #tpu.memory_space<hbm>>) target_semaphore(%dma_start3A_245 : memref<!tpu.dma_semaphore, #tpu.memory_space<semaphore_mem>>)
    %add3A_249 = arith.constant 0 : i32
    %add3A_250 = arith.addi %mul3A_2, %add3A_249 : i32
    %dma_wait3A_251 = arith.constant 3 : i32
    %dma_wait3A_252 = arith.constant 3 : i32
    %dma_wait3A_253 = arith.constant 0 : i32
    %dma_wait3A_254 = tpu.memref_slice %arg2[%dma_wait3A_251, %add3A_250, %dma_wait3A_253] : memref<4x8192x1024xf32, #tpu.memory_space<hbm>> -> memref<1x8x1024xf32, #tpu.memory_space<hbm>>
    %dma_wait3A_255 = tpu.memref_squeeze %dma_wait3A_254 : memref<1x8x1024xf32, #tpu.memory_space<hbm>> -> memref<8x1024xf32, #tpu.memory_space<hbm>>
    %dma_wait3A_256 = tpu.memref_slice %arg20[%dma_wait3A_252] : memref<12x!tpu.dma_semaphore, #tpu.memory_space<semaphore_mem>> -> memref<1x!tpu.dma_semaphore, #tpu.memory_space<semaphore_mem>>
    %dma_wait3A_257 = tpu.memref_squeeze %dma_wait3A_256 : memref<1x!tpu.dma_semaphore, #tpu.memory_space<semaphore_mem>> -> memref<!tpu.dma_semaphore, #tpu.memory_space<semaphore_mem>>
    %dma_wait3A_258 = arith.constant 0 : i32
    %dma_wait3A_259 = tpu.memref_slice %arg2[%dma_wait3A_251, %add3A_250, %dma_wait3A_258] : memref<4x8192x1024xf32, #tpu.memory_space<hbm>> -> memref<1x8x1024xf32, #tpu.memory_space<hbm>>
    %dma_wait3A_260 = tpu.memref_squeeze %dma_wait3A_259 : memref<1x8x1024xf32, #tpu.memory_space<hbm>> -> memref<8x1024xf32, #tpu.memory_space<hbm>>
    tpu.wait_dma2 semaphore(%dma_wait3A_257 : memref<!tpu.dma_semaphore, #tpu.memory_space<semaphore_mem>>) src(%dma_wait3A_260 : memref<8x1024xf32, #tpu.memory_space<hbm>>) dst(%arg8 : memref<8x1024xf32, #tpu.memory_space<vmem>>)
    %add3A_261 = arith.constant 16 : i32
    %add3A_262 = arith.addi %mul3A_2, %add3A_261 : i32
    %dma_start3A_263 = arith.constant 3 : i32
    %dma_start3A_264 = arith.constant 11 : i32
    %dma_start3A_265 = arith.constant 0 : i32
    %dma_start3A_266 = tpu.memref_slice %arg2[%dma_start3A_263, %add3A_262, %dma_start3A_265] : memref<4x8192x1024xf32, #tpu.memory_space<hbm>> -> memref<1x8x1024xf32, #tpu.memory_space<hbm>>
    %dma_start3A_267 = tpu.memref_squeeze %dma_start3A_266 : memref<1x8x1024xf32, #tpu.memory_space<hbm>> -> memref<8x1024xf32, #tpu.memory_space<hbm>>
    %dma_start3A_268 = tpu.memref_slice %arg20[%dma_start3A_264] : memref<12x!tpu.dma_semaphore, #tpu.memory_space<semaphore_mem>> -> memref<1x!tpu.dma_semaphore, #tpu.memory_space<semaphore_mem>>
    %dma_start3A_269 = tpu.memref_squeeze %dma_start3A_268 : memref<1x!tpu.dma_semaphore, #tpu.memory_space<semaphore_mem>> -> memref<!tpu.dma_semaphore, #tpu.memory_space<semaphore_mem>>
    %dma_start3A_270 = arith.constant 0 : i32
    %dma_start3A_271 = tpu.memref_slice %arg2[%dma_start3A_263, %add3A_262, %dma_start3A_270] : memref<4x8192x1024xf32, #tpu.memory_space<hbm>> -> memref<1x8x1024xf32, #tpu.memory_space<hbm>>
    %dma_start3A_272 = tpu.memref_squeeze %dma_start3A_271 : memref<1x8x1024xf32, #tpu.memory_space<hbm>> -> memref<8x1024xf32, #tpu.memory_space<hbm>>
    tpu.enqueue_dma source(%dma_start3A_272 : memref<8x1024xf32, #tpu.memory_space<hbm>>) target(%arg16 : memref<8x1024xf32, #tpu.memory_space<vmem>>) target_semaphore(%dma_start3A_269 : memref<!tpu.dma_semaphore, #tpu.memory_space<semaphore_mem>>)
    %parallel_loop3A_273 = arith.constant 0 : i32
    %parallel_loop3A_274 = arith.constant 8192 : i32
    %parallel_loop3A_275 = arith.constant 16 : i32
    scf.for %parallel_loop3A_1115 = %parallel_loop3A_273 to %parallel_loop3A_274 step %parallel_loop3A_275  : i32 {
      %parallel_loop3A_1116 = arith.constant 10 : i32
      %parallel_loop3A_1117 = arith.shrsi %parallel_loop3A_1115, %parallel_loop3A_1116 : i32
      %parallel_loop3A_1118 = arith.constant 1023 : i32
      %parallel_loop3A_1119 = arith.andi %parallel_loop3A_1115, %parallel_loop3A_1118 : i32
      %parallel_loop3A_1120 = tpu.assume_multiple %parallel_loop3A_1119, 16 : i32
      %parallel_loop3A_1121 = arith.index_cast %parallel_loop3A_1117 : i32 to index
      %parallel_loop3A_1122 = arith.index_cast %parallel_loop3A_1120 : i32 to index
      %parallel_loop3A_1123 = tpu.vector_load %arg8[%parallel_loop3A_1121, %parallel_loop3A_1122] {strides = array<i32>} : memref<8x1024xf32, #tpu.memory_space<vmem>>, vector<1x16xf32>,
      %parallel_loop3A_1124 = vector.shape_cast %parallel_loop3A_1123 : vector<1x16xf32> to vector<16xf32>
      %parallel_loop3A_1125 = arith.index_cast %parallel_loop3A_1117 : i32 to index
      %parallel_loop3A_1126 = arith.index_cast %parallel_loop3A_1120 : i32 to index
      %parallel_loop3A_1127 = tpu.vector_load %arg17[%parallel_loop3A_1125, %parallel_loop3A_1126] {strides = array<i32>} : memref<8x1024xf32, #tpu.memory_space<vmem>>, vector<1x16xf32>,
      %parallel_loop3A_1128 = vector.shape_cast %parallel_loop3A_1127 : vector<1x16xf32> to vector<16xf32>
      %parallel_loop3A_1129 = arith.addf %parallel_loop3A_1124, %parallel_loop3A_1128 : vector<16xf32>
      %parallel_loop3A_1130 = arith.index_cast %parallel_loop3A_1117 : i32 to index
      %parallel_loop3A_1131 = arith.index_cast %parallel_loop3A_1120 : i32 to index
      %parallel_loop3A_1132 = tpu.vector_load %arg8[%parallel_loop3A_1130, %parallel_loop3A_1131] {strides = array<i32>} : memref<8x1024xf32, #tpu.memory_space<vmem>>, vector<1x16xf32>,
      %parallel_loop3A_1133 = vector.shape_cast %parallel_loop3A_1132 : vector<1x16xf32> to vector<16xf32>
      %parallel_loop3A_1134 = vector.shape_cast %parallel_loop3A_1129 : vector<16xf32> to vector<1x16xf32>
      tpu.vector_store %arg8[%parallel_loop3A_1130, %parallel_loop3A_1131], %parallel_loop3A_1134 {strides = array<i32>} : memref<8x1024xf32, #tpu.memory_space<vmem>>, vector<1x16xf32>,
    } {sc.loop_unroll_factor = 8 : i64, sc.parallel_access}
    %add3A_276 = arith.constant 0 : i32
    %add3A_277 = arith.addi %mul3A_2, %add3A_276 : i32
    %dma_start3A_278 = arith.constant 3 : i32
    %dma_start3A_279 = arith.constant 3 : i32
    %dma_start3A_280 = arith.constant 0 : i32
    %dma_start3A_281 = tpu.memref_slice %arg4[%dma_start3A_278, %add3A_277, %dma_start3A_280] : memref<4x8192x1024xf32, #tpu.memory_space<hbm>> -> memref<1x8x1024xf32, #tpu.memory_space<hbm>>
    %dma_start3A_282 = tpu.memref_squeeze %dma_start3A_281 : memref<1x8x1024xf32, #tpu.memory_space<hbm>> -> memref<8x1024xf32, #tpu.memory_space<hbm>>
    %dma_start3A_283 = tpu.memref_slice %arg21[%dma_start3A_279] : memref<12x!tpu.dma_semaphore, #tpu.memory_space<semaphore_mem>> -> memref<1x!tpu.dma_semaphore, #tpu.memory_space<semaphore_mem>>
    %dma_start3A_284 = tpu.memref_squeeze %dma_start3A_283 : memref<1x!tpu.dma_semaphore, #tpu.memory_space<semaphore_mem>> -> memref<!tpu.dma_semaphore, #tpu.memory_space<semaphore_mem>>
    %dma_start3A_285 = arith.constant 0 : i32
    %dma_start3A_286 = tpu.memref_slice %arg4[%dma_start3A_278, %add3A_277, %dma_start3A_285] : memref<4x8192x1024xf32, #tpu.memory_space<hbm>> -> memref<1x8x1024xf32, #tpu.memory_space<hbm>>
    %dma_start3A_287 = tpu.memref_squeeze %dma_start3A_286 : memref<1x8x1024xf32, #tpu.memory_space<hbm>> -> memref<8x1024xf32, #tpu.memory_space<hbm>>
    tpu.enqueue_dma source(%arg8 : memref<8x1024xf32, #tpu.memory_space<vmem>>) target(%dma_start3A_287 : memref<8x1024xf32, #tpu.memory_space<hbm>>) target_semaphore(%dma_start3A_284 : memref<!tpu.dma_semaphore, #tpu.memory_space<semaphore_mem>>)
    %add3A_288 = arith.constant 24 : i32
    %add3A_289 = arith.addi %mul3A_2, %add3A_288 : i32
    %dma_start3A_290 = arith.constant 0 : i32
    %dma_start3A_291 = arith.constant 0 : i32
    %dma_start3A_292 = tpu.memref_slice %arg3[%add3A_289, %dma_start3A_291] : memref<8192x1024xf32, #tpu.memory_space<hbm>> -> memref<8x1024xf32, #tpu.memory_space<hbm>>
    %dma_start3A_293 = tpu.memref_slice %arg22[%dma_start3A_290] : memref<3x!tpu.dma_semaphore, #tpu.memory_space<semaphore_mem>> -> memref<1x!tpu.dma_semaphore, #tpu.memory_space<semaphore_mem>>
    %dma_start3A_294 = tpu.memref_squeeze %dma_start3A_293 : memref<1x!tpu.dma_semaphore, #tpu.memory_space<semaphore_mem>> -> memref<!tpu.dma_semaphore, #tpu.memory_space<semaphore_mem>>
    %dma_start3A_295 = arith.constant 0 : i32
    %dma_start3A_296 = tpu.memref_slice %arg3[%add3A_289, %dma_start3A_295] : memref<8192x1024xf32, #tpu.memory_space<hbm>> -> memref<8x1024xf32, #tpu.memory_space<hbm>>
    tpu.enqueue_dma source(%dma_start3A_296 : memref<8x1024xf32, #tpu.memory_space<hbm>>) target(%arg17 : memref<8x1024xf32, #tpu.memory_space<vmem>>) target_semaphore(%dma_start3A_294 : memref<!tpu.dma_semaphore, #tpu.memory_space<semaphore_mem>>)
    %add3A_297 = arith.constant 8 : i32
    %add3A_298 = arith.addi %mul3A_2, %add3A_297 : i32
    %dma_wait3A_299 = arith.constant 1 : i32
    %dma_wait3A_300 = arith.constant 0 : i32
    %dma_wait3A_301 = tpu.memref_slice %arg3[%add3A_298, %dma_wait3A_300] : memref<8192x1024xf32, #tpu.memory_space<hbm>> -> memref<8x1024xf32, #tpu.memory_space<hbm>>
    %dma_wait3A_302 = tpu.memref_slice %arg22[%dma_wait3A_299] : memref<3x!tpu.dma_semaphore, #tpu.memory_space<semaphore_mem>> -> memref<1x!tpu.dma_semaphore, #tpu.memory_space<semaphore_mem>>
    %dma_wait3A_303 = tpu.memref_squeeze %dma_wait3A_302 : memref<1x!tpu.dma_semaphore, #tpu.memory_space<semaphore_mem>> -> memref<!tpu.dma_semaphore, #tpu.memory_space<semaphore_mem>>
    %dma_wait3A_304 = arith.constant 0 : i32
    %dma_wait3A_305 = tpu.memref_slice %arg3[%add3A_298, %dma_wait3A_304] : memref<8192x1024xf32, #tpu.memory_space<hbm>> -> memref<8x1024xf32, #tpu.memory_space<hbm>>
    tpu.wait_dma2 semaphore(%dma_wait3A_303 : memref<!tpu.dma_semaphore, #tpu.memory_space<semaphore_mem>>) src(%dma_wait3A_305 : memref<8x1024xf32, #tpu.memory_space<hbm>>) dst(%arg18 : memref<8x1024xf32, #tpu.memory_space<vmem>>)
    %add3A_306 = arith.constant 8 : i32
    %add3A_307 = arith.addi %mul3A_2, %add3A_306 : i32
    %dma_wait3A_308 = arith.constant 0 : i32
    %dma_wait3A_309 = arith.constant 4 : i32
    %dma_wait3A_310 = arith.constant 0 : i32
    %dma_wait3A_311 = tpu.memref_slice %arg2[%dma_wait3A_308, %add3A_307, %dma_wait3A_310] : memref<4x8192x1024xf32, #tpu.memory_space<hbm>> -> memref<1x8x1024xf32, #tpu.memory_space<hbm>>
    %dma_wait3A_312 = tpu.memref_squeeze %dma_wait3A_311 : memref<1x8x1024xf32, #tpu.memory_space<hbm>> -> memref<8x1024xf32, #tpu.memory_space<hbm>>
    %dma_wait3A_313 = tpu.memref_slice %arg20[%dma_wait3A_309] : memref<12x!tpu.dma_semaphore, #tpu.memory_space<semaphore_mem>> -> memref<1x!tpu.dma_semaphore, #tpu.memory_space<semaphore_mem>>
    %dma_wait3A_314 = tpu.memref_squeeze %dma_wait3A_313 : memref<1x!tpu.dma_semaphore, #tpu.memory_space<semaphore_mem>> -> memref<!tpu.dma_semaphore, #tpu.memory_space<semaphore_mem>>
    %dma_wait3A_315 = arith.constant 0 : i32
    %dma_wait3A_316 = tpu.memref_slice %arg2[%dma_wait3A_308, %add3A_307, %dma_wait3A_315] : memref<4x8192x1024xf32, #tpu.memory_space<hbm>> -> memref<1x8x1024xf32, #tpu.memory_space<hbm>>
    %dma_wait3A_317 = tpu.memref_squeeze %dma_wait3A_316 : memref<1x8x1024xf32, #tpu.memory_space<hbm>> -> memref<8x1024xf32, #tpu.memory_space<hbm>>
    tpu.wait_dma2 semaphore(%dma_wait3A_314 : memref<!tpu.dma_semaphore, #tpu.memory_space<semaphore_mem>>) src(%dma_wait3A_317 : memref<8x1024xf32, #tpu.memory_space<hbm>>) dst(%arg9 : memref<8x1024xf32, #tpu.memory_space<vmem>>)
    %add3A_318 = arith.constant 0 : i32
    %add3A_319 = arith.addi %mul3A_2, %add3A_318 : i32
    %dma_wait3A_320 = arith.constant 0 : i32
    %dma_wait3A_321 = arith.constant 0 : i32
    %dma_wait3A_322 = arith.constant 0 : i32
    %dma_wait3A_323 = tpu.memref_slice %arg4[%dma_wait3A_320, %add3A_319, %dma_wait3A_322] : memref<4x8192x1024xf32, #tpu.memory_space<hbm>> -> memref<1x8x1024xf32, #tpu.memory_space<hbm>>
    %dma_wait3A_324 = tpu.memref_squeeze %dma_wait3A_323 : memref<1x8x1024xf32, #tpu.memory_space<hbm>> -> memref<8x1024xf32, #tpu.memory_space<hbm>>
    %dma_wait3A_325 = tpu.memref_slice %arg21[%dma_wait3A_321] : memref<12x!tpu.dma_semaphore, #tpu.memory_space<semaphore_mem>> -> memref<1x!tpu.dma_semaphore, #tpu.memory_space<semaphore_mem>>
    %dma_wait3A_326 = tpu.memref_squeeze %dma_wait3A_325 : memref<1x!tpu.dma_semaphore, #tpu.memory_space<semaphore_mem>> -> memref<!tpu.dma_semaphore, #tpu.memory_space<semaphore_mem>>
    %dma_wait3A_327 = arith.constant 0 : i32
    %dma_wait3A_328 = tpu.memref_slice %arg4[%dma_wait3A_320, %add3A_319, %dma_wait3A_327] : memref<4x8192x1024xf32, #tpu.memory_space<hbm>> -> memref<1x8x1024xf32, #tpu.memory_space<hbm>>
    %dma_wait3A_329 = tpu.memref_squeeze %dma_wait3A_328 : memref<1x8x1024xf32, #tpu.memory_space<hbm>> -> memref<8x1024xf32, #tpu.memory_space<hbm>>
    tpu.wait_dma2 semaphore(%dma_wait3A_326 : memref<!tpu.dma_semaphore, #tpu.memory_space<semaphore_mem>>) src(%arg5 : memref<8x1024xf32, #tpu.memory_space<vmem>>) dst(%dma_wait3A_329 : memref<8x1024xf32, #tpu.memory_space<hbm>>)
    %add3A_330 = arith.constant 24 : i32
    %add3A_331 = arith.addi %mul3A_2, %add3A_330 : i32
    %dma_start3A_332 = arith.constant 0 : i32
    %dma_start3A_333 = arith.constant 0 : i32
    %dma_start3A_334 = arith.constant 0 : i32
    %dma_start3A_335 = tpu.memref_slice %arg2[%dma_start3A_332, %add3A_331, %dma_start3A_334] : memref<4x8192x1024xf32, #tpu.memory_space<hbm>> -> memref<1x8x1024xf32, #tpu.memory_space<hbm>>
    %dma_start3A_336 = tpu.memref_squeeze %dma_start3A_335 : memref<1x8x1024xf32, #tpu.memory_space<hbm>> -> memref<8x1024xf32, #tpu.memory_space<hbm>>
    %dma_start3A_337 = tpu.memref_slice %arg20[%dma_start3A_333] : memref<12x!tpu.dma_semaphore, #tpu.memory_space<semaphore_mem>> -> memref<1x!tpu.dma_semaphore, #tpu.memory_space<semaphore_mem>>
    %dma_start3A_338 = tpu.memref_squeeze %dma_start3A_337 : memref<1x!tpu.dma_semaphore, #tpu.memory_space<semaphore_mem>> -> memref<!tpu.dma_semaphore, #tpu.memory_space<semaphore_mem>>
    %dma_start3A_339 = arith.constant 0 : i32
    %dma_start3A_340 = tpu.memref_slice %arg2[%dma_start3A_332, %add3A_331, %dma_start3A_339] : memref<4x8192x1024xf32, #tpu.memory_space<hbm>> -> memref<1x8x1024xf32, #tpu.memory_space<hbm>>
    %dma_start3A_341 = tpu.memref_squeeze %dma_start3A_340 : memref<1x8x1024xf32, #tpu.memory_space<hbm>> -> memref<8x1024xf32, #tpu.memory_space<hbm>>
    tpu.enqueue_dma source(%dma_start3A_341 : memref<8x1024xf32, #tpu.memory_space<hbm>>) target(%arg5 : memref<8x1024xf32, #tpu.memory_space<vmem>>) target_semaphore(%dma_start3A_338 : memref<!tpu.dma_semaphore, #tpu.memory_space<semaphore_mem>>)
    %parallel_loop3A_342 = arith.constant 0 : i32
    %parallel_loop3A_343 = arith.constant 8192 : i32
    %parallel_loop3A_344 = arith.constant 16 : i32
    scf.for %parallel_loop3A_1115 = %parallel_loop3A_342 to %parallel_loop3A_343 step %parallel_loop3A_344  : i32 {
      %parallel_loop3A_1116 = arith.constant 10 : i32
      %parallel_loop3A_1117 = arith.shrsi %parallel_loop3A_1115, %parallel_loop3A_1116 : i32
      %parallel_loop3A_1118 = arith.constant 1023 : i32
      %parallel_loop3A_1119 = arith.andi %parallel_loop3A_1115, %parallel_loop3A_1118 : i32
      %parallel_loop3A_1120 = tpu.assume_multiple %parallel_loop3A_1119, 16 : i32
      %parallel_loop3A_1121 = arith.index_cast %parallel_loop3A_1117 : i32 to index
      %parallel_loop3A_1122 = arith.index_cast %parallel_loop3A_1120 : i32 to index
      %parallel_loop3A_1123 = tpu.vector_load %arg9[%parallel_loop3A_1121, %parallel_loop3A_1122] {strides = array<i32>} : memref<8x1024xf32, #tpu.memory_space<vmem>>, vector<1x16xf32>,
      %parallel_loop3A_1124 = vector.shape_cast %parallel_loop3A_1123 : vector<1x16xf32> to vector<16xf32>
      %parallel_loop3A_1125 = arith.index_cast %parallel_loop3A_1117 : i32 to index
      %parallel_loop3A_1126 = arith.index_cast %parallel_loop3A_1120 : i32 to index
      %parallel_loop3A_1127 = tpu.vector_load %arg18[%parallel_loop3A_1125, %parallel_loop3A_1126] {strides = array<i32>} : memref<8x1024xf32, #tpu.memory_space<vmem>>, vector<1x16xf32>,
      %parallel_loop3A_1128 = vector.shape_cast %parallel_loop3A_1127 : vector<1x16xf32> to vector<16xf32>
      %parallel_loop3A_1129 = arith.addf %parallel_loop3A_1124, %parallel_loop3A_1128 : vector<16xf32>
      %parallel_loop3A_1130 = arith.index_cast %parallel_loop3A_1117 : i32 to index
      %parallel_loop3A_1131 = arith.index_cast %parallel_loop3A_1120 : i32 to index
      %parallel_loop3A_1132 = tpu.vector_load %arg9[%parallel_loop3A_1130, %parallel_loop3A_1131] {strides = array<i32>} : memref<8x1024xf32, #tpu.memory_space<vmem>>, vector<1x16xf32>,
      %parallel_loop3A_1133 = vector.shape_cast %parallel_loop3A_1132 : vector<1x16xf32> to vector<16xf32>
      %parallel_loop3A_1134 = vector.shape_cast %parallel_loop3A_1129 : vector<16xf32> to vector<1x16xf32>
      tpu.vector_store %arg9[%parallel_loop3A_1130, %parallel_loop3A_1131], %parallel_loop3A_1134 {strides = array<i32>} : memref<8x1024xf32, #tpu.memory_space<vmem>>, vector<1x16xf32>,
    } {sc.loop_unroll_factor = 8 : i64, sc.parallel_access}
    %add3A_345 = arith.constant 8 : i32
    %add3A_346 = arith.addi %mul3A_2, %add3A_345 : i32
    %dma_start3A_347 = arith.constant 0 : i32
    %dma_start3A_348 = arith.constant 4 : i32
    %dma_start3A_349 = arith.constant 0 : i32
    %dma_start3A_350 = tpu.memref_slice %arg4[%dma_start3A_347, %add3A_346, %dma_start3A_349] : memref<4x8192x1024xf32, #tpu.memory_space<hbm>> -> memref<1x8x1024xf32, #tpu.memory_space<hbm>>
    %dma_start3A_351 = tpu.memref_squeeze %dma_start3A_350 : memref<1x8x1024xf32, #tpu.memory_space<hbm>> -> memref<8x1024xf32, #tpu.memory_space<hbm>>
    %dma_start3A_352 = tpu.memref_slice %arg21[%dma_start3A_348] : memref<12x!tpu.dma_semaphore, #tpu.memory_space<semaphore_mem>> -> memref<1x!tpu.dma_semaphore, #tpu.memory_space<semaphore_mem>>
    %dma_start3A_353 = tpu.memref_squeeze %dma_start3A_352 : memref<1x!tpu.dma_semaphore, #tpu.memory_space<semaphore_mem>> -> memref<!tpu.dma_semaphore, #tpu.memory_space<semaphore_mem>>
    %dma_start3A_354 = arith.constant 0 : i32
    %dma_start3A_355 = tpu.memref_slice %arg4[%dma_start3A_347, %add3A_346, %dma_start3A_354] : memref<4x8192x1024xf32, #tpu.memory_space<hbm>> -> memref<1x8x1024xf32, #tpu.memory_space<hbm>>
    %dma_start3A_356 = tpu.memref_squeeze %dma_start3A_355 : memref<1x8x1024xf32, #tpu.memory_space<hbm>> -> memref<8x1024xf32, #tpu.memory_space<hbm>>
    tpu.enqueue_dma source(%arg9 : memref<8x1024xf32, #tpu.memory_space<vmem>>) target(%dma_start3A_356 : memref<8x1024xf32, #tpu.memory_space<hbm>>) target_semaphore(%dma_start3A_353 : memref<!tpu.dma_semaphore, #tpu.memory_space<semaphore_mem>>)
    %add3A_357 = arith.constant 8 : i32
    %add3A_358 = arith.addi %mul3A_2, %add3A_357 : i32
    %dma_wait3A_359 = arith.constant 1 : i32
    %dma_wait3A_360 = arith.constant 5 : i32
    %dma_wait3A_361 = arith.constant 0 : i32
    %dma_wait3A_362 = tpu.memref_slice %arg2[%dma_wait3A_359, %add3A_358, %dma_wait3A_361] : memref<4x8192x1024xf32, #tpu.memory_space<hbm>> -> memref<1x8x1024xf32, #tpu.memory_space<hbm>>
    %dma_wait3A_363 = tpu.memref_squeeze %dma_wait3A_362 : memref<1x8x1024xf32, #tpu.memory_space<hbm>> -> memref<8x1024xf32, #tpu.memory_space<hbm>>
    %dma_wait3A_364 = tpu.memref_slice %arg20[%dma_wait3A_360] : memref<12x!tpu.dma_semaphore, #tpu.memory_space<semaphore_mem>> -> memref<1x!tpu.dma_semaphore, #tpu.memory_space<semaphore_mem>>
    %dma_wait3A_365 = tpu.memref_squeeze %dma_wait3A_364 : memref<1x!tpu.dma_semaphore, #tpu.memory_space<semaphore_mem>> -> memref<!tpu.dma_semaphore, #tpu.memory_space<semaphore_mem>>
    %dma_wait3A_366 = arith.constant 0 : i32
    %dma_wait3A_367 = tpu.memref_slice %arg2[%dma_wait3A_359, %add3A_358, %dma_wait3A_366] : memref<4x8192x1024xf32, #tpu.memory_space<hbm>> -> memref<1x8x1024xf32, #tpu.memory_space<hbm>>
    %dma_wait3A_368 = tpu.memref_squeeze %dma_wait3A_367 : memref<1x8x1024xf32, #tpu.memory_space<hbm>> -> memref<8x1024xf32, #tpu.memory_space<hbm>>
    tpu.wait_dma2 semaphore(%dma_wait3A_365 : memref<!tpu.dma_semaphore, #tpu.memory_space<semaphore_mem>>) src(%dma_wait3A_368 : memref<8x1024xf32, #tpu.memory_space<hbm>>) dst(%arg10 : memref<8x1024xf32, #tpu.memory_space<vmem>>)
    %add3A_369 = arith.constant 0 : i32
    %add3A_370 = arith.addi %mul3A_2, %add3A_369 : i32
    %dma_wait3A_371 = arith.constant 1 : i32
    %dma_wait3A_372 = arith.constant 1 : i32
    %dma_wait3A_373 = arith.constant 0 : i32
    %dma_wait3A_374 = tpu.memref_slice %arg4[%dma_wait3A_371, %add3A_370, %dma_wait3A_373] : memref<4x8192x1024xf32, #tpu.memory_space<hbm>> -> memref<1x8x1024xf32, #tpu.memory_space<hbm>>
    %dma_wait3A_375 = tpu.memref_squeeze %dma_wait3A_374 : memref<1x8x1024xf32, #tpu.memory_space<hbm>> -> memref<8x1024xf32, #tpu.memory_space<hbm>>
    %dma_wait3A_376 = tpu.memref_slice %arg21[%dma_wait3A_372] : memref<12x!tpu.dma_semaphore, #tpu.memory_space<semaphore_mem>> -> memref<1x!tpu.dma_semaphore, #tpu.memory_space<semaphore_mem>>
    %dma_wait3A_377 = tpu.memref_squeeze %dma_wait3A_376 : memref<1x!tpu.dma_semaphore, #tpu.memory_space<semaphore_mem>> -> memref<!tpu.dma_semaphore, #tpu.memory_space<semaphore_mem>>
    %dma_wait3A_378 = arith.constant 0 : i32
    %dma_wait3A_379 = tpu.memref_slice %arg4[%dma_wait3A_371, %add3A_370, %dma_wait3A_378] : memref<4x8192x1024xf32, #tpu.memory_space<hbm>> -> memref<1x8x1024xf32, #tpu.memory_space<hbm>>
    %dma_wait3A_380 = tpu.memref_squeeze %dma_wait3A_379 : memref<1x8x1024xf32, #tpu.memory_space<hbm>> -> memref<8x1024xf32, #tpu.memory_space<hbm>>
    tpu.wait_dma2 semaphore(%dma_wait3A_377 : memref<!tpu.dma_semaphore, #tpu.memory_space<semaphore_mem>>) src(%arg6 : memref<8x1024xf32, #tpu.memory_space<vmem>>) dst(%dma_wait3A_380 : memref<8x1024xf32, #tpu.memory_space<hbm>>)
    %add3A_381 = arith.constant 24 : i32
    %add3A_382 = arith.addi %mul3A_2, %add3A_381 : i32
    %dma_start3A_383 = arith.constant 1 : i32
    %dma_start3A_384 = arith.constant 1 : i32
    %dma_start3A_385 = arith.constant 0 : i32
    %dma_start3A_386 = tpu.memref_slice %arg2[%dma_start3A_383, %add3A_382, %dma_start3A_385] : memref<4x8192x1024xf32, #tpu.memory_space<hbm>> -> memref<1x8x1024xf32, #tpu.memory_space<hbm>>
    %dma_start3A_387 = tpu.memref_squeeze %dma_start3A_386 : memref<1x8x1024xf32, #tpu.memory_space<hbm>> -> memref<8x1024xf32, #tpu.memory_space<hbm>>
    %dma_start3A_388 = tpu.memref_slice %arg20[%dma_start3A_384] : memref<12x!tpu.dma_semaphore, #tpu.memory_space<semaphore_mem>> -> memref<1x!tpu.dma_semaphore, #tpu.memory_space<semaphore_mem>>
    %dma_start3A_389 = tpu.memref_squeeze %dma_start3A_388 : memref<1x!tpu.dma_semaphore, #tpu.memory_space<semaphore_mem>> -> memref<!tpu.dma_semaphore, #tpu.memory_space<semaphore_mem>>
    %dma_start3A_390 = arith.constant 0 : i32
    %dma_start3A_391 = tpu.memref_slice %arg2[%dma_start3A_383, %add3A_382, %dma_start3A_390] : memref<4x8192x1024xf32, #tpu.memory_space<hbm>> -> memref<1x8x1024xf32, #tpu.memory_space<hbm>>
    %dma_start3A_392 = tpu.memref_squeeze %dma_start3A_391 : memref<1x8x1024xf32, #tpu.memory_space<hbm>> -> memref<8x1024xf32, #tpu.memory_space<hbm>>
    tpu.enqueue_dma source(%dma_start3A_392 : memref<8x1024xf32, #tpu.memory_space<hbm>>) target(%arg6 : memref<8x1024xf32, #tpu.memory_space<vmem>>) target_semaphore(%dma_start3A_389 : memref<!tpu.dma_semaphore, #tpu.memory_space<semaphore_mem>>)
    %parallel_loop3A_393 = arith.constant 0 : i32
    %parallel_loop3A_394 = arith.constant 8192 : i32
    %parallel_loop3A_395 = arith.constant 16 : i32
    scf.for %parallel_loop3A_1115 = %parallel_loop3A_393 to %parallel_loop3A_394 step %parallel_loop3A_395  : i32 {
      %parallel_loop3A_1116 = arith.constant 10 : i32
      %parallel_loop3A_1117 = arith.shrsi %parallel_loop3A_1115, %parallel_loop3A_1116 : i32
      %parallel_loop3A_1118 = arith.constant 1023 : i32
      %parallel_loop3A_1119 = arith.andi %parallel_loop3A_1115, %parallel_loop3A_1118 : i32
      %parallel_loop3A_1120 = tpu.assume_multiple %parallel_loop3A_1119, 16 : i32
      %parallel_loop3A_1121 = arith.index_cast %parallel_loop3A_1117 : i32 to index
      %parallel_loop3A_1122 = arith.index_cast %parallel_loop3A_1120 : i32 to index
      %parallel_loop3A_1123 = tpu.vector_load %arg10[%parallel_loop3A_1121, %parallel_loop3A_1122] {strides = array<i32>} : memref<8x1024xf32, #tpu.memory_space<vmem>>, vector<1x16xf32>,
      %parallel_loop3A_1124 = vector.shape_cast %parallel_loop3A_1123 : vector<1x16xf32> to vector<16xf32>
      %parallel_loop3A_1125 = arith.index_cast %parallel_loop3A_1117 : i32 to index
      %parallel_loop3A_1126 = arith.index_cast %parallel_loop3A_1120 : i32 to index
      %parallel_loop3A_1127 = tpu.vector_load %arg18[%parallel_loop3A_1125, %parallel_loop3A_1126] {strides = array<i32>} : memref<8x1024xf32, #tpu.memory_space<vmem>>, vector<1x16xf32>,
      %parallel_loop3A_1128 = vector.shape_cast %parallel_loop3A_1127 : vector<1x16xf32> to vector<16xf32>
      %parallel_loop3A_1129 = arith.addf %parallel_loop3A_1124, %parallel_loop3A_1128 : vector<16xf32>
      %parallel_loop3A_1130 = arith.index_cast %parallel_loop3A_1117 : i32 to index
      %parallel_loop3A_1131 = arith.index_cast %parallel_loop3A_1120 : i32 to index
      %parallel_loop3A_1132 = tpu.vector_load %arg10[%parallel_loop3A_1130, %parallel_loop3A_1131] {strides = array<i32>} : memref<8x1024xf32, #tpu.memory_space<vmem>>, vector<1x16xf32>,
      %parallel_loop3A_1133 = vector.shape_cast %parallel_loop3A_1132 : vector<1x16xf32> to vector<16xf32>
      %parallel_loop3A_1134 = vector.shape_cast %parallel_loop3A_1129 : vector<16xf32> to vector<1x16xf32>
      tpu.vector_store %arg10[%parallel_loop3A_1130, %parallel_loop3A_1131], %parallel_loop3A_1134 {strides = array<i32>} : memref<8x1024xf32, #tpu.memory_space<vmem>>, vector<1x16xf32>,
    } {sc.loop_unroll_factor = 8 : i64, sc.parallel_access}
    %add3A_396 = arith.constant 8 : i32
    %add3A_397 = arith.addi %mul3A_2, %add3A_396 : i32
    %dma_start3A_398 = arith.constant 1 : i32
    %dma_start3A_399 = arith.constant 5 : i32
    %dma_start3A_400 = arith.constant 0 : i32
    %dma_start3A_401 = tpu.memref_slice %arg4[%dma_start3A_398, %add3A_397, %dma_start3A_400] : memref<4x8192x1024xf32, #tpu.memory_space<hbm>> -> memref<1x8x1024xf32, #tpu.memory_space<hbm>>
    %dma_start3A_402 = tpu.memref_squeeze %dma_start3A_401 : memref<1x8x1024xf32, #tpu.memory_space<hbm>> -> memref<8x1024xf32, #tpu.memory_space<hbm>>
    %dma_start3A_403 = tpu.memref_slice %arg21[%dma_start3A_399] : memref<12x!tpu.dma_semaphore, #tpu.memory_space<semaphore_mem>> -> memref<1x!tpu.dma_semaphore, #tpu.memory_space<semaphore_mem>>
    %dma_start3A_404 = tpu.memref_squeeze %dma_start3A_403 : memref<1x!tpu.dma_semaphore, #tpu.memory_space<semaphore_mem>> -> memref<!tpu.dma_semaphore, #tpu.memory_space<semaphore_mem>>
    %dma_start3A_405 = arith.constant 0 : i32
    %dma_start3A_406 = tpu.memref_slice %arg4[%dma_start3A_398, %add3A_397, %dma_start3A_405] : memref<4x8192x1024xf32, #tpu.memory_space<hbm>> -> memref<1x8x1024xf32, #tpu.memory_space<hbm>>
    %dma_start3A_407 = tpu.memref_squeeze %dma_start3A_406 : memref<1x8x1024xf32, #tpu.memory_space<hbm>> -> memref<8x1024xf32, #tpu.memory_space<hbm>>
    tpu.enqueue_dma source(%arg10 : memref<8x1024xf32, #tpu.memory_space<vmem>>) target(%dma_start3A_407 : memref<8x1024xf32, #tpu.memory_space<hbm>>) target_semaphore(%dma_start3A_404 : memref<!tpu.dma_semaphore, #tpu.memory_space<semaphore_mem>>)
    %add3A_408 = arith.constant 8 : i32
    %add3A_409 = arith.addi %mul3A_2, %add3A_408 : i32
    %dma_wait3A_410 = arith.constant 2 : i32
    %dma_wait3A_411 = arith.constant 6 : i32
    %dma_wait3A_412 = arith.constant 0 : i32
    %dma_wait3A_413 = tpu.memref_slice %arg2[%dma_wait3A_410, %add3A_409, %dma_wait3A_412] : memref<4x8192x1024xf32, #tpu.memory_space<hbm>> -> memref<1x8x1024xf32, #tpu.memory_space<hbm>>
    %dma_wait3A_414 = tpu.memref_squeeze %dma_wait3A_413 : memref<1x8x1024xf32, #tpu.memory_space<hbm>> -> memref<8x1024xf32, #tpu.memory_space<hbm>>
    %dma_wait3A_415 = tpu.memref_slice %arg20[%dma_wait3A_411] : memref<12x!tpu.dma_semaphore, #tpu.memory_space<semaphore_mem>> -> memref<1x!tpu.dma_semaphore, #tpu.memory_space<semaphore_mem>>
    %dma_wait3A_416 = tpu.memref_squeeze %dma_wait3A_415 : memref<1x!tpu.dma_semaphore, #tpu.memory_space<semaphore_mem>> -> memref<!tpu.dma_semaphore, #tpu.memory_space<semaphore_mem>>
    %dma_wait3A_417 = arith.constant 0 : i32
    %dma_wait3A_418 = tpu.memref_slice %arg2[%dma_wait3A_410, %add3A_409, %dma_wait3A_417] : memref<4x8192x1024xf32, #tpu.memory_space<hbm>> -> memref<1x8x1024xf32, #tpu.memory_space<hbm>>
    %dma_wait3A_419 = tpu.memref_squeeze %dma_wait3A_418 : memref<1x8x1024xf32, #tpu.memory_space<hbm>> -> memref<8x1024xf32, #tpu.memory_space<hbm>>
    tpu.wait_dma2 semaphore(%dma_wait3A_416 : memref<!tpu.dma_semaphore, #tpu.memory_space<semaphore_mem>>) src(%dma_wait3A_419 : memref<8x1024xf32, #tpu.memory_space<hbm>>) dst(%arg11 : memref<8x1024xf32, #tpu.memory_space<vmem>>)
    %add3A_420 = arith.constant 0 : i32
    %add3A_421 = arith.addi %mul3A_2, %add3A_420 : i32
    %dma_wait3A_422 = arith.constant 2 : i32
    %dma_wait3A_423 = arith.constant 2 : i32
    %dma_wait3A_424 = arith.constant 0 : i32
    %dma_wait3A_425 = tpu.memref_slice %arg4[%dma_wait3A_422, %add3A_421, %dma_wait3A_424] : memref<4x8192x1024xf32, #tpu.memory_space<hbm>> -> memref<1x8x1024xf32, #tpu.memory_space<hbm>>
    %dma_wait3A_426 = tpu.memref_squeeze %dma_wait3A_425 : memref<1x8x1024xf32, #tpu.memory_space<hbm>> -> memref<8x1024xf32, #tpu.memory_space<hbm>>
    %dma_wait3A_427 = tpu.memref_slice %arg21[%dma_wait3A_423] : memref<12x!tpu.dma_semaphore, #tpu.memory_space<semaphore_mem>> -> memref<1x!tpu.dma_semaphore, #tpu.memory_space<semaphore_mem>>
    %dma_wait3A_428 = tpu.memref_squeeze %dma_wait3A_427 : memref<1x!tpu.dma_semaphore, #tpu.memory_space<semaphore_mem>> -> memref<!tpu.dma_semaphore, #tpu.memory_space<semaphore_mem>>
    %dma_wait3A_429 = arith.constant 0 : i32
    %dma_wait3A_430 = tpu.memref_slice %arg4[%dma_wait3A_422, %add3A_421, %dma_wait3A_429] : memref<4x8192x1024xf32, #tpu.memory_space<hbm>> -> memref<1x8x1024xf32, #tpu.memory_space<hbm>>
    %dma_wait3A_431 = tpu.memref_squeeze %dma_wait3A_430 : memref<1x8x1024xf32, #tpu.memory_space<hbm>> -> memref<8x1024xf32, #tpu.memory_space<hbm>>
    tpu.wait_dma2 semaphore(%dma_wait3A_428 : memref<!tpu.dma_semaphore, #tpu.memory_space<semaphore_mem>>) src(%arg7 : memref<8x1024xf32, #tpu.memory_space<vmem>>) dst(%dma_wait3A_431 : memref<8x1024xf32, #tpu.memory_space<hbm>>)
    %add3A_432 = arith.constant 24 : i32
    %add3A_433 = arith.addi %mul3A_2, %add3A_432 : i32
    %dma_start3A_434 = arith.constant 2 : i32
    %dma_start3A_435 = arith.constant 2 : i32
    %dma_start3A_436 = arith.constant 0 : i32
    %dma_start3A_437 = tpu.memref_slice %arg2[%dma_start3A_434, %add3A_433, %dma_start3A_436] : memref<4x8192x1024xf32, #tpu.memory_space<hbm>> -> memref<1x8x1024xf32, #tpu.memory_space<hbm>>
    %dma_start3A_438 = tpu.memref_squeeze %dma_start3A_437 : memref<1x8x1024xf32, #tpu.memory_space<hbm>> -> memref<8x1024xf32, #tpu.memory_space<hbm>>
    %dma_start3A_439 = tpu.memref_slice %arg20[%dma_start3A_435] : memref<12x!tpu.dma_semaphore, #tpu.memory_space<semaphore_mem>> -> memref<1x!tpu.dma_semaphore, #tpu.memory_space<semaphore_mem>>
    %dma_start3A_440 = tpu.memref_squeeze %dma_start3A_439 : memref<1x!tpu.dma_semaphore, #tpu.memory_space<semaphore_mem>> -> memref<!tpu.dma_semaphore, #tpu.memory_space<semaphore_mem>>
    %dma_start3A_441 = arith.constant 0 : i32
    %dma_start3A_442 = tpu.memref_slice %arg2[%dma_start3A_434, %add3A_433, %dma_start3A_441] : memref<4x8192x1024xf32, #tpu.memory_space<hbm>> -> memref<1x8x1024xf32, #tpu.memory_space<hbm>>
    %dma_start3A_443 = tpu.memref_squeeze %dma_start3A_442 : memref<1x8x1024xf32, #tpu.memory_space<hbm>> -> memref<8x1024xf32, #tpu.memory_space<hbm>>
    tpu.enqueue_dma source(%dma_start3A_443 : memref<8x1024xf32, #tpu.memory_space<hbm>>) target(%arg7 : memref<8x1024xf32, #tpu.memory_space<vmem>>) target_semaphore(%dma_start3A_440 : memref<!tpu.dma_semaphore, #tpu.memory_space<semaphore_mem>>)
    %parallel_loop3A_444 = arith.constant 0 : i32
    %parallel_loop3A_445 = arith.constant 8192 : i32
    %parallel_loop3A_446 = arith.constant 16 : i32
    scf.for %parallel_loop3A_1115 = %parallel_loop3A_444 to %parallel_loop3A_445 step %parallel_loop3A_446  : i32 {
      %parallel_loop3A_1116 = arith.constant 10 : i32
      %parallel_loop3A_1117 = arith.shrsi %parallel_loop3A_1115, %parallel_loop3A_1116 : i32
      %parallel_loop3A_1118 = arith.constant 1023 : i32
      %parallel_loop3A_1119 = arith.andi %parallel_loop3A_1115, %parallel_loop3A_1118 : i32
      %parallel_loop3A_1120 = tpu.assume_multiple %parallel_loop3A_1119, 16 : i32
      %parallel_loop3A_1121 = arith.index_cast %parallel_loop3A_1117 : i32 to index
      %parallel_loop3A_1122 = arith.index_cast %parallel_loop3A_1120 : i32 to index
      %parallel_loop3A_1123 = tpu.vector_load %arg11[%parallel_loop3A_1121, %parallel_loop3A_1122] {strides = array<i32>} : memref<8x1024xf32, #tpu.memory_space<vmem>>, vector<1x16xf32>,
      %parallel_loop3A_1124 = vector.shape_cast %parallel_loop3A_1123 : vector<1x16xf32> to vector<16xf32>
      %parallel_loop3A_1125 = arith.index_cast %parallel_loop3A_1117 : i32 to index
      %parallel_loop3A_1126 = arith.index_cast %parallel_loop3A_1120 : i32 to index
      %parallel_loop3A_1127 = tpu.vector_load %arg18[%parallel_loop3A_1125, %parallel_loop3A_1126] {strides = array<i32>} : memref<8x1024xf32, #tpu.memory_space<vmem>>, vector<1x16xf32>,
      %parallel_loop3A_1128 = vector.shape_cast %parallel_loop3A_1127 : vector<1x16xf32> to vector<16xf32>
      %parallel_loop3A_1129 = arith.addf %parallel_loop3A_1124, %parallel_loop3A_1128 : vector<16xf32>
      %parallel_loop3A_1130 = arith.index_cast %parallel_loop3A_1117 : i32 to index
      %parallel_loop3A_1131 = arith.index_cast %parallel_loop3A_1120 : i32 to index
      %parallel_loop3A_1132 = tpu.vector_load %arg11[%parallel_loop3A_1130, %parallel_loop3A_1131] {strides = array<i32>} : memref<8x1024xf32, #tpu.memory_space<vmem>>, vector<1x16xf32>,
      %parallel_loop3A_1133 = vector.shape_cast %parallel_loop3A_1132 : vector<1x16xf32> to vector<16xf32>
      %parallel_loop3A_1134 = vector.shape_cast %parallel_loop3A_1129 : vector<16xf32> to vector<1x16xf32>
      tpu.vector_store %arg11[%parallel_loop3A_1130, %parallel_loop3A_1131], %parallel_loop3A_1134 {strides = array<i32>} : memref<8x1024xf32, #tpu.memory_space<vmem>>, vector<1x16xf32>,
    } {sc.loop_unroll_factor = 8 : i64, sc.parallel_access}
    %add3A_447 = arith.constant 8 : i32
    %add3A_448 = arith.addi %mul3A_2, %add3A_447 : i32
    %dma_start3A_449 = arith.constant 2 : i32
    %dma_start3A_450 = arith.constant 6 : i32
    %dma_start3A_451 = arith.constant 0 : i32
    %dma_start3A_452 = tpu.memref_slice %arg4[%dma_start3A_449, %add3A_448, %dma_start3A_451] : memref<4x8192x1024xf32, #tpu.memory_space<hbm>> -> memref<1x8x1024xf32, #tpu.memory_space<hbm>>
    %dma_start3A_453 = tpu.memref_squeeze %dma_start3A_452 : memref<1x8x1024xf32, #tpu.memory_space<hbm>> -> memref<8x1024xf32, #tpu.memory_space<hbm>>
    %dma_start3A_454 = tpu.memref_slice %arg21[%dma_start3A_450] : memref<12x!tpu.dma_semaphore, #tpu.memory_space<semaphore_mem>> -> memref<1x!tpu.dma_semaphore, #tpu.memory_space<semaphore_mem>>
    %dma_start3A_455 = tpu.memref_squeeze %dma_start3A_454 : memref<1x!tpu.dma_semaphore, #tpu.memory_space<semaphore_mem>> -> memref<!tpu.dma_semaphore, #tpu.memory_space<semaphore_mem>>
    %dma_start3A_456 = arith.constant 0 : i32
    %dma_start3A_457 = tpu.memref_slice %arg4[%dma_start3A_449, %add3A_448, %dma_start3A_456] : memref<4x8192x1024xf32, #tpu.memory_space<hbm>> -> memref<1x8x1024xf32, #tpu.memory_space<hbm>>
    %dma_start3A_458 = tpu.memref_squeeze %dma_start3A_457 : memref<1x8x1024xf32, #tpu.memory_space<hbm>> -> memref<8x1024xf32, #tpu.memory_space<hbm>>
    tpu.enqueue_dma source(%arg11 : memref<8x1024xf32, #tpu.memory_space<vmem>>) target(%dma_start3A_458 : memref<8x1024xf32, #tpu.memory_space<hbm>>) target_semaphore(%dma_start3A_455 : memref<!tpu.dma_semaphore, #tpu.memory_space<semaphore_mem>>)
    %add3A_459 = arith.constant 8 : i32
    %add3A_460 = arith.addi %mul3A_2, %add3A_459 : i32
    %dma_wait3A_461 = arith.constant 3 : i32
    %dma_wait3A_462 = arith.constant 7 : i32
    %dma_wait3A_463 = arith.constant 0 : i32
    %dma_wait3A_464 = tpu.memref_slice %arg2[%dma_wait3A_461, %add3A_460, %dma_wait3A_463] : memref<4x8192x1024xf32, #tpu.memory_space<hbm>> -> memref<1x8x1024xf32, #tpu.memory_space<hbm>>
    %dma_wait3A_465 = tpu.memref_squeeze %dma_wait3A_464 : memref<1x8x1024xf32, #tpu.memory_space<hbm>> -> memref<8x1024xf32, #tpu.memory_space<hbm>>
    %dma_wait3A_466 = tpu.memref_slice %arg20[%dma_wait3A_462] : memref<12x!tpu.dma_semaphore, #tpu.memory_space<semaphore_mem>> -> memref<1x!tpu.dma_semaphore, #tpu.memory_space<semaphore_mem>>
    %dma_wait3A_467 = tpu.memref_squeeze %dma_wait3A_466 : memref<1x!tpu.dma_semaphore, #tpu.memory_space<semaphore_mem>> -> memref<!tpu.dma_semaphore, #tpu.memory_space<semaphore_mem>>
    %dma_wait3A_468 = arith.constant 0 : i32
    %dma_wait3A_469 = tpu.memref_slice %arg2[%dma_wait3A_461, %add3A_460, %dma_wait3A_468] : memref<4x8192x1024xf32, #tpu.memory_space<hbm>> -> memref<1x8x1024xf32, #tpu.memory_space<hbm>>
    %dma_wait3A_470 = tpu.memref_squeeze %dma_wait3A_469 : memref<1x8x1024xf32, #tpu.memory_space<hbm>> -> memref<8x1024xf32, #tpu.memory_space<hbm>>
    tpu.wait_dma2 semaphore(%dma_wait3A_467 : memref<!tpu.dma_semaphore, #tpu.memory_space<semaphore_mem>>) src(%dma_wait3A_470 : memref<8x1024xf32, #tpu.memory_space<hbm>>) dst(%arg12 : memref<8x1024xf32, #tpu.memory_space<vmem>>)
    %add3A_471 = arith.constant 0 : i32
    %add3A_472 = arith.addi %mul3A_2, %add3A_471 : i32
    %dma_wait3A_473 = arith.constant 3 : i32
    %dma_wait3A_474 = arith.constant 3 : i32
    %dma_wait3A_475 = arith.constant 0 : i32
    %dma_wait3A_476 = tpu.memref_slice %arg4[%dma_wait3A_473, %add3A_472, %dma_wait3A_475] : memref<4x8192x1024xf32, #tpu.memory_space<hbm>> -> memref<1x8x1024xf32, #tpu.memory_space<hbm>>
    %dma_wait3A_477 = tpu.memref_squeeze %dma_wait3A_476 : memref<1x8x1024xf32, #tpu.memory_space<hbm>> -> memref<8x1024xf32, #tpu.memory_space<hbm>>
    %dma_wait3A_478 = tpu.memref_slice %arg21[%dma_wait3A_474] : memref<12x!tpu.dma_semaphore, #tpu.memory_space<semaphore_mem>> -> memref<1x!tpu.dma_semaphore, #tpu.memory_space<semaphore_mem>>
    %dma_wait3A_479 = tpu.memref_squeeze %dma_wait3A_478 : memref<1x!tpu.dma_semaphore, #tpu.memory_space<semaphore_mem>> -> memref<!tpu.dma_semaphore, #tpu.memory_space<semaphore_mem>>
    %dma_wait3A_480 = arith.constant 0 : i32
    %dma_wait3A_481 = tpu.memref_slice %arg4[%dma_wait3A_473, %add3A_472, %dma_wait3A_480] : memref<4x8192x1024xf32, #tpu.memory_space<hbm>> -> memref<1x8x1024xf32, #tpu.memory_space<hbm>>
    %dma_wait3A_482 = tpu.memref_squeeze %dma_wait3A_481 : memref<1x8x1024xf32, #tpu.memory_space<hbm>> -> memref<8x1024xf32, #tpu.memory_space<hbm>>
    tpu.wait_dma2 semaphore(%dma_wait3A_479 : memref<!tpu.dma_semaphore, #tpu.memory_space<semaphore_mem>>) src(%arg8 : memref<8x1024xf32, #tpu.memory_space<vmem>>) dst(%dma_wait3A_482 : memref<8x1024xf32, #tpu.memory_space<hbm>>)
    %add3A_483 = arith.constant 24 : i32
    %add3A_484 = arith.addi %mul3A_2, %add3A_483 : i32
    %dma_start3A_485 = arith.constant 3 : i32
    %dma_start3A_486 = arith.constant 3 : i32
    %dma_start3A_487 = arith.constant 0 : i32
    %dma_start3A_488 = tpu.memref_slice %arg2[%dma_start3A_485, %add3A_484, %dma_start3A_487] : memref<4x8192x1024xf32, #tpu.memory_space<hbm>> -> memref<1x8x1024xf32, #tpu.memory_space<hbm>>
    %dma_start3A_489 = tpu.memref_squeeze %dma_start3A_488 : memref<1x8x1024xf32, #tpu.memory_space<hbm>> -> memref<8x1024xf32, #tpu.memory_space<hbm>>
    %dma_start3A_490 = tpu.memref_slice %arg20[%dma_start3A_486] : memref<12x!tpu.dma_semaphore, #tpu.memory_space<semaphore_mem>> -> memref<1x!tpu.dma_semaphore, #tpu.memory_space<semaphore_mem>>
    %dma_start3A_491 = tpu.memref_squeeze %dma_start3A_490 : memref<1x!tpu.dma_semaphore, #tpu.memory_space<semaphore_mem>> -> memref<!tpu.dma_semaphore, #tpu.memory_space<semaphore_mem>>
    %dma_start3A_492 = arith.constant 0 : i32
    %dma_start3A_493 = tpu.memref_slice %arg2[%dma_start3A_485, %add3A_484, %dma_start3A_492] : memref<4x8192x1024xf32, #tpu.memory_space<hbm>> -> memref<1x8x1024xf32, #tpu.memory_space<hbm>>
    %dma_start3A_494 = tpu.memref_squeeze %dma_start3A_493 : memref<1x8x1024xf32, #tpu.memory_space<hbm>> -> memref<8x1024xf32, #tpu.memory_space<hbm>>
    tpu.enqueue_dma source(%dma_start3A_494 : memref<8x1024xf32, #tpu.memory_space<hbm>>) target(%arg8 : memref<8x1024xf32, #tpu.memory_space<vmem>>) target_semaphore(%dma_start3A_491 : memref<!tpu.dma_semaphore, #tpu.memory_space<semaphore_mem>>)
    %parallel_loop3A_495 = arith.constant 0 : i32
    %parallel_loop3A_496 = arith.constant 8192 : i32
    %parallel_loop3A_497 = arith.constant 16 : i32
    scf.for %parallel_loop3A_1115 = %parallel_loop3A_495 to %parallel_loop3A_496 step %parallel_loop3A_497  : i32 {
      %parallel_loop3A_1116 = arith.constant 10 : i32
      %parallel_loop3A_1117 = arith.shrsi %parallel_loop3A_1115, %parallel_loop3A_1116 : i32
      %parallel_loop3A_1118 = arith.constant 1023 : i32
      %parallel_loop3A_1119 = arith.andi %parallel_loop3A_1115, %parallel_loop3A_1118 : i32
      %parallel_loop3A_1120 = tpu.assume_multiple %parallel_loop3A_1119, 16 : i32
      %parallel_loop3A_1121 = arith.index_cast %parallel_loop3A_1117 : i32 to index
      %parallel_loop3A_1122 = arith.index_cast %parallel_loop3A_1120 : i32 to index
      %parallel_loop3A_1123 = tpu.vector_load %arg12[%parallel_loop3A_1121, %parallel_loop3A_1122] {strides = array<i32>} : memref<8x1024xf32, #tpu.memory_space<vmem>>, vector<1x16xf32>,
      %parallel_loop3A_1124 = vector.shape_cast %parallel_loop3A_1123 : vector<1x16xf32> to vector<16xf32>
      %parallel_loop3A_1125 = arith.index_cast %parallel_loop3A_1117 : i32 to index
      %parallel_loop3A_1126 = arith.index_cast %parallel_loop3A_1120 : i32 to index
      %parallel_loop3A_1127 = tpu.vector_load %arg18[%parallel_loop3A_1125, %parallel_loop3A_1126] {strides = array<i32>} : memref<8x1024xf32, #tpu.memory_space<vmem>>, vector<1x16xf32>,
      %parallel_loop3A_1128 = vector.shape_cast %parallel_loop3A_1127 : vector<1x16xf32> to vector<16xf32>
      %parallel_loop3A_1129 = arith.addf %parallel_loop3A_1124, %parallel_loop3A_1128 : vector<16xf32>
      %parallel_loop3A_1130 = arith.index_cast %parallel_loop3A_1117 : i32 to index
      %parallel_loop3A_1131 = arith.index_cast %parallel_loop3A_1120 : i32 to index
      %parallel_loop3A_1132 = tpu.vector_load %arg12[%parallel_loop3A_1130, %parallel_loop3A_1131] {strides = array<i32>} : memref<8x1024xf32, #tpu.memory_space<vmem>>, vector<1x16xf32>,
      %parallel_loop3A_1133 = vector.shape_cast %parallel_loop3A_1132 : vector<1x16xf32> to vector<16xf32>
      %parallel_loop3A_1134 = vector.shape_cast %parallel_loop3A_1129 : vector<16xf32> to vector<1x16xf32>
      tpu.vector_store %arg12[%parallel_loop3A_1130, %parallel_loop3A_1131], %parallel_loop3A_1134 {strides = array<i32>} : memref<8x1024xf32, #tpu.memory_space<vmem>>, vector<1x16xf32>,
    } {sc.loop_unroll_factor = 8 : i64, sc.parallel_access}
    %add3A_498 = arith.constant 8 : i32
    %add3A_499 = arith.addi %mul3A_2, %add3A_498 : i32
    %dma_start3A_500 = arith.constant 3 : i32
    %dma_start3A_501 = arith.constant 7 : i32
    %dma_start3A_502 = arith.constant 0 : i32
    %dma_start3A_503 = tpu.memref_slice %arg4[%dma_start3A_500, %add3A_499, %dma_start3A_502] : memref<4x8192x1024xf32, #tpu.memory_space<hbm>> -> memref<1x8x1024xf32, #tpu.memory_space<hbm>>
    %dma_start3A_504 = tpu.memref_squeeze %dma_start3A_503 : memref<1x8x1024xf32, #tpu.memory_space<hbm>> -> memref<8x1024xf32, #tpu.memory_space<hbm>>
    %dma_start3A_505 = tpu.memref_slice %arg21[%dma_start3A_501] : memref<12x!tpu.dma_semaphore, #tpu.memory_space<semaphore_mem>> -> memref<1x!tpu.dma_semaphore, #tpu.memory_space<semaphore_mem>>
    %dma_start3A_506 = tpu.memref_squeeze %dma_start3A_505 : memref<1x!tpu.dma_semaphore, #tpu.memory_space<semaphore_mem>> -> memref<!tpu.dma_semaphore, #tpu.memory_space<semaphore_mem>>
    %dma_start3A_507 = arith.constant 0 : i32
    %dma_start3A_508 = tpu.memref_slice %arg4[%dma_start3A_500, %add3A_499, %dma_start3A_507] : memref<4x8192x1024xf32, #tpu.memory_space<hbm>> -> memref<1x8x1024xf32, #tpu.memory_space<hbm>>
    %dma_start3A_509 = tpu.memref_squeeze %dma_start3A_508 : memref<1x8x1024xf32, #tpu.memory_space<hbm>> -> memref<8x1024xf32, #tpu.memory_space<hbm>>
    tpu.enqueue_dma source(%arg12 : memref<8x1024xf32, #tpu.memory_space<vmem>>) target(%dma_start3A_509 : memref<8x1024xf32, #tpu.memory_space<hbm>>) target_semaphore(%dma_start3A_506 : memref<!tpu.dma_semaphore, #tpu.memory_space<semaphore_mem>>)
    %scan3A = arith.constant 0 : i32
    %scan3A_510 = arith.constant 0 : i32
    %scan3A_511 = arith.constant 9 : i32
    %scan3A_512 = arith.addi %scan3A_510, %scan3A_511 : i32
    %scan3A_513 = arith.constant 1 : i32
    scf.for %scan3A_1115 = %scan3A_510 to %scan3A_512 step %scan3A_513  : i32 {
      %mul3A_1116 = arith.constant 3 : i32
      %mul3A_1117 = arith.muli %mul3A_1116, %scan3A_1115 : i32
      %add3A_1118 = arith.constant 2 : i32
      %add3A_1119 = arith.addi %add3A_1118, %mul3A_1117 : i32
      %add3A_1120 = arith.constant 2 : i32
      %add3A_1121 = arith.addi %add3A_1119, %add3A_1120 : i32
      %mul3A_1122 = arith.constant 8 : i32
      %mul3A_1123 = arith.muli %add3A_1121, %mul3A_1122 : i32
      %add3A_1124 = arith.addi %mul3A_2, %mul3A_1123 : i32
      %dma_start3A_1125 = arith.constant 1 : i32
      %dma_start3A_1126 = arith.constant 0 : i32
      %dma_start3A_1127 = tpu.memref_slice %arg3[%add3A_1124, %dma_start3A_1126] : memref<8192x1024xf32, #tpu.memory_space<hbm>> -> memref<8x1024xf32, #tpu.memory_space<hbm>>
      %dma_start3A_1128 = tpu.memref_slice %arg22[%dma_start3A_1125] : memref<3x!tpu.dma_semaphore, #tpu.memory_space<semaphore_mem>> -> memref<1x!tpu.dma_semaphore, #tpu.memory_space<semaphore_mem>>
      %dma_start3A_1129 = tpu.memref_squeeze %dma_start3A_1128 : memref<1x!tpu.dma_semaphore, #tpu.memory_space<semaphore_mem>> -> memref<!tpu.dma_semaphore, #tpu.memory_space<semaphore_mem>>
      %dma_start3A_1130 = arith.constant 0 : i32
      %dma_start3A_1131 = tpu.memref_slice %arg3[%add3A_1124, %dma_start3A_1130] : memref<8192x1024xf32, #tpu.memory_space<hbm>> -> memref<8x1024xf32, #tpu.memory_space<hbm>>
      tpu.enqueue_dma source(%dma_start3A_1131 : memref<8x1024xf32, #tpu.memory_space<hbm>>) target(%arg18 : memref<8x1024xf32, #tpu.memory_space<vmem>>) target_semaphore(%dma_start3A_1129 : memref<!tpu.dma_semaphore, #tpu.memory_space<semaphore_mem>>)
      %mul3A_1132 = arith.constant 8 : i32
      %mul3A_1133 = arith.muli %add3A_1119, %mul3A_1132 : i32
      %add3A_1134 = arith.addi %mul3A_2, %mul3A_1133 : i32
      %dma_wait3A_1135 = arith.constant 2 : i32
      %dma_wait3A_1136 = arith.constant 0 : i32
      %dma_wait3A_1137 = tpu.memref_slice %arg3[%add3A_1134, %dma_wait3A_1136] : memref<8192x1024xf32, #tpu.memory_space<hbm>> -> memref<8x1024xf32, #tpu.memory_space<hbm>>
      %dma_wait3A_1138 = tpu.memref_slice %arg22[%dma_wait3A_1135] : memref<3x!tpu.dma_semaphore, #tpu.memory_space<semaphore_mem>> -> memref<1x!tpu.dma_semaphore, #tpu.memory_space<semaphore_mem>>
      %dma_wait3A_1139 = tpu.memref_squeeze %dma_wait3A_1138 : memref<1x!tpu.dma_semaphore, #tpu.memory_space<semaphore_mem>> -> memref<!tpu.dma_semaphore, #tpu.memory_space<semaphore_mem>>
      %dma_wait3A_1140 = arith.constant 0 : i32
      %dma_wait3A_1141 = tpu.memref_slice %arg3[%add3A_1134, %dma_wait3A_1140] : memref<8192x1024xf32, #tpu.memory_space<hbm>> -> memref<8x1024xf32, #tpu.memory_space<hbm>>
      tpu.wait_dma2 semaphore(%dma_wait3A_1139 : memref<!tpu.dma_semaphore, #tpu.memory_space<semaphore_mem>>) src(%dma_wait3A_1141 : memref<8x1024xf32, #tpu.memory_space<hbm>>) dst(%arg19 : memref<8x1024xf32, #tpu.memory_space<vmem>>)
      %mul3A_1142 = arith.constant 8 : i32
      %mul3A_1143 = arith.muli %add3A_1119, %mul3A_1142 : i32
      %add3A_1144 = arith.addi %mul3A_2, %mul3A_1143 : i32
      %dma_wait3A_1145 = arith.constant 0 : i32
      %dma_wait3A_1146 = arith.constant 8 : i32
      %dma_wait3A_1147 = arith.constant 0 : i32
      %dma_wait3A_1148 = tpu.memref_slice %arg2[%dma_wait3A_1145, %add3A_1144, %dma_wait3A_1147] : memref<4x8192x1024xf32, #tpu.memory_space<hbm>> -> memref<1x8x1024xf32, #tpu.memory_space<hbm>>
      %dma_wait3A_1149 = tpu.memref_squeeze %dma_wait3A_1148 : memref<1x8x1024xf32, #tpu.memory_space<hbm>> -> memref<8x1024xf32, #tpu.memory_space<hbm>>
      %dma_wait3A_1150 = tpu.memref_slice %arg20[%dma_wait3A_1146] : memref<12x!tpu.dma_semaphore, #tpu.memory_space<semaphore_mem>> -> memref<1x!tpu.dma_semaphore, #tpu.memory_space<semaphore_mem>>
      %dma_wait3A_1151 = tpu.memref_squeeze %dma_wait3A_1150 : memref<1x!tpu.dma_semaphore, #tpu.memory_space<semaphore_mem>> -> memref<!tpu.dma_semaphore, #tpu.memory_space<semaphore_mem>>
      %dma_wait3A_1152 = arith.constant 0 : i32
      %dma_wait3A_1153 = tpu.memref_slice %arg2[%dma_wait3A_1145, %add3A_1144, %dma_wait3A_1152] : memref<4x8192x1024xf32, #tpu.memory_space<hbm>> -> memref<1x8x1024xf32, #tpu.memory_space<hbm>>
      %dma_wait3A_1154 = tpu.memref_squeeze %dma_wait3A_1153 : memref<1x8x1024xf32, #tpu.memory_space<hbm>> -> memref<8x1024xf32, #tpu.memory_space<hbm>>
      tpu.wait_dma2 semaphore(%dma_wait3A_1151 : memref<!tpu.dma_semaphore, #tpu.memory_space<semaphore_mem>>) src(%dma_wait3A_1154 : memref<8x1024xf32, #tpu.memory_space<hbm>>) dst(%arg13 : memref<8x1024xf32, #tpu.memory_space<vmem>>)
      %sub3A = arith.constant 1 : i32
      %sub3A_1155 = arith.subi %add3A_1119, %sub3A : i32
      %mul3A_1156 = arith.constant 8 : i32
      %mul3A_1157 = arith.muli %sub3A_1155, %mul3A_1156 : i32
      %add3A_1158 = arith.addi %mul3A_2, %mul3A_1157 : i32
      %dma_wait3A_1159 = arith.constant 0 : i32
      %dma_wait3A_1160 = arith.constant 4 : i32
      %dma_wait3A_1161 = arith.constant 0 : i32
      %dma_wait3A_1162 = tpu.memref_slice %arg4[%dma_wait3A_1159, %add3A_1158, %dma_wait3A_1161] : memref<4x8192x1024xf32, #tpu.memory_space<hbm>> -> memref<1x8x1024xf32, #tpu.memory_space<hbm>>
      %dma_wait3A_1163 = tpu.memref_squeeze %dma_wait3A_1162 : memref<1x8x1024xf32, #tpu.memory_space<hbm>> -> memref<8x1024xf32, #tpu.memory_space<hbm>>
      %dma_wait3A_1164 = tpu.memref_slice %arg21[%dma_wait3A_1160] : memref<12x!tpu.dma_semaphore, #tpu.memory_space<semaphore_mem>> -> memref<1x!tpu.dma_semaphore, #tpu.memory_space<semaphore_mem>>
      %dma_wait3A_1165 = tpu.memref_squeeze %dma_wait3A_1164 : memref<1x!tpu.dma_semaphore, #tpu.memory_space<semaphore_mem>> -> memref<!tpu.dma_semaphore, #tpu.memory_space<semaphore_mem>>
      %dma_wait3A_1166 = arith.constant 0 : i32
      %dma_wait3A_1167 = tpu.memref_slice %arg4[%dma_wait3A_1159, %add3A_1158, %dma_wait3A_1166] : memref<4x8192x1024xf32, #tpu.memory_space<hbm>> -> memref<1x8x1024xf32, #tpu.memory_space<hbm>>
      %dma_wait3A_1168 = tpu.memref_squeeze %dma_wait3A_1167 : memref<1x8x1024xf32, #tpu.memory_space<hbm>> -> memref<8x1024xf32, #tpu.memory_space<hbm>>
      tpu.wait_dma2 semaphore(%dma_wait3A_1165 : memref<!tpu.dma_semaphore, #tpu.memory_space<semaphore_mem>>) src(%arg9 : memref<8x1024xf32, #tpu.memory_space<vmem>>) dst(%dma_wait3A_1168 : memref<8x1024xf32, #tpu.memory_space<hbm>>)
      %add3A_1169 = arith.constant 2 : i32
      %add3A_1170 = arith.addi %add3A_1119, %add3A_1169 : i32
      %mul3A_1171 = arith.constant 8 : i32
      %mul3A_1172 = arith.muli %add3A_1170, %mul3A_1171 : i32
      %add3A_1173 = arith.addi %mul3A_2, %mul3A_1172 : i32
      %dma_start3A_1174 = arith.constant 0 : i32
      %dma_start3A_1175 = arith.constant 4 : i32
      %dma_start3A_1176 = arith.constant 0 : i32
      %dma_start3A_1177 = tpu.memref_slice %arg2[%dma_start3A_1174, %add3A_1173, %dma_start3A_1176] : memref<4x8192x1024xf32, #tpu.memory_space<hbm>> -> memref<1x8x1024xf32, #tpu.memory_space<hbm>>
      %dma_start3A_1178 = tpu.memref_squeeze %dma_start3A_1177 : memref<1x8x1024xf32, #tpu.memory_space<hbm>> -> memref<8x1024xf32, #tpu.memory_space<hbm>>
      %dma_start3A_1179 = tpu.memref_slice %arg20[%dma_start3A_1175] : memref<12x!tpu.dma_semaphore, #tpu.memory_space<semaphore_mem>> -> memref<1x!tpu.dma_semaphore, #tpu.memory_space<semaphore_mem>>
      %dma_start3A_1180 = tpu.memref_squeeze %dma_start3A_1179 : memref<1x!tpu.dma_semaphore, #tpu.memory_space<semaphore_mem>> -> memref<!tpu.dma_semaphore, #tpu.memory_space<semaphore_mem>>
      %dma_start3A_1181 = arith.constant 0 : i32
      %dma_start3A_1182 = tpu.memref_slice %arg2[%dma_start3A_1174, %add3A_1173, %dma_start3A_1181] : memref<4x8192x1024xf32, #tpu.memory_space<hbm>> -> memref<1x8x1024xf32, #tpu.memory_space<hbm>>
      %dma_start3A_1183 = tpu.memref_squeeze %dma_start3A_1182 : memref<1x8x1024xf32, #tpu.memory_space<hbm>> -> memref<8x1024xf32, #tpu.memory_space<hbm>>
      tpu.enqueue_dma source(%dma_start3A_1183 : memref<8x1024xf32, #tpu.memory_space<hbm>>) target(%arg9 : memref<8x1024xf32, #tpu.memory_space<vmem>>) target_semaphore(%dma_start3A_1180 : memref<!tpu.dma_semaphore, #tpu.memory_space<semaphore_mem>>)
      %parallel_loop3A_1184 = arith.constant 0 : i32
      %parallel_loop3A_1185 = arith.constant 8192 : i32
      %parallel_loop3A_1186 = arith.constant 16 : i32
      scf.for %parallel_loop3A_1897 = %parallel_loop3A_1184 to %parallel_loop3A_1185 step %parallel_loop3A_1186  : i32 {
        %parallel_loop3A_1898 = arith.constant 10 : i32
        %parallel_loop3A_1899 = arith.shrsi %parallel_loop3A_1897, %parallel_loop3A_1898 : i32
        %parallel_loop3A_1900 = arith.constant 1023 : i32
        %parallel_loop3A_1901 = arith.andi %parallel_loop3A_1897, %parallel_loop3A_1900 : i32
        %parallel_loop3A_1902 = tpu.assume_multiple %parallel_loop3A_1901, 16 : i32
        %parallel_loop3A_1903 = arith.index_cast %parallel_loop3A_1899 : i32 to index
        %parallel_loop3A_1904 = arith.index_cast %parallel_loop3A_1902 : i32 to index
        %parallel_loop3A_1905 = tpu.vector_load %arg13[%parallel_loop3A_1903, %parallel_loop3A_1904] {strides = array<i32>} : memref<8x1024xf32, #tpu.memory_space<vmem>>, vector<1x16xf32>,
        %parallel_loop3A_1906 = vector.shape_cast %parallel_loop3A_1905 : vector<1x16xf32> to vector<16xf32>
        %parallel_loop3A_1907 = arith.index_cast %parallel_loop3A_1899 : i32 to index
        %parallel_loop3A_1908 = arith.index_cast %parallel_loop3A_1902 : i32 to index
        %parallel_loop3A_1909 = tpu.vector_load %arg19[%parallel_loop3A_1907, %parallel_loop3A_1908] {strides = array<i32>} : memref<8x1024xf32, #tpu.memory_space<vmem>>, vector<1x16xf32>,
        %parallel_loop3A_1910 = vector.shape_cast %parallel_loop3A_1909 : vector<1x16xf32> to vector<16xf32>
        %parallel_loop3A_1911 = arith.addf %parallel_loop3A_1906, %parallel_loop3A_1910 : vector<16xf32>
        %parallel_loop3A_1912 = arith.index_cast %parallel_loop3A_1899 : i32 to index
        %parallel_loop3A_1913 = arith.index_cast %parallel_loop3A_1902 : i32 to index
        %parallel_loop3A_1914 = tpu.vector_load %arg13[%parallel_loop3A_1912, %parallel_loop3A_1913] {strides = array<i32>} : memref<8x1024xf32, #tpu.memory_space<vmem>>, vector<1x16xf32>,
        %parallel_loop3A_1915 = vector.shape_cast %parallel_loop3A_1914 : vector<1x16xf32> to vector<16xf32>
        %parallel_loop3A_1916 = vector.shape_cast %parallel_loop3A_1911 : vector<16xf32> to vector<1x16xf32>
        tpu.vector_store %arg13[%parallel_loop3A_1912, %parallel_loop3A_1913], %parallel_loop3A_1916 {strides = array<i32>} : memref<8x1024xf32, #tpu.memory_space<vmem>>, vector<1x16xf32>,
      } {sc.loop_unroll_factor = 8 : i64, sc.parallel_access}
      %mul3A_1187 = arith.constant 8 : i32
      %mul3A_1188 = arith.muli %add3A_1119, %mul3A_1187 : i32
      %add3A_1189 = arith.addi %mul3A_2, %mul3A_1188 : i32
      %dma_start3A_1190 = arith.constant 0 : i32
      %dma_start3A_1191 = arith.constant 8 : i32
      %dma_start3A_1192 = arith.constant 0 : i32
      %dma_start3A_1193 = tpu.memref_slice %arg4[%dma_start3A_1190, %add3A_1189, %dma_start3A_1192] : memref<4x8192x1024xf32, #tpu.memory_space<hbm>> -> memref<1x8x1024xf32, #tpu.memory_space<hbm>>
      %dma_start3A_1194 = tpu.memref_squeeze %dma_start3A_1193 : memref<1x8x1024xf32, #tpu.memory_space<hbm>> -> memref<8x1024xf32, #tpu.memory_space<hbm>>
      %dma_start3A_1195 = tpu.memref_slice %arg21[%dma_start3A_1191] : memref<12x!tpu.dma_semaphore, #tpu.memory_space<semaphore_mem>> -> memref<1x!tpu.dma_semaphore, #tpu.memory_space<semaphore_mem>>
      %dma_start3A_1196 = tpu.memref_squeeze %dma_start3A_1195 : memref<1x!tpu.dma_semaphore, #tpu.memory_space<semaphore_mem>> -> memref<!tpu.dma_semaphore, #tpu.memory_space<semaphore_mem>>
      %dma_start3A_1197 = arith.constant 0 : i32
      %dma_start3A_1198 = tpu.memref_slice %arg4[%dma_start3A_1190, %add3A_1189, %dma_start3A_1197] : memref<4x8192x1024xf32, #tpu.memory_space<hbm>> -> memref<1x8x1024xf32, #tpu.memory_space<hbm>>
      %dma_start3A_1199 = tpu.memref_squeeze %dma_start3A_1198 : memref<1x8x1024xf32, #tpu.memory_space<hbm>> -> memref<8x1024xf32, #tpu.memory_space<hbm>>
      tpu.enqueue_dma source(%arg13 : memref<8x1024xf32, #tpu.memory_space<vmem>>) target(%dma_start3A_1199 : memref<8x1024xf32, #tpu.memory_space<hbm>>) target_semaphore(%dma_start3A_1196 : memref<!tpu.dma_semaphore, #tpu.memory_space<semaphore_mem>>)
      %mul3A_1200 = arith.constant 8 : i32
      %mul3A_1201 = arith.muli %add3A_1119, %mul3A_1200 : i32
      %add3A_1202 = arith.addi %mul3A_2, %mul3A_1201 : i32
      %dma_wait3A_1203 = arith.constant 1 : i32
      %dma_wait3A_1204 = arith.constant 9 : i32
      %dma_wait3A_1205 = arith.constant 0 : i32
      %dma_wait3A_1206 = tpu.memref_slice %arg2[%dma_wait3A_1203, %add3A_1202, %dma_wait3A_1205] : memref<4x8192x1024xf32, #tpu.memory_space<hbm>> -> memref<1x8x1024xf32, #tpu.memory_space<hbm>>
      %dma_wait3A_1207 = tpu.memref_squeeze %dma_wait3A_1206 : memref<1x8x1024xf32, #tpu.memory_space<hbm>> -> memref<8x1024xf32, #tpu.memory_space<hbm>>
      %dma_wait3A_1208 = tpu.memref_slice %arg20[%dma_wait3A_1204] : memref<12x!tpu.dma_semaphore, #tpu.memory_space<semaphore_mem>> -> memref<1x!tpu.dma_semaphore, #tpu.memory_space<semaphore_mem>>
      %dma_wait3A_1209 = tpu.memref_squeeze %dma_wait3A_1208 : memref<1x!tpu.dma_semaphore, #tpu.memory_space<semaphore_mem>> -> memref<!tpu.dma_semaphore, #tpu.memory_space<semaphore_mem>>
      %dma_wait3A_1210 = arith.constant 0 : i32
      %dma_wait3A_1211 = tpu.memref_slice %arg2[%dma_wait3A_1203, %add3A_1202, %dma_wait3A_1210] : memref<4x8192x1024xf32, #tpu.memory_space<hbm>> -> memref<1x8x1024xf32, #tpu.memory_space<hbm>>
      %dma_wait3A_1212 = tpu.memref_squeeze %dma_wait3A_1211 : memref<1x8x1024xf32, #tpu.memory_space<hbm>> -> memref<8x1024xf32, #tpu.memory_space<hbm>>
      tpu.wait_dma2 semaphore(%dma_wait3A_1209 : memref<!tpu.dma_semaphore, #tpu.memory_space<semaphore_mem>>) src(%dma_wait3A_1212 : memref<8x1024xf32, #tpu.memory_space<hbm>>) dst(%arg14 : memref<8x1024xf32, #tpu.memory_space<vmem>>)
      %sub3A_1213 = arith.constant 1 : i32
      %sub3A_1214 = arith.subi %add3A_1119, %sub3A_1213 : i32
      %mul3A_1215 = arith.constant 8 : i32
      %mul3A_1216 = arith.muli %sub3A_1214, %mul3A_1215 : i32
      %add3A_1217 = arith.addi %mul3A_2, %mul3A_1216 : i32
      %dma_wait3A_1218 = arith.constant 1 : i32
      %dma_wait3A_1219 = arith.constant 5 : i32
      %dma_wait3A_1220 = arith.constant 0 : i32
      %dma_wait3A_1221 = tpu.memref_slice %arg4[%dma_wait3A_1218, %add3A_1217, %dma_wait3A_1220] : memref<4x8192x1024xf32, #tpu.memory_space<hbm>> -> memref<1x8x1024xf32, #tpu.memory_space<hbm>>
      %dma_wait3A_1222 = tpu.memref_squeeze %dma_wait3A_1221 : memref<1x8x1024xf32, #tpu.memory_space<hbm>> -> memref<8x1024xf32, #tpu.memory_space<hbm>>
      %dma_wait3A_1223 = tpu.memref_slice %arg21[%dma_wait3A_1219] : memref<12x!tpu.dma_semaphore, #tpu.memory_space<semaphore_mem>> -> memref<1x!tpu.dma_semaphore, #tpu.memory_space<semaphore_mem>>
      %dma_wait3A_1224 = tpu.memref_squeeze %dma_wait3A_1223 : memref<1x!tpu.dma_semaphore, #tpu.memory_space<semaphore_mem>> -> memref<!tpu.dma_semaphore, #tpu.memory_space<semaphore_mem>>
      %dma_wait3A_1225 = arith.constant 0 : i32
      %dma_wait3A_1226 = tpu.memref_slice %arg4[%dma_wait3A_1218, %add3A_1217, %dma_wait3A_1225] : memref<4x8192x1024xf32, #tpu.memory_space<hbm>> -> memref<1x8x1024xf32, #tpu.memory_space<hbm>>
      %dma_wait3A_1227 = tpu.memref_squeeze %dma_wait3A_1226 : memref<1x8x1024xf32, #tpu.memory_space<hbm>> -> memref<8x1024xf32, #tpu.memory_space<hbm>>
      tpu.wait_dma2 semaphore(%dma_wait3A_1224 : memref<!tpu.dma_semaphore, #tpu.memory_space<semaphore_mem>>) src(%arg10 : memref<8x1024xf32, #tpu.memory_space<vmem>>) dst(%dma_wait3A_1227 : memref<8x1024xf32, #tpu.memory_space<hbm>>)
      %add3A_1228 = arith.constant 2 : i32
      %add3A_1229 = arith.addi %add3A_1119, %add3A_1228 : i32
      %mul3A_1230 = arith.constant 8 : i32
      %mul3A_1231 = arith.muli %add3A_1229, %mul3A_1230 : i32
      %add3A_1232 = arith.addi %mul3A_2, %mul3A_1231 : i32
      %dma_start3A_1233 = arith.constant 1 : i32
      %dma_start3A_1234 = arith.constant 5 : i32
      %dma_start3A_1235 = arith.constant 0 : i32
      %dma_start3A_1236 = tpu.memref_slice %arg2[%dma_start3A_1233, %add3A_1232, %dma_start3A_1235] : memref<4x8192x1024xf32, #tpu.memory_space<hbm>> -> memref<1x8x1024xf32, #tpu.memory_space<hbm>>
      %dma_start3A_1237 = tpu.memref_squeeze %dma_start3A_1236 : memref<1x8x1024xf32, #tpu.memory_space<hbm>> -> memref<8x1024xf32, #tpu.memory_space<hbm>>
      %dma_start3A_1238 = tpu.memref_slice %arg20[%dma_start3A_1234] : memref<12x!tpu.dma_semaphore, #tpu.memory_space<semaphore_mem>> -> memref<1x!tpu.dma_semaphore, #tpu.memory_space<semaphore_mem>>
      %dma_start3A_1239 = tpu.memref_squeeze %dma_start3A_1238 : memref<1x!tpu.dma_semaphore, #tpu.memory_space<semaphore_mem>> -> memref<!tpu.dma_semaphore, #tpu.memory_space<semaphore_mem>>
      %dma_start3A_1240 = arith.constant 0 : i32
      %dma_start3A_1241 = tpu.memref_slice %arg2[%dma_start3A_1233, %add3A_1232, %dma_start3A_1240] : memref<4x8192x1024xf32, #tpu.memory_space<hbm>> -> memref<1x8x1024xf32, #tpu.memory_space<hbm>>
      %dma_start3A_1242 = tpu.memref_squeeze %dma_start3A_1241 : memref<1x8x1024xf32, #tpu.memory_space<hbm>> -> memref<8x1024xf32, #tpu.memory_space<hbm>>
      tpu.enqueue_dma source(%dma_start3A_1242 : memref<8x1024xf32, #tpu.memory_space<hbm>>) target(%arg10 : memref<8x1024xf32, #tpu.memory_space<vmem>>) target_semaphore(%dma_start3A_1239 : memref<!tpu.dma_semaphore, #tpu.memory_space<semaphore_mem>>)
      %parallel_loop3A_1243 = arith.constant 0 : i32
      %parallel_loop3A_1244 = arith.constant 8192 : i32
      %parallel_loop3A_1245 = arith.constant 16 : i32
      scf.for %parallel_loop3A_1897 = %parallel_loop3A_1243 to %parallel_loop3A_1244 step %parallel_loop3A_1245  : i32 {
        %parallel_loop3A_1898 = arith.constant 10 : i32
        %parallel_loop3A_1899 = arith.shrsi %parallel_loop3A_1897, %parallel_loop3A_1898 : i32
        %parallel_loop3A_1900 = arith.constant 1023 : i32
        %parallel_loop3A_1901 = arith.andi %parallel_loop3A_1897, %parallel_loop3A_1900 : i32
        %parallel_loop3A_1902 = tpu.assume_multiple %parallel_loop3A_1901, 16 : i32
        %parallel_loop3A_1903 = arith.index_cast %parallel_loop3A_1899 : i32 to index
        %parallel_loop3A_1904 = arith.index_cast %parallel_loop3A_1902 : i32 to index
        %parallel_loop3A_1905 = tpu.vector_load %arg14[%parallel_loop3A_1903, %parallel_loop3A_1904] {strides = array<i32>} : memref<8x1024xf32, #tpu.memory_space<vmem>>, vector<1x16xf32>,
        %parallel_loop3A_1906 = vector.shape_cast %parallel_loop3A_1905 : vector<1x16xf32> to vector<16xf32>
        %parallel_loop3A_1907 = arith.index_cast %parallel_loop3A_1899 : i32 to index
        %parallel_loop3A_1908 = arith.index_cast %parallel_loop3A_1902 : i32 to index
        %parallel_loop3A_1909 = tpu.vector_load %arg19[%parallel_loop3A_1907, %parallel_loop3A_1908] {strides = array<i32>} : memref<8x1024xf32, #tpu.memory_space<vmem>>, vector<1x16xf32>,
        %parallel_loop3A_1910 = vector.shape_cast %parallel_loop3A_1909 : vector<1x16xf32> to vector<16xf32>
        %parallel_loop3A_1911 = arith.addf %parallel_loop3A_1906, %parallel_loop3A_1910 : vector<16xf32>
        %parallel_loop3A_1912 = arith.index_cast %parallel_loop3A_1899 : i32 to index
        %parallel_loop3A_1913 = arith.index_cast %parallel_loop3A_1902 : i32 to index
        %parallel_loop3A_1914 = tpu.vector_load %arg14[%parallel_loop3A_1912, %parallel_loop3A_1913] {strides = array<i32>} : memref<8x1024xf32, #tpu.memory_space<vmem>>, vector<1x16xf32>,
        %parallel_loop3A_1915 = vector.shape_cast %parallel_loop3A_1914 : vector<1x16xf32> to vector<16xf32>
        %parallel_loop3A_1916 = vector.shape_cast %parallel_loop3A_1911 : vector<16xf32> to vector<1x16xf32>
        tpu.vector_store %arg14[%parallel_loop3A_1912, %parallel_loop3A_1913], %parallel_loop3A_1916 {strides = array<i32>} : memref<8x1024xf32, #tpu.memory_space<vmem>>, vector<1x16xf32>,
      } {sc.loop_unroll_factor = 8 : i64, sc.parallel_access}
      %mul3A_1246 = arith.constant 8 : i32
      %mul3A_1247 = arith.muli %add3A_1119, %mul3A_1246 : i32
      %add3A_1248 = arith.addi %mul3A_2, %mul3A_1247 : i32
      %dma_start3A_1249 = arith.constant 1 : i32
      %dma_start3A_1250 = arith.constant 9 : i32
      %dma_start3A_1251 = arith.constant 0 : i32
      %dma_start3A_1252 = tpu.memref_slice %arg4[%dma_start3A_1249, %add3A_1248, %dma_start3A_1251] : memref<4x8192x1024xf32, #tpu.memory_space<hbm>> -> memref<1x8x1024xf32, #tpu.memory_space<hbm>>
      %dma_start3A_1253 = tpu.memref_squeeze %dma_start3A_1252 : memref<1x8x1024xf32, #tpu.memory_space<hbm>> -> memref<8x1024xf32, #tpu.memory_space<hbm>>
      %dma_start3A_1254 = tpu.memref_slice %arg21[%dma_start3A_1250] : memref<12x!tpu.dma_semaphore, #tpu.memory_space<semaphore_mem>> -> memref<1x!tpu.dma_semaphore, #tpu.memory_space<semaphore_mem>>
      %dma_start3A_1255 = tpu.memref_squeeze %dma_start3A_1254 : memref<1x!tpu.dma_semaphore, #tpu.memory_space<semaphore_mem>> -> memref<!tpu.dma_semaphore, #tpu.memory_space<semaphore_mem>>
      %dma_start3A_1256 = arith.constant 0 : i32
      %dma_start3A_1257 = tpu.memref_slice %arg4[%dma_start3A_1249, %add3A_1248, %dma_start3A_1256] : memref<4x8192x1024xf32, #tpu.memory_space<hbm>> -> memref<1x8x1024xf32, #tpu.memory_space<hbm>>
      %dma_start3A_1258 = tpu.memref_squeeze %dma_start3A_1257 : memref<1x8x1024xf32, #tpu.memory_space<hbm>> -> memref<8x1024xf32, #tpu.memory_space<hbm>>
      tpu.enqueue_dma source(%arg14 : memref<8x1024xf32, #tpu.memory_space<vmem>>) target(%dma_start3A_1258 : memref<8x1024xf32, #tpu.memory_space<hbm>>) target_semaphore(%dma_start3A_1255 : memref<!tpu.dma_semaphore, #tpu.memory_space<semaphore_mem>>)
      %mul3A_1259 = arith.constant 8 : i32
      %mul3A_1260 = arith.muli %add3A_1119, %mul3A_1259 : i32
      %add3A_1261 = arith.addi %mul3A_2, %mul3A_1260 : i32
      %dma_wait3A_1262 = arith.constant 2 : i32
      %dma_wait3A_1263 = arith.constant 10 : i32
      %dma_wait3A_1264 = arith.constant 0 : i32
      %dma_wait3A_1265 = tpu.memref_slice %arg2[%dma_wait3A_1262, %add3A_1261, %dma_wait3A_1264] : memref<4x8192x1024xf32, #tpu.memory_space<hbm>> -> memref<1x8x1024xf32, #tpu.memory_space<hbm>>
      %dma_wait3A_1266 = tpu.memref_squeeze %dma_wait3A_1265 : memref<1x8x1024xf32, #tpu.memory_space<hbm>> -> memref<8x1024xf32, #tpu.memory_space<hbm>>
      %dma_wait3A_1267 = tpu.memref_slice %arg20[%dma_wait3A_1263] : memref<12x!tpu.dma_semaphore, #tpu.memory_space<semaphore_mem>> -> memref<1x!tpu.dma_semaphore, #tpu.memory_space<semaphore_mem>>
      %dma_wait3A_1268 = tpu.memref_squeeze %dma_wait3A_1267 : memref<1x!tpu.dma_semaphore, #tpu.memory_space<semaphore_mem>> -> memref<!tpu.dma_semaphore, #tpu.memory_space<semaphore_mem>>
      %dma_wait3A_1269 = arith.constant 0 : i32
      %dma_wait3A_1270 = tpu.memref_slice %arg2[%dma_wait3A_1262, %add3A_1261, %dma_wait3A_1269] : memref<4x8192x1024xf32, #tpu.memory_space<hbm>> -> memref<1x8x1024xf32, #tpu.memory_space<hbm>>
      %dma_wait3A_1271 = tpu.memref_squeeze %dma_wait3A_1270 : memref<1x8x1024xf32, #tpu.memory_space<hbm>> -> memref<8x1024xf32, #tpu.memory_space<hbm>>
      tpu.wait_dma2 semaphore(%dma_wait3A_1268 : memref<!tpu.dma_semaphore, #tpu.memory_space<semaphore_mem>>) src(%dma_wait3A_1271 : memref<8x1024xf32, #tpu.memory_space<hbm>>) dst(%arg15 : memref<8x1024xf32, #tpu.memory_space<vmem>>)
      %sub3A_1272 = arith.constant 1 : i32
      %sub3A_1273 = arith.subi %add3A_1119, %sub3A_1272 : i32
      %mul3A_1274 = arith.constant 8 : i32
      %mul3A_1275 = arith.muli %sub3A_1273, %mul3A_1274 : i32
      %add3A_1276 = arith.addi %mul3A_2, %mul3A_1275 : i32
      %dma_wait3A_1277 = arith.constant 2 : i32
      %dma_wait3A_1278 = arith.constant 6 : i32
      %dma_wait3A_1279 = arith.constant 0 : i32
      %dma_wait3A_1280 = tpu.memref_slice %arg4[%dma_wait3A_1277, %add3A_1276, %dma_wait3A_1279] : memref<4x8192x1024xf32, #tpu.memory_space<hbm>> -> memref<1x8x1024xf32, #tpu.memory_space<hbm>>
      %dma_wait3A_1281 = tpu.memref_squeeze %dma_wait3A_1280 : memref<1x8x1024xf32, #tpu.memory_space<hbm>> -> memref<8x1024xf32, #tpu.memory_space<hbm>>
      %dma_wait3A_1282 = tpu.memref_slice %arg21[%dma_wait3A_1278] : memref<12x!tpu.dma_semaphore, #tpu.memory_space<semaphore_mem>> -> memref<1x!tpu.dma_semaphore, #tpu.memory_space<semaphore_mem>>
      %dma_wait3A_1283 = tpu.memref_squeeze %dma_wait3A_1282 : memref<1x!tpu.dma_semaphore, #tpu.memory_space<semaphore_mem>> -> memref<!tpu.dma_semaphore, #tpu.memory_space<semaphore_mem>>
      %dma_wait3A_1284 = arith.constant 0 : i32
      %dma_wait3A_1285 = tpu.memref_slice %arg4[%dma_wait3A_1277, %add3A_1276, %dma_wait3A_1284] : memref<4x8192x1024xf32, #tpu.memory_space<hbm>> -> memref<1x8x1024xf32, #tpu.memory_space<hbm>>
      %dma_wait3A_1286 = tpu.memref_squeeze %dma_wait3A_1285 : memref<1x8x1024xf32, #tpu.memory_space<hbm>> -> memref<8x1024xf32, #tpu.memory_space<hbm>>
      tpu.wait_dma2 semaphore(%dma_wait3A_1283 : memref<!tpu.dma_semaphore, #tpu.memory_space<semaphore_mem>>) src(%arg11 : memref<8x1024xf32, #tpu.memory_space<vmem>>) dst(%dma_wait3A_1286 : memref<8x1024xf32, #tpu.memory_space<hbm>>)
      %add3A_1287 = arith.constant 2 : i32
      %add3A_1288 = arith.addi %add3A_1119, %add3A_1287 : i32
      %mul3A_1289 = arith.constant 8 : i32
      %mul3A_1290 = arith.muli %add3A_1288, %mul3A_1289 : i32
      %add3A_1291 = arith.addi %mul3A_2, %mul3A_1290 : i32
      %dma_start3A_1292 = arith.constant 2 : i32
      %dma_start3A_1293 = arith.constant 6 : i32
      %dma_start3A_1294 = arith.constant 0 : i32
      %dma_start3A_1295 = tpu.memref_slice %arg2[%dma_start3A_1292, %add3A_1291, %dma_start3A_1294] : memref<4x8192x1024xf32, #tpu.memory_space<hbm>> -> memref<1x8x1024xf32, #tpu.memory_space<hbm>>
      %dma_start3A_1296 = tpu.memref_squeeze %dma_start3A_1295 : memref<1x8x1024xf32, #tpu.memory_space<hbm>> -> memref<8x1024xf32, #tpu.memory_space<hbm>>
      %dma_start3A_1297 = tpu.memref_slice %arg20[%dma_start3A_1293] : memref<12x!tpu.dma_semaphore, #tpu.memory_space<semaphore_mem>> -> memref<1x!tpu.dma_semaphore, #tpu.memory_space<semaphore_mem>>
      %dma_start3A_1298 = tpu.memref_squeeze %dma_start3A_1297 : memref<1x!tpu.dma_semaphore, #tpu.memory_space<semaphore_mem>> -> memref<!tpu.dma_semaphore, #tpu.memory_space<semaphore_mem>>
      %dma_start3A_1299 = arith.constant 0 : i32
      %dma_start3A_1300 = tpu.memref_slice %arg2[%dma_start3A_1292, %add3A_1291, %dma_start3A_1299] : memref<4x8192x1024xf32, #tpu.memory_space<hbm>> -> memref<1x8x1024xf32, #tpu.memory_space<hbm>>
      %dma_start3A_1301 = tpu.memref_squeeze %dma_start3A_1300 : memref<1x8x1024xf32, #tpu.memory_space<hbm>> -> memref<8x1024xf32, #tpu.memory_space<hbm>>
      tpu.enqueue_dma source(%dma_start3A_1301 : memref<8x1024xf32, #tpu.memory_space<hbm>>) target(%arg11 : memref<8x1024xf32, #tpu.memory_space<vmem>>) target_semaphore(%dma_start3A_1298 : memref<!tpu.dma_semaphore, #tpu.memory_space<semaphore_mem>>)
      %parallel_loop3A_1302 = arith.constant 0 : i32
      %parallel_loop3A_1303 = arith.constant 8192 : i32
      %parallel_loop3A_1304 = arith.constant 16 : i32
      scf.for %parallel_loop3A_1897 = %parallel_loop3A_1302 to %parallel_loop3A_1303 step %parallel_loop3A_1304  : i32 {
        %parallel_loop3A_1898 = arith.constant 10 : i32
        %parallel_loop3A_1899 = arith.shrsi %parallel_loop3A_1897, %parallel_loop3A_1898 : i32
        %parallel_loop3A_1900 = arith.constant 1023 : i32
        %parallel_loop3A_1901 = arith.andi %parallel_loop3A_1897, %parallel_loop3A_1900 : i32
        %parallel_loop3A_1902 = tpu.assume_multiple %parallel_loop3A_1901, 16 : i32
        %parallel_loop3A_1903 = arith.index_cast %parallel_loop3A_1899 : i32 to index
        %parallel_loop3A_1904 = arith.index_cast %parallel_loop3A_1902 : i32 to index
        %parallel_loop3A_1905 = tpu.vector_load %arg15[%parallel_loop3A_1903, %parallel_loop3A_1904] {strides = array<i32>} : memref<8x1024xf32, #tpu.memory_space<vmem>>, vector<1x16xf32>,
        %parallel_loop3A_1906 = vector.shape_cast %parallel_loop3A_1905 : vector<1x16xf32> to vector<16xf32>
        %parallel_loop3A_1907 = arith.index_cast %parallel_loop3A_1899 : i32 to index
        %parallel_loop3A_1908 = arith.index_cast %parallel_loop3A_1902 : i32 to index
        %parallel_loop3A_1909 = tpu.vector_load %arg19[%parallel_loop3A_1907, %parallel_loop3A_1908] {strides = array<i32>} : memref<8x1024xf32, #tpu.memory_space<vmem>>, vector<1x16xf32>,
        %parallel_loop3A_1910 = vector.shape_cast %parallel_loop3A_1909 : vector<1x16xf32> to vector<16xf32>
        %parallel_loop3A_1911 = arith.addf %parallel_loop3A_1906, %parallel_loop3A_1910 : vector<16xf32>
        %parallel_loop3A_1912 = arith.index_cast %parallel_loop3A_1899 : i32 to index
        %parallel_loop3A_1913 = arith.index_cast %parallel_loop3A_1902 : i32 to index
        %parallel_loop3A_1914 = tpu.vector_load %arg15[%parallel_loop3A_1912, %parallel_loop3A_1913] {strides = array<i32>} : memref<8x1024xf32, #tpu.memory_space<vmem>>, vector<1x16xf32>,
        %parallel_loop3A_1915 = vector.shape_cast %parallel_loop3A_1914 : vector<1x16xf32> to vector<16xf32>
        %parallel_loop3A_1916 = vector.shape_cast %parallel_loop3A_1911 : vector<16xf32> to vector<1x16xf32>
        tpu.vector_store %arg15[%parallel_loop3A_1912, %parallel_loop3A_1913], %parallel_loop3A_1916 {strides = array<i32>} : memref<8x1024xf32, #tpu.memory_space<vmem>>, vector<1x16xf32>,
      } {sc.loop_unroll_factor = 8 : i64, sc.parallel_access}
      %mul3A_1305 = arith.constant 8 : i32
      %mul3A_1306 = arith.muli %add3A_1119, %mul3A_1305 : i32
      %add3A_1307 = arith.addi %mul3A_2, %mul3A_1306 : i32
      %dma_start3A_1308 = arith.constant 2 : i32
      %dma_start3A_1309 = arith.constant 10 : i32
      %dma_start3A_1310 = arith.constant 0 : i32
      %dma_start3A_1311 = tpu.memref_slice %arg4[%dma_start3A_1308, %add3A_1307, %dma_start3A_1310] : memref<4x8192x1024xf32, #tpu.memory_space<hbm>> -> memref<1x8x1024xf32, #tpu.memory_space<hbm>>
      %dma_start3A_1312 = tpu.memref_squeeze %dma_start3A_1311 : memref<1x8x1024xf32, #tpu.memory_space<hbm>> -> memref<8x1024xf32, #tpu.memory_space<hbm>>
      %dma_start3A_1313 = tpu.memref_slice %arg21[%dma_start3A_1309] : memref<12x!tpu.dma_semaphore, #tpu.memory_space<semaphore_mem>> -> memref<1x!tpu.dma_semaphore, #tpu.memory_space<semaphore_mem>>
      %dma_start3A_1314 = tpu.memref_squeeze %dma_start3A_1313 : memref<1x!tpu.dma_semaphore, #tpu.memory_space<semaphore_mem>> -> memref<!tpu.dma_semaphore, #tpu.memory_space<semaphore_mem>>
      %dma_start3A_1315 = arith.constant 0 : i32
      %dma_start3A_1316 = tpu.memref_slice %arg4[%dma_start3A_1308, %add3A_1307, %dma_start3A_1315] : memref<4x8192x1024xf32, #tpu.memory_space<hbm>> -> memref<1x8x1024xf32, #tpu.memory_space<hbm>>
      %dma_start3A_1317 = tpu.memref_squeeze %dma_start3A_1316 : memref<1x8x1024xf32, #tpu.memory_space<hbm>> -> memref<8x1024xf32, #tpu.memory_space<hbm>>
      tpu.enqueue_dma source(%arg15 : memref<8x1024xf32, #tpu.memory_space<vmem>>) target(%dma_start3A_1317 : memref<8x1024xf32, #tpu.memory_space<hbm>>) target_semaphore(%dma_start3A_1314 : memref<!tpu.dma_semaphore, #tpu.memory_space<semaphore_mem>>)
      %mul3A_1318 = arith.constant 8 : i32
      %mul3A_1319 = arith.muli %add3A_1119, %mul3A_1318 : i32
      %add3A_1320 = arith.addi %mul3A_2, %mul3A_1319 : i32
      %dma_wait3A_1321 = arith.constant 3 : i32
      %dma_wait3A_1322 = arith.constant 11 : i32
      %dma_wait3A_1323 = arith.constant 0 : i32
      %dma_wait3A_1324 = tpu.memref_slice %arg2[%dma_wait3A_1321, %add3A_1320, %dma_wait3A_1323] : memref<4x8192x1024xf32, #tpu.memory_space<hbm>> -> memref<1x8x1024xf32, #tpu.memory_space<hbm>>
      %dma_wait3A_1325 = tpu.memref_squeeze %dma_wait3A_1324 : memref<1x8x1024xf32, #tpu.memory_space<hbm>> -> memref<8x1024xf32, #tpu.memory_space<hbm>>
      %dma_wait3A_1326 = tpu.memref_slice %arg20[%dma_wait3A_1322] : memref<12x!tpu.dma_semaphore, #tpu.memory_space<semaphore_mem>> -> memref<1x!tpu.dma_semaphore, #tpu.memory_space<semaphore_mem>>
      %dma_wait3A_1327 = tpu.memref_squeeze %dma_wait3A_1326 : memref<1x!tpu.dma_semaphore, #tpu.memory_space<semaphore_mem>> -> memref<!tpu.dma_semaphore, #tpu.memory_space<semaphore_mem>>
      %dma_wait3A_1328 = arith.constant 0 : i32
      %dma_wait3A_1329 = tpu.memref_slice %arg2[%dma_wait3A_1321, %add3A_1320, %dma_wait3A_1328] : memref<4x8192x1024xf32, #tpu.memory_space<hbm>> -> memref<1x8x1024xf32, #tpu.memory_space<hbm>>
      %dma_wait3A_1330 = tpu.memref_squeeze %dma_wait3A_1329 : memref<1x8x1024xf32, #tpu.memory_space<hbm>> -> memref<8x1024xf32, #tpu.memory_space<hbm>>
      tpu.wait_dma2 semaphore(%dma_wait3A_1327 : memref<!tpu.dma_semaphore, #tpu.memory_space<semaphore_mem>>) src(%dma_wait3A_1330 : memref<8x1024xf32, #tpu.memory_space<hbm>>) dst(%arg16 : memref<8x1024xf32, #tpu.memory_space<vmem>>)
      %sub3A_1331 = arith.constant 1 : i32
      %sub3A_1332 = arith.subi %add3A_1119, %sub3A_1331 : i32
      %mul3A_1333 = arith.constant 8 : i32
      %mul3A_1334 = arith.muli %sub3A_1332, %mul3A_1333 : i32
      %add3A_1335 = arith.addi %mul3A_2, %mul3A_1334 : i32
      %dma_wait3A_1336 = arith.constant 3 : i32
      %dma_wait3A_1337 = arith.constant 7 : i32
      %dma_wait3A_1338 = arith.constant 0 : i32
      %dma_wait3A_1339 = tpu.memref_slice %arg4[%dma_wait3A_1336, %add3A_1335, %dma_wait3A_1338] : memref<4x8192x1024xf32, #tpu.memory_space<hbm>> -> memref<1x8x1024xf32, #tpu.memory_space<hbm>>
      %dma_wait3A_1340 = tpu.memref_squeeze %dma_wait3A_1339 : memref<1x8x1024xf32, #tpu.memory_space<hbm>> -> memref<8x1024xf32, #tpu.memory_space<hbm>>
      %dma_wait3A_1341 = tpu.memref_slice %arg21[%dma_wait3A_1337] : memref<12x!tpu.dma_semaphore, #tpu.memory_space<semaphore_mem>> -> memref<1x!tpu.dma_semaphore, #tpu.memory_space<semaphore_mem>>
      %dma_wait3A_1342 = tpu.memref_squeeze %dma_wait3A_1341 : memref<1x!tpu.dma_semaphore, #tpu.memory_space<semaphore_mem>> -> memref<!tpu.dma_semaphore, #tpu.memory_space<semaphore_mem>>
      %dma_wait3A_1343 = arith.constant 0 : i32
      %dma_wait3A_1344 = tpu.memref_slice %arg4[%dma_wait3A_1336, %add3A_1335, %dma_wait3A_1343] : memref<4x8192x1024xf32, #tpu.memory_space<hbm>> -> memref<1x8x1024xf32, #tpu.memory_space<hbm>>
      %dma_wait3A_1345 = tpu.memref_squeeze %dma_wait3A_1344 : memref<1x8x1024xf32, #tpu.memory_space<hbm>> -> memref<8x1024xf32, #tpu.memory_space<hbm>>
      tpu.wait_dma2 semaphore(%dma_wait3A_1342 : memref<!tpu.dma_semaphore, #tpu.memory_space<semaphore_mem>>) src(%arg12 : memref<8x1024xf32, #tpu.memory_space<vmem>>) dst(%dma_wait3A_1345 : memref<8x1024xf32, #tpu.memory_space<hbm>>)
      %add3A_1346 = arith.constant 2 : i32
      %add3A_1347 = arith.addi %add3A_1119, %add3A_1346 : i32
      %mul3A_1348 = arith.constant 8 : i32
      %mul3A_1349 = arith.muli %add3A_1347, %mul3A_1348 : i32
      %add3A_1350 = arith.addi %mul3A_2, %mul3A_1349 : i32
      %dma_start3A_1351 = arith.constant 3 : i32
      %dma_start3A_1352 = arith.constant 7 : i32
      %dma_start3A_1353 = arith.constant 0 : i32
      %dma_start3A_1354 = tpu.memref_slice %arg2[%dma_start3A_1351, %add3A_1350, %dma_start3A_1353] : memref<4x8192x1024xf32, #tpu.memory_space<hbm>> -> memref<1x8x1024xf32, #tpu.memory_space<hbm>>
      %dma_start3A_1355 = tpu.memref_squeeze %dma_start3A_1354 : memref<1x8x1024xf32, #tpu.memory_space<hbm>> -> memref<8x1024xf32, #tpu.memory_space<hbm>>
      %dma_start3A_1356 = tpu.memref_slice %arg20[%dma_start3A_1352] : memref<12x!tpu.dma_semaphore, #tpu.memory_space<semaphore_mem>> -> memref<1x!tpu.dma_semaphore, #tpu.memory_space<semaphore_mem>>
      %dma_start3A_1357 = tpu.memref_squeeze %dma_start3A_1356 : memref<1x!tpu.dma_semaphore, #tpu.memory_space<semaphore_mem>> -> memref<!tpu.dma_semaphore, #tpu.memory_space<semaphore_mem>>
      %dma_start3A_1358 = arith.constant 0 : i32
      %dma_start3A_1359 = tpu.memref_slice %arg2[%dma_start3A_1351, %add3A_1350, %dma_start3A_1358] : memref<4x8192x1024xf32, #tpu.memory_space<hbm>> -> memref<1x8x1024xf32, #tpu.memory_space<hbm>>
      %dma_start3A_1360 = tpu.memref_squeeze %dma_start3A_1359 : memref<1x8x1024xf32, #tpu.memory_space<hbm>> -> memref<8x1024xf32, #tpu.memory_space<hbm>>
      tpu.enqueue_dma source(%dma_start3A_1360 : memref<8x1024xf32, #tpu.memory_space<hbm>>) target(%arg12 : memref<8x1024xf32, #tpu.memory_space<vmem>>) target_semaphore(%dma_start3A_1357 : memref<!tpu.dma_semaphore, #tpu.memory_space<semaphore_mem>>)
      %parallel_loop3A_1361 = arith.constant 0 : i32
      %parallel_loop3A_1362 = arith.constant 8192 : i32
      %parallel_loop3A_1363 = arith.constant 16 : i32
      scf.for %parallel_loop3A_1897 = %parallel_loop3A_1361 to %parallel_loop3A_1362 step %parallel_loop3A_1363  : i32 {
        %parallel_loop3A_1898 = arith.constant 10 : i32
        %parallel_loop3A_1899 = arith.shrsi %parallel_loop3A_1897, %parallel_loop3A_1898 : i32
        %parallel_loop3A_1900 = arith.constant 1023 : i32
        %parallel_loop3A_1901 = arith.andi %parallel_loop3A_1897, %parallel_loop3A_1900 : i32
        %parallel_loop3A_1902 = tpu.assume_multiple %parallel_loop3A_1901, 16 : i32
        %parallel_loop3A_1903 = arith.index_cast %parallel_loop3A_1899 : i32 to index
        %parallel_loop3A_1904 = arith.index_cast %parallel_loop3A_1902 : i32 to index
        %parallel_loop3A_1905 = tpu.vector_load %arg16[%parallel_loop3A_1903, %parallel_loop3A_1904] {strides = array<i32>} : memref<8x1024xf32, #tpu.memory_space<vmem>>, vector<1x16xf32>,
        %parallel_loop3A_1906 = vector.shape_cast %parallel_loop3A_1905 : vector<1x16xf32> to vector<16xf32>
        %parallel_loop3A_1907 = arith.index_cast %parallel_loop3A_1899 : i32 to index
        %parallel_loop3A_1908 = arith.index_cast %parallel_loop3A_1902 : i32 to index
        %parallel_loop3A_1909 = tpu.vector_load %arg19[%parallel_loop3A_1907, %parallel_loop3A_1908] {strides = array<i32>} : memref<8x1024xf32, #tpu.memory_space<vmem>>, vector<1x16xf32>,
        %parallel_loop3A_1910 = vector.shape_cast %parallel_loop3A_1909 : vector<1x16xf32> to vector<16xf32>
        %parallel_loop3A_1911 = arith.addf %parallel_loop3A_1906, %parallel_loop3A_1910 : vector<16xf32>
        %parallel_loop3A_1912 = arith.index_cast %parallel_loop3A_1899 : i32 to index
        %parallel_loop3A_1913 = arith.index_cast %parallel_loop3A_1902 : i32 to index
        %parallel_loop3A_1914 = tpu.vector_load %arg16[%parallel_loop3A_1912, %parallel_loop3A_1913] {strides = array<i32>} : memref<8x1024xf32, #tpu.memory_space<vmem>>, vector<1x16xf32>,
        %parallel_loop3A_1915 = vector.shape_cast %parallel_loop3A_1914 : vector<1x16xf32> to vector<16xf32>
        %parallel_loop3A_1916 = vector.shape_cast %parallel_loop3A_1911 : vector<16xf32> to vector<1x16xf32>
        tpu.vector_store %arg16[%parallel_loop3A_1912, %parallel_loop3A_1913], %parallel_loop3A_1916 {strides = array<i32>} : memref<8x1024xf32, #tpu.memory_space<vmem>>, vector<1x16xf32>,
      } {sc.loop_unroll_factor = 8 : i64, sc.parallel_access}
      %mul3A_1364 = arith.constant 8 : i32
      %mul3A_1365 = arith.muli %add3A_1119, %mul3A_1364 : i32
      %add3A_1366 = arith.addi %mul3A_2, %mul3A_1365 : i32
      %dma_start3A_1367 = arith.constant 3 : i32
      %dma_start3A_1368 = arith.constant 11 : i32
      %dma_start3A_1369 = arith.constant 0 : i32
      %dma_start3A_1370 = tpu.memref_slice %arg4[%dma_start3A_1367, %add3A_1366, %dma_start3A_1369] : memref<4x8192x1024xf32, #tpu.memory_space<hbm>> -> memref<1x8x1024xf32, #tpu.memory_space<hbm>>
      %dma_start3A_1371 = tpu.memref_squeeze %dma_start3A_1370 : memref<1x8x1024xf32, #tpu.memory_space<hbm>> -> memref<8x1024xf32, #tpu.memory_space<hbm>>
      %dma_start3A_1372 = tpu.memref_slice %arg21[%dma_start3A_1368] : memref<12x!tpu.dma_semaphore, #tpu.memory_space<semaphore_mem>> -> memref<1x!tpu.dma_semaphore, #tpu.memory_space<semaphore_mem>>
      %dma_start3A_1373 = tpu.memref_squeeze %dma_start3A_1372 : memref<1x!tpu.dma_semaphore, #tpu.memory_space<semaphore_mem>> -> memref<!tpu.dma_semaphore, #tpu.memory_space<semaphore_mem>>
      %dma_start3A_1374 = arith.constant 0 : i32
      %dma_start3A_1375 = tpu.memref_slice %arg4[%dma_start3A_1367, %add3A_1366, %dma_start3A_1374] : memref<4x8192x1024xf32, #tpu.memory_space<hbm>> -> memref<1x8x1024xf32, #tpu.memory_space<hbm>>
      %dma_start3A_1376 = tpu.memref_squeeze %dma_start3A_1375 : memref<1x8x1024xf32, #tpu.memory_space<hbm>> -> memref<8x1024xf32, #tpu.memory_space<hbm>>
      tpu.enqueue_dma source(%arg16 : memref<8x1024xf32, #tpu.memory_space<vmem>>) target(%dma_start3A_1376 : memref<8x1024xf32, #tpu.memory_space<hbm>>) target_semaphore(%dma_start3A_1373 : memref<!tpu.dma_semaphore, #tpu.memory_space<semaphore_mem>>)
      %add3A_1377 = arith.constant 1 : i32
      %add3A_1378 = arith.addi %add3A_1119, %add3A_1377 : i32
      %add3A_1379 = arith.constant 2 : i32
      %add3A_1380 = arith.addi %add3A_1378, %add3A_1379 : i32
      %mul3A_1381 = arith.constant 8 : i32
      %mul3A_1382 = arith.muli %add3A_1380, %mul3A_1381 : i32
      %add3A_1383 = arith.addi %mul3A_2, %mul3A_1382 : i32
      %dma_start3A_1384 = arith.constant 2 : i32
      %dma_start3A_1385 = arith.constant 0 : i32
      %dma_start3A_1386 = tpu.memref_slice %arg3[%add3A_1383, %dma_start3A_1385] : memref<8192x1024xf32, #tpu.memory_space<hbm>> -> memref<8x1024xf32, #tpu.memory_space<hbm>>
      %dma_start3A_1387 = tpu.memref_slice %arg22[%dma_start3A_1384] : memref<3x!tpu.dma_semaphore, #tpu.memory_space<semaphore_mem>> -> memref<1x!tpu.dma_semaphore, #tpu.memory_space<semaphore_mem>>
      %dma_start3A_1388 = tpu.memref_squeeze %dma_start3A_1387 : memref<1x!tpu.dma_semaphore, #tpu.memory_space<semaphore_mem>> -> memref<!tpu.dma_semaphore, #tpu.memory_space<semaphore_mem>>
      %dma_start3A_1389 = arith.constant 0 : i32
      %dma_start3A_1390 = tpu.memref_slice %arg3[%add3A_1383, %dma_start3A_1389] : memref<8192x1024xf32, #tpu.memory_space<hbm>> -> memref<8x1024xf32, #tpu.memory_space<hbm>>
      tpu.enqueue_dma source(%dma_start3A_1390 : memref<8x1024xf32, #tpu.memory_space<hbm>>) target(%arg19 : memref<8x1024xf32, #tpu.memory_space<vmem>>) target_semaphore(%dma_start3A_1388 : memref<!tpu.dma_semaphore, #tpu.memory_space<semaphore_mem>>)
      %mul3A_1391 = arith.constant 8 : i32
      %mul3A_1392 = arith.muli %add3A_1378, %mul3A_1391 : i32
      %add3A_1393 = arith.addi %mul3A_2, %mul3A_1392 : i32
      %dma_wait3A_1394 = arith.constant 0 : i32
      %dma_wait3A_1395 = arith.constant 0 : i32
      %dma_wait3A_1396 = tpu.memref_slice %arg3[%add3A_1393, %dma_wait3A_1395] : memref<8192x1024xf32, #tpu.memory_space<hbm>> -> memref<8x1024xf32, #tpu.memory_space<hbm>>
      %dma_wait3A_1397 = tpu.memref_slice %arg22[%dma_wait3A_1394] : memref<3x!tpu.dma_semaphore, #tpu.memory_space<semaphore_mem>> -> memref<1x!tpu.dma_semaphore, #tpu.memory_space<semaphore_mem>>
      %dma_wait3A_1398 = tpu.memref_squeeze %dma_wait3A_1397 : memref<1x!tpu.dma_semaphore, #tpu.memory_space<semaphore_mem>> -> memref<!tpu.dma_semaphore, #tpu.memory_space<semaphore_mem>>
      %dma_wait3A_1399 = arith.constant 0 : i32
      %dma_wait3A_1400 = tpu.memref_slice %arg3[%add3A_1393, %dma_wait3A_1399] : memref<8192x1024xf32, #tpu.memory_space<hbm>> -> memref<8x1024xf32, #tpu.memory_space<hbm>>
      tpu.wait_dma2 semaphore(%dma_wait3A_1398 : memref<!tpu.dma_semaphore, #tpu.memory_space<semaphore_mem>>) src(%dma_wait3A_1400 : memref<8x1024xf32, #tpu.memory_space<hbm>>) dst(%arg17 : memref<8x1024xf32, #tpu.memory_space<vmem>>)
      %mul3A_1401 = arith.constant 8 : i32
      %mul3A_1402 = arith.muli %add3A_1378, %mul3A_1401 : i32
      %add3A_1403 = arith.addi %mul3A_2, %mul3A_1402 : i32
      %dma_wait3A_1404 = arith.constant 0 : i32
      %dma_wait3A_1405 = arith.constant 0 : i32
      %dma_wait3A_1406 = arith.constant 0 : i32
      %dma_wait3A_1407 = tpu.memref_slice %arg2[%dma_wait3A_1404, %add3A_1403, %dma_wait3A_1406] : memref<4x8192x1024xf32, #tpu.memory_space<hbm>> -> memref<1x8x1024xf32, #tpu.memory_space<hbm>>
      %dma_wait3A_1408 = tpu.memref_squeeze %dma_wait3A_1407 : memref<1x8x1024xf32, #tpu.memory_space<hbm>> -> memref<8x1024xf32, #tpu.memory_space<hbm>>
      %dma_wait3A_1409 = tpu.memref_slice %arg20[%dma_wait3A_1405] : memref<12x!tpu.dma_semaphore, #tpu.memory_space<semaphore_mem>> -> memref<1x!tpu.dma_semaphore, #tpu.memory_space<semaphore_mem>>
      %dma_wait3A_1410 = tpu.memref_squeeze %dma_wait3A_1409 : memref<1x!tpu.dma_semaphore, #tpu.memory_space<semaphore_mem>> -> memref<!tpu.dma_semaphore, #tpu.memory_space<semaphore_mem>>
      %dma_wait3A_1411 = arith.constant 0 : i32
      %dma_wait3A_1412 = tpu.memref_slice %arg2[%dma_wait3A_1404, %add3A_1403, %dma_wait3A_1411] : memref<4x8192x1024xf32, #tpu.memory_space<hbm>> -> memref<1x8x1024xf32, #tpu.memory_space<hbm>>
      %dma_wait3A_1413 = tpu.memref_squeeze %dma_wait3A_1412 : memref<1x8x1024xf32, #tpu.memory_space<hbm>> -> memref<8x1024xf32, #tpu.memory_space<hbm>>
      tpu.wait_dma2 semaphore(%dma_wait3A_1410 : memref<!tpu.dma_semaphore, #tpu.memory_space<semaphore_mem>>) src(%dma_wait3A_1413 : memref<8x1024xf32, #tpu.memory_space<hbm>>) dst(%arg5 : memref<8x1024xf32, #tpu.memory_space<vmem>>)
      %sub3A_1414 = arith.constant 1 : i32
      %sub3A_1415 = arith.subi %add3A_1378, %sub3A_1414 : i32
      %mul3A_1416 = arith.constant 8 : i32
      %mul3A_1417 = arith.muli %sub3A_1415, %mul3A_1416 : i32
      %add3A_1418 = arith.addi %mul3A_2, %mul3A_1417 : i32
      %dma_wait3A_1419 = arith.constant 0 : i32
      %dma_wait3A_1420 = arith.constant 8 : i32
      %dma_wait3A_1421 = arith.constant 0 : i32
      %dma_wait3A_1422 = tpu.memref_slice %arg4[%dma_wait3A_1419, %add3A_1418, %dma_wait3A_1421] : memref<4x8192x1024xf32, #tpu.memory_space<hbm>> -> memref<1x8x1024xf32, #tpu.memory_space<hbm>>
      %dma_wait3A_1423 = tpu.memref_squeeze %dma_wait3A_1422 : memref<1x8x1024xf32, #tpu.memory_space<hbm>> -> memref<8x1024xf32, #tpu.memory_space<hbm>>
      %dma_wait3A_1424 = tpu.memref_slice %arg21[%dma_wait3A_1420] : memref<12x!tpu.dma_semaphore, #tpu.memory_space<semaphore_mem>> -> memref<1x!tpu.dma_semaphore, #tpu.memory_space<semaphore_mem>>
      %dma_wait3A_1425 = tpu.memref_squeeze %dma_wait3A_1424 : memref<1x!tpu.dma_semaphore, #tpu.memory_space<semaphore_mem>> -> memref<!tpu.dma_semaphore, #tpu.memory_space<semaphore_mem>>
      %dma_wait3A_1426 = arith.constant 0 : i32
      %dma_wait3A_1427 = tpu.memref_slice %arg4[%dma_wait3A_1419, %add3A_1418, %dma_wait3A_1426] : memref<4x8192x1024xf32, #tpu.memory_space<hbm>> -> memref<1x8x1024xf32, #tpu.memory_space<hbm>>
      %dma_wait3A_1428 = tpu.memref_squeeze %dma_wait3A_1427 : memref<1x8x1024xf32, #tpu.memory_space<hbm>> -> memref<8x1024xf32, #tpu.memory_space<hbm>>
      tpu.wait_dma2 semaphore(%dma_wait3A_1425 : memref<!tpu.dma_semaphore, #tpu.memory_space<semaphore_mem>>) src(%arg13 : memref<8x1024xf32, #tpu.memory_space<vmem>>) dst(%dma_wait3A_1428 : memref<8x1024xf32, #tpu.memory_space<hbm>>)
      %add3A_1429 = arith.constant 2 : i32
      %add3A_1430 = arith.addi %add3A_1378, %add3A_1429 : i32
      %mul3A_1431 = arith.constant 8 : i32
      %mul3A_1432 = arith.muli %add3A_1430, %mul3A_1431 : i32
      %add3A_1433 = arith.addi %mul3A_2, %mul3A_1432 : i32
      %dma_start3A_1434 = arith.constant 0 : i32
      %dma_start3A_1435 = arith.constant 8 : i32
      %dma_start3A_1436 = arith.constant 0 : i32
      %dma_start3A_1437 = tpu.memref_slice %arg2[%dma_start3A_1434, %add3A_1433, %dma_start3A_1436] : memref<4x8192x1024xf32, #tpu.memory_space<hbm>> -> memref<1x8x1024xf32, #tpu.memory_space<hbm>>
      %dma_start3A_1438 = tpu.memref_squeeze %dma_start3A_1437 : memref<1x8x1024xf32, #tpu.memory_space<hbm>> -> memref<8x1024xf32, #tpu.memory_space<hbm>>
      %dma_start3A_1439 = tpu.memref_slice %arg20[%dma_start3A_1435] : memref<12x!tpu.dma_semaphore, #tpu.memory_space<semaphore_mem>> -> memref<1x!tpu.dma_semaphore, #tpu.memory_space<semaphore_mem>>
      %dma_start3A_1440 = tpu.memref_squeeze %dma_start3A_1439 : memref<1x!tpu.dma_semaphore, #tpu.memory_space<semaphore_mem>> -> memref<!tpu.dma_semaphore, #tpu.memory_space<semaphore_mem>>
      %dma_start3A_1441 = arith.constant 0 : i32
      %dma_start3A_1442 = tpu.memref_slice %arg2[%dma_start3A_1434, %add3A_1433, %dma_start3A_1441] : memref<4x8192x1024xf32, #tpu.memory_space<hbm>> -> memref<1x8x1024xf32, #tpu.memory_space<hbm>>
      %dma_start3A_1443 = tpu.memref_squeeze %dma_start3A_1442 : memref<1x8x1024xf32, #tpu.memory_space<hbm>> -> memref<8x1024xf32, #tpu.memory_space<hbm>>
      tpu.enqueue_dma source(%dma_start3A_1443 : memref<8x1024xf32, #tpu.memory_space<hbm>>) target(%arg13 : memref<8x1024xf32, #tpu.memory_space<vmem>>) target_semaphore(%dma_start3A_1440 : memref<!tpu.dma_semaphore, #tpu.memory_space<semaphore_mem>>)
      %parallel_loop3A_1444 = arith.constant 0 : i32
      %parallel_loop3A_1445 = arith.constant 8192 : i32
      %parallel_loop3A_1446 = arith.constant 16 : i32
      scf.for %parallel_loop3A_1897 = %parallel_loop3A_1444 to %parallel_loop3A_1445 step %parallel_loop3A_1446  : i32 {
        %parallel_loop3A_1898 = arith.constant 10 : i32
        %parallel_loop3A_1899 = arith.shrsi %parallel_loop3A_1897, %parallel_loop3A_1898 : i32
        %parallel_loop3A_1900 = arith.constant 1023 : i32
        %parallel_loop3A_1901 = arith.andi %parallel_loop3A_1897, %parallel_loop3A_1900 : i32
        %parallel_loop3A_1902 = tpu.assume_multiple %parallel_loop3A_1901, 16 : i32
        %parallel_loop3A_1903 = arith.index_cast %parallel_loop3A_1899 : i32 to index
        %parallel_loop3A_1904 = arith.index_cast %parallel_loop3A_1902 : i32 to index
        %parallel_loop3A_1905 = tpu.vector_load %arg5[%parallel_loop3A_1903, %parallel_loop3A_1904] {strides = array<i32>} : memref<8x1024xf32, #tpu.memory_space<vmem>>, vector<1x16xf32>,
        %parallel_loop3A_1906 = vector.shape_cast %parallel_loop3A_1905 : vector<1x16xf32> to vector<16xf32>
        %parallel_loop3A_1907 = arith.index_cast %parallel_loop3A_1899 : i32 to index
        %parallel_loop3A_1908 = arith.index_cast %parallel_loop3A_1902 : i32 to index
        %parallel_loop3A_1909 = tpu.vector_load %arg17[%parallel_loop3A_1907, %parallel_loop3A_1908] {strides = array<i32>} : memref<8x1024xf32, #tpu.memory_space<vmem>>, vector<1x16xf32>,
        %parallel_loop3A_1910 = vector.shape_cast %parallel_loop3A_1909 : vector<1x16xf32> to vector<16xf32>
        %parallel_loop3A_1911 = arith.addf %parallel_loop3A_1906, %parallel_loop3A_1910 : vector<16xf32>
        %parallel_loop3A_1912 = arith.index_cast %parallel_loop3A_1899 : i32 to index
        %parallel_loop3A_1913 = arith.index_cast %parallel_loop3A_1902 : i32 to index
        %parallel_loop3A_1914 = tpu.vector_load %arg5[%parallel_loop3A_1912, %parallel_loop3A_1913] {strides = array<i32>} : memref<8x1024xf32, #tpu.memory_space<vmem>>, vector<1x16xf32>,
        %parallel_loop3A_1915 = vector.shape_cast %parallel_loop3A_1914 : vector<1x16xf32> to vector<16xf32>
        %parallel_loop3A_1916 = vector.shape_cast %parallel_loop3A_1911 : vector<16xf32> to vector<1x16xf32>
        tpu.vector_store %arg5[%parallel_loop3A_1912, %parallel_loop3A_1913], %parallel_loop3A_1916 {strides = array<i32>} : memref<8x1024xf32, #tpu.memory_space<vmem>>, vector<1x16xf32>,
      } {sc.loop_unroll_factor = 8 : i64, sc.parallel_access}
      %mul3A_1447 = arith.constant 8 : i32
      %mul3A_1448 = arith.muli %add3A_1378, %mul3A_1447 : i32
      %add3A_1449 = arith.addi %mul3A_2, %mul3A_1448 : i32
      %dma_start3A_1450 = arith.constant 0 : i32
      %dma_start3A_1451 = arith.constant 0 : i32
      %dma_start3A_1452 = arith.constant 0 : i32
      %dma_start3A_1453 = tpu.memref_slice %arg4[%dma_start3A_1450, %add3A_1449, %dma_start3A_1452] : memref<4x8192x1024xf32, #tpu.memory_space<hbm>> -> memref<1x8x1024xf32, #tpu.memory_space<hbm>>
      %dma_start3A_1454 = tpu.memref_squeeze %dma_start3A_1453 : memref<1x8x1024xf32, #tpu.memory_space<hbm>> -> memref<8x1024xf32, #tpu.memory_space<hbm>>
      %dma_start3A_1455 = tpu.memref_slice %arg21[%dma_start3A_1451] : memref<12x!tpu.dma_semaphore, #tpu.memory_space<semaphore_mem>> -> memref<1x!tpu.dma_semaphore, #tpu.memory_space<semaphore_mem>>
      %dma_start3A_1456 = tpu.memref_squeeze %dma_start3A_1455 : memref<1x!tpu.dma_semaphore, #tpu.memory_space<semaphore_mem>> -> memref<!tpu.dma_semaphore, #tpu.memory_space<semaphore_mem>>
      %dma_start3A_1457 = arith.constant 0 : i32
      %dma_start3A_1458 = tpu.memref_slice %arg4[%dma_start3A_1450, %add3A_1449, %dma_start3A_1457] : memref<4x8192x1024xf32, #tpu.memory_space<hbm>> -> memref<1x8x1024xf32, #tpu.memory_space<hbm>>
      %dma_start3A_1459 = tpu.memref_squeeze %dma_start3A_1458 : memref<1x8x1024xf32, #tpu.memory_space<hbm>> -> memref<8x1024xf32, #tpu.memory_space<hbm>>
      tpu.enqueue_dma source(%arg5 : memref<8x1024xf32, #tpu.memory_space<vmem>>) target(%dma_start3A_1459 : memref<8x1024xf32, #tpu.memory_space<hbm>>) target_semaphore(%dma_start3A_1456 : memref<!tpu.dma_semaphore, #tpu.memory_space<semaphore_mem>>)
      %mul3A_1460 = arith.constant 8 : i32
      %mul3A_1461 = arith.muli %add3A_1378, %mul3A_1460 : i32
      %add3A_1462 = arith.addi %mul3A_2, %mul3A_1461 : i32
      %dma_wait3A_1463 = arith.constant 1 : i32
      %dma_wait3A_1464 = arith.constant 1 : i32
      %dma_wait3A_1465 = arith.constant 0 : i32
      %dma_wait3A_1466 = tpu.memref_slice %arg2[%dma_wait3A_1463, %add3A_1462, %dma_wait3A_1465] : memref<4x8192x1024xf32, #tpu.memory_space<hbm>> -> memref<1x8x1024xf32, #tpu.memory_space<hbm>>
      %dma_wait3A_1467 = tpu.memref_squeeze %dma_wait3A_1466 : memref<1x8x1024xf32, #tpu.memory_space<hbm>> -> memref<8x1024xf32, #tpu.memory_space<hbm>>
      %dma_wait3A_1468 = tpu.memref_slice %arg20[%dma_wait3A_1464] : memref<12x!tpu.dma_semaphore, #tpu.memory_space<semaphore_mem>> -> memref<1x!tpu.dma_semaphore, #tpu.memory_space<semaphore_mem>>
      %dma_wait3A_1469 = tpu.memref_squeeze %dma_wait3A_1468 : memref<1x!tpu.dma_semaphore, #tpu.memory_space<semaphore_mem>> -> memref<!tpu.dma_semaphore, #tpu.memory_space<semaphore_mem>>
      %dma_wait3A_1470 = arith.constant 0 : i32
      %dma_wait3A_1471 = tpu.memref_slice %arg2[%dma_wait3A_1463, %add3A_1462, %dma_wait3A_1470] : memref<4x8192x1024xf32, #tpu.memory_space<hbm>> -> memref<1x8x1024xf32, #tpu.memory_space<hbm>>
      %dma_wait3A_1472 = tpu.memref_squeeze %dma_wait3A_1471 : memref<1x8x1024xf32, #tpu.memory_space<hbm>> -> memref<8x1024xf32, #tpu.memory_space<hbm>>
      tpu.wait_dma2 semaphore(%dma_wait3A_1469 : memref<!tpu.dma_semaphore, #tpu.memory_space<semaphore_mem>>) src(%dma_wait3A_1472 : memref<8x1024xf32, #tpu.memory_space<hbm>>) dst(%arg6 : memref<8x1024xf32, #tpu.memory_space<vmem>>)
      %sub3A_1473 = arith.constant 1 : i32
      %sub3A_1474 = arith.subi %add3A_1378, %sub3A_1473 : i32
      %mul3A_1475 = arith.constant 8 : i32
      %mul3A_1476 = arith.muli %sub3A_1474, %mul3A_1475 : i32
      %add3A_1477 = arith.addi %mul3A_2, %mul3A_1476 : i32
      %dma_wait3A_1478 = arith.constant 1 : i32
      %dma_wait3A_1479 = arith.constant 9 : i32
      %dma_wait3A_1480 = arith.constant 0 : i32
      %dma_wait3A_1481 = tpu.memref_slice %arg4[%dma_wait3A_1478, %add3A_1477, %dma_wait3A_1480] : memref<4x8192x1024xf32, #tpu.memory_space<hbm>> -> memref<1x8x1024xf32, #tpu.memory_space<hbm>>
      %dma_wait3A_1482 = tpu.memref_squeeze %dma_wait3A_1481 : memref<1x8x1024xf32, #tpu.memory_space<hbm>> -> memref<8x1024xf32, #tpu.memory_space<hbm>>
      %dma_wait3A_1483 = tpu.memref_slice %arg21[%dma_wait3A_1479] : memref<12x!tpu.dma_semaphore, #tpu.memory_space<semaphore_mem>> -> memref<1x!tpu.dma_semaphore, #tpu.memory_space<semaphore_mem>>
      %dma_wait3A_1484 = tpu.memref_squeeze %dma_wait3A_1483 : memref<1x!tpu.dma_semaphore, #tpu.memory_space<semaphore_mem>> -> memref<!tpu.dma_semaphore, #tpu.memory_space<semaphore_mem>>
      %dma_wait3A_1485 = arith.constant 0 : i32
      %dma_wait3A_1486 = tpu.memref_slice %arg4[%dma_wait3A_1478, %add3A_1477, %dma_wait3A_1485] : memref<4x8192x1024xf32, #tpu.memory_space<hbm>> -> memref<1x8x1024xf32, #tpu.memory_space<hbm>>
      %dma_wait3A_1487 = tpu.memref_squeeze %dma_wait3A_1486 : memref<1x8x1024xf32, #tpu.memory_space<hbm>> -> memref<8x1024xf32, #tpu.memory_space<hbm>>
      tpu.wait_dma2 semaphore(%dma_wait3A_1484 : memref<!tpu.dma_semaphore, #tpu.memory_space<semaphore_mem>>) src(%arg14 : memref<8x1024xf32, #tpu.memory_space<vmem>>) dst(%dma_wait3A_1487 : memref<8x1024xf32, #tpu.memory_space<hbm>>)
      %add3A_1488 = arith.constant 2 : i32
      %add3A_1489 = arith.addi %add3A_1378, %add3A_1488 : i32
      %mul3A_1490 = arith.constant 8 : i32
      %mul3A_1491 = arith.muli %add3A_1489, %mul3A_1490 : i32
      %add3A_1492 = arith.addi %mul3A_2, %mul3A_1491 : i32
      %dma_start3A_1493 = arith.constant 1 : i32
      %dma_start3A_1494 = arith.constant 9 : i32
      %dma_start3A_1495 = arith.constant 0 : i32
      %dma_start3A_1496 = tpu.memref_slice %arg2[%dma_start3A_1493, %add3A_1492, %dma_start3A_1495] : memref<4x8192x1024xf32, #tpu.memory_space<hbm>> -> memref<1x8x1024xf32, #tpu.memory_space<hbm>>
      %dma_start3A_1497 = tpu.memref_squeeze %dma_start3A_1496 : memref<1x8x1024xf32, #tpu.memory_space<hbm>> -> memref<8x1024xf32, #tpu.memory_space<hbm>>
      %dma_start3A_1498 = tpu.memref_slice %arg20[%dma_start3A_1494] : memref<12x!tpu.dma_semaphore, #tpu.memory_space<semaphore_mem>> -> memref<1x!tpu.dma_semaphore, #tpu.memory_space<semaphore_mem>>
      %dma_start3A_1499 = tpu.memref_squeeze %dma_start3A_1498 : memref<1x!tpu.dma_semaphore, #tpu.memory_space<semaphore_mem>> -> memref<!tpu.dma_semaphore, #tpu.memory_space<semaphore_mem>>
      %dma_start3A_1500 = arith.constant 0 : i32
      %dma_start3A_1501 = tpu.memref_slice %arg2[%dma_start3A_1493, %add3A_1492, %dma_start3A_1500] : memref<4x8192x1024xf32, #tpu.memory_space<hbm>> -> memref<1x8x1024xf32, #tpu.memory_space<hbm>>
      %dma_start3A_1502 = tpu.memref_squeeze %dma_start3A_1501 : memref<1x8x1024xf32, #tpu.memory_space<hbm>> -> memref<8x1024xf32, #tpu.memory_space<hbm>>
      tpu.enqueue_dma source(%dma_start3A_1502 : memref<8x1024xf32, #tpu.memory_space<hbm>>) target(%arg14 : memref<8x1024xf32, #tpu.memory_space<vmem>>) target_semaphore(%dma_start3A_1499 : memref<!tpu.dma_semaphore, #tpu.memory_space<semaphore_mem>>)
      %parallel_loop3A_1503 = arith.constant 0 : i32
      %parallel_loop3A_1504 = arith.constant 8192 : i32
      %parallel_loop3A_1505 = arith.constant 16 : i32
      scf.for %parallel_loop3A_1897 = %parallel_loop3A_1503 to %parallel_loop3A_1504 step %parallel_loop3A_1505  : i32 {
        %parallel_loop3A_1898 = arith.constant 10 : i32
        %parallel_loop3A_1899 = arith.shrsi %parallel_loop3A_1897, %parallel_loop3A_1898 : i32
        %parallel_loop3A_1900 = arith.constant 1023 : i32
        %parallel_loop3A_1901 = arith.andi %parallel_loop3A_1897, %parallel_loop3A_1900 : i32
        %parallel_loop3A_1902 = tpu.assume_multiple %parallel_loop3A_1901, 16 : i32
        %parallel_loop3A_1903 = arith.index_cast %parallel_loop3A_1899 : i32 to index
        %parallel_loop3A_1904 = arith.index_cast %parallel_loop3A_1902 : i32 to index
        %parallel_loop3A_1905 = tpu.vector_load %arg6[%parallel_loop3A_1903, %parallel_loop3A_1904] {strides = array<i32>} : memref<8x1024xf32, #tpu.memory_space<vmem>>, vector<1x16xf32>,
        %parallel_loop3A_1906 = vector.shape_cast %parallel_loop3A_1905 : vector<1x16xf32> to vector<16xf32>
        %parallel_loop3A_1907 = arith.index_cast %parallel_loop3A_1899 : i32 to index
        %parallel_loop3A_1908 = arith.index_cast %parallel_loop3A_1902 : i32 to index
        %parallel_loop3A_1909 = tpu.vector_load %arg17[%parallel_loop3A_1907, %parallel_loop3A_1908] {strides = array<i32>} : memref<8x1024xf32, #tpu.memory_space<vmem>>, vector<1x16xf32>,
        %parallel_loop3A_1910 = vector.shape_cast %parallel_loop3A_1909 : vector<1x16xf32> to vector<16xf32>
        %parallel_loop3A_1911 = arith.addf %parallel_loop3A_1906, %parallel_loop3A_1910 : vector<16xf32>
        %parallel_loop3A_1912 = arith.index_cast %parallel_loop3A_1899 : i32 to index
        %parallel_loop3A_1913 = arith.index_cast %parallel_loop3A_1902 : i32 to index
        %parallel_loop3A_1914 = tpu.vector_load %arg6[%parallel_loop3A_1912, %parallel_loop3A_1913] {strides = array<i32>} : memref<8x1024xf32, #tpu.memory_space<vmem>>, vector<1x16xf32>,
        %parallel_loop3A_1915 = vector.shape_cast %parallel_loop3A_1914 : vector<1x16xf32> to vector<16xf32>
        %parallel_loop3A_1916 = vector.shape_cast %parallel_loop3A_1911 : vector<16xf32> to vector<1x16xf32>
        tpu.vector_store %arg6[%parallel_loop3A_1912, %parallel_loop3A_1913], %parallel_loop3A_1916 {strides = array<i32>} : memref<8x1024xf32, #tpu.memory_space<vmem>>, vector<1x16xf32>,
      } {sc.loop_unroll_factor = 8 : i64, sc.parallel_access}
      %mul3A_1506 = arith.constant 8 : i32
      %mul3A_1507 = arith.muli %add3A_1378, %mul3A_1506 : i32
      %add3A_1508 = arith.addi %mul3A_2, %mul3A_1507 : i32
      %dma_start3A_1509 = arith.constant 1 : i32
      %dma_start3A_1510 = arith.constant 1 : i32
      %dma_start3A_1511 = arith.constant 0 : i32
      %dma_start3A_1512 = tpu.memref_slice %arg4[%dma_start3A_1509, %add3A_1508, %dma_start3A_1511] : memref<4x8192x1024xf32, #tpu.memory_space<hbm>> -> memref<1x8x1024xf32, #tpu.memory_space<hbm>>
      %dma_start3A_1513 = tpu.memref_squeeze %dma_start3A_1512 : memref<1x8x1024xf32, #tpu.memory_space<hbm>> -> memref<8x1024xf32, #tpu.memory_space<hbm>>
      %dma_start3A_1514 = tpu.memref_slice %arg21[%dma_start3A_1510] : memref<12x!tpu.dma_semaphore, #tpu.memory_space<semaphore_mem>> -> memref<1x!tpu.dma_semaphore, #tpu.memory_space<semaphore_mem>>
      %dma_start3A_1515 = tpu.memref_squeeze %dma_start3A_1514 : memref<1x!tpu.dma_semaphore, #tpu.memory_space<semaphore_mem>> -> memref<!tpu.dma_semaphore, #tpu.memory_space<semaphore_mem>>
      %dma_start3A_1516 = arith.constant 0 : i32
      %dma_start3A_1517 = tpu.memref_slice %arg4[%dma_start3A_1509, %add3A_1508, %dma_start3A_1516] : memref<4x8192x1024xf32, #tpu.memory_space<hbm>> -> memref<1x8x1024xf32, #tpu.memory_space<hbm>>
      %dma_start3A_1518 = tpu.memref_squeeze %dma_start3A_1517 : memref<1x8x1024xf32, #tpu.memory_space<hbm>> -> memref<8x1024xf32, #tpu.memory_space<hbm>>
      tpu.enqueue_dma source(%arg6 : memref<8x1024xf32, #tpu.memory_space<vmem>>) target(%dma_start3A_1518 : memref<8x1024xf32, #tpu.memory_space<hbm>>) target_semaphore(%dma_start3A_1515 : memref<!tpu.dma_semaphore, #tpu.memory_space<semaphore_mem>>)
      %mul3A_1519 = arith.constant 8 : i32
      %mul3A_1520 = arith.muli %add3A_1378, %mul3A_1519 : i32
      %add3A_1521 = arith.addi %mul3A_2, %mul3A_1520 : i32
      %dma_wait3A_1522 = arith.constant 2 : i32
      %dma_wait3A_1523 = arith.constant 2 : i32
      %dma_wait3A_1524 = arith.constant 0 : i32
      %dma_wait3A_1525 = tpu.memref_slice %arg2[%dma_wait3A_1522, %add3A_1521, %dma_wait3A_1524] : memref<4x8192x1024xf32, #tpu.memory_space<hbm>> -> memref<1x8x1024xf32, #tpu.memory_space<hbm>>
      %dma_wait3A_1526 = tpu.memref_squeeze %dma_wait3A_1525 : memref<1x8x1024xf32, #tpu.memory_space<hbm>> -> memref<8x1024xf32, #tpu.memory_space<hbm>>
      %dma_wait3A_1527 = tpu.memref_slice %arg20[%dma_wait3A_1523] : memref<12x!tpu.dma_semaphore, #tpu.memory_space<semaphore_mem>> -> memref<1x!tpu.dma_semaphore, #tpu.memory_space<semaphore_mem>>
      %dma_wait3A_1528 = tpu.memref_squeeze %dma_wait3A_1527 : memref<1x!tpu.dma_semaphore, #tpu.memory_space<semaphore_mem>> -> memref<!tpu.dma_semaphore, #tpu.memory_space<semaphore_mem>>
      %dma_wait3A_1529 = arith.constant 0 : i32
      %dma_wait3A_1530 = tpu.memref_slice %arg2[%dma_wait3A_1522, %add3A_1521, %dma_wait3A_1529] : memref<4x8192x1024xf32, #tpu.memory_space<hbm>> -> memref<1x8x1024xf32, #tpu.memory_space<hbm>>
      %dma_wait3A_1531 = tpu.memref_squeeze %dma_wait3A_1530 : memref<1x8x1024xf32, #tpu.memory_space<hbm>> -> memref<8x1024xf32, #tpu.memory_space<hbm>>
      tpu.wait_dma2 semaphore(%dma_wait3A_1528 : memref<!tpu.dma_semaphore, #tpu.memory_space<semaphore_mem>>) src(%dma_wait3A_1531 : memref<8x1024xf32, #tpu.memory_space<hbm>>) dst(%arg7 : memref<8x1024xf32, #tpu.memory_space<vmem>>)
      %sub3A_1532 = arith.constant 1 : i32
      %sub3A_1533 = arith.subi %add3A_1378, %sub3A_1532 : i32
      %mul3A_1534 = arith.constant 8 : i32
      %mul3A_1535 = arith.muli %sub3A_1533, %mul3A_1534 : i32
      %add3A_1536 = arith.addi %mul3A_2, %mul3A_1535 : i32
      %dma_wait3A_1537 = arith.constant 2 : i32
      %dma_wait3A_1538 = arith.constant 10 : i32
      %dma_wait3A_1539 = arith.constant 0 : i32
      %dma_wait3A_1540 = tpu.memref_slice %arg4[%dma_wait3A_1537, %add3A_1536, %dma_wait3A_1539] : memref<4x8192x1024xf32, #tpu.memory_space<hbm>> -> memref<1x8x1024xf32, #tpu.memory_space<hbm>>
      %dma_wait3A_1541 = tpu.memref_squeeze %dma_wait3A_1540 : memref<1x8x1024xf32, #tpu.memory_space<hbm>> -> memref<8x1024xf32, #tpu.memory_space<hbm>>
      %dma_wait3A_1542 = tpu.memref_slice %arg21[%dma_wait3A_1538] : memref<12x!tpu.dma_semaphore, #tpu.memory_space<semaphore_mem>> -> memref<1x!tpu.dma_semaphore, #tpu.memory_space<semaphore_mem>>
      %dma_wait3A_1543 = tpu.memref_squeeze %dma_wait3A_1542 : memref<1x!tpu.dma_semaphore, #tpu.memory_space<semaphore_mem>> -> memref<!tpu.dma_semaphore, #tpu.memory_space<semaphore_mem>>
      %dma_wait3A_1544 = arith.constant 0 : i32
      %dma_wait3A_1545 = tpu.memref_slice %arg4[%dma_wait3A_1537, %add3A_1536, %dma_wait3A_1544] : memref<4x8192x1024xf32, #tpu.memory_space<hbm>> -> memref<1x8x1024xf32, #tpu.memory_space<hbm>>
      %dma_wait3A_1546 = tpu.memref_squeeze %dma_wait3A_1545 : memref<1x8x1024xf32, #tpu.memory_space<hbm>> -> memref<8x1024xf32, #tpu.memory_space<hbm>>
      tpu.wait_dma2 semaphore(%dma_wait3A_1543 : memref<!tpu.dma_semaphore, #tpu.memory_space<semaphore_mem>>) src(%arg15 : memref<8x1024xf32, #tpu.memory_space<vmem>>) dst(%dma_wait3A_1546 : memref<8x1024xf32, #tpu.memory_space<hbm>>)
      %add3A_1547 = arith.constant 2 : i32
      %add3A_1548 = arith.addi %add3A_1378, %add3A_1547 : i32
      %mul3A_1549 = arith.constant 8 : i32
      %mul3A_1550 = arith.muli %add3A_1548, %mul3A_1549 : i32
      %add3A_1551 = arith.addi %mul3A_2, %mul3A_1550 : i32
      %dma_start3A_1552 = arith.constant 2 : i32
      %dma_start3A_1553 = arith.constant 10 : i32
      %dma_start3A_1554 = arith.constant 0 : i32
      %dma_start3A_1555 = tpu.memref_slice %arg2[%dma_start3A_1552, %add3A_1551, %dma_start3A_1554] : memref<4x8192x1024xf32, #tpu.memory_space<hbm>> -> memref<1x8x1024xf32, #tpu.memory_space<hbm>>
      %dma_start3A_1556 = tpu.memref_squeeze %dma_start3A_1555 : memref<1x8x1024xf32, #tpu.memory_space<hbm>> -> memref<8x1024xf32, #tpu.memory_space<hbm>>
      %dma_start3A_1557 = tpu.memref_slice %arg20[%dma_start3A_1553] : memref<12x!tpu.dma_semaphore, #tpu.memory_space<semaphore_mem>> -> memref<1x!tpu.dma_semaphore, #tpu.memory_space<semaphore_mem>>
      %dma_start3A_1558 = tpu.memref_squeeze %dma_start3A_1557 : memref<1x!tpu.dma_semaphore, #tpu.memory_space<semaphore_mem>> -> memref<!tpu.dma_semaphore, #tpu.memory_space<semaphore_mem>>
      %dma_start3A_1559 = arith.constant 0 : i32
      %dma_start3A_1560 = tpu.memref_slice %arg2[%dma_start3A_1552, %add3A_1551, %dma_start3A_1559] : memref<4x8192x1024xf32, #tpu.memory_space<hbm>> -> memref<1x8x1024xf32, #tpu.memory_space<hbm>>
      %dma_start3A_1561 = tpu.memref_squeeze %dma_start3A_1560 : memref<1x8x1024xf32, #tpu.memory_space<hbm>> -> memref<8x1024xf32, #tpu.memory_space<hbm>>
      tpu.enqueue_dma source(%dma_start3A_1561 : memref<8x1024xf32, #tpu.memory_space<hbm>>) target(%arg15 : memref<8x1024xf32, #tpu.memory_space<vmem>>) target_semaphore(%dma_start3A_1558 : memref<!tpu.dma_semaphore, #tpu.memory_space<semaphore_mem>>)
      %parallel_loop3A_1562 = arith.constant 0 : i32
      %parallel_loop3A_1563 = arith.constant 8192 : i32
      %parallel_loop3A_1564 = arith.constant 16 : i32
      scf.for %parallel_loop3A_1897 = %parallel_loop3A_1562 to %parallel_loop3A_1563 step %parallel_loop3A_1564  : i32 {
        %parallel_loop3A_1898 = arith.constant 10 : i32
        %parallel_loop3A_1899 = arith.shrsi %parallel_loop3A_1897, %parallel_loop3A_1898 : i32
        %parallel_loop3A_1900 = arith.constant 1023 : i32
        %parallel_loop3A_1901 = arith.andi %parallel_loop3A_1897, %parallel_loop3A_1900 : i32
        %parallel_loop3A_1902 = tpu.assume_multiple %parallel_loop3A_1901, 16 : i32
        %parallel_loop3A_1903 = arith.index_cast %parallel_loop3A_1899 : i32 to index
        %parallel_loop3A_1904 = arith.index_cast %parallel_loop3A_1902 : i32 to index
        %parallel_loop3A_1905 = tpu.vector_load %arg7[%parallel_loop3A_1903, %parallel_loop3A_1904] {strides = array<i32>} : memref<8x1024xf32, #tpu.memory_space<vmem>>, vector<1x16xf32>,
        %parallel_loop3A_1906 = vector.shape_cast %parallel_loop3A_1905 : vector<1x16xf32> to vector<16xf32>
        %parallel_loop3A_1907 = arith.index_cast %parallel_loop3A_1899 : i32 to index
        %parallel_loop3A_1908 = arith.index_cast %parallel_loop3A_1902 : i32 to index
        %parallel_loop3A_1909 = tpu.vector_load %arg17[%parallel_loop3A_1907, %parallel_loop3A_1908] {strides = array<i32>} : memref<8x1024xf32, #tpu.memory_space<vmem>>, vector<1x16xf32>,
        %parallel_loop3A_1910 = vector.shape_cast %parallel_loop3A_1909 : vector<1x16xf32> to vector<16xf32>
        %parallel_loop3A_1911 = arith.addf %parallel_loop3A_1906, %parallel_loop3A_1910 : vector<16xf32>
        %parallel_loop3A_1912 = arith.index_cast %parallel_loop3A_1899 : i32 to index
        %parallel_loop3A_1913 = arith.index_cast %parallel_loop3A_1902 : i32 to index
        %parallel_loop3A_1914 = tpu.vector_load %arg7[%parallel_loop3A_1912, %parallel_loop3A_1913] {strides = array<i32>} : memref<8x1024xf32, #tpu.memory_space<vmem>>, vector<1x16xf32>,
        %parallel_loop3A_1915 = vector.shape_cast %parallel_loop3A_1914 : vector<1x16xf32> to vector<16xf32>
        %parallel_loop3A_1916 = vector.shape_cast %parallel_loop3A_1911 : vector<16xf32> to vector<1x16xf32>
        tpu.vector_store %arg7[%parallel_loop3A_1912, %parallel_loop3A_1913], %parallel_loop3A_1916 {strides = array<i32>} : memref<8x1024xf32, #tpu.memory_space<vmem>>, vector<1x16xf32>,
      } {sc.loop_unroll_factor = 8 : i64, sc.parallel_access}
      %mul3A_1565 = arith.constant 8 : i32
      %mul3A_1566 = arith.muli %add3A_1378, %mul3A_1565 : i32
      %add3A_1567 = arith.addi %mul3A_2, %mul3A_1566 : i32
      %dma_start3A_1568 = arith.constant 2 : i32
      %dma_start3A_1569 = arith.constant 2 : i32
      %dma_start3A_1570 = arith.constant 0 : i32
      %dma_start3A_1571 = tpu.memref_slice %arg4[%dma_start3A_1568, %add3A_1567, %dma_start3A_1570] : memref<4x8192x1024xf32, #tpu.memory_space<hbm>> -> memref<1x8x1024xf32, #tpu.memory_space<hbm>>
      %dma_start3A_1572 = tpu.memref_squeeze %dma_start3A_1571 : memref<1x8x1024xf32, #tpu.memory_space<hbm>> -> memref<8x1024xf32, #tpu.memory_space<hbm>>
      %dma_start3A_1573 = tpu.memref_slice %arg21[%dma_start3A_1569] : memref<12x!tpu.dma_semaphore, #tpu.memory_space<semaphore_mem>> -> memref<1x!tpu.dma_semaphore, #tpu.memory_space<semaphore_mem>>
      %dma_start3A_1574 = tpu.memref_squeeze %dma_start3A_1573 : memref<1x!tpu.dma_semaphore, #tpu.memory_space<semaphore_mem>> -> memref<!tpu.dma_semaphore, #tpu.memory_space<semaphore_mem>>
      %dma_start3A_1575 = arith.constant 0 : i32
      %dma_start3A_1576 = tpu.memref_slice %arg4[%dma_start3A_1568, %add3A_1567, %dma_start3A_1575] : memref<4x8192x1024xf32, #tpu.memory_space<hbm>> -> memref<1x8x1024xf32, #tpu.memory_space<hbm>>
      %dma_start3A_1577 = tpu.memref_squeeze %dma_start3A_1576 : memref<1x8x1024xf32, #tpu.memory_space<hbm>> -> memref<8x1024xf32, #tpu.memory_space<hbm>>
      tpu.enqueue_dma source(%arg7 : memref<8x1024xf32, #tpu.memory_space<vmem>>) target(%dma_start3A_1577 : memref<8x1024xf32, #tpu.memory_space<hbm>>) target_semaphore(%dma_start3A_1574 : memref<!tpu.dma_semaphore, #tpu.memory_space<semaphore_mem>>)
      %mul3A_1578 = arith.constant 8 : i32
      %mul3A_1579 = arith.muli %add3A_1378, %mul3A_1578 : i32
      %add3A_1580 = arith.addi %mul3A_2, %mul3A_1579 : i32
      %dma_wait3A_1581 = arith.constant 3 : i32
      %dma_wait3A_1582 = arith.constant 3 : i32
      %dma_wait3A_1583 = arith.constant 0 : i32
      %dma_wait3A_1584 = tpu.memref_slice %arg2[%dma_wait3A_1581, %add3A_1580, %dma_wait3A_1583] : memref<4x8192x1024xf32, #tpu.memory_space<hbm>> -> memref<1x8x1024xf32, #tpu.memory_space<hbm>>
      %dma_wait3A_1585 = tpu.memref_squeeze %dma_wait3A_1584 : memref<1x8x1024xf32, #tpu.memory_space<hbm>> -> memref<8x1024xf32, #tpu.memory_space<hbm>>
      %dma_wait3A_1586 = tpu.memref_slice %arg20[%dma_wait3A_1582] : memref<12x!tpu.dma_semaphore, #tpu.memory_space<semaphore_mem>> -> memref<1x!tpu.dma_semaphore, #tpu.memory_space<semaphore_mem>>
      %dma_wait3A_1587 = tpu.memref_squeeze %dma_wait3A_1586 : memref<1x!tpu.dma_semaphore, #tpu.memory_space<semaphore_mem>> -> memref<!tpu.dma_semaphore, #tpu.memory_space<semaphore_mem>>
      %dma_wait3A_1588 = arith.constant 0 : i32
      %dma_wait3A_1589 = tpu.memref_slice %arg2[%dma_wait3A_1581, %add3A_1580, %dma_wait3A_1588] : memref<4x8192x1024xf32, #tpu.memory_space<hbm>> -> memref<1x8x1024xf32, #tpu.memory_space<hbm>>
      %dma_wait3A_1590 = tpu.memref_squeeze %dma_wait3A_1589 : memref<1x8x1024xf32, #tpu.memory_space<hbm>> -> memref<8x1024xf32, #tpu.memory_space<hbm>>
      tpu.wait_dma2 semaphore(%dma_wait3A_1587 : memref<!tpu.dma_semaphore, #tpu.memory_space<semaphore_mem>>) src(%dma_wait3A_1590 : memref<8x1024xf32, #tpu.memory_space<hbm>>) dst(%arg8 : memref<8x1024xf32, #tpu.memory_space<vmem>>)
      %sub3A_1591 = arith.constant 1 : i32
      %sub3A_1592 = arith.subi %add3A_1378, %sub3A_1591 : i32
      %mul3A_1593 = arith.constant 8 : i32
      %mul3A_1594 = arith.muli %sub3A_1592, %mul3A_1593 : i32
      %add3A_1595 = arith.addi %mul3A_2, %mul3A_1594 : i32
      %dma_wait3A_1596 = arith.constant 3 : i32
      %dma_wait3A_1597 = arith.constant 11 : i32
      %dma_wait3A_1598 = arith.constant 0 : i32
      %dma_wait3A_1599 = tpu.memref_slice %arg4[%dma_wait3A_1596, %add3A_1595, %dma_wait3A_1598] : memref<4x8192x1024xf32, #tpu.memory_space<hbm>> -> memref<1x8x1024xf32, #tpu.memory_space<hbm>>
      %dma_wait3A_1600 = tpu.memref_squeeze %dma_wait3A_1599 : memref<1x8x1024xf32, #tpu.memory_space<hbm>> -> memref<8x1024xf32, #tpu.memory_space<hbm>>
      %dma_wait3A_1601 = tpu.memref_slice %arg21[%dma_wait3A_1597] : memref<12x!tpu.dma_semaphore, #tpu.memory_space<semaphore_mem>> -> memref<1x!tpu.dma_semaphore, #tpu.memory_space<semaphore_mem>>
      %dma_wait3A_1602 = tpu.memref_squeeze %dma_wait3A_1601 : memref<1x!tpu.dma_semaphore, #tpu.memory_space<semaphore_mem>> -> memref<!tpu.dma_semaphore, #tpu.memory_space<semaphore_mem>>
      %dma_wait3A_1603 = arith.constant 0 : i32
      %dma_wait3A_1604 = tpu.memref_slice %arg4[%dma_wait3A_1596, %add3A_1595, %dma_wait3A_1603] : memref<4x8192x1024xf32, #tpu.memory_space<hbm>> -> memref<1x8x1024xf32, #tpu.memory_space<hbm>>
      %dma_wait3A_1605 = tpu.memref_squeeze %dma_wait3A_1604 : memref<1x8x1024xf32, #tpu.memory_space<hbm>> -> memref<8x1024xf32, #tpu.memory_space<hbm>>
      tpu.wait_dma2 semaphore(%dma_wait3A_1602 : memref<!tpu.dma_semaphore, #tpu.memory_space<semaphore_mem>>) src(%arg16 : memref<8x1024xf32, #tpu.memory_space<vmem>>) dst(%dma_wait3A_1605 : memref<8x1024xf32, #tpu.memory_space<hbm>>)
      %add3A_1606 = arith.constant 2 : i32
      %add3A_1607 = arith.addi %add3A_1378, %add3A_1606 : i32
      %mul3A_1608 = arith.constant 8 : i32
      %mul3A_1609 = arith.muli %add3A_1607, %mul3A_1608 : i32
      %add3A_1610 = arith.addi %mul3A_2, %mul3A_1609 : i32
      %dma_start3A_1611 = arith.constant 3 : i32
      %dma_start3A_1612 = arith.constant 11 : i32
      %dma_start3A_1613 = arith.constant 0 : i32
      %dma_start3A_1614 = tpu.memref_slice %arg2[%dma_start3A_1611, %add3A_1610, %dma_start3A_1613] : memref<4x8192x1024xf32, #tpu.memory_space<hbm>> -> memref<1x8x1024xf32, #tpu.memory_space<hbm>>
      %dma_start3A_1615 = tpu.memref_squeeze %dma_start3A_1614 : memref<1x8x1024xf32, #tpu.memory_space<hbm>> -> memref<8x1024xf32, #tpu.memory_space<hbm>>
      %dma_start3A_1616 = tpu.memref_slice %arg20[%dma_start3A_1612] : memref<12x!tpu.dma_semaphore, #tpu.memory_space<semaphore_mem>> -> memref<1x!tpu.dma_semaphore, #tpu.memory_space<semaphore_mem>>
      %dma_start3A_1617 = tpu.memref_squeeze %dma_start3A_1616 : memref<1x!tpu.dma_semaphore, #tpu.memory_space<semaphore_mem>> -> memref<!tpu.dma_semaphore, #tpu.memory_space<semaphore_mem>>
      %dma_start3A_1618 = arith.constant 0 : i32
      %dma_start3A_1619 = tpu.memref_slice %arg2[%dma_start3A_1611, %add3A_1610, %dma_start3A_1618] : memref<4x8192x1024xf32, #tpu.memory_space<hbm>> -> memref<1x8x1024xf32, #tpu.memory_space<hbm>>
      %dma_start3A_1620 = tpu.memref_squeeze %dma_start3A_1619 : memref<1x8x1024xf32, #tpu.memory_space<hbm>> -> memref<8x1024xf32, #tpu.memory_space<hbm>>
      tpu.enqueue_dma source(%dma_start3A_1620 : memref<8x1024xf32, #tpu.memory_space<hbm>>) target(%arg16 : memref<8x1024xf32, #tpu.memory_space<vmem>>) target_semaphore(%dma_start3A_1617 : memref<!tpu.dma_semaphore, #tpu.memory_space<semaphore_mem>>)
      %parallel_loop3A_1621 = arith.constant 0 : i32
      %parallel_loop3A_1622 = arith.constant 8192 : i32
      %parallel_loop3A_1623 = arith.constant 16 : i32
      scf.for %parallel_loop3A_1897 = %parallel_loop3A_1621 to %parallel_loop3A_1622 step %parallel_loop3A_1623  : i32 {
        %parallel_loop3A_1898 = arith.constant 10 : i32
        %parallel_loop3A_1899 = arith.shrsi %parallel_loop3A_1897, %parallel_loop3A_1898 : i32
        %parallel_loop3A_1900 = arith.constant 1023 : i32
        %parallel_loop3A_1901 = arith.andi %parallel_loop3A_1897, %parallel_loop3A_1900 : i32
        %parallel_loop3A_1902 = tpu.assume_multiple %parallel_loop3A_1901, 16 : i32
        %parallel_loop3A_1903 = arith.index_cast %parallel_loop3A_1899 : i32 to index
        %parallel_loop3A_1904 = arith.index_cast %parallel_loop3A_1902 : i32 to index
        %parallel_loop3A_1905 = tpu.vector_load %arg8[%parallel_loop3A_1903, %parallel_loop3A_1904] {strides = array<i32>} : memref<8x1024xf32, #tpu.memory_space<vmem>>, vector<1x16xf32>,
        %parallel_loop3A_1906 = vector.shape_cast %parallel_loop3A_1905 : vector<1x16xf32> to vector<16xf32>
        %parallel_loop3A_1907 = arith.index_cast %parallel_loop3A_1899 : i32 to index
        %parallel_loop3A_1908 = arith.index_cast %parallel_loop3A_1902 : i32 to index
        %parallel_loop3A_1909 = tpu.vector_load %arg17[%parallel_loop3A_1907, %parallel_loop3A_1908] {strides = array<i32>} : memref<8x1024xf32, #tpu.memory_space<vmem>>, vector<1x16xf32>,
        %parallel_loop3A_1910 = vector.shape_cast %parallel_loop3A_1909 : vector<1x16xf32> to vector<16xf32>
        %parallel_loop3A_1911 = arith.addf %parallel_loop3A_1906, %parallel_loop3A_1910 : vector<16xf32>
        %parallel_loop3A_1912 = arith.index_cast %parallel_loop3A_1899 : i32 to index
        %parallel_loop3A_1913 = arith.index_cast %parallel_loop3A_1902 : i32 to index
        %parallel_loop3A_1914 = tpu.vector_load %arg8[%parallel_loop3A_1912, %parallel_loop3A_1913] {strides = array<i32>} : memref<8x1024xf32, #tpu.memory_space<vmem>>, vector<1x16xf32>,
        %parallel_loop3A_1915 = vector.shape_cast %parallel_loop3A_1914 : vector<1x16xf32> to vector<16xf32>
        %parallel_loop3A_1916 = vector.shape_cast %parallel_loop3A_1911 : vector<16xf32> to vector<1x16xf32>
        tpu.vector_store %arg8[%parallel_loop3A_1912, %parallel_loop3A_1913], %parallel_loop3A_1916 {strides = array<i32>} : memref<8x1024xf32, #tpu.memory_space<vmem>>, vector<1x16xf32>,
      } {sc.loop_unroll_factor = 8 : i64, sc.parallel_access}
      %mul3A_1624 = arith.constant 8 : i32
      %mul3A_1625 = arith.muli %add3A_1378, %mul3A_1624 : i32
      %add3A_1626 = arith.addi %mul3A_2, %mul3A_1625 : i32
      %dma_start3A_1627 = arith.constant 3 : i32
      %dma_start3A_1628 = arith.constant 3 : i32
      %dma_start3A_1629 = arith.constant 0 : i32
      %dma_start3A_1630 = tpu.memref_slice %arg4[%dma_start3A_1627, %add3A_1626, %dma_start3A_1629] : memref<4x8192x1024xf32, #tpu.memory_space<hbm>> -> memref<1x8x1024xf32, #tpu.memory_space<hbm>>
      %dma_start3A_1631 = tpu.memref_squeeze %dma_start3A_1630 : memref<1x8x1024xf32, #tpu.memory_space<hbm>> -> memref<8x1024xf32, #tpu.memory_space<hbm>>
      %dma_start3A_1632 = tpu.memref_slice %arg21[%dma_start3A_1628] : memref<12x!tpu.dma_semaphore, #tpu.memory_space<semaphore_mem>> -> memref<1x!tpu.dma_semaphore, #tpu.memory_space<semaphore_mem>>
      %dma_start3A_1633 = tpu.memref_squeeze %dma_start3A_1632 : memref<1x!tpu.dma_semaphore, #tpu.memory_space<semaphore_mem>> -> memref<!tpu.dma_semaphore, #tpu.memory_space<semaphore_mem>>
      %dma_start3A_1634 = arith.constant 0 : i32
      %dma_start3A_1635 = tpu.memref_slice %arg4[%dma_start3A_1627, %add3A_1626, %dma_start3A_1634] : memref<4x8192x1024xf32, #tpu.memory_space<hbm>> -> memref<1x8x1024xf32, #tpu.memory_space<hbm>>
      %dma_start3A_1636 = tpu.memref_squeeze %dma_start3A_1635 : memref<1x8x1024xf32, #tpu.memory_space<hbm>> -> memref<8x1024xf32, #tpu.memory_space<hbm>>
      tpu.enqueue_dma source(%arg8 : memref<8x1024xf32, #tpu.memory_space<vmem>>) target(%dma_start3A_1636 : memref<8x1024xf32, #tpu.memory_space<hbm>>) target_semaphore(%dma_start3A_1633 : memref<!tpu.dma_semaphore, #tpu.memory_space<semaphore_mem>>)
      %add3A_1637 = arith.constant 2 : i32
      %add3A_1638 = arith.addi %add3A_1119, %add3A_1637 : i32
      %add3A_1639 = arith.constant 2 : i32
      %add3A_1640 = arith.addi %add3A_1638, %add3A_1639 : i32
      %mul3A_1641 = arith.constant 8 : i32
      %mul3A_1642 = arith.muli %add3A_1640, %mul3A_1641 : i32
      %add3A_1643 = arith.addi %mul3A_2, %mul3A_1642 : i32
      %dma_start3A_1644 = arith.constant 0 : i32
      %dma_start3A_1645 = arith.constant 0 : i32
      %dma_start3A_1646 = tpu.memref_slice %arg3[%add3A_1643, %dma_start3A_1645] : memref<8192x1024xf32, #tpu.memory_space<hbm>> -> memref<8x1024xf32, #tpu.memory_space<hbm>>
      %dma_start3A_1647 = tpu.memref_slice %arg22[%dma_start3A_1644] : memref<3x!tpu.dma_semaphore, #tpu.memory_space<semaphore_mem>> -> memref<1x!tpu.dma_semaphore, #tpu.memory_space<semaphore_mem>>
      %dma_start3A_1648 = tpu.memref_squeeze %dma_start3A_1647 : memref<1x!tpu.dma_semaphore, #tpu.memory_space<semaphore_mem>> -> memref<!tpu.dma_semaphore, #tpu.memory_space<semaphore_mem>>
      %dma_start3A_1649 = arith.constant 0 : i32
      %dma_start3A_1650 = tpu.memref_slice %arg3[%add3A_1643, %dma_start3A_1649] : memref<8192x1024xf32, #tpu.memory_space<hbm>> -> memref<8x1024xf32, #tpu.memory_space<hbm>>
      tpu.enqueue_dma source(%dma_start3A_1650 : memref<8x1024xf32, #tpu.memory_space<hbm>>) target(%arg17 : memref<8x1024xf32, #tpu.memory_space<vmem>>) target_semaphore(%dma_start3A_1648 : memref<!tpu.dma_semaphore, #tpu.memory_space<semaphore_mem>>)
      %mul3A_1651 = arith.constant 8 : i32
      %mul3A_1652 = arith.muli %add3A_1638, %mul3A_1651 : i32
      %add3A_1653 = arith.addi %mul3A_2, %mul3A_1652 : i32
      %dma_wait3A_1654 = arith.constant 1 : i32
      %dma_wait3A_1655 = arith.constant 0 : i32
      %dma_wait3A_1656 = tpu.memref_slice %arg3[%add3A_1653, %dma_wait3A_1655] : memref<8192x1024xf32, #tpu.memory_space<hbm>> -> memref<8x1024xf32, #tpu.memory_space<hbm>>
      %dma_wait3A_1657 = tpu.memref_slice %arg22[%dma_wait3A_1654] : memref<3x!tpu.dma_semaphore, #tpu.memory_space<semaphore_mem>> -> memref<1x!tpu.dma_semaphore, #tpu.memory_space<semaphore_mem>>
      %dma_wait3A_1658 = tpu.memref_squeeze %dma_wait3A_1657 : memref<1x!tpu.dma_semaphore, #tpu.memory_space<semaphore_mem>> -> memref<!tpu.dma_semaphore, #tpu.memory_space<semaphore_mem>>
      %dma_wait3A_1659 = arith.constant 0 : i32
      %dma_wait3A_1660 = tpu.memref_slice %arg3[%add3A_1653, %dma_wait3A_1659] : memref<8192x1024xf32, #tpu.memory_space<hbm>> -> memref<8x1024xf32, #tpu.memory_space<hbm>>
      tpu.wait_dma2 semaphore(%dma_wait3A_1658 : memref<!tpu.dma_semaphore, #tpu.memory_space<semaphore_mem>>) src(%dma_wait3A_1660 : memref<8x1024xf32, #tpu.memory_space<hbm>>) dst(%arg18 : memref<8x1024xf32, #tpu.memory_space<vmem>>)
      %mul3A_1661 = arith.constant 8 : i32
      %mul3A_1662 = arith.muli %add3A_1638, %mul3A_1661 : i32
      %add3A_1663 = arith.addi %mul3A_2, %mul3A_1662 : i32
      %dma_wait3A_1664 = arith.constant 0 : i32
      %dma_wait3A_1665 = arith.constant 4 : i32
      %dma_wait3A_1666 = arith.constant 0 : i32
      %dma_wait3A_1667 = tpu.memref_slice %arg2[%dma_wait3A_1664, %add3A_1663, %dma_wait3A_1666] : memref<4x8192x1024xf32, #tpu.memory_space<hbm>> -> memref<1x8x1024xf32, #tpu.memory_space<hbm>>
      %dma_wait3A_1668 = tpu.memref_squeeze %dma_wait3A_1667 : memref<1x8x1024xf32, #tpu.memory_space<hbm>> -> memref<8x1024xf32, #tpu.memory_space<hbm>>
      %dma_wait3A_1669 = tpu.memref_slice %arg20[%dma_wait3A_1665] : memref<12x!tpu.dma_semaphore, #tpu.memory_space<semaphore_mem>> -> memref<1x!tpu.dma_semaphore, #tpu.memory_space<semaphore_mem>>
      %dma_wait3A_1670 = tpu.memref_squeeze %dma_wait3A_1669 : memref<1x!tpu.dma_semaphore, #tpu.memory_space<semaphore_mem>> -> memref<!tpu.dma_semaphore, #tpu.memory_space<semaphore_mem>>
      %dma_wait3A_1671 = arith.constant 0 : i32
      %dma_wait3A_1672 = tpu.memref_slice %arg2[%dma_wait3A_1664, %add3A_1663, %dma_wait3A_1671] : memref<4x8192x1024xf32, #tpu.memory_space<hbm>> -> memref<1x8x1024xf32, #tpu.memory_space<hbm>>
      %dma_wait3A_1673 = tpu.memref_squeeze %dma_wait3A_1672 : memref<1x8x1024xf32, #tpu.memory_space<hbm>> -> memref<8x1024xf32, #tpu.memory_space<hbm>>
      tpu.wait_dma2 semaphore(%dma_wait3A_1670 : memref<!tpu.dma_semaphore, #tpu.memory_space<semaphore_mem>>) src(%dma_wait3A_1673 : memref<8x1024xf32, #tpu.memory_space<hbm>>) dst(%arg9 : memref<8x1024xf32, #tpu.memory_space<vmem>>)
      %sub3A_1674 = arith.constant 1 : i32
      %sub3A_1675 = arith.subi %add3A_1638, %sub3A_1674 : i32
      %mul3A_1676 = arith.constant 8 : i32
      %mul3A_1677 = arith.muli %sub3A_1675, %mul3A_1676 : i32
      %add3A_1678 = arith.addi %mul3A_2, %mul3A_1677 : i32
      %dma_wait3A_1679 = arith.constant 0 : i32
      %dma_wait3A_1680 = arith.constant 0 : i32
      %dma_wait3A_1681 = arith.constant 0 : i32
      %dma_wait3A_1682 = tpu.memref_slice %arg4[%dma_wait3A_1679, %add3A_1678, %dma_wait3A_1681] : memref<4x8192x1024xf32, #tpu.memory_space<hbm>> -> memref<1x8x1024xf32, #tpu.memory_space<hbm>>
      %dma_wait3A_1683 = tpu.memref_squeeze %dma_wait3A_1682 : memref<1x8x1024xf32, #tpu.memory_space<hbm>> -> memref<8x1024xf32, #tpu.memory_space<hbm>>
      %dma_wait3A_1684 = tpu.memref_slice %arg21[%dma_wait3A_1680] : memref<12x!tpu.dma_semaphore, #tpu.memory_space<semaphore_mem>> -> memref<1x!tpu.dma_semaphore, #tpu.memory_space<semaphore_mem>>
      %dma_wait3A_1685 = tpu.memref_squeeze %dma_wait3A_1684 : memref<1x!tpu.dma_semaphore, #tpu.memory_space<semaphore_mem>> -> memref<!tpu.dma_semaphore, #tpu.memory_space<semaphore_mem>>
      %dma_wait3A_1686 = arith.constant 0 : i32
      %dma_wait3A_1687 = tpu.memref_slice %arg4[%dma_wait3A_1679, %add3A_1678, %dma_wait3A_1686] : memref<4x8192x1024xf32, #tpu.memory_space<hbm>> -> memref<1x8x1024xf32, #tpu.memory_space<hbm>>
      %dma_wait3A_1688 = tpu.memref_squeeze %dma_wait3A_1687 : memref<1x8x1024xf32, #tpu.memory_space<hbm>> -> memref<8x1024xf32, #tpu.memory_space<hbm>>
      tpu.wait_dma2 semaphore(%dma_wait3A_1685 : memref<!tpu.dma_semaphore, #tpu.memory_space<semaphore_mem>>) src(%arg5 : memref<8x1024xf32, #tpu.memory_space<vmem>>) dst(%dma_wait3A_1688 : memref<8x1024xf32, #tpu.memory_space<hbm>>)
      %add3A_1689 = arith.constant 2 : i32
      %add3A_1690 = arith.addi %add3A_1638, %add3A_1689 : i32
      %mul3A_1691 = arith.constant 8 : i32
      %mul3A_1692 = arith.muli %add3A_1690, %mul3A_1691 : i32
      %add3A_1693 = arith.addi %mul3A_2, %mul3A_1692 : i32
      %dma_start3A_1694 = arith.constant 0 : i32
      %dma_start3A_1695 = arith.constant 0 : i32
      %dma_start3A_1696 = arith.constant 0 : i32
      %dma_start3A_1697 = tpu.memref_slice %arg2[%dma_start3A_1694, %add3A_1693, %dma_start3A_1696] : memref<4x8192x1024xf32, #tpu.memory_space<hbm>> -> memref<1x8x1024xf32, #tpu.memory_space<hbm>>
      %dma_start3A_1698 = tpu.memref_squeeze %dma_start3A_1697 : memref<1x8x1024xf32, #tpu.memory_space<hbm>> -> memref<8x1024xf32, #tpu.memory_space<hbm>>
      %dma_start3A_1699 = tpu.memref_slice %arg20[%dma_start3A_1695] : memref<12x!tpu.dma_semaphore, #tpu.memory_space<semaphore_mem>> -> memref<1x!tpu.dma_semaphore, #tpu.memory_space<semaphore_mem>>
      %dma_start3A_1700 = tpu.memref_squeeze %dma_start3A_1699 : memref<1x!tpu.dma_semaphore, #tpu.memory_space<semaphore_mem>> -> memref<!tpu.dma_semaphore, #tpu.memory_space<semaphore_mem>>
      %dma_start3A_1701 = arith.constant 0 : i32
      %dma_start3A_1702 = tpu.memref_slice %arg2[%dma_start3A_1694, %add3A_1693, %dma_start3A_1701] : memref<4x8192x1024xf32, #tpu.memory_space<hbm>> -> memref<1x8x1024xf32, #tpu.memory_space<hbm>>
      %dma_start3A_1703 = tpu.memref_squeeze %dma_start3A_1702 : memref<1x8x1024xf32, #tpu.memory_space<hbm>> -> memref<8x1024xf32, #tpu.memory_space<hbm>>
      tpu.enqueue_dma source(%dma_start3A_1703 : memref<8x1024xf32, #tpu.memory_space<hbm>>) target(%arg5 : memref<8x1024xf32, #tpu.memory_space<vmem>>) target_semaphore(%dma_start3A_1700 : memref<!tpu.dma_semaphore, #tpu.memory_space<semaphore_mem>>)
      %parallel_loop3A_1704 = arith.constant 0 : i32
      %parallel_loop3A_1705 = arith.constant 8192 : i32
      %parallel_loop3A_1706 = arith.constant 16 : i32
      scf.for %parallel_loop3A_1897 = %parallel_loop3A_1704 to %parallel_loop3A_1705 step %parallel_loop3A_1706  : i32 {
        %parallel_loop3A_1898 = arith.constant 10 : i32
        %parallel_loop3A_1899 = arith.shrsi %parallel_loop3A_1897, %parallel_loop3A_1898 : i32
        %parallel_loop3A_1900 = arith.constant 1023 : i32
        %parallel_loop3A_1901 = arith.andi %parallel_loop3A_1897, %parallel_loop3A_1900 : i32
        %parallel_loop3A_1902 = tpu.assume_multiple %parallel_loop3A_1901, 16 : i32
        %parallel_loop3A_1903 = arith.index_cast %parallel_loop3A_1899 : i32 to index
        %parallel_loop3A_1904 = arith.index_cast %parallel_loop3A_1902 : i32 to index
        %parallel_loop3A_1905 = tpu.vector_load %arg9[%parallel_loop3A_1903, %parallel_loop3A_1904] {strides = array<i32>} : memref<8x1024xf32, #tpu.memory_space<vmem>>, vector<1x16xf32>,
        %parallel_loop3A_1906 = vector.shape_cast %parallel_loop3A_1905 : vector<1x16xf32> to vector<16xf32>
        %parallel_loop3A_1907 = arith.index_cast %parallel_loop3A_1899 : i32 to index
        %parallel_loop3A_1908 = arith.index_cast %parallel_loop3A_1902 : i32 to index
        %parallel_loop3A_1909 = tpu.vector_load %arg18[%parallel_loop3A_1907, %parallel_loop3A_1908] {strides = array<i32>} : memref<8x1024xf32, #tpu.memory_space<vmem>>, vector<1x16xf32>,
        %parallel_loop3A_1910 = vector.shape_cast %parallel_loop3A_1909 : vector<1x16xf32> to vector<16xf32>
        %parallel_loop3A_1911 = arith.addf %parallel_loop3A_1906, %parallel_loop3A_1910 : vector<16xf32>
        %parallel_loop3A_1912 = arith.index_cast %parallel_loop3A_1899 : i32 to index
        %parallel_loop3A_1913 = arith.index_cast %parallel_loop3A_1902 : i32 to index
        %parallel_loop3A_1914 = tpu.vector_load %arg9[%parallel_loop3A_1912, %parallel_loop3A_1913] {strides = array<i32>} : memref<8x1024xf32, #tpu.memory_space<vmem>>, vector<1x16xf32>,
        %parallel_loop3A_1915 = vector.shape_cast %parallel_loop3A_1914 : vector<1x16xf32> to vector<16xf32>
        %parallel_loop3A_1916 = vector.shape_cast %parallel_loop3A_1911 : vector<16xf32> to vector<1x16xf32>
        tpu.vector_store %arg9[%parallel_loop3A_1912, %parallel_loop3A_1913], %parallel_loop3A_1916 {strides = array<i32>} : memref<8x1024xf32, #tpu.memory_space<vmem>>, vector<1x16xf32>,
      } {sc.loop_unroll_factor = 8 : i64, sc.parallel_access}
      %mul3A_1707 = arith.constant 8 : i32
      %mul3A_1708 = arith.muli %add3A_1638, %mul3A_1707 : i32
      %add3A_1709 = arith.addi %mul3A_2, %mul3A_1708 : i32
      %dma_start3A_1710 = arith.constant 0 : i32
      %dma_start3A_1711 = arith.constant 4 : i32
      %dma_start3A_1712 = arith.constant 0 : i32
      %dma_start3A_1713 = tpu.memref_slice %arg4[%dma_start3A_1710, %add3A_1709, %dma_start3A_1712] : memref<4x8192x1024xf32, #tpu.memory_space<hbm>> -> memref<1x8x1024xf32, #tpu.memory_space<hbm>>
      %dma_start3A_1714 = tpu.memref_squeeze %dma_start3A_1713 : memref<1x8x1024xf32, #tpu.memory_space<hbm>> -> memref<8x1024xf32, #tpu.memory_space<hbm>>
      %dma_start3A_1715 = tpu.memref_slice %arg21[%dma_start3A_1711] : memref<12x!tpu.dma_semaphore, #tpu.memory_space<semaphore_mem>> -> memref<1x!tpu.dma_semaphore, #tpu.memory_space<semaphore_mem>>
      %dma_start3A_1716 = tpu.memref_squeeze %dma_start3A_1715 : memref<1x!tpu.dma_semaphore, #tpu.memory_space<semaphore_mem>> -> memref<!tpu.dma_semaphore, #tpu.memory_space<semaphore_mem>>
      %dma_start3A_1717 = arith.constant 0 : i32
      %dma_start3A_1718 = tpu.memref_slice %arg4[%dma_start3A_1710, %add3A_1709, %dma_start3A_1717] : memref<4x8192x1024xf32, #tpu.memory_space<hbm>> -> memref<1x8x1024xf32, #tpu.memory_space<hbm>>
      %dma_start3A_1719 = tpu.memref_squeeze %dma_start3A_1718 : memref<1x8x1024xf32, #tpu.memory_space<hbm>> -> memref<8x1024xf32, #tpu.memory_space<hbm>>
      tpu.enqueue_dma source(%arg9 : memref<8x1024xf32, #tpu.memory_space<vmem>>) target(%dma_start3A_1719 : memref<8x1024xf32, #tpu.memory_space<hbm>>) target_semaphore(%dma_start3A_1716 : memref<!tpu.dma_semaphore, #tpu.memory_space<semaphore_mem>>)
      %mul3A_1720 = arith.constant 8 : i32
      %mul3A_1721 = arith.muli %add3A_1638, %mul3A_1720 : i32
      %add3A_1722 = arith.addi %mul3A_2, %mul3A_1721 : i32
      %dma_wait3A_1723 = arith.constant 1 : i32
      %dma_wait3A_1724 = arith.constant 5 : i32
      %dma_wait3A_1725 = arith.constant 0 : i32
      %dma_wait3A_1726 = tpu.memref_slice %arg2[%dma_wait3A_1723, %add3A_1722, %dma_wait3A_1725] : memref<4x8192x1024xf32, #tpu.memory_space<hbm>> -> memref<1x8x1024xf32, #tpu.memory_space<hbm>>
      %dma_wait3A_1727 = tpu.memref_squeeze %dma_wait3A_1726 : memref<1x8x1024xf32, #tpu.memory_space<hbm>> -> memref<8x1024xf32, #tpu.memory_space<hbm>>
      %dma_wait3A_1728 = tpu.memref_slice %arg20[%dma_wait3A_1724] : memref<12x!tpu.dma_semaphore, #tpu.memory_space<semaphore_mem>> -> memref<1x!tpu.dma_semaphore, #tpu.memory_space<semaphore_mem>>
      %dma_wait3A_1729 = tpu.memref_squeeze %dma_wait3A_1728 : memref<1x!tpu.dma_semaphore, #tpu.memory_space<semaphore_mem>> -> memref<!tpu.dma_semaphore, #tpu.memory_space<semaphore_mem>>
      %dma_wait3A_1730 = arith.constant 0 : i32
      %dma_wait3A_1731 = tpu.memref_slice %arg2[%dma_wait3A_1723, %add3A_1722, %dma_wait3A_1730] : memref<4x8192x1024xf32, #tpu.memory_space<hbm>> -> memref<1x8x1024xf32, #tpu.memory_space<hbm>>
      %dma_wait3A_1732 = tpu.memref_squeeze %dma_wait3A_1731 : memref<1x8x1024xf32, #tpu.memory_space<hbm>> -> memref<8x1024xf32, #tpu.memory_space<hbm>>
      tpu.wait_dma2 semaphore(%dma_wait3A_1729 : memref<!tpu.dma_semaphore, #tpu.memory_space<semaphore_mem>>) src(%dma_wait3A_1732 : memref<8x1024xf32, #tpu.memory_space<hbm>>) dst(%arg10 : memref<8x1024xf32, #tpu.memory_space<vmem>>)
      %sub3A_1733 = arith.constant 1 : i32
      %sub3A_1734 = arith.subi %add3A_1638, %sub3A_1733 : i32
      %mul3A_1735 = arith.constant 8 : i32
      %mul3A_1736 = arith.muli %sub3A_1734, %mul3A_1735 : i32
      %add3A_1737 = arith.addi %mul3A_2, %mul3A_1736 : i32
      %dma_wait3A_1738 = arith.constant 1 : i32
      %dma_wait3A_1739 = arith.constant 1 : i32
      %dma_wait3A_1740 = arith.constant 0 : i32
      %dma_wait3A_1741 = tpu.memref_slice %arg4[%dma_wait3A_1738, %add3A_1737, %dma_wait3A_1740] : memref<4x8192x1024xf32, #tpu.memory_space<hbm>> -> memref<1x8x1024xf32, #tpu.memory_space<hbm>>
      %dma_wait3A_1742 = tpu.memref_squeeze %dma_wait3A_1741 : memref<1x8x1024xf32, #tpu.memory_space<hbm>> -> memref<8x1024xf32, #tpu.memory_space<hbm>>
      %dma_wait3A_1743 = tpu.memref_slice %arg21[%dma_wait3A_1739] : memref<12x!tpu.dma_semaphore, #tpu.memory_space<semaphore_mem>> -> memref<1x!tpu.dma_semaphore, #tpu.memory_space<semaphore_mem>>
      %dma_wait3A_1744 = tpu.memref_squeeze %dma_wait3A_1743 : memref<1x!tpu.dma_semaphore, #tpu.memory_space<semaphore_mem>> -> memref<!tpu.dma_semaphore, #tpu.memory_space<semaphore_mem>>
      %dma_wait3A_1745 = arith.constant 0 : i32
      %dma_wait3A_1746 = tpu.memref_slice %arg4[%dma_wait3A_1738, %add3A_1737, %dma_wait3A_1745] : memref<4x8192x1024xf32, #tpu.memory_space<hbm>> -> memref<1x8x1024xf32, #tpu.memory_space<hbm>>
      %dma_wait3A_1747 = tpu.memref_squeeze %dma_wait3A_1746 : memref<1x8x1024xf32, #tpu.memory_space<hbm>> -> memref<8x1024xf32, #tpu.memory_space<hbm>>
      tpu.wait_dma2 semaphore(%dma_wait3A_1744 : memref<!tpu.dma_semaphore, #tpu.memory_space<semaphore_mem>>) src(%arg6 : memref<8x1024xf32, #tpu.memory_space<vmem>>) dst(%dma_wait3A_1747 : memref<8x1024xf32, #tpu.memory_space<hbm>>)
      %add3A_1748 = arith.constant 2 : i32
      %add3A_1749 = arith.addi %add3A_1638, %add3A_1748 : i32
      %mul3A_1750 = arith.constant 8 : i32
      %mul3A_1751 = arith.muli %add3A_1749, %mul3A_1750 : i32
      %add3A_1752 = arith.addi %mul3A_2, %mul3A_1751 : i32
      %dma_start3A_1753 = arith.constant 1 : i32
      %dma_start3A_1754 = arith.constant 1 : i32
      %dma_start3A_1755 = arith.constant 0 : i32
      %dma_start3A_1756 = tpu.memref_slice %arg2[%dma_start3A_1753, %add3A_1752, %dma_start3A_1755] : memref<4x8192x1024xf32, #tpu.memory_space<hbm>> -> memref<1x8x1024xf32, #tpu.memory_space<hbm>>
      %dma_start3A_1757 = tpu.memref_squeeze %dma_start3A_1756 : memref<1x8x1024xf32, #tpu.memory_space<hbm>> -> memref<8x1024xf32, #tpu.memory_space<hbm>>
      %dma_start3A_1758 = tpu.memref_slice %arg20[%dma_start3A_1754] : memref<12x!tpu.dma_semaphore, #tpu.memory_space<semaphore_mem>> -> memref<1x!tpu.dma_semaphore, #tpu.memory_space<semaphore_mem>>
      %dma_start3A_1759 = tpu.memref_squeeze %dma_start3A_1758 : memref<1x!tpu.dma_semaphore, #tpu.memory_space<semaphore_mem>> -> memref<!tpu.dma_semaphore, #tpu.memory_space<semaphore_mem>>
      %dma_start3A_1760 = arith.constant 0 : i32
      %dma_start3A_1761 = tpu.memref_slice %arg2[%dma_start3A_1753, %add3A_1752, %dma_start3A_1760] : memref<4x8192x1024xf32, #tpu.memory_space<hbm>> -> memref<1x8x1024xf32, #tpu.memory_space<hbm>>
      %dma_start3A_1762 = tpu.memref_squeeze %dma_start3A_1761 : memref<1x8x1024xf32, #tpu.memory_space<hbm>> -> memref<8x1024xf32, #tpu.memory_space<hbm>>
      tpu.enqueue_dma source(%dma_start3A_1762 : memref<8x1024xf32, #tpu.memory_space<hbm>>) target(%arg6 : memref<8x1024xf32, #tpu.memory_space<vmem>>) target_semaphore(%dma_start3A_1759 : memref<!tpu.dma_semaphore, #tpu.memory_space<semaphore_mem>>)
      %parallel_loop3A_1763 = arith.constant 0 : i32
      %parallel_loop3A_1764 = arith.constant 8192 : i32
      %parallel_loop3A_1765 = arith.constant 16 : i32
      scf.for %parallel_loop3A_1897 = %parallel_loop3A_1763 to %parallel_loop3A_1764 step %parallel_loop3A_1765  : i32 {
        %parallel_loop3A_1898 = arith.constant 10 : i32
        %parallel_loop3A_1899 = arith.shrsi %parallel_loop3A_1897, %parallel_loop3A_1898 : i32
        %parallel_loop3A_1900 = arith.constant 1023 : i32
        %parallel_loop3A_1901 = arith.andi %parallel_loop3A_1897, %parallel_loop3A_1900 : i32
        %parallel_loop3A_1902 = tpu.assume_multiple %parallel_loop3A_1901, 16 : i32
        %parallel_loop3A_1903 = arith.index_cast %parallel_loop3A_1899 : i32 to index
        %parallel_loop3A_1904 = arith.index_cast %parallel_loop3A_1902 : i32 to index
        %parallel_loop3A_1905 = tpu.vector_load %arg10[%parallel_loop3A_1903, %parallel_loop3A_1904] {strides = array<i32>} : memref<8x1024xf32, #tpu.memory_space<vmem>>, vector<1x16xf32>,
        %parallel_loop3A_1906 = vector.shape_cast %parallel_loop3A_1905 : vector<1x16xf32> to vector<16xf32>
        %parallel_loop3A_1907 = arith.index_cast %parallel_loop3A_1899 : i32 to index
        %parallel_loop3A_1908 = arith.index_cast %parallel_loop3A_1902 : i32 to index
        %parallel_loop3A_1909 = tpu.vector_load %arg18[%parallel_loop3A_1907, %parallel_loop3A_1908] {strides = array<i32>} : memref<8x1024xf32, #tpu.memory_space<vmem>>, vector<1x16xf32>,
        %parallel_loop3A_1910 = vector.shape_cast %parallel_loop3A_1909 : vector<1x16xf32> to vector<16xf32>
        %parallel_loop3A_1911 = arith.addf %parallel_loop3A_1906, %parallel_loop3A_1910 : vector<16xf32>
        %parallel_loop3A_1912 = arith.index_cast %parallel_loop3A_1899 : i32 to index
        %parallel_loop3A_1913 = arith.index_cast %parallel_loop3A_1902 : i32 to index
        %parallel_loop3A_1914 = tpu.vector_load %arg10[%parallel_loop3A_1912, %parallel_loop3A_1913] {strides = array<i32>} : memref<8x1024xf32, #tpu.memory_space<vmem>>, vector<1x16xf32>,
        %parallel_loop3A_1915 = vector.shape_cast %parallel_loop3A_1914 : vector<1x16xf32> to vector<16xf32>
        %parallel_loop3A_1916 = vector.shape_cast %parallel_loop3A_1911 : vector<16xf32> to vector<1x16xf32>
        tpu.vector_store %arg10[%parallel_loop3A_1912, %parallel_loop3A_1913], %parallel_loop3A_1916 {strides = array<i32>} : memref<8x1024xf32, #tpu.memory_space<vmem>>, vector<1x16xf32>,
      } {sc.loop_unroll_factor = 8 : i64, sc.parallel_access}
      %mul3A_1766 = arith.constant 8 : i32
      %mul3A_1767 = arith.muli %add3A_1638, %mul3A_1766 : i32
      %add3A_1768 = arith.addi %mul3A_2, %mul3A_1767 : i32
      %dma_start3A_1769 = arith.constant 1 : i32
      %dma_start3A_1770 = arith.constant 5 : i32
      %dma_start3A_1771 = arith.constant 0 : i32
      %dma_start3A_1772 = tpu.memref_slice %arg4[%dma_start3A_1769, %add3A_1768, %dma_start3A_1771] : memref<4x8192x1024xf32, #tpu.memory_space<hbm>> -> memref<1x8x1024xf32, #tpu.memory_space<hbm>>
      %dma_start3A_1773 = tpu.memref_squeeze %dma_start3A_1772 : memref<1x8x1024xf32, #tpu.memory_space<hbm>> -> memref<8x1024xf32, #tpu.memory_space<hbm>>
      %dma_start3A_1774 = tpu.memref_slice %arg21[%dma_start3A_1770] : memref<12x!tpu.dma_semaphore, #tpu.memory_space<semaphore_mem>> -> memref<1x!tpu.dma_semaphore, #tpu.memory_space<semaphore_mem>>
      %dma_start3A_1775 = tpu.memref_squeeze %dma_start3A_1774 : memref<1x!tpu.dma_semaphore, #tpu.memory_space<semaphore_mem>> -> memref<!tpu.dma_semaphore, #tpu.memory_space<semaphore_mem>>
      %dma_start3A_1776 = arith.constant 0 : i32
      %dma_start3A_1777 = tpu.memref_slice %arg4[%dma_start3A_1769, %add3A_1768, %dma_start3A_1776] : memref<4x8192x1024xf32, #tpu.memory_space<hbm>> -> memref<1x8x1024xf32, #tpu.memory_space<hbm>>
      %dma_start3A_1778 = tpu.memref_squeeze %dma_start3A_1777 : memref<1x8x1024xf32, #tpu.memory_space<hbm>> -> memref<8x1024xf32, #tpu.memory_space<hbm>>
      tpu.enqueue_dma source(%arg10 : memref<8x1024xf32, #tpu.memory_space<vmem>>) target(%dma_start3A_1778 : memref<8x1024xf32, #tpu.memory_space<hbm>>) target_semaphore(%dma_start3A_1775 : memref<!tpu.dma_semaphore, #tpu.memory_space<semaphore_mem>>)
      %mul3A_1779 = arith.constant 8 : i32
      %mul3A_1780 = arith.muli %add3A_1638, %mul3A_1779 : i32
      %add3A_1781 = arith.addi %mul3A_2, %mul3A_1780 : i32
      %dma_wait3A_1782 = arith.constant 2 : i32
      %dma_wait3A_1783 = arith.constant 6 : i32
      %dma_wait3A_1784 = arith.constant 0 : i32
      %dma_wait3A_1785 = tpu.memref_slice %arg2[%dma_wait3A_1782, %add3A_1781, %dma_wait3A_1784] : memref<4x8192x1024xf32, #tpu.memory_space<hbm>> -> memref<1x8x1024xf32, #tpu.memory_space<hbm>>
      %dma_wait3A_1786 = tpu.memref_squeeze %dma_wait3A_1785 : memref<1x8x1024xf32, #tpu.memory_space<hbm>> -> memref<8x1024xf32, #tpu.memory_space<hbm>>
      %dma_wait3A_1787 = tpu.memref_slice %arg20[%dma_wait3A_1783] : memref<12x!tpu.dma_semaphore, #tpu.memory_space<semaphore_mem>> -> memref<1x!tpu.dma_semaphore, #tpu.memory_space<semaphore_mem>>
      %dma_wait3A_1788 = tpu.memref_squeeze %dma_wait3A_1787 : memref<1x!tpu.dma_semaphore, #tpu.memory_space<semaphore_mem>> -> memref<!tpu.dma_semaphore, #tpu.memory_space<semaphore_mem>>
      %dma_wait3A_1789 = arith.constant 0 : i32
      %dma_wait3A_1790 = tpu.memref_slice %arg2[%dma_wait3A_1782, %add3A_1781, %dma_wait3A_1789] : memref<4x8192x1024xf32, #tpu.memory_space<hbm>> -> memref<1x8x1024xf32, #tpu.memory_space<hbm>>
      %dma_wait3A_1791 = tpu.memref_squeeze %dma_wait3A_1790 : memref<1x8x1024xf32, #tpu.memory_space<hbm>> -> memref<8x1024xf32, #tpu.memory_space<hbm>>
      tpu.wait_dma2 semaphore(%dma_wait3A_1788 : memref<!tpu.dma_semaphore, #tpu.memory_space<semaphore_mem>>) src(%dma_wait3A_1791 : memref<8x1024xf32, #tpu.memory_space<hbm>>) dst(%arg11 : memref<8x1024xf32, #tpu.memory_space<vmem>>)
      %sub3A_1792 = arith.constant 1 : i32
      %sub3A_1793 = arith.subi %add3A_1638, %sub3A_1792 : i32
      %mul3A_1794 = arith.constant 8 : i32
      %mul3A_1795 = arith.muli %sub3A_1793, %mul3A_1794 : i32
      %add3A_1796 = arith.addi %mul3A_2, %mul3A_1795 : i32
      %dma_wait3A_1797 = arith.constant 2 : i32
      %dma_wait3A_1798 = arith.constant 2 : i32
      %dma_wait3A_1799 = arith.constant 0 : i32
      %dma_wait3A_1800 = tpu.memref_slice %arg4[%dma_wait3A_1797, %add3A_1796, %dma_wait3A_1799] : memref<4x8192x1024xf32, #tpu.memory_space<hbm>> -> memref<1x8x1024xf32, #tpu.memory_space<hbm>>
      %dma_wait3A_1801 = tpu.memref_squeeze %dma_wait3A_1800 : memref<1x8x1024xf32, #tpu.memory_space<hbm>> -> memref<8x1024xf32, #tpu.memory_space<hbm>>
      %dma_wait3A_1802 = tpu.memref_slice %arg21[%dma_wait3A_1798] : memref<12x!tpu.dma_semaphore, #tpu.memory_space<semaphore_mem>> -> memref<1x!tpu.dma_semaphore, #tpu.memory_space<semaphore_mem>>
      %dma_wait3A_1803 = tpu.memref_squeeze %dma_wait3A_1802 : memref<1x!tpu.dma_semaphore, #tpu.memory_space<semaphore_mem>> -> memref<!tpu.dma_semaphore, #tpu.memory_space<semaphore_mem>>
      %dma_wait3A_1804 = arith.constant 0 : i32
      %dma_wait3A_1805 = tpu.memref_slice %arg4[%dma_wait3A_1797, %add3A_1796, %dma_wait3A_1804] : memref<4x8192x1024xf32, #tpu.memory_space<hbm>> -> memref<1x8x1024xf32, #tpu.memory_space<hbm>>
      %dma_wait3A_1806 = tpu.memref_squeeze %dma_wait3A_1805 : memref<1x8x1024xf32, #tpu.memory_space<hbm>> -> memref<8x1024xf32, #tpu.memory_space<hbm>>
      tpu.wait_dma2 semaphore(%dma_wait3A_1803 : memref<!tpu.dma_semaphore, #tpu.memory_space<semaphore_mem>>) src(%arg7 : memref<8x1024xf32, #tpu.memory_space<vmem>>) dst(%dma_wait3A_1806 : memref<8x1024xf32, #tpu.memory_space<hbm>>)
      %add3A_1807 = arith.constant 2 : i32
      %add3A_1808 = arith.addi %add3A_1638, %add3A_1807 : i32
      %mul3A_1809 = arith.constant 8 : i32
      %mul3A_1810 = arith.muli %add3A_1808, %mul3A_1809 : i32
      %add3A_1811 = arith.addi %mul3A_2, %mul3A_1810 : i32
      %dma_start3A_1812 = arith.constant 2 : i32
      %dma_start3A_1813 = arith.constant 2 : i32
      %dma_start3A_1814 = arith.constant 0 : i32
      %dma_start3A_1815 = tpu.memref_slice %arg2[%dma_start3A_1812, %add3A_1811, %dma_start3A_1814] : memref<4x8192x1024xf32, #tpu.memory_space<hbm>> -> memref<1x8x1024xf32, #tpu.memory_space<hbm>>
      %dma_start3A_1816 = tpu.memref_squeeze %dma_start3A_1815 : memref<1x8x1024xf32, #tpu.memory_space<hbm>> -> memref<8x1024xf32, #tpu.memory_space<hbm>>
      %dma_start3A_1817 = tpu.memref_slice %arg20[%dma_start3A_1813] : memref<12x!tpu.dma_semaphore, #tpu.memory_space<semaphore_mem>> -> memref<1x!tpu.dma_semaphore, #tpu.memory_space<semaphore_mem>>
      %dma_start3A_1818 = tpu.memref_squeeze %dma_start3A_1817 : memref<1x!tpu.dma_semaphore, #tpu.memory_space<semaphore_mem>> -> memref<!tpu.dma_semaphore, #tpu.memory_space<semaphore_mem>>
      %dma_start3A_1819 = arith.constant 0 : i32
      %dma_start3A_1820 = tpu.memref_slice %arg2[%dma_start3A_1812, %add3A_1811, %dma_start3A_1819] : memref<4x8192x1024xf32, #tpu.memory_space<hbm>> -> memref<1x8x1024xf32, #tpu.memory_space<hbm>>
      %dma_start3A_1821 = tpu.memref_squeeze %dma_start3A_1820 : memref<1x8x1024xf32, #tpu.memory_space<hbm>> -> memref<8x1024xf32, #tpu.memory_space<hbm>>
      tpu.enqueue_dma source(%dma_start3A_1821 : memref<8x1024xf32, #tpu.memory_space<hbm>>) target(%arg7 : memref<8x1024xf32, #tpu.memory_space<vmem>>) target_semaphore(%dma_start3A_1818 : memref<!tpu.dma_semaphore, #tpu.memory_space<semaphore_mem>>)
      %parallel_loop3A_1822 = arith.constant 0 : i32
      %parallel_loop3A_1823 = arith.constant 8192 : i32
      %parallel_loop3A_1824 = arith.constant 16 : i32
      scf.for %parallel_loop3A_1897 = %parallel_loop3A_1822 to %parallel_loop3A_1823 step %parallel_loop3A_1824  : i32 {
        %parallel_loop3A_1898 = arith.constant 10 : i32
        %parallel_loop3A_1899 = arith.shrsi %parallel_loop3A_1897, %parallel_loop3A_1898 : i32
        %parallel_loop3A_1900 = arith.constant 1023 : i32
        %parallel_loop3A_1901 = arith.andi %parallel_loop3A_1897, %parallel_loop3A_1900 : i32
        %parallel_loop3A_1902 = tpu.assume_multiple %parallel_loop3A_1901, 16 : i32
        %parallel_loop3A_1903 = arith.index_cast %parallel_loop3A_1899 : i32 to index
        %parallel_loop3A_1904 = arith.index_cast %parallel_loop3A_1902 : i32 to index
        %parallel_loop3A_1905 = tpu.vector_load %arg11[%parallel_loop3A_1903, %parallel_loop3A_1904] {strides = array<i32>} : memref<8x1024xf32, #tpu.memory_space<vmem>>, vector<1x16xf32>,
        %parallel_loop3A_1906 = vector.shape_cast %parallel_loop3A_1905 : vector<1x16xf32> to vector<16xf32>
        %parallel_loop3A_1907 = arith.index_cast %parallel_loop3A_1899 : i32 to index
        %parallel_loop3A_1908 = arith.index_cast %parallel_loop3A_1902 : i32 to index
        %parallel_loop3A_1909 = tpu.vector_load %arg18[%parallel_loop3A_1907, %parallel_loop3A_1908] {strides = array<i32>} : memref<8x1024xf32, #tpu.memory_space<vmem>>, vector<1x16xf32>,
        %parallel_loop3A_1910 = vector.shape_cast %parallel_loop3A_1909 : vector<1x16xf32> to vector<16xf32>
        %parallel_loop3A_1911 = arith.addf %parallel_loop3A_1906, %parallel_loop3A_1910 : vector<16xf32>
        %parallel_loop3A_1912 = arith.index_cast %parallel_loop3A_1899 : i32 to index
        %parallel_loop3A_1913 = arith.index_cast %parallel_loop3A_1902 : i32 to index
        %parallel_loop3A_1914 = tpu.vector_load %arg11[%parallel_loop3A_1912, %parallel_loop3A_1913] {strides = array<i32>} : memref<8x1024xf32, #tpu.memory_space<vmem>>, vector<1x16xf32>,
        %parallel_loop3A_1915 = vector.shape_cast %parallel_loop3A_1914 : vector<1x16xf32> to vector<16xf32>
        %parallel_loop3A_1916 = vector.shape_cast %parallel_loop3A_1911 : vector<16xf32> to vector<1x16xf32>
        tpu.vector_store %arg11[%parallel_loop3A_1912, %parallel_loop3A_1913], %parallel_loop3A_1916 {strides = array<i32>} : memref<8x1024xf32, #tpu.memory_space<vmem>>, vector<1x16xf32>,
      } {sc.loop_unroll_factor = 8 : i64, sc.parallel_access}
      %mul3A_1825 = arith.constant 8 : i32
      %mul3A_1826 = arith.muli %add3A_1638, %mul3A_1825 : i32
      %add3A_1827 = arith.addi %mul3A_2, %mul3A_1826 : i32
      %dma_start3A_1828 = arith.constant 2 : i32
      %dma_start3A_1829 = arith.constant 6 : i32
      %dma_start3A_1830 = arith.constant 0 : i32
      %dma_start3A_1831 = tpu.memref_slice %arg4[%dma_start3A_1828, %add3A_1827, %dma_start3A_1830] : memref<4x8192x1024xf32, #tpu.memory_space<hbm>> -> memref<1x8x1024xf32, #tpu.memory_space<hbm>>
      %dma_start3A_1832 = tpu.memref_squeeze %dma_start3A_1831 : memref<1x8x1024xf32, #tpu.memory_space<hbm>> -> memref<8x1024xf32, #tpu.memory_space<hbm>>
      %dma_start3A_1833 = tpu.memref_slice %arg21[%dma_start3A_1829] : memref<12x!tpu.dma_semaphore, #tpu.memory_space<semaphore_mem>> -> memref<1x!tpu.dma_semaphore, #tpu.memory_space<semaphore_mem>>
      %dma_start3A_1834 = tpu.memref_squeeze %dma_start3A_1833 : memref<1x!tpu.dma_semaphore, #tpu.memory_space<semaphore_mem>> -> memref<!tpu.dma_semaphore, #tpu.memory_space<semaphore_mem>>
      %dma_start3A_1835 = arith.constant 0 : i32
      %dma_start3A_1836 = tpu.memref_slice %arg4[%dma_start3A_1828, %add3A_1827, %dma_start3A_1835] : memref<4x8192x1024xf32, #tpu.memory_space<hbm>> -> memref<1x8x1024xf32, #tpu.memory_space<hbm>>
      %dma_start3A_1837 = tpu.memref_squeeze %dma_start3A_1836 : memref<1x8x1024xf32, #tpu.memory_space<hbm>> -> memref<8x1024xf32, #tpu.memory_space<hbm>>
      tpu.enqueue_dma source(%arg11 : memref<8x1024xf32, #tpu.memory_space<vmem>>) target(%dma_start3A_1837 : memref<8x1024xf32, #tpu.memory_space<hbm>>) target_semaphore(%dma_start3A_1834 : memref<!tpu.dma_semaphore, #tpu.memory_space<semaphore_mem>>)
      %mul3A_1838 = arith.constant 8 : i32
      %mul3A_1839 = arith.muli %add3A_1638, %mul3A_1838 : i32
      %add3A_1840 = arith.addi %mul3A_2, %mul3A_1839 : i32
      %dma_wait3A_1841 = arith.constant 3 : i32
      %dma_wait3A_1842 = arith.constant 7 : i32
      %dma_wait3A_1843 = arith.constant 0 : i32
      %dma_wait3A_1844 = tpu.memref_slice %arg2[%dma_wait3A_1841, %add3A_1840, %dma_wait3A_1843] : memref<4x8192x1024xf32, #tpu.memory_space<hbm>> -> memref<1x8x1024xf32, #tpu.memory_space<hbm>>
      %dma_wait3A_1845 = tpu.memref_squeeze %dma_wait3A_1844 : memref<1x8x1024xf32, #tpu.memory_space<hbm>> -> memref<8x1024xf32, #tpu.memory_space<hbm>>
      %dma_wait3A_1846 = tpu.memref_slice %arg20[%dma_wait3A_1842] : memref<12x!tpu.dma_semaphore, #tpu.memory_space<semaphore_mem>> -> memref<1x!tpu.dma_semaphore, #tpu.memory_space<semaphore_mem>>
      %dma_wait3A_1847 = tpu.memref_squeeze %dma_wait3A_1846 : memref<1x!tpu.dma_semaphore, #tpu.memory_space<semaphore_mem>> -> memref<!tpu.dma_semaphore, #tpu.memory_space<semaphore_mem>>
      %dma_wait3A_1848 = arith.constant 0 : i32
      %dma_wait3A_1849 = tpu.memref_slice %arg2[%dma_wait3A_1841, %add3A_1840, %dma_wait3A_1848] : memref<4x8192x1024xf32, #tpu.memory_space<hbm>> -> memref<1x8x1024xf32, #tpu.memory_space<hbm>>
      %dma_wait3A_1850 = tpu.memref_squeeze %dma_wait3A_1849 : memref<1x8x1024xf32, #tpu.memory_space<hbm>> -> memref<8x1024xf32, #tpu.memory_space<hbm>>
      tpu.wait_dma2 semaphore(%dma_wait3A_1847 : memref<!tpu.dma_semaphore, #tpu.memory_space<semaphore_mem>>) src(%dma_wait3A_1850 : memref<8x1024xf32, #tpu.memory_space<hbm>>) dst(%arg12 : memref<8x1024xf32, #tpu.memory_space<vmem>>)
      %sub3A_1851 = arith.constant 1 : i32
      %sub3A_1852 = arith.subi %add3A_1638, %sub3A_1851 : i32
      %mul3A_1853 = arith.constant 8 : i32
      %mul3A_1854 = arith.muli %sub3A_1852, %mul3A_1853 : i32
      %add3A_1855 = arith.addi %mul3A_2, %mul3A_1854 : i32
      %dma_wait3A_1856 = arith.constant 3 : i32
      %dma_wait3A_1857 = arith.constant 3 : i32
      %dma_wait3A_1858 = arith.constant 0 : i32
      %dma_wait3A_1859 = tpu.memref_slice %arg4[%dma_wait3A_1856, %add3A_1855, %dma_wait3A_1858] : memref<4x8192x1024xf32, #tpu.memory_space<hbm>> -> memref<1x8x1024xf32, #tpu.memory_space<hbm>>
      %dma_wait3A_1860 = tpu.memref_squeeze %dma_wait3A_1859 : memref<1x8x1024xf32, #tpu.memory_space<hbm>> -> memref<8x1024xf32, #tpu.memory_space<hbm>>
      %dma_wait3A_1861 = tpu.memref_slice %arg21[%dma_wait3A_1857] : memref<12x!tpu.dma_semaphore, #tpu.memory_space<semaphore_mem>> -> memref<1x!tpu.dma_semaphore, #tpu.memory_space<semaphore_mem>>
      %dma_wait3A_1862 = tpu.memref_squeeze %dma_wait3A_1861 : memref<1x!tpu.dma_semaphore, #tpu.memory_space<semaphore_mem>> -> memref<!tpu.dma_semaphore, #tpu.memory_space<semaphore_mem>>
      %dma_wait3A_1863 = arith.constant 0 : i32
      %dma_wait3A_1864 = tpu.memref_slice %arg4[%dma_wait3A_1856, %add3A_1855, %dma_wait3A_1863] : memref<4x8192x1024xf32, #tpu.memory_space<hbm>> -> memref<1x8x1024xf32, #tpu.memory_space<hbm>>
      %dma_wait3A_1865 = tpu.memref_squeeze %dma_wait3A_1864 : memref<1x8x1024xf32, #tpu.memory_space<hbm>> -> memref<8x1024xf32, #tpu.memory_space<hbm>>
      tpu.wait_dma2 semaphore(%dma_wait3A_1862 : memref<!tpu.dma_semaphore, #tpu.memory_space<semaphore_mem>>) src(%arg8 : memref<8x1024xf32, #tpu.memory_space<vmem>>) dst(%dma_wait3A_1865 : memref<8x1024xf32, #tpu.memory_space<hbm>>)
      %add3A_1866 = arith.constant 2 : i32
      %add3A_1867 = arith.addi %add3A_1638, %add3A_1866 : i32
      %mul3A_1868 = arith.constant 8 : i32
      %mul3A_1869 = arith.muli %add3A_1867, %mul3A_1868 : i32
      %add3A_1870 = arith.addi %mul3A_2, %mul3A_1869 : i32
      %dma_start3A_1871 = arith.constant 3 : i32
      %dma_start3A_1872 = arith.constant 3 : i32
      %dma_start3A_1873 = arith.constant 0 : i32
      %dma_start3A_1874 = tpu.memref_slice %arg2[%dma_start3A_1871, %add3A_1870, %dma_start3A_1873] : memref<4x8192x1024xf32, #tpu.memory_space<hbm>> -> memref<1x8x1024xf32, #tpu.memory_space<hbm>>
      %dma_start3A_1875 = tpu.memref_squeeze %dma_start3A_1874 : memref<1x8x1024xf32, #tpu.memory_space<hbm>> -> memref<8x1024xf32, #tpu.memory_space<hbm>>
      %dma_start3A_1876 = tpu.memref_slice %arg20[%dma_start3A_1872] : memref<12x!tpu.dma_semaphore, #tpu.memory_space<semaphore_mem>> -> memref<1x!tpu.dma_semaphore, #tpu.memory_space<semaphore_mem>>
      %dma_start3A_1877 = tpu.memref_squeeze %dma_start3A_1876 : memref<1x!tpu.dma_semaphore, #tpu.memory_space<semaphore_mem>> -> memref<!tpu.dma_semaphore, #tpu.memory_space<semaphore_mem>>
      %dma_start3A_1878 = arith.constant 0 : i32
      %dma_start3A_1879 = tpu.memref_slice %arg2[%dma_start3A_1871, %add3A_1870, %dma_start3A_1878] : memref<4x8192x1024xf32, #tpu.memory_space<hbm>> -> memref<1x8x1024xf32, #tpu.memory_space<hbm>>
      %dma_start3A_1880 = tpu.memref_squeeze %dma_start3A_1879 : memref<1x8x1024xf32, #tpu.memory_space<hbm>> -> memref<8x1024xf32, #tpu.memory_space<hbm>>
      tpu.enqueue_dma source(%dma_start3A_1880 : memref<8x1024xf32, #tpu.memory_space<hbm>>) target(%arg8 : memref<8x1024xf32, #tpu.memory_space<vmem>>) target_semaphore(%dma_start3A_1877 : memref<!tpu.dma_semaphore, #tpu.memory_space<semaphore_mem>>)
      %parallel_loop3A_1881 = arith.constant 0 : i32
      %parallel_loop3A_1882 = arith.constant 8192 : i32
      %parallel_loop3A_1883 = arith.constant 16 : i32
      scf.for %parallel_loop3A_1897 = %parallel_loop3A_1881 to %parallel_loop3A_1882 step %parallel_loop3A_1883  : i32 {
        %parallel_loop3A_1898 = arith.constant 10 : i32
        %parallel_loop3A_1899 = arith.shrsi %parallel_loop3A_1897, %parallel_loop3A_1898 : i32
        %parallel_loop3A_1900 = arith.constant 1023 : i32
        %parallel_loop3A_1901 = arith.andi %parallel_loop3A_1897, %parallel_loop3A_1900 : i32
        %parallel_loop3A_1902 = tpu.assume_multiple %parallel_loop3A_1901, 16 : i32
        %parallel_loop3A_1903 = arith.index_cast %parallel_loop3A_1899 : i32 to index
        %parallel_loop3A_1904 = arith.index_cast %parallel_loop3A_1902 : i32 to index
        %parallel_loop3A_1905 = tpu.vector_load %arg12[%parallel_loop3A_1903, %parallel_loop3A_1904] {strides = array<i32>} : memref<8x1024xf32, #tpu.memory_space<vmem>>, vector<1x16xf32>,
        %parallel_loop3A_1906 = vector.shape_cast %parallel_loop3A_1905 : vector<1x16xf32> to vector<16xf32>
        %parallel_loop3A_1907 = arith.index_cast %parallel_loop3A_1899 : i32 to index
        %parallel_loop3A_1908 = arith.index_cast %parallel_loop3A_1902 : i32 to index
        %parallel_loop3A_1909 = tpu.vector_load %arg18[%parallel_loop3A_1907, %parallel_loop3A_1908] {strides = array<i32>} : memref<8x1024xf32, #tpu.memory_space<vmem>>, vector<1x16xf32>,
        %parallel_loop3A_1910 = vector.shape_cast %parallel_loop3A_1909 : vector<1x16xf32> to vector<16xf32>
        %parallel_loop3A_1911 = arith.addf %parallel_loop3A_1906, %parallel_loop3A_1910 : vector<16xf32>
        %parallel_loop3A_1912 = arith.index_cast %parallel_loop3A_1899 : i32 to index
        %parallel_loop3A_1913 = arith.index_cast %parallel_loop3A_1902 : i32 to index
        %parallel_loop3A_1914 = tpu.vector_load %arg12[%parallel_loop3A_1912, %parallel_loop3A_1913] {strides = array<i32>} : memref<8x1024xf32, #tpu.memory_space<vmem>>, vector<1x16xf32>,
        %parallel_loop3A_1915 = vector.shape_cast %parallel_loop3A_1914 : vector<1x16xf32> to vector<16xf32>
        %parallel_loop3A_1916 = vector.shape_cast %parallel_loop3A_1911 : vector<16xf32> to vector<1x16xf32>
        tpu.vector_store %arg12[%parallel_loop3A_1912, %parallel_loop3A_1913], %parallel_loop3A_1916 {strides = array<i32>} : memref<8x1024xf32, #tpu.memory_space<vmem>>, vector<1x16xf32>,
      } {sc.loop_unroll_factor = 8 : i64, sc.parallel_access}
      %mul3A_1884 = arith.constant 8 : i32
      %mul3A_1885 = arith.muli %add3A_1638, %mul3A_1884 : i32
      %add3A_1886 = arith.addi %mul3A_2, %mul3A_1885 : i32
      %dma_start3A_1887 = arith.constant 3 : i32
      %dma_start3A_1888 = arith.constant 7 : i32
      %dma_start3A_1889 = arith.constant 0 : i32
      %dma_start3A_1890 = tpu.memref_slice %arg4[%dma_start3A_1887, %add3A_1886, %dma_start3A_1889] : memref<4x8192x1024xf32, #tpu.memory_space<hbm>> -> memref<1x8x1024xf32, #tpu.memory_space<hbm>>
      %dma_start3A_1891 = tpu.memref_squeeze %dma_start3A_1890 : memref<1x8x1024xf32, #tpu.memory_space<hbm>> -> memref<8x1024xf32, #tpu.memory_space<hbm>>
      %dma_start3A_1892 = tpu.memref_slice %arg21[%dma_start3A_1888] : memref<12x!tpu.dma_semaphore, #tpu.memory_space<semaphore_mem>> -> memref<1x!tpu.dma_semaphore, #tpu.memory_space<semaphore_mem>>
      %dma_start3A_1893 = tpu.memref_squeeze %dma_start3A_1892 : memref<1x!tpu.dma_semaphore, #tpu.memory_space<semaphore_mem>> -> memref<!tpu.dma_semaphore, #tpu.memory_space<semaphore_mem>>
      %dma_start3A_1894 = arith.constant 0 : i32
      %dma_start3A_1895 = tpu.memref_slice %arg4[%dma_start3A_1887, %add3A_1886, %dma_start3A_1894] : memref<4x8192x1024xf32, #tpu.memory_space<hbm>> -> memref<1x8x1024xf32, #tpu.memory_space<hbm>>
      %dma_start3A_1896 = tpu.memref_squeeze %dma_start3A_1895 : memref<1x8x1024xf32, #tpu.memory_space<hbm>> -> memref<8x1024xf32, #tpu.memory_space<hbm>>
      tpu.enqueue_dma source(%arg12 : memref<8x1024xf32, #tpu.memory_space<vmem>>) target(%dma_start3A_1896 : memref<8x1024xf32, #tpu.memory_space<hbm>>) target_semaphore(%dma_start3A_1893 : memref<!tpu.dma_semaphore, #tpu.memory_space<semaphore_mem>>)
    }
    %scan3A_514 = arith.constant 9 : i32
    %add3A_515 = arith.constant 248 : i32
    %add3A_516 = arith.addi %mul3A_2, %add3A_515 : i32
    %dma_start3A_517 = arith.constant 1 : i32
    %dma_start3A_518 = arith.constant 0 : i32
    %dma_start3A_519 = tpu.memref_slice %arg3[%add3A_516, %dma_start3A_518] : memref<8192x1024xf32, #tpu.memory_space<hbm>> -> memref<8x1024xf32, #tpu.memory_space<hbm>>
    %dma_start3A_520 = tpu.memref_slice %arg22[%dma_start3A_517] : memref<3x!tpu.dma_semaphore, #tpu.memory_space<semaphore_mem>> -> memref<1x!tpu.dma_semaphore, #tpu.memory_space<semaphore_mem>>
    %dma_start3A_521 = tpu.memref_squeeze %dma_start3A_520 : memref<1x!tpu.dma_semaphore, #tpu.memory_space<semaphore_mem>> -> memref<!tpu.dma_semaphore, #tpu.memory_space<semaphore_mem>>
    %dma_start3A_522 = arith.constant 0 : i32
    %dma_start3A_523 = tpu.memref_slice %arg3[%add3A_516, %dma_start3A_522] : memref<8192x1024xf32, #tpu.memory_space<hbm>> -> memref<8x1024xf32, #tpu.memory_space<hbm>>
    tpu.enqueue_dma source(%dma_start3A_523 : memref<8x1024xf32, #tpu.memory_space<hbm>>) target(%arg18 : memref<8x1024xf32, #tpu.memory_space<vmem>>) target_semaphore(%dma_start3A_521 : memref<!tpu.dma_semaphore, #tpu.memory_space<semaphore_mem>>)
    %add3A_524 = arith.constant 232 : i32
    %add3A_525 = arith.addi %mul3A_2, %add3A_524 : i32
    %dma_wait3A_526 = arith.constant 2 : i32
    %dma_wait3A_527 = arith.constant 0 : i32
    %dma_wait3A_528 = tpu.memref_slice %arg3[%add3A_525, %dma_wait3A_527] : memref<8192x1024xf32, #tpu.memory_space<hbm>> -> memref<8x1024xf32, #tpu.memory_space<hbm>>
    %dma_wait3A_529 = tpu.memref_slice %arg22[%dma_wait3A_526] : memref<3x!tpu.dma_semaphore, #tpu.memory_space<semaphore_mem>> -> memref<1x!tpu.dma_semaphore, #tpu.memory_space<semaphore_mem>>
    %dma_wait3A_530 = tpu.memref_squeeze %dma_wait3A_529 : memref<1x!tpu.dma_semaphore, #tpu.memory_space<semaphore_mem>> -> memref<!tpu.dma_semaphore, #tpu.memory_space<semaphore_mem>>
    %dma_wait3A_531 = arith.constant 0 : i32
    %dma_wait3A_532 = tpu.memref_slice %arg3[%add3A_525, %dma_wait3A_531] : memref<8192x1024xf32, #tpu.memory_space<hbm>> -> memref<8x1024xf32, #tpu.memory_space<hbm>>
    tpu.wait_dma2 semaphore(%dma_wait3A_530 : memref<!tpu.dma_semaphore, #tpu.memory_space<semaphore_mem>>) src(%dma_wait3A_532 : memref<8x1024xf32, #tpu.memory_space<hbm>>) dst(%arg19 : memref<8x1024xf32, #tpu.memory_space<vmem>>)
    %add3A_533 = arith.constant 232 : i32
    %add3A_534 = arith.addi %mul3A_2, %add3A_533 : i32
    %dma_wait3A_535 = arith.constant 0 : i32
    %dma_wait3A_536 = arith.constant 8 : i32
    %dma_wait3A_537 = arith.constant 0 : i32
    %dma_wait3A_538 = tpu.memref_slice %arg2[%dma_wait3A_535, %add3A_534, %dma_wait3A_537] : memref<4x8192x1024xf32, #tpu.memory_space<hbm>> -> memref<1x8x1024xf32, #tpu.memory_space<hbm>>
    %dma_wait3A_539 = tpu.memref_squeeze %dma_wait3A_538 : memref<1x8x1024xf32, #tpu.memory_space<hbm>> -> memref<8x1024xf32, #tpu.memory_space<hbm>>
    %dma_wait3A_540 = tpu.memref_slice %arg20[%dma_wait3A_536] : memref<12x!tpu.dma_semaphore, #tpu.memory_space<semaphore_mem>> -> memref<1x!tpu.dma_semaphore, #tpu.memory_space<semaphore_mem>>
    %dma_wait3A_541 = tpu.memref_squeeze %dma_wait3A_540 : memref<1x!tpu.dma_semaphore, #tpu.memory_space<semaphore_mem>> -> memref<!tpu.dma_semaphore, #tpu.memory_space<semaphore_mem>>
    %dma_wait3A_542 = arith.constant 0 : i32
    %dma_wait3A_543 = tpu.memref_slice %arg2[%dma_wait3A_535, %add3A_534, %dma_wait3A_542] : memref<4x8192x1024xf32, #tpu.memory_space<hbm>> -> memref<1x8x1024xf32, #tpu.memory_space<hbm>>
    %dma_wait3A_544 = tpu.memref_squeeze %dma_wait3A_543 : memref<1x8x1024xf32, #tpu.memory_space<hbm>> -> memref<8x1024xf32, #tpu.memory_space<hbm>>
    tpu.wait_dma2 semaphore(%dma_wait3A_541 : memref<!tpu.dma_semaphore, #tpu.memory_space<semaphore_mem>>) src(%dma_wait3A_544 : memref<8x1024xf32, #tpu.memory_space<hbm>>) dst(%arg13 : memref<8x1024xf32, #tpu.memory_space<vmem>>)
    %add3A_545 = arith.constant 224 : i32
    %add3A_546 = arith.addi %mul3A_2, %add3A_545 : i32
    %dma_wait3A_547 = arith.constant 0 : i32
    %dma_wait3A_548 = arith.constant 4 : i32
    %dma_wait3A_549 = arith.constant 0 : i32
    %dma_wait3A_550 = tpu.memref_slice %arg4[%dma_wait3A_547, %add3A_546, %dma_wait3A_549] : memref<4x8192x1024xf32, #tpu.memory_space<hbm>> -> memref<1x8x1024xf32, #tpu.memory_space<hbm>>
    %dma_wait3A_551 = tpu.memref_squeeze %dma_wait3A_550 : memref<1x8x1024xf32, #tpu.memory_space<hbm>> -> memref<8x1024xf32, #tpu.memory_space<hbm>>
    %dma_wait3A_552 = tpu.memref_slice %arg21[%dma_wait3A_548] : memref<12x!tpu.dma_semaphore, #tpu.memory_space<semaphore_mem>> -> memref<1x!tpu.dma_semaphore, #tpu.memory_space<semaphore_mem>>
    %dma_wait3A_553 = tpu.memref_squeeze %dma_wait3A_552 : memref<1x!tpu.dma_semaphore, #tpu.memory_space<semaphore_mem>> -> memref<!tpu.dma_semaphore, #tpu.memory_space<semaphore_mem>>
    %dma_wait3A_554 = arith.constant 0 : i32
    %dma_wait3A_555 = tpu.memref_slice %arg4[%dma_wait3A_547, %add3A_546, %dma_wait3A_554] : memref<4x8192x1024xf32, #tpu.memory_space<hbm>> -> memref<1x8x1024xf32, #tpu.memory_space<hbm>>
    %dma_wait3A_556 = tpu.memref_squeeze %dma_wait3A_555 : memref<1x8x1024xf32, #tpu.memory_space<hbm>> -> memref<8x1024xf32, #tpu.memory_space<hbm>>
    tpu.wait_dma2 semaphore(%dma_wait3A_553 : memref<!tpu.dma_semaphore, #tpu.memory_space<semaphore_mem>>) src(%arg9 : memref<8x1024xf32, #tpu.memory_space<vmem>>) dst(%dma_wait3A_556 : memref<8x1024xf32, #tpu.memory_space<hbm>>)
    %add3A_557 = arith.constant 248 : i32
    %add3A_558 = arith.addi %mul3A_2, %add3A_557 : i32
    %dma_start3A_559 = arith.constant 0 : i32
    %dma_start3A_560 = arith.constant 4 : i32
    %dma_start3A_561 = arith.constant 0 : i32
    %dma_start3A_562 = tpu.memref_slice %arg2[%dma_start3A_559, %add3A_558, %dma_start3A_561] : memref<4x8192x1024xf32, #tpu.memory_space<hbm>> -> memref<1x8x1024xf32, #tpu.memory_space<hbm>>
    %dma_start3A_563 = tpu.memref_squeeze %dma_start3A_562 : memref<1x8x1024xf32, #tpu.memory_space<hbm>> -> memref<8x1024xf32, #tpu.memory_space<hbm>>
    %dma_start3A_564 = tpu.memref_slice %arg20[%dma_start3A_560] : memref<12x!tpu.dma_semaphore, #tpu.memory_space<semaphore_mem>> -> memref<1x!tpu.dma_semaphore, #tpu.memory_space<semaphore_mem>>
    %dma_start3A_565 = tpu.memref_squeeze %dma_start3A_564 : memref<1x!tpu.dma_semaphore, #tpu.memory_space<semaphore_mem>> -> memref<!tpu.dma_semaphore, #tpu.memory_space<semaphore_mem>>
    %dma_start3A_566 = arith.constant 0 : i32
    %dma_start3A_567 = tpu.memref_slice %arg2[%dma_start3A_559, %add3A_558, %dma_start3A_566] : memref<4x8192x1024xf32, #tpu.memory_space<hbm>> -> memref<1x8x1024xf32, #tpu.memory_space<hbm>>
    %dma_start3A_568 = tpu.memref_squeeze %dma_start3A_567 : memref<1x8x1024xf32, #tpu.memory_space<hbm>> -> memref<8x1024xf32, #tpu.memory_space<hbm>>
    tpu.enqueue_dma source(%dma_start3A_568 : memref<8x1024xf32, #tpu.memory_space<hbm>>) target(%arg9 : memref<8x1024xf32, #tpu.memory_space<vmem>>) target_semaphore(%dma_start3A_565 : memref<!tpu.dma_semaphore, #tpu.memory_space<semaphore_mem>>)
    %parallel_loop3A_569 = arith.constant 0 : i32
    %parallel_loop3A_570 = arith.constant 8192 : i32
    %parallel_loop3A_571 = arith.constant 16 : i32
    scf.for %parallel_loop3A_1115 = %parallel_loop3A_569 to %parallel_loop3A_570 step %parallel_loop3A_571  : i32 {
      %parallel_loop3A_1116 = arith.constant 10 : i32
      %parallel_loop3A_1117 = arith.shrsi %parallel_loop3A_1115, %parallel_loop3A_1116 : i32
      %parallel_loop3A_1118 = arith.constant 1023 : i32
      %parallel_loop3A_1119 = arith.andi %parallel_loop3A_1115, %parallel_loop3A_1118 : i32
      %parallel_loop3A_1120 = tpu.assume_multiple %parallel_loop3A_1119, 16 : i32
      %parallel_loop3A_1121 = arith.index_cast %parallel_loop3A_1117 : i32 to index
      %parallel_loop3A_1122 = arith.index_cast %parallel_loop3A_1120 : i32 to index
      %parallel_loop3A_1123 = tpu.vector_load %arg13[%parallel_loop3A_1121, %parallel_loop3A_1122] {strides = array<i32>} : memref<8x1024xf32, #tpu.memory_space<vmem>>, vector<1x16xf32>,
      %parallel_loop3A_1124 = vector.shape_cast %parallel_loop3A_1123 : vector<1x16xf32> to vector<16xf32>
      %parallel_loop3A_1125 = arith.index_cast %parallel_loop3A_1117 : i32 to index
      %parallel_loop3A_1126 = arith.index_cast %parallel_loop3A_1120 : i32 to index
      %parallel_loop3A_1127 = tpu.vector_load %arg19[%parallel_loop3A_1125, %parallel_loop3A_1126] {strides = array<i32>} : memref<8x1024xf32, #tpu.memory_space<vmem>>, vector<1x16xf32>,
      %parallel_loop3A_1128 = vector.shape_cast %parallel_loop3A_1127 : vector<1x16xf32> to vector<16xf32>
      %parallel_loop3A_1129 = arith.addf %parallel_loop3A_1124, %parallel_loop3A_1128 : vector<16xf32>
      %parallel_loop3A_1130 = arith.index_cast %parallel_loop3A_1117 : i32 to index
      %parallel_loop3A_1131 = arith.index_cast %parallel_loop3A_1120 : i32 to index
      %parallel_loop3A_1132 = tpu.vector_load %arg13[%parallel_loop3A_1130, %parallel_loop3A_1131] {strides = array<i32>} : memref<8x1024xf32, #tpu.memory_space<vmem>>, vector<1x16xf32>,
      %parallel_loop3A_1133 = vector.shape_cast %parallel_loop3A_1132 : vector<1x16xf32> to vector<16xf32>
      %parallel_loop3A_1134 = vector.shape_cast %parallel_loop3A_1129 : vector<16xf32> to vector<1x16xf32>
      tpu.vector_store %arg13[%parallel_loop3A_1130, %parallel_loop3A_1131], %parallel_loop3A_1134 {strides = array<i32>} : memref<8x1024xf32, #tpu.memory_space<vmem>>, vector<1x16xf32>,
    } {sc.loop_unroll_factor = 8 : i64, sc.parallel_access}
    %add3A_572 = arith.constant 232 : i32
    %add3A_573 = arith.addi %mul3A_2, %add3A_572 : i32
    %dma_start3A_574 = arith.constant 0 : i32
    %dma_start3A_575 = arith.constant 8 : i32
    %dma_start3A_576 = arith.constant 0 : i32
    %dma_start3A_577 = tpu.memref_slice %arg4[%dma_start3A_574, %add3A_573, %dma_start3A_576] : memref<4x8192x1024xf32, #tpu.memory_space<hbm>> -> memref<1x8x1024xf32, #tpu.memory_space<hbm>>
    %dma_start3A_578 = tpu.memref_squeeze %dma_start3A_577 : memref<1x8x1024xf32, #tpu.memory_space<hbm>> -> memref<8x1024xf32, #tpu.memory_space<hbm>>
    %dma_start3A_579 = tpu.memref_slice %arg21[%dma_start3A_575] : memref<12x!tpu.dma_semaphore, #tpu.memory_space<semaphore_mem>> -> memref<1x!tpu.dma_semaphore, #tpu.memory_space<semaphore_mem>>
    %dma_start3A_580 = tpu.memref_squeeze %dma_start3A_579 : memref<1x!tpu.dma_semaphore, #tpu.memory_space<semaphore_mem>> -> memref<!tpu.dma_semaphore, #tpu.memory_space<semaphore_mem>>
    %dma_start3A_581 = arith.constant 0 : i32
    %dma_start3A_582 = tpu.memref_slice %arg4[%dma_start3A_574, %add3A_573, %dma_start3A_581] : memref<4x8192x1024xf32, #tpu.memory_space<hbm>> -> memref<1x8x1024xf32, #tpu.memory_space<hbm>>
    %dma_start3A_583 = tpu.memref_squeeze %dma_start3A_582 : memref<1x8x1024xf32, #tpu.memory_space<hbm>> -> memref<8x1024xf32, #tpu.memory_space<hbm>>
    tpu.enqueue_dma source(%arg13 : memref<8x1024xf32, #tpu.memory_space<vmem>>) target(%dma_start3A_583 : memref<8x1024xf32, #tpu.memory_space<hbm>>) target_semaphore(%dma_start3A_580 : memref<!tpu.dma_semaphore, #tpu.memory_space<semaphore_mem>>)
    %add3A_584 = arith.constant 232 : i32
    %add3A_585 = arith.addi %mul3A_2, %add3A_584 : i32
    %dma_wait3A_586 = arith.constant 1 : i32
    %dma_wait3A_587 = arith.constant 9 : i32
    %dma_wait3A_588 = arith.constant 0 : i32
    %dma_wait3A_589 = tpu.memref_slice %arg2[%dma_wait3A_586, %add3A_585, %dma_wait3A_588] : memref<4x8192x1024xf32, #tpu.memory_space<hbm>> -> memref<1x8x1024xf32, #tpu.memory_space<hbm>>
    %dma_wait3A_590 = tpu.memref_squeeze %dma_wait3A_589 : memref<1x8x1024xf32, #tpu.memory_space<hbm>> -> memref<8x1024xf32, #tpu.memory_space<hbm>>
    %dma_wait3A_591 = tpu.memref_slice %arg20[%dma_wait3A_587] : memref<12x!tpu.dma_semaphore, #tpu.memory_space<semaphore_mem>> -> memref<1x!tpu.dma_semaphore, #tpu.memory_space<semaphore_mem>>
    %dma_wait3A_592 = tpu.memref_squeeze %dma_wait3A_591 : memref<1x!tpu.dma_semaphore, #tpu.memory_space<semaphore_mem>> -> memref<!tpu.dma_semaphore, #tpu.memory_space<semaphore_mem>>
    %dma_wait3A_593 = arith.constant 0 : i32
    %dma_wait3A_594 = tpu.memref_slice %arg2[%dma_wait3A_586, %add3A_585, %dma_wait3A_593] : memref<4x8192x1024xf32, #tpu.memory_space<hbm>> -> memref<1x8x1024xf32, #tpu.memory_space<hbm>>
    %dma_wait3A_595 = tpu.memref_squeeze %dma_wait3A_594 : memref<1x8x1024xf32, #tpu.memory_space<hbm>> -> memref<8x1024xf32, #tpu.memory_space<hbm>>
    tpu.wait_dma2 semaphore(%dma_wait3A_592 : memref<!tpu.dma_semaphore, #tpu.memory_space<semaphore_mem>>) src(%dma_wait3A_595 : memref<8x1024xf32, #tpu.memory_space<hbm>>) dst(%arg14 : memref<8x1024xf32, #tpu.memory_space<vmem>>)
    %add3A_596 = arith.constant 224 : i32
    %add3A_597 = arith.addi %mul3A_2, %add3A_596 : i32
    %dma_wait3A_598 = arith.constant 1 : i32
    %dma_wait3A_599 = arith.constant 5 : i32
    %dma_wait3A_600 = arith.constant 0 : i32
    %dma_wait3A_601 = tpu.memref_slice %arg4[%dma_wait3A_598, %add3A_597, %dma_wait3A_600] : memref<4x8192x1024xf32, #tpu.memory_space<hbm>> -> memref<1x8x1024xf32, #tpu.memory_space<hbm>>
    %dma_wait3A_602 = tpu.memref_squeeze %dma_wait3A_601 : memref<1x8x1024xf32, #tpu.memory_space<hbm>> -> memref<8x1024xf32, #tpu.memory_space<hbm>>
    %dma_wait3A_603 = tpu.memref_slice %arg21[%dma_wait3A_599] : memref<12x!tpu.dma_semaphore, #tpu.memory_space<semaphore_mem>> -> memref<1x!tpu.dma_semaphore, #tpu.memory_space<semaphore_mem>>
    %dma_wait3A_604 = tpu.memref_squeeze %dma_wait3A_603 : memref<1x!tpu.dma_semaphore, #tpu.memory_space<semaphore_mem>> -> memref<!tpu.dma_semaphore, #tpu.memory_space<semaphore_mem>>
    %dma_wait3A_605 = arith.constant 0 : i32
    %dma_wait3A_606 = tpu.memref_slice %arg4[%dma_wait3A_598, %add3A_597, %dma_wait3A_605] : memref<4x8192x1024xf32, #tpu.memory_space<hbm>> -> memref<1x8x1024xf32, #tpu.memory_space<hbm>>
    %dma_wait3A_607 = tpu.memref_squeeze %dma_wait3A_606 : memref<1x8x1024xf32, #tpu.memory_space<hbm>> -> memref<8x1024xf32, #tpu.memory_space<hbm>>
    tpu.wait_dma2 semaphore(%dma_wait3A_604 : memref<!tpu.dma_semaphore, #tpu.memory_space<semaphore_mem>>) src(%arg10 : memref<8x1024xf32, #tpu.memory_space<vmem>>) dst(%dma_wait3A_607 : memref<8x1024xf32, #tpu.memory_space<hbm>>)
    %add3A_608 = arith.constant 248 : i32
    %add3A_609 = arith.addi %mul3A_2, %add3A_608 : i32
    %dma_start3A_610 = arith.constant 1 : i32
    %dma_start3A_611 = arith.constant 5 : i32
    %dma_start3A_612 = arith.constant 0 : i32
    %dma_start3A_613 = tpu.memref_slice %arg2[%dma_start3A_610, %add3A_609, %dma_start3A_612] : memref<4x8192x1024xf32, #tpu.memory_space<hbm>> -> memref<1x8x1024xf32, #tpu.memory_space<hbm>>
    %dma_start3A_614 = tpu.memref_squeeze %dma_start3A_613 : memref<1x8x1024xf32, #tpu.memory_space<hbm>> -> memref<8x1024xf32, #tpu.memory_space<hbm>>
    %dma_start3A_615 = tpu.memref_slice %arg20[%dma_start3A_611] : memref<12x!tpu.dma_semaphore, #tpu.memory_space<semaphore_mem>> -> memref<1x!tpu.dma_semaphore, #tpu.memory_space<semaphore_mem>>
    %dma_start3A_616 = tpu.memref_squeeze %dma_start3A_615 : memref<1x!tpu.dma_semaphore, #tpu.memory_space<semaphore_mem>> -> memref<!tpu.dma_semaphore, #tpu.memory_space<semaphore_mem>>
    %dma_start3A_617 = arith.constant 0 : i32
    %dma_start3A_618 = tpu.memref_slice %arg2[%dma_start3A_610, %add3A_609, %dma_start3A_617] : memref<4x8192x1024xf32, #tpu.memory_space<hbm>> -> memref<1x8x1024xf32, #tpu.memory_space<hbm>>
    %dma_start3A_619 = tpu.memref_squeeze %dma_start3A_618 : memref<1x8x1024xf32, #tpu.memory_space<hbm>> -> memref<8x1024xf32, #tpu.memory_space<hbm>>
    tpu.enqueue_dma source(%dma_start3A_619 : memref<8x1024xf32, #tpu.memory_space<hbm>>) target(%arg10 : memref<8x1024xf32, #tpu.memory_space<vmem>>) target_semaphore(%dma_start3A_616 : memref<!tpu.dma_semaphore, #tpu.memory_space<semaphore_mem>>)
    %parallel_loop3A_620 = arith.constant 0 : i32
    %parallel_loop3A_621 = arith.constant 8192 : i32
    %parallel_loop3A_622 = arith.constant 16 : i32
    scf.for %parallel_loop3A_1115 = %parallel_loop3A_620 to %parallel_loop3A_621 step %parallel_loop3A_622  : i32 {
      %parallel_loop3A_1116 = arith.constant 10 : i32
      %parallel_loop3A_1117 = arith.shrsi %parallel_loop3A_1115, %parallel_loop3A_1116 : i32
      %parallel_loop3A_1118 = arith.constant 1023 : i32
      %parallel_loop3A_1119 = arith.andi %parallel_loop3A_1115, %parallel_loop3A_1118 : i32
      %parallel_loop3A_1120 = tpu.assume_multiple %parallel_loop3A_1119, 16 : i32
      %parallel_loop3A_1121 = arith.index_cast %parallel_loop3A_1117 : i32 to index
      %parallel_loop3A_1122 = arith.index_cast %parallel_loop3A_1120 : i32 to index
      %parallel_loop3A_1123 = tpu.vector_load %arg14[%parallel_loop3A_1121, %parallel_loop3A_1122] {strides = array<i32>} : memref<8x1024xf32, #tpu.memory_space<vmem>>, vector<1x16xf32>,
      %parallel_loop3A_1124 = vector.shape_cast %parallel_loop3A_1123 : vector<1x16xf32> to vector<16xf32>
      %parallel_loop3A_1125 = arith.index_cast %parallel_loop3A_1117 : i32 to index
      %parallel_loop3A_1126 = arith.index_cast %parallel_loop3A_1120 : i32 to index
      %parallel_loop3A_1127 = tpu.vector_load %arg19[%parallel_loop3A_1125, %parallel_loop3A_1126] {strides = array<i32>} : memref<8x1024xf32, #tpu.memory_space<vmem>>, vector<1x16xf32>,
      %parallel_loop3A_1128 = vector.shape_cast %parallel_loop3A_1127 : vector<1x16xf32> to vector<16xf32>
      %parallel_loop3A_1129 = arith.addf %parallel_loop3A_1124, %parallel_loop3A_1128 : vector<16xf32>
      %parallel_loop3A_1130 = arith.index_cast %parallel_loop3A_1117 : i32 to index
      %parallel_loop3A_1131 = arith.index_cast %parallel_loop3A_1120 : i32 to index
      %parallel_loop3A_1132 = tpu.vector_load %arg14[%parallel_loop3A_1130, %parallel_loop3A_1131] {strides = array<i32>} : memref<8x1024xf32, #tpu.memory_space<vmem>>, vector<1x16xf32>,
      %parallel_loop3A_1133 = vector.shape_cast %parallel_loop3A_1132 : vector<1x16xf32> to vector<16xf32>
      %parallel_loop3A_1134 = vector.shape_cast %parallel_loop3A_1129 : vector<16xf32> to vector<1x16xf32>
      tpu.vector_store %arg14[%parallel_loop3A_1130, %parallel_loop3A_1131], %parallel_loop3A_1134 {strides = array<i32>} : memref<8x1024xf32, #tpu.memory_space<vmem>>, vector<1x16xf32>,
    } {sc.loop_unroll_factor = 8 : i64, sc.parallel_access}
    %add3A_623 = arith.constant 232 : i32
    %add3A_624 = arith.addi %mul3A_2, %add3A_623 : i32
    %dma_start3A_625 = arith.constant 1 : i32
    %dma_start3A_626 = arith.constant 9 : i32
    %dma_start3A_627 = arith.constant 0 : i32
    %dma_start3A_628 = tpu.memref_slice %arg4[%dma_start3A_625, %add3A_624, %dma_start3A_627] : memref<4x8192x1024xf32, #tpu.memory_space<hbm>> -> memref<1x8x1024xf32, #tpu.memory_space<hbm>>
    %dma_start3A_629 = tpu.memref_squeeze %dma_start3A_628 : memref<1x8x1024xf32, #tpu.memory_space<hbm>> -> memref<8x1024xf32, #tpu.memory_space<hbm>>
    %dma_start3A_630 = tpu.memref_slice %arg21[%dma_start3A_626] : memref<12x!tpu.dma_semaphore, #tpu.memory_space<semaphore_mem>> -> memref<1x!tpu.dma_semaphore, #tpu.memory_space<semaphore_mem>>
    %dma_start3A_631 = tpu.memref_squeeze %dma_start3A_630 : memref<1x!tpu.dma_semaphore, #tpu.memory_space<semaphore_mem>> -> memref<!tpu.dma_semaphore, #tpu.memory_space<semaphore_mem>>
    %dma_start3A_632 = arith.constant 0 : i32
    %dma_start3A_633 = tpu.memref_slice %arg4[%dma_start3A_625, %add3A_624, %dma_start3A_632] : memref<4x8192x1024xf32, #tpu.memory_space<hbm>> -> memref<1x8x1024xf32, #tpu.memory_space<hbm>>
    %dma_start3A_634 = tpu.memref_squeeze %dma_start3A_633 : memref<1x8x1024xf32, #tpu.memory_space<hbm>> -> memref<8x1024xf32, #tpu.memory_space<hbm>>
    tpu.enqueue_dma source(%arg14 : memref<8x1024xf32, #tpu.memory_space<vmem>>) target(%dma_start3A_634 : memref<8x1024xf32, #tpu.memory_space<hbm>>) target_semaphore(%dma_start3A_631 : memref<!tpu.dma_semaphore, #tpu.memory_space<semaphore_mem>>)
    %add3A_635 = arith.constant 232 : i32
    %add3A_636 = arith.addi %mul3A_2, %add3A_635 : i32
    %dma_wait3A_637 = arith.constant 2 : i32
    %dma_wait3A_638 = arith.constant 10 : i32
    %dma_wait3A_639 = arith.constant 0 : i32
    %dma_wait3A_640 = tpu.memref_slice %arg2[%dma_wait3A_637, %add3A_636, %dma_wait3A_639] : memref<4x8192x1024xf32, #tpu.memory_space<hbm>> -> memref<1x8x1024xf32, #tpu.memory_space<hbm>>
    %dma_wait3A_641 = tpu.memref_squeeze %dma_wait3A_640 : memref<1x8x1024xf32, #tpu.memory_space<hbm>> -> memref<8x1024xf32, #tpu.memory_space<hbm>>
    %dma_wait3A_642 = tpu.memref_slice %arg20[%dma_wait3A_638] : memref<12x!tpu.dma_semaphore, #tpu.memory_space<semaphore_mem>> -> memref<1x!tpu.dma_semaphore, #tpu.memory_space<semaphore_mem>>
    %dma_wait3A_643 = tpu.memref_squeeze %dma_wait3A_642 : memref<1x!tpu.dma_semaphore, #tpu.memory_space<semaphore_mem>> -> memref<!tpu.dma_semaphore, #tpu.memory_space<semaphore_mem>>
    %dma_wait3A_644 = arith.constant 0 : i32
    %dma_wait3A_645 = tpu.memref_slice %arg2[%dma_wait3A_637, %add3A_636, %dma_wait3A_644] : memref<4x8192x1024xf32, #tpu.memory_space<hbm>> -> memref<1x8x1024xf32, #tpu.memory_space<hbm>>
    %dma_wait3A_646 = tpu.memref_squeeze %dma_wait3A_645 : memref<1x8x1024xf32, #tpu.memory_space<hbm>> -> memref<8x1024xf32, #tpu.memory_space<hbm>>
    tpu.wait_dma2 semaphore(%dma_wait3A_643 : memref<!tpu.dma_semaphore, #tpu.memory_space<semaphore_mem>>) src(%dma_wait3A_646 : memref<8x1024xf32, #tpu.memory_space<hbm>>) dst(%arg15 : memref<8x1024xf32, #tpu.memory_space<vmem>>)
    %add3A_647 = arith.constant 224 : i32
    %add3A_648 = arith.addi %mul3A_2, %add3A_647 : i32
    %dma_wait3A_649 = arith.constant 2 : i32
    %dma_wait3A_650 = arith.constant 6 : i32
    %dma_wait3A_651 = arith.constant 0 : i32
    %dma_wait3A_652 = tpu.memref_slice %arg4[%dma_wait3A_649, %add3A_648, %dma_wait3A_651] : memref<4x8192x1024xf32, #tpu.memory_space<hbm>> -> memref<1x8x1024xf32, #tpu.memory_space<hbm>>
    %dma_wait3A_653 = tpu.memref_squeeze %dma_wait3A_652 : memref<1x8x1024xf32, #tpu.memory_space<hbm>> -> memref<8x1024xf32, #tpu.memory_space<hbm>>
    %dma_wait3A_654 = tpu.memref_slice %arg21[%dma_wait3A_650] : memref<12x!tpu.dma_semaphore, #tpu.memory_space<semaphore_mem>> -> memref<1x!tpu.dma_semaphore, #tpu.memory_space<semaphore_mem>>
    %dma_wait3A_655 = tpu.memref_squeeze %dma_wait3A_654 : memref<1x!tpu.dma_semaphore, #tpu.memory_space<semaphore_mem>> -> memref<!tpu.dma_semaphore, #tpu.memory_space<semaphore_mem>>
    %dma_wait3A_656 = arith.constant 0 : i32
    %dma_wait3A_657 = tpu.memref_slice %arg4[%dma_wait3A_649, %add3A_648, %dma_wait3A_656] : memref<4x8192x1024xf32, #tpu.memory_space<hbm>> -> memref<1x8x1024xf32, #tpu.memory_space<hbm>>
    %dma_wait3A_658 = tpu.memref_squeeze %dma_wait3A_657 : memref<1x8x1024xf32, #tpu.memory_space<hbm>> -> memref<8x1024xf32, #tpu.memory_space<hbm>>
    tpu.wait_dma2 semaphore(%dma_wait3A_655 : memref<!tpu.dma_semaphore, #tpu.memory_space<semaphore_mem>>) src(%arg11 : memref<8x1024xf32, #tpu.memory_space<vmem>>) dst(%dma_wait3A_658 : memref<8x1024xf32, #tpu.memory_space<hbm>>)
    %add3A_659 = arith.constant 248 : i32
    %add3A_660 = arith.addi %mul3A_2, %add3A_659 : i32
    %dma_start3A_661 = arith.constant 2 : i32
    %dma_start3A_662 = arith.constant 6 : i32
    %dma_start3A_663 = arith.constant 0 : i32
    %dma_start3A_664 = tpu.memref_slice %arg2[%dma_start3A_661, %add3A_660, %dma_start3A_663] : memref<4x8192x1024xf32, #tpu.memory_space<hbm>> -> memref<1x8x1024xf32, #tpu.memory_space<hbm>>
    %dma_start3A_665 = tpu.memref_squeeze %dma_start3A_664 : memref<1x8x1024xf32, #tpu.memory_space<hbm>> -> memref<8x1024xf32, #tpu.memory_space<hbm>>
    %dma_start3A_666 = tpu.memref_slice %arg20[%dma_start3A_662] : memref<12x!tpu.dma_semaphore, #tpu.memory_space<semaphore_mem>> -> memref<1x!tpu.dma_semaphore, #tpu.memory_space<semaphore_mem>>
    %dma_start3A_667 = tpu.memref_squeeze %dma_start3A_666 : memref<1x!tpu.dma_semaphore, #tpu.memory_space<semaphore_mem>> -> memref<!tpu.dma_semaphore, #tpu.memory_space<semaphore_mem>>
    %dma_start3A_668 = arith.constant 0 : i32
    %dma_start3A_669 = tpu.memref_slice %arg2[%dma_start3A_661, %add3A_660, %dma_start3A_668] : memref<4x8192x1024xf32, #tpu.memory_space<hbm>> -> memref<1x8x1024xf32, #tpu.memory_space<hbm>>
    %dma_start3A_670 = tpu.memref_squeeze %dma_start3A_669 : memref<1x8x1024xf32, #tpu.memory_space<hbm>> -> memref<8x1024xf32, #tpu.memory_space<hbm>>
    tpu.enqueue_dma source(%dma_start3A_670 : memref<8x1024xf32, #tpu.memory_space<hbm>>) target(%arg11 : memref<8x1024xf32, #tpu.memory_space<vmem>>) target_semaphore(%dma_start3A_667 : memref<!tpu.dma_semaphore, #tpu.memory_space<semaphore_mem>>)
    %parallel_loop3A_671 = arith.constant 0 : i32
    %parallel_loop3A_672 = arith.constant 8192 : i32
    %parallel_loop3A_673 = arith.constant 16 : i32
    scf.for %parallel_loop3A_1115 = %parallel_loop3A_671 to %parallel_loop3A_672 step %parallel_loop3A_673  : i32 {
      %parallel_loop3A_1116 = arith.constant 10 : i32
      %parallel_loop3A_1117 = arith.shrsi %parallel_loop3A_1115, %parallel_loop3A_1116 : i32
      %parallel_loop3A_1118 = arith.constant 1023 : i32
      %parallel_loop3A_1119 = arith.andi %parallel_loop3A_1115, %parallel_loop3A_1118 : i32
      %parallel_loop3A_1120 = tpu.assume_multiple %parallel_loop3A_1119, 16 : i32
      %parallel_loop3A_1121 = arith.index_cast %parallel_loop3A_1117 : i32 to index
      %parallel_loop3A_1122 = arith.index_cast %parallel_loop3A_1120 : i32 to index
      %parallel_loop3A_1123 = tpu.vector_load %arg15[%parallel_loop3A_1121, %parallel_loop3A_1122] {strides = array<i32>} : memref<8x1024xf32, #tpu.memory_space<vmem>>, vector<1x16xf32>,
      %parallel_loop3A_1124 = vector.shape_cast %parallel_loop3A_1123 : vector<1x16xf32> to vector<16xf32>
      %parallel_loop3A_1125 = arith.index_cast %parallel_loop3A_1117 : i32 to index
      %parallel_loop3A_1126 = arith.index_cast %parallel_loop3A_1120 : i32 to index
      %parallel_loop3A_1127 = tpu.vector_load %arg19[%parallel_loop3A_1125, %parallel_loop3A_1126] {strides = array<i32>} : memref<8x1024xf32, #tpu.memory_space<vmem>>, vector<1x16xf32>,
      %parallel_loop3A_1128 = vector.shape_cast %parallel_loop3A_1127 : vector<1x16xf32> to vector<16xf32>
      %parallel_loop3A_1129 = arith.addf %parallel_loop3A_1124, %parallel_loop3A_1128 : vector<16xf32>
      %parallel_loop3A_1130 = arith.index_cast %parallel_loop3A_1117 : i32 to index
      %parallel_loop3A_1131 = arith.index_cast %parallel_loop3A_1120 : i32 to index
      %parallel_loop3A_1132 = tpu.vector_load %arg15[%parallel_loop3A_1130, %parallel_loop3A_1131] {strides = array<i32>} : memref<8x1024xf32, #tpu.memory_space<vmem>>, vector<1x16xf32>,
      %parallel_loop3A_1133 = vector.shape_cast %parallel_loop3A_1132 : vector<1x16xf32> to vector<16xf32>
      %parallel_loop3A_1134 = vector.shape_cast %parallel_loop3A_1129 : vector<16xf32> to vector<1x16xf32>
      tpu.vector_store %arg15[%parallel_loop3A_1130, %parallel_loop3A_1131], %parallel_loop3A_1134 {strides = array<i32>} : memref<8x1024xf32, #tpu.memory_space<vmem>>, vector<1x16xf32>,
    } {sc.loop_unroll_factor = 8 : i64, sc.parallel_access}
    %add3A_674 = arith.constant 232 : i32
    %add3A_675 = arith.addi %mul3A_2, %add3A_674 : i32
    %dma_start3A_676 = arith.constant 2 : i32
    %dma_start3A_677 = arith.constant 10 : i32
    %dma_start3A_678 = arith.constant 0 : i32
    %dma_start3A_679 = tpu.memref_slice %arg4[%dma_start3A_676, %add3A_675, %dma_start3A_678] : memref<4x8192x1024xf32, #tpu.memory_space<hbm>> -> memref<1x8x1024xf32, #tpu.memory_space<hbm>>
    %dma_start3A_680 = tpu.memref_squeeze %dma_start3A_679 : memref<1x8x1024xf32, #tpu.memory_space<hbm>> -> memref<8x1024xf32, #tpu.memory_space<hbm>>
    %dma_start3A_681 = tpu.memref_slice %arg21[%dma_start3A_677] : memref<12x!tpu.dma_semaphore, #tpu.memory_space<semaphore_mem>> -> memref<1x!tpu.dma_semaphore, #tpu.memory_space<semaphore_mem>>
    %dma_start3A_682 = tpu.memref_squeeze %dma_start3A_681 : memref<1x!tpu.dma_semaphore, #tpu.memory_space<semaphore_mem>> -> memref<!tpu.dma_semaphore, #tpu.memory_space<semaphore_mem>>
    %dma_start3A_683 = arith.constant 0 : i32
    %dma_start3A_684 = tpu.memref_slice %arg4[%dma_start3A_676, %add3A_675, %dma_start3A_683] : memref<4x8192x1024xf32, #tpu.memory_space<hbm>> -> memref<1x8x1024xf32, #tpu.memory_space<hbm>>
    %dma_start3A_685 = tpu.memref_squeeze %dma_start3A_684 : memref<1x8x1024xf32, #tpu.memory_space<hbm>> -> memref<8x1024xf32, #tpu.memory_space<hbm>>
    tpu.enqueue_dma source(%arg15 : memref<8x1024xf32, #tpu.memory_space<vmem>>) target(%dma_start3A_685 : memref<8x1024xf32, #tpu.memory_space<hbm>>) target_semaphore(%dma_start3A_682 : memref<!tpu.dma_semaphore, #tpu.memory_space<semaphore_mem>>)
    %add3A_686 = arith.constant 232 : i32
    %add3A_687 = arith.addi %mul3A_2, %add3A_686 : i32
    %dma_wait3A_688 = arith.constant 3 : i32
    %dma_wait3A_689 = arith.constant 11 : i32
    %dma_wait3A_690 = arith.constant 0 : i32
    %dma_wait3A_691 = tpu.memref_slice %arg2[%dma_wait3A_688, %add3A_687, %dma_wait3A_690] : memref<4x8192x1024xf32, #tpu.memory_space<hbm>> -> memref<1x8x1024xf32, #tpu.memory_space<hbm>>
    %dma_wait3A_692 = tpu.memref_squeeze %dma_wait3A_691 : memref<1x8x1024xf32, #tpu.memory_space<hbm>> -> memref<8x1024xf32, #tpu.memory_space<hbm>>
    %dma_wait3A_693 = tpu.memref_slice %arg20[%dma_wait3A_689] : memref<12x!tpu.dma_semaphore, #tpu.memory_space<semaphore_mem>> -> memref<1x!tpu.dma_semaphore, #tpu.memory_space<semaphore_mem>>
    %dma_wait3A_694 = tpu.memref_squeeze %dma_wait3A_693 : memref<1x!tpu.dma_semaphore, #tpu.memory_space<semaphore_mem>> -> memref<!tpu.dma_semaphore, #tpu.memory_space<semaphore_mem>>
    %dma_wait3A_695 = arith.constant 0 : i32
    %dma_wait3A_696 = tpu.memref_slice %arg2[%dma_wait3A_688, %add3A_687, %dma_wait3A_695] : memref<4x8192x1024xf32, #tpu.memory_space<hbm>> -> memref<1x8x1024xf32, #tpu.memory_space<hbm>>
    %dma_wait3A_697 = tpu.memref_squeeze %dma_wait3A_696 : memref<1x8x1024xf32, #tpu.memory_space<hbm>> -> memref<8x1024xf32, #tpu.memory_space<hbm>>
    tpu.wait_dma2 semaphore(%dma_wait3A_694 : memref<!tpu.dma_semaphore, #tpu.memory_space<semaphore_mem>>) src(%dma_wait3A_697 : memref<8x1024xf32, #tpu.memory_space<hbm>>) dst(%arg16 : memref<8x1024xf32, #tpu.memory_space<vmem>>)
    %add3A_698 = arith.constant 224 : i32
    %add3A_699 = arith.addi %mul3A_2, %add3A_698 : i32
    %dma_wait3A_700 = arith.constant 3 : i32
    %dma_wait3A_701 = arith.constant 7 : i32
    %dma_wait3A_702 = arith.constant 0 : i32
    %dma_wait3A_703 = tpu.memref_slice %arg4[%dma_wait3A_700, %add3A_699, %dma_wait3A_702] : memref<4x8192x1024xf32, #tpu.memory_space<hbm>> -> memref<1x8x1024xf32, #tpu.memory_space<hbm>>
    %dma_wait3A_704 = tpu.memref_squeeze %dma_wait3A_703 : memref<1x8x1024xf32, #tpu.memory_space<hbm>> -> memref<8x1024xf32, #tpu.memory_space<hbm>>
    %dma_wait3A_705 = tpu.memref_slice %arg21[%dma_wait3A_701] : memref<12x!tpu.dma_semaphore, #tpu.memory_space<semaphore_mem>> -> memref<1x!tpu.dma_semaphore, #tpu.memory_space<semaphore_mem>>
    %dma_wait3A_706 = tpu.memref_squeeze %dma_wait3A_705 : memref<1x!tpu.dma_semaphore, #tpu.memory_space<semaphore_mem>> -> memref<!tpu.dma_semaphore, #tpu.memory_space<semaphore_mem>>
    %dma_wait3A_707 = arith.constant 0 : i32
    %dma_wait3A_708 = tpu.memref_slice %arg4[%dma_wait3A_700, %add3A_699, %dma_wait3A_707] : memref<4x8192x1024xf32, #tpu.memory_space<hbm>> -> memref<1x8x1024xf32, #tpu.memory_space<hbm>>
    %dma_wait3A_709 = tpu.memref_squeeze %dma_wait3A_708 : memref<1x8x1024xf32, #tpu.memory_space<hbm>> -> memref<8x1024xf32, #tpu.memory_space<hbm>>
    tpu.wait_dma2 semaphore(%dma_wait3A_706 : memref<!tpu.dma_semaphore, #tpu.memory_space<semaphore_mem>>) src(%arg12 : memref<8x1024xf32, #tpu.memory_space<vmem>>) dst(%dma_wait3A_709 : memref<8x1024xf32, #tpu.memory_space<hbm>>)
    %add3A_710 = arith.constant 248 : i32
    %add3A_711 = arith.addi %mul3A_2, %add3A_710 : i32
    %dma_start3A_712 = arith.constant 3 : i32
    %dma_start3A_713 = arith.constant 7 : i32
    %dma_start3A_714 = arith.constant 0 : i32
    %dma_start3A_715 = tpu.memref_slice %arg2[%dma_start3A_712, %add3A_711, %dma_start3A_714] : memref<4x8192x1024xf32, #tpu.memory_space<hbm>> -> memref<1x8x1024xf32, #tpu.memory_space<hbm>>
    %dma_start3A_716 = tpu.memref_squeeze %dma_start3A_715 : memref<1x8x1024xf32, #tpu.memory_space<hbm>> -> memref<8x1024xf32, #tpu.memory_space<hbm>>
    %dma_start3A_717 = tpu.memref_slice %arg20[%dma_start3A_713] : memref<12x!tpu.dma_semaphore, #tpu.memory_space<semaphore_mem>> -> memref<1x!tpu.dma_semaphore, #tpu.memory_space<semaphore_mem>>
    %dma_start3A_718 = tpu.memref_squeeze %dma_start3A_717 : memref<1x!tpu.dma_semaphore, #tpu.memory_space<semaphore_mem>> -> memref<!tpu.dma_semaphore, #tpu.memory_space<semaphore_mem>>
    %dma_start3A_719 = arith.constant 0 : i32
    %dma_start3A_720 = tpu.memref_slice %arg2[%dma_start3A_712, %add3A_711, %dma_start3A_719] : memref<4x8192x1024xf32, #tpu.memory_space<hbm>> -> memref<1x8x1024xf32, #tpu.memory_space<hbm>>
    %dma_start3A_721 = tpu.memref_squeeze %dma_start3A_720 : memref<1x8x1024xf32, #tpu.memory_space<hbm>> -> memref<8x1024xf32, #tpu.memory_space<hbm>>
    tpu.enqueue_dma source(%dma_start3A_721 : memref<8x1024xf32, #tpu.memory_space<hbm>>) target(%arg12 : memref<8x1024xf32, #tpu.memory_space<vmem>>) target_semaphore(%dma_start3A_718 : memref<!tpu.dma_semaphore, #tpu.memory_space<semaphore_mem>>)
    %parallel_loop3A_722 = arith.constant 0 : i32
    %parallel_loop3A_723 = arith.constant 8192 : i32
    %parallel_loop3A_724 = arith.constant 16 : i32
    scf.for %parallel_loop3A_1115 = %parallel_loop3A_722 to %parallel_loop3A_723 step %parallel_loop3A_724  : i32 {
      %parallel_loop3A_1116 = arith.constant 10 : i32
      %parallel_loop3A_1117 = arith.shrsi %parallel_loop3A_1115, %parallel_loop3A_1116 : i32
      %parallel_loop3A_1118 = arith.constant 1023 : i32
      %parallel_loop3A_1119 = arith.andi %parallel_loop3A_1115, %parallel_loop3A_1118 : i32
      %parallel_loop3A_1120 = tpu.assume_multiple %parallel_loop3A_1119, 16 : i32
      %parallel_loop3A_1121 = arith.index_cast %parallel_loop3A_1117 : i32 to index
      %parallel_loop3A_1122 = arith.index_cast %parallel_loop3A_1120 : i32 to index
      %parallel_loop3A_1123 = tpu.vector_load %arg16[%parallel_loop3A_1121, %parallel_loop3A_1122] {strides = array<i32>} : memref<8x1024xf32, #tpu.memory_space<vmem>>, vector<1x16xf32>,
      %parallel_loop3A_1124 = vector.shape_cast %parallel_loop3A_1123 : vector<1x16xf32> to vector<16xf32>
      %parallel_loop3A_1125 = arith.index_cast %parallel_loop3A_1117 : i32 to index
      %parallel_loop3A_1126 = arith.index_cast %parallel_loop3A_1120 : i32 to index
      %parallel_loop3A_1127 = tpu.vector_load %arg19[%parallel_loop3A_1125, %parallel_loop3A_1126] {strides = array<i32>} : memref<8x1024xf32, #tpu.memory_space<vmem>>, vector<1x16xf32>,
      %parallel_loop3A_1128 = vector.shape_cast %parallel_loop3A_1127 : vector<1x16xf32> to vector<16xf32>
      %parallel_loop3A_1129 = arith.addf %parallel_loop3A_1124, %parallel_loop3A_1128 : vector<16xf32>
      %parallel_loop3A_1130 = arith.index_cast %parallel_loop3A_1117 : i32 to index
      %parallel_loop3A_1131 = arith.index_cast %parallel_loop3A_1120 : i32 to index
      %parallel_loop3A_1132 = tpu.vector_load %arg16[%parallel_loop3A_1130, %parallel_loop3A_1131] {strides = array<i32>} : memref<8x1024xf32, #tpu.memory_space<vmem>>, vector<1x16xf32>,
      %parallel_loop3A_1133 = vector.shape_cast %parallel_loop3A_1132 : vector<1x16xf32> to vector<16xf32>
      %parallel_loop3A_1134 = vector.shape_cast %parallel_loop3A_1129 : vector<16xf32> to vector<1x16xf32>
      tpu.vector_store %arg16[%parallel_loop3A_1130, %parallel_loop3A_1131], %parallel_loop3A_1134 {strides = array<i32>} : memref<8x1024xf32, #tpu.memory_space<vmem>>, vector<1x16xf32>,
    } {sc.loop_unroll_factor = 8 : i64, sc.parallel_access}
    %add3A_725 = arith.constant 232 : i32
    %add3A_726 = arith.addi %mul3A_2, %add3A_725 : i32
    %dma_start3A_727 = arith.constant 3 : i32
    %dma_start3A_728 = arith.constant 11 : i32
    %dma_start3A_729 = arith.constant 0 : i32
    %dma_start3A_730 = tpu.memref_slice %arg4[%dma_start3A_727, %add3A_726, %dma_start3A_729] : memref<4x8192x1024xf32, #tpu.memory_space<hbm>> -> memref<1x8x1024xf32, #tpu.memory_space<hbm>>
    %dma_start3A_731 = tpu.memref_squeeze %dma_start3A_730 : memref<1x8x1024xf32, #tpu.memory_space<hbm>> -> memref<8x1024xf32, #tpu.memory_space<hbm>>
    %dma_start3A_732 = tpu.memref_slice %arg21[%dma_start3A_728] : memref<12x!tpu.dma_semaphore, #tpu.memory_space<semaphore_mem>> -> memref<1x!tpu.dma_semaphore, #tpu.memory_space<semaphore_mem>>
    %dma_start3A_733 = tpu.memref_squeeze %dma_start3A_732 : memref<1x!tpu.dma_semaphore, #tpu.memory_space<semaphore_mem>> -> memref<!tpu.dma_semaphore, #tpu.memory_space<semaphore_mem>>
    %dma_start3A_734 = arith.constant 0 : i32
    %dma_start3A_735 = tpu.memref_slice %arg4[%dma_start3A_727, %add3A_726, %dma_start3A_734] : memref<4x8192x1024xf32, #tpu.memory_space<hbm>> -> memref<1x8x1024xf32, #tpu.memory_space<hbm>>
    %dma_start3A_736 = tpu.memref_squeeze %dma_start3A_735 : memref<1x8x1024xf32, #tpu.memory_space<hbm>> -> memref<8x1024xf32, #tpu.memory_space<hbm>>
    tpu.enqueue_dma source(%arg16 : memref<8x1024xf32, #tpu.memory_space<vmem>>) target(%dma_start3A_736 : memref<8x1024xf32, #tpu.memory_space<hbm>>) target_semaphore(%dma_start3A_733 : memref<!tpu.dma_semaphore, #tpu.memory_space<semaphore_mem>>)
    %add3A_737 = arith.constant 240 : i32
    %add3A_738 = arith.addi %mul3A_2, %add3A_737 : i32
    %dma_wait3A_739 = arith.constant 0 : i32
    %dma_wait3A_740 = arith.constant 0 : i32
    %dma_wait3A_741 = tpu.memref_slice %arg3[%add3A_738, %dma_wait3A_740] : memref<8192x1024xf32, #tpu.memory_space<hbm>> -> memref<8x1024xf32, #tpu.memory_space<hbm>>
    %dma_wait3A_742 = tpu.memref_slice %arg22[%dma_wait3A_739] : memref<3x!tpu.dma_semaphore, #tpu.memory_space<semaphore_mem>> -> memref<1x!tpu.dma_semaphore, #tpu.memory_space<semaphore_mem>>
    %dma_wait3A_743 = tpu.memref_squeeze %dma_wait3A_742 : memref<1x!tpu.dma_semaphore, #tpu.memory_space<semaphore_mem>> -> memref<!tpu.dma_semaphore, #tpu.memory_space<semaphore_mem>>
    %dma_wait3A_744 = arith.constant 0 : i32
    %dma_wait3A_745 = tpu.memref_slice %arg3[%add3A_738, %dma_wait3A_744] : memref<8192x1024xf32, #tpu.memory_space<hbm>> -> memref<8x1024xf32, #tpu.memory_space<hbm>>
    tpu.wait_dma2 semaphore(%dma_wait3A_743 : memref<!tpu.dma_semaphore, #tpu.memory_space<semaphore_mem>>) src(%dma_wait3A_745 : memref<8x1024xf32, #tpu.memory_space<hbm>>) dst(%arg17 : memref<8x1024xf32, #tpu.memory_space<vmem>>)
    %add3A_746 = arith.constant 240 : i32
    %add3A_747 = arith.addi %mul3A_2, %add3A_746 : i32
    %dma_wait3A_748 = arith.constant 0 : i32
    %dma_wait3A_749 = arith.constant 0 : i32
    %dma_wait3A_750 = arith.constant 0 : i32
    %dma_wait3A_751 = tpu.memref_slice %arg2[%dma_wait3A_748, %add3A_747, %dma_wait3A_750] : memref<4x8192x1024xf32, #tpu.memory_space<hbm>> -> memref<1x8x1024xf32, #tpu.memory_space<hbm>>
    %dma_wait3A_752 = tpu.memref_squeeze %dma_wait3A_751 : memref<1x8x1024xf32, #tpu.memory_space<hbm>> -> memref<8x1024xf32, #tpu.memory_space<hbm>>
    %dma_wait3A_753 = tpu.memref_slice %arg20[%dma_wait3A_749] : memref<12x!tpu.dma_semaphore, #tpu.memory_space<semaphore_mem>> -> memref<1x!tpu.dma_semaphore, #tpu.memory_space<semaphore_mem>>
    %dma_wait3A_754 = tpu.memref_squeeze %dma_wait3A_753 : memref<1x!tpu.dma_semaphore, #tpu.memory_space<semaphore_mem>> -> memref<!tpu.dma_semaphore, #tpu.memory_space<semaphore_mem>>
    %dma_wait3A_755 = arith.constant 0 : i32
    %dma_wait3A_756 = tpu.memref_slice %arg2[%dma_wait3A_748, %add3A_747, %dma_wait3A_755] : memref<4x8192x1024xf32, #tpu.memory_space<hbm>> -> memref<1x8x1024xf32, #tpu.memory_space<hbm>>
    %dma_wait3A_757 = tpu.memref_squeeze %dma_wait3A_756 : memref<1x8x1024xf32, #tpu.memory_space<hbm>> -> memref<8x1024xf32, #tpu.memory_space<hbm>>
    tpu.wait_dma2 semaphore(%dma_wait3A_754 : memref<!tpu.dma_semaphore, #tpu.memory_space<semaphore_mem>>) src(%dma_wait3A_757 : memref<8x1024xf32, #tpu.memory_space<hbm>>) dst(%arg5 : memref<8x1024xf32, #tpu.memory_space<vmem>>)
    %add3A_758 = arith.constant 232 : i32
    %add3A_759 = arith.addi %mul3A_2, %add3A_758 : i32
    %dma_wait3A_760 = arith.constant 0 : i32
    %dma_wait3A_761 = arith.constant 8 : i32
    %dma_wait3A_762 = arith.constant 0 : i32
    %dma_wait3A_763 = tpu.memref_slice %arg4[%dma_wait3A_760, %add3A_759, %dma_wait3A_762] : memref<4x8192x1024xf32, #tpu.memory_space<hbm>> -> memref<1x8x1024xf32, #tpu.memory_space<hbm>>
    %dma_wait3A_764 = tpu.memref_squeeze %dma_wait3A_763 : memref<1x8x1024xf32, #tpu.memory_space<hbm>> -> memref<8x1024xf32, #tpu.memory_space<hbm>>
    %dma_wait3A_765 = tpu.memref_slice %arg21[%dma_wait3A_761] : memref<12x!tpu.dma_semaphore, #tpu.memory_space<semaphore_mem>> -> memref<1x!tpu.dma_semaphore, #tpu.memory_space<semaphore_mem>>
    %dma_wait3A_766 = tpu.memref_squeeze %dma_wait3A_765 : memref<1x!tpu.dma_semaphore, #tpu.memory_space<semaphore_mem>> -> memref<!tpu.dma_semaphore, #tpu.memory_space<semaphore_mem>>
    %dma_wait3A_767 = arith.constant 0 : i32
    %dma_wait3A_768 = tpu.memref_slice %arg4[%dma_wait3A_760, %add3A_759, %dma_wait3A_767] : memref<4x8192x1024xf32, #tpu.memory_space<hbm>> -> memref<1x8x1024xf32, #tpu.memory_space<hbm>>
    %dma_wait3A_769 = tpu.memref_squeeze %dma_wait3A_768 : memref<1x8x1024xf32, #tpu.memory_space<hbm>> -> memref<8x1024xf32, #tpu.memory_space<hbm>>
    tpu.wait_dma2 semaphore(%dma_wait3A_766 : memref<!tpu.dma_semaphore, #tpu.memory_space<semaphore_mem>>) src(%arg13 : memref<8x1024xf32, #tpu.memory_space<vmem>>) dst(%dma_wait3A_769 : memref<8x1024xf32, #tpu.memory_space<hbm>>)
    %parallel_loop3A_770 = arith.constant 0 : i32
    %parallel_loop3A_771 = arith.constant 8192 : i32
    %parallel_loop3A_772 = arith.constant 16 : i32
    scf.for %parallel_loop3A_1115 = %parallel_loop3A_770 to %parallel_loop3A_771 step %parallel_loop3A_772  : i32 {
      %parallel_loop3A_1116 = arith.constant 10 : i32
      %parallel_loop3A_1117 = arith.shrsi %parallel_loop3A_1115, %parallel_loop3A_1116 : i32
      %parallel_loop3A_1118 = arith.constant 1023 : i32
      %parallel_loop3A_1119 = arith.andi %parallel_loop3A_1115, %parallel_loop3A_1118 : i32
      %parallel_loop3A_1120 = tpu.assume_multiple %parallel_loop3A_1119, 16 : i32
      %parallel_loop3A_1121 = arith.index_cast %parallel_loop3A_1117 : i32 to index
      %parallel_loop3A_1122 = arith.index_cast %parallel_loop3A_1120 : i32 to index
      %parallel_loop3A_1123 = tpu.vector_load %arg5[%parallel_loop3A_1121, %parallel_loop3A_1122] {strides = array<i32>} : memref<8x1024xf32, #tpu.memory_space<vmem>>, vector<1x16xf32>,
      %parallel_loop3A_1124 = vector.shape_cast %parallel_loop3A_1123 : vector<1x16xf32> to vector<16xf32>
      %parallel_loop3A_1125 = arith.index_cast %parallel_loop3A_1117 : i32 to index
      %parallel_loop3A_1126 = arith.index_cast %parallel_loop3A_1120 : i32 to index
      %parallel_loop3A_1127 = tpu.vector_load %arg17[%parallel_loop3A_1125, %parallel_loop3A_1126] {strides = array<i32>} : memref<8x1024xf32, #tpu.memory_space<vmem>>, vector<1x16xf32>,
      %parallel_loop3A_1128 = vector.shape_cast %parallel_loop3A_1127 : vector<1x16xf32> to vector<16xf32>
      %parallel_loop3A_1129 = arith.addf %parallel_loop3A_1124, %parallel_loop3A_1128 : vector<16xf32>
      %parallel_loop3A_1130 = arith.index_cast %parallel_loop3A_1117 : i32 to index
      %parallel_loop3A_1131 = arith.index_cast %parallel_loop3A_1120 : i32 to index
      %parallel_loop3A_1132 = tpu.vector_load %arg5[%parallel_loop3A_1130, %parallel_loop3A_1131] {strides = array<i32>} : memref<8x1024xf32, #tpu.memory_space<vmem>>, vector<1x16xf32>,
      %parallel_loop3A_1133 = vector.shape_cast %parallel_loop3A_1132 : vector<1x16xf32> to vector<16xf32>
      %parallel_loop3A_1134 = vector.shape_cast %parallel_loop3A_1129 : vector<16xf32> to vector<1x16xf32>
      tpu.vector_store %arg5[%parallel_loop3A_1130, %parallel_loop3A_1131], %parallel_loop3A_1134 {strides = array<i32>} : memref<8x1024xf32, #tpu.memory_space<vmem>>, vector<1x16xf32>,
    } {sc.loop_unroll_factor = 8 : i64, sc.parallel_access}
    %add3A_773 = arith.constant 240 : i32
    %add3A_774 = arith.addi %mul3A_2, %add3A_773 : i32
    %dma_start3A_775 = arith.constant 0 : i32
    %dma_start3A_776 = arith.constant 0 : i32
    %dma_start3A_777 = arith.constant 0 : i32
    %dma_start3A_778 = tpu.memref_slice %arg4[%dma_start3A_775, %add3A_774, %dma_start3A_777] : memref<4x8192x1024xf32, #tpu.memory_space<hbm>> -> memref<1x8x1024xf32, #tpu.memory_space<hbm>>
    %dma_start3A_779 = tpu.memref_squeeze %dma_start3A_778 : memref<1x8x1024xf32, #tpu.memory_space<hbm>> -> memref<8x1024xf32, #tpu.memory_space<hbm>>
    %dma_start3A_780 = tpu.memref_slice %arg21[%dma_start3A_776] : memref<12x!tpu.dma_semaphore, #tpu.memory_space<semaphore_mem>> -> memref<1x!tpu.dma_semaphore, #tpu.memory_space<semaphore_mem>>
    %dma_start3A_781 = tpu.memref_squeeze %dma_start3A_780 : memref<1x!tpu.dma_semaphore, #tpu.memory_space<semaphore_mem>> -> memref<!tpu.dma_semaphore, #tpu.memory_space<semaphore_mem>>
    %dma_start3A_782 = arith.constant 0 : i32
    %dma_start3A_783 = tpu.memref_slice %arg4[%dma_start3A_775, %add3A_774, %dma_start3A_782] : memref<4x8192x1024xf32, #tpu.memory_space<hbm>> -> memref<1x8x1024xf32, #tpu.memory_space<hbm>>
    %dma_start3A_784 = tpu.memref_squeeze %dma_start3A_783 : memref<1x8x1024xf32, #tpu.memory_space<hbm>> -> memref<8x1024xf32, #tpu.memory_space<hbm>>
    tpu.enqueue_dma source(%arg5 : memref<8x1024xf32, #tpu.memory_space<vmem>>) target(%dma_start3A_784 : memref<8x1024xf32, #tpu.memory_space<hbm>>) target_semaphore(%dma_start3A_781 : memref<!tpu.dma_semaphore, #tpu.memory_space<semaphore_mem>>)
    %add3A_785 = arith.constant 240 : i32
    %add3A_786 = arith.addi %mul3A_2, %add3A_785 : i32
    %dma_wait3A_787 = arith.constant 1 : i32
    %dma_wait3A_788 = arith.constant 1 : i32
    %dma_wait3A_789 = arith.constant 0 : i32
    %dma_wait3A_790 = tpu.memref_slice %arg2[%dma_wait3A_787, %add3A_786, %dma_wait3A_789] : memref<4x8192x1024xf32, #tpu.memory_space<hbm>> -> memref<1x8x1024xf32, #tpu.memory_space<hbm>>
    %dma_wait3A_791 = tpu.memref_squeeze %dma_wait3A_790 : memref<1x8x1024xf32, #tpu.memory_space<hbm>> -> memref<8x1024xf32, #tpu.memory_space<hbm>>
    %dma_wait3A_792 = tpu.memref_slice %arg20[%dma_wait3A_788] : memref<12x!tpu.dma_semaphore, #tpu.memory_space<semaphore_mem>> -> memref<1x!tpu.dma_semaphore, #tpu.memory_space<semaphore_mem>>
    %dma_wait3A_793 = tpu.memref_squeeze %dma_wait3A_792 : memref<1x!tpu.dma_semaphore, #tpu.memory_space<semaphore_mem>> -> memref<!tpu.dma_semaphore, #tpu.memory_space<semaphore_mem>>
    %dma_wait3A_794 = arith.constant 0 : i32
    %dma_wait3A_795 = tpu.memref_slice %arg2[%dma_wait3A_787, %add3A_786, %dma_wait3A_794] : memref<4x8192x1024xf32, #tpu.memory_space<hbm>> -> memref<1x8x1024xf32, #tpu.memory_space<hbm>>
    %dma_wait3A_796 = tpu.memref_squeeze %dma_wait3A_795 : memref<1x8x1024xf32, #tpu.memory_space<hbm>> -> memref<8x1024xf32, #tpu.memory_space<hbm>>
    tpu.wait_dma2 semaphore(%dma_wait3A_793 : memref<!tpu.dma_semaphore, #tpu.memory_space<semaphore_mem>>) src(%dma_wait3A_796 : memref<8x1024xf32, #tpu.memory_space<hbm>>) dst(%arg6 : memref<8x1024xf32, #tpu.memory_space<vmem>>)
    %add3A_797 = arith.constant 232 : i32
    %add3A_798 = arith.addi %mul3A_2, %add3A_797 : i32
    %dma_wait3A_799 = arith.constant 1 : i32
    %dma_wait3A_800 = arith.constant 9 : i32
    %dma_wait3A_801 = arith.constant 0 : i32
    %dma_wait3A_802 = tpu.memref_slice %arg4[%dma_wait3A_799, %add3A_798, %dma_wait3A_801] : memref<4x8192x1024xf32, #tpu.memory_space<hbm>> -> memref<1x8x1024xf32, #tpu.memory_space<hbm>>
    %dma_wait3A_803 = tpu.memref_squeeze %dma_wait3A_802 : memref<1x8x1024xf32, #tpu.memory_space<hbm>> -> memref<8x1024xf32, #tpu.memory_space<hbm>>
    %dma_wait3A_804 = tpu.memref_slice %arg21[%dma_wait3A_800] : memref<12x!tpu.dma_semaphore, #tpu.memory_space<semaphore_mem>> -> memref<1x!tpu.dma_semaphore, #tpu.memory_space<semaphore_mem>>
    %dma_wait3A_805 = tpu.memref_squeeze %dma_wait3A_804 : memref<1x!tpu.dma_semaphore, #tpu.memory_space<semaphore_mem>> -> memref<!tpu.dma_semaphore, #tpu.memory_space<semaphore_mem>>
    %dma_wait3A_806 = arith.constant 0 : i32
    %dma_wait3A_807 = tpu.memref_slice %arg4[%dma_wait3A_799, %add3A_798, %dma_wait3A_806] : memref<4x8192x1024xf32, #tpu.memory_space<hbm>> -> memref<1x8x1024xf32, #tpu.memory_space<hbm>>
    %dma_wait3A_808 = tpu.memref_squeeze %dma_wait3A_807 : memref<1x8x1024xf32, #tpu.memory_space<hbm>> -> memref<8x1024xf32, #tpu.memory_space<hbm>>
    tpu.wait_dma2 semaphore(%dma_wait3A_805 : memref<!tpu.dma_semaphore, #tpu.memory_space<semaphore_mem>>) src(%arg14 : memref<8x1024xf32, #tpu.memory_space<vmem>>) dst(%dma_wait3A_808 : memref<8x1024xf32, #tpu.memory_space<hbm>>)
    %parallel_loop3A_809 = arith.constant 0 : i32
    %parallel_loop3A_810 = arith.constant 8192 : i32
    %parallel_loop3A_811 = arith.constant 16 : i32
    scf.for %parallel_loop3A_1115 = %parallel_loop3A_809 to %parallel_loop3A_810 step %parallel_loop3A_811  : i32 {
      %parallel_loop3A_1116 = arith.constant 10 : i32
      %parallel_loop3A_1117 = arith.shrsi %parallel_loop3A_1115, %parallel_loop3A_1116 : i32
      %parallel_loop3A_1118 = arith.constant 1023 : i32
      %parallel_loop3A_1119 = arith.andi %parallel_loop3A_1115, %parallel_loop3A_1118 : i32
      %parallel_loop3A_1120 = tpu.assume_multiple %parallel_loop3A_1119, 16 : i32
      %parallel_loop3A_1121 = arith.index_cast %parallel_loop3A_1117 : i32 to index
      %parallel_loop3A_1122 = arith.index_cast %parallel_loop3A_1120 : i32 to index
      %parallel_loop3A_1123 = tpu.vector_load %arg6[%parallel_loop3A_1121, %parallel_loop3A_1122] {strides = array<i32>} : memref<8x1024xf32, #tpu.memory_space<vmem>>, vector<1x16xf32>,
      %parallel_loop3A_1124 = vector.shape_cast %parallel_loop3A_1123 : vector<1x16xf32> to vector<16xf32>
      %parallel_loop3A_1125 = arith.index_cast %parallel_loop3A_1117 : i32 to index
      %parallel_loop3A_1126 = arith.index_cast %parallel_loop3A_1120 : i32 to index
      %parallel_loop3A_1127 = tpu.vector_load %arg17[%parallel_loop3A_1125, %parallel_loop3A_1126] {strides = array<i32>} : memref<8x1024xf32, #tpu.memory_space<vmem>>, vector<1x16xf32>,
      %parallel_loop3A_1128 = vector.shape_cast %parallel_loop3A_1127 : vector<1x16xf32> to vector<16xf32>
      %parallel_loop3A_1129 = arith.addf %parallel_loop3A_1124, %parallel_loop3A_1128 : vector<16xf32>
      %parallel_loop3A_1130 = arith.index_cast %parallel_loop3A_1117 : i32 to index
      %parallel_loop3A_1131 = arith.index_cast %parallel_loop3A_1120 : i32 to index
      %parallel_loop3A_1132 = tpu.vector_load %arg6[%parallel_loop3A_1130, %parallel_loop3A_1131] {strides = array<i32>} : memref<8x1024xf32, #tpu.memory_space<vmem>>, vector<1x16xf32>,
      %parallel_loop3A_1133 = vector.shape_cast %parallel_loop3A_1132 : vector<1x16xf32> to vector<16xf32>
      %parallel_loop3A_1134 = vector.shape_cast %parallel_loop3A_1129 : vector<16xf32> to vector<1x16xf32>
      tpu.vector_store %arg6[%parallel_loop3A_1130, %parallel_loop3A_1131], %parallel_loop3A_1134 {strides = array<i32>} : memref<8x1024xf32, #tpu.memory_space<vmem>>, vector<1x16xf32>,
    } {sc.loop_unroll_factor = 8 : i64, sc.parallel_access}
    %add3A_812 = arith.constant 240 : i32
    %add3A_813 = arith.addi %mul3A_2, %add3A_812 : i32
    %dma_start3A_814 = arith.constant 1 : i32
    %dma_start3A_815 = arith.constant 1 : i32
    %dma_start3A_816 = arith.constant 0 : i32
    %dma_start3A_817 = tpu.memref_slice %arg4[%dma_start3A_814, %add3A_813, %dma_start3A_816] : memref<4x8192x1024xf32, #tpu.memory_space<hbm>> -> memref<1x8x1024xf32, #tpu.memory_space<hbm>>
    %dma_start3A_818 = tpu.memref_squeeze %dma_start3A_817 : memref<1x8x1024xf32, #tpu.memory_space<hbm>> -> memref<8x1024xf32, #tpu.memory_space<hbm>>
    %dma_start3A_819 = tpu.memref_slice %arg21[%dma_start3A_815] : memref<12x!tpu.dma_semaphore, #tpu.memory_space<semaphore_mem>> -> memref<1x!tpu.dma_semaphore, #tpu.memory_space<semaphore_mem>>
    %dma_start3A_820 = tpu.memref_squeeze %dma_start3A_819 : memref<1x!tpu.dma_semaphore, #tpu.memory_space<semaphore_mem>> -> memref<!tpu.dma_semaphore, #tpu.memory_space<semaphore_mem>>
    %dma_start3A_821 = arith.constant 0 : i32
    %dma_start3A_822 = tpu.memref_slice %arg4[%dma_start3A_814, %add3A_813, %dma_start3A_821] : memref<4x8192x1024xf32, #tpu.memory_space<hbm>> -> memref<1x8x1024xf32, #tpu.memory_space<hbm>>
    %dma_start3A_823 = tpu.memref_squeeze %dma_start3A_822 : memref<1x8x1024xf32, #tpu.memory_space<hbm>> -> memref<8x1024xf32, #tpu.memory_space<hbm>>
    tpu.enqueue_dma source(%arg6 : memref<8x1024xf32, #tpu.memory_space<vmem>>) target(%dma_start3A_823 : memref<8x1024xf32, #tpu.memory_space<hbm>>) target_semaphore(%dma_start3A_820 : memref<!tpu.dma_semaphore, #tpu.memory_space<semaphore_mem>>)
    %add3A_824 = arith.constant 240 : i32
    %add3A_825 = arith.addi %mul3A_2, %add3A_824 : i32
    %dma_wait3A_826 = arith.constant 2 : i32
    %dma_wait3A_827 = arith.constant 2 : i32
    %dma_wait3A_828 = arith.constant 0 : i32
    %dma_wait3A_829 = tpu.memref_slice %arg2[%dma_wait3A_826, %add3A_825, %dma_wait3A_828] : memref<4x8192x1024xf32, #tpu.memory_space<hbm>> -> memref<1x8x1024xf32, #tpu.memory_space<hbm>>
    %dma_wait3A_830 = tpu.memref_squeeze %dma_wait3A_829 : memref<1x8x1024xf32, #tpu.memory_space<hbm>> -> memref<8x1024xf32, #tpu.memory_space<hbm>>
    %dma_wait3A_831 = tpu.memref_slice %arg20[%dma_wait3A_827] : memref<12x!tpu.dma_semaphore, #tpu.memory_space<semaphore_mem>> -> memref<1x!tpu.dma_semaphore, #tpu.memory_space<semaphore_mem>>
    %dma_wait3A_832 = tpu.memref_squeeze %dma_wait3A_831 : memref<1x!tpu.dma_semaphore, #tpu.memory_space<semaphore_mem>> -> memref<!tpu.dma_semaphore, #tpu.memory_space<semaphore_mem>>
    %dma_wait3A_833 = arith.constant 0 : i32
    %dma_wait3A_834 = tpu.memref_slice %arg2[%dma_wait3A_826, %add3A_825, %dma_wait3A_833] : memref<4x8192x1024xf32, #tpu.memory_space<hbm>> -> memref<1x8x1024xf32, #tpu.memory_space<hbm>>
    %dma_wait3A_835 = tpu.memref_squeeze %dma_wait3A_834 : memref<1x8x1024xf32, #tpu.memory_space<hbm>> -> memref<8x1024xf32, #tpu.memory_space<hbm>>
    tpu.wait_dma2 semaphore(%dma_wait3A_832 : memref<!tpu.dma_semaphore, #tpu.memory_space<semaphore_mem>>) src(%dma_wait3A_835 : memref<8x1024xf32, #tpu.memory_space<hbm>>) dst(%arg7 : memref<8x1024xf32, #tpu.memory_space<vmem>>)
    %add3A_836 = arith.constant 232 : i32
    %add3A_837 = arith.addi %mul3A_2, %add3A_836 : i32
    %dma_wait3A_838 = arith.constant 2 : i32
    %dma_wait3A_839 = arith.constant 10 : i32
    %dma_wait3A_840 = arith.constant 0 : i32
    %dma_wait3A_841 = tpu.memref_slice %arg4[%dma_wait3A_838, %add3A_837, %dma_wait3A_840] : memref<4x8192x1024xf32, #tpu.memory_space<hbm>> -> memref<1x8x1024xf32, #tpu.memory_space<hbm>>
    %dma_wait3A_842 = tpu.memref_squeeze %dma_wait3A_841 : memref<1x8x1024xf32, #tpu.memory_space<hbm>> -> memref<8x1024xf32, #tpu.memory_space<hbm>>
    %dma_wait3A_843 = tpu.memref_slice %arg21[%dma_wait3A_839] : memref<12x!tpu.dma_semaphore, #tpu.memory_space<semaphore_mem>> -> memref<1x!tpu.dma_semaphore, #tpu.memory_space<semaphore_mem>>
    %dma_wait3A_844 = tpu.memref_squeeze %dma_wait3A_843 : memref<1x!tpu.dma_semaphore, #tpu.memory_space<semaphore_mem>> -> memref<!tpu.dma_semaphore, #tpu.memory_space<semaphore_mem>>
    %dma_wait3A_845 = arith.constant 0 : i32
    %dma_wait3A_846 = tpu.memref_slice %arg4[%dma_wait3A_838, %add3A_837, %dma_wait3A_845] : memref<4x8192x1024xf32, #tpu.memory_space<hbm>> -> memref<1x8x1024xf32, #tpu.memory_space<hbm>>
    %dma_wait3A_847 = tpu.memref_squeeze %dma_wait3A_846 : memref<1x8x1024xf32, #tpu.memory_space<hbm>> -> memref<8x1024xf32, #tpu.memory_space<hbm>>
    tpu.wait_dma2 semaphore(%dma_wait3A_844 : memref<!tpu.dma_semaphore, #tpu.memory_space<semaphore_mem>>) src(%arg15 : memref<8x1024xf32, #tpu.memory_space<vmem>>) dst(%dma_wait3A_847 : memref<8x1024xf32, #tpu.memory_space<hbm>>)
    %parallel_loop3A_848 = arith.constant 0 : i32
    %parallel_loop3A_849 = arith.constant 8192 : i32
    %parallel_loop3A_850 = arith.constant 16 : i32
    scf.for %parallel_loop3A_1115 = %parallel_loop3A_848 to %parallel_loop3A_849 step %parallel_loop3A_850  : i32 {
      %parallel_loop3A_1116 = arith.constant 10 : i32
      %parallel_loop3A_1117 = arith.shrsi %parallel_loop3A_1115, %parallel_loop3A_1116 : i32
      %parallel_loop3A_1118 = arith.constant 1023 : i32
      %parallel_loop3A_1119 = arith.andi %parallel_loop3A_1115, %parallel_loop3A_1118 : i32
      %parallel_loop3A_1120 = tpu.assume_multiple %parallel_loop3A_1119, 16 : i32
      %parallel_loop3A_1121 = arith.index_cast %parallel_loop3A_1117 : i32 to index
      %parallel_loop3A_1122 = arith.index_cast %parallel_loop3A_1120 : i32 to index
      %parallel_loop3A_1123 = tpu.vector_load %arg7[%parallel_loop3A_1121, %parallel_loop3A_1122] {strides = array<i32>} : memref<8x1024xf32, #tpu.memory_space<vmem>>, vector<1x16xf32>,
      %parallel_loop3A_1124 = vector.shape_cast %parallel_loop3A_1123 : vector<1x16xf32> to vector<16xf32>
      %parallel_loop3A_1125 = arith.index_cast %parallel_loop3A_1117 : i32 to index
      %parallel_loop3A_1126 = arith.index_cast %parallel_loop3A_1120 : i32 to index
      %parallel_loop3A_1127 = tpu.vector_load %arg17[%parallel_loop3A_1125, %parallel_loop3A_1126] {strides = array<i32>} : memref<8x1024xf32, #tpu.memory_space<vmem>>, vector<1x16xf32>,
      %parallel_loop3A_1128 = vector.shape_cast %parallel_loop3A_1127 : vector<1x16xf32> to vector<16xf32>
      %parallel_loop3A_1129 = arith.addf %parallel_loop3A_1124, %parallel_loop3A_1128 : vector<16xf32>
      %parallel_loop3A_1130 = arith.index_cast %parallel_loop3A_1117 : i32 to index
      %parallel_loop3A_1131 = arith.index_cast %parallel_loop3A_1120 : i32 to index
      %parallel_loop3A_1132 = tpu.vector_load %arg7[%parallel_loop3A_1130, %parallel_loop3A_1131] {strides = array<i32>} : memref<8x1024xf32, #tpu.memory_space<vmem>>, vector<1x16xf32>,
      %parallel_loop3A_1133 = vector.shape_cast %parallel_loop3A_1132 : vector<1x16xf32> to vector<16xf32>
      %parallel_loop3A_1134 = vector.shape_cast %parallel_loop3A_1129 : vector<16xf32> to vector<1x16xf32>
      tpu.vector_store %arg7[%parallel_loop3A_1130, %parallel_loop3A_1131], %parallel_loop3A_1134 {strides = array<i32>} : memref<8x1024xf32, #tpu.memory_space<vmem>>, vector<1x16xf32>,
    } {sc.loop_unroll_factor = 8 : i64, sc.parallel_access}
    %add3A_851 = arith.constant 240 : i32
    %add3A_852 = arith.addi %mul3A_2, %add3A_851 : i32
    %dma_start3A_853 = arith.constant 2 : i32
    %dma_start3A_854 = arith.constant 2 : i32
    %dma_start3A_855 = arith.constant 0 : i32
    %dma_start3A_856 = tpu.memref_slice %arg4[%dma_start3A_853, %add3A_852, %dma_start3A_855] : memref<4x8192x1024xf32, #tpu.memory_space<hbm>> -> memref<1x8x1024xf32, #tpu.memory_space<hbm>>
    %dma_start3A_857 = tpu.memref_squeeze %dma_start3A_856 : memref<1x8x1024xf32, #tpu.memory_space<hbm>> -> memref<8x1024xf32, #tpu.memory_space<hbm>>
    %dma_start3A_858 = tpu.memref_slice %arg21[%dma_start3A_854] : memref<12x!tpu.dma_semaphore, #tpu.memory_space<semaphore_mem>> -> memref<1x!tpu.dma_semaphore, #tpu.memory_space<semaphore_mem>>
    %dma_start3A_859 = tpu.memref_squeeze %dma_start3A_858 : memref<1x!tpu.dma_semaphore, #tpu.memory_space<semaphore_mem>> -> memref<!tpu.dma_semaphore, #tpu.memory_space<semaphore_mem>>
    %dma_start3A_860 = arith.constant 0 : i32
    %dma_start3A_861 = tpu.memref_slice %arg4[%dma_start3A_853, %add3A_852, %dma_start3A_860] : memref<4x8192x1024xf32, #tpu.memory_space<hbm>> -> memref<1x8x1024xf32, #tpu.memory_space<hbm>>
    %dma_start3A_862 = tpu.memref_squeeze %dma_start3A_861 : memref<1x8x1024xf32, #tpu.memory_space<hbm>> -> memref<8x1024xf32, #tpu.memory_space<hbm>>
    tpu.enqueue_dma source(%arg7 : memref<8x1024xf32, #tpu.memory_space<vmem>>) target(%dma_start3A_862 : memref<8x1024xf32, #tpu.memory_space<hbm>>) target_semaphore(%dma_start3A_859 : memref<!tpu.dma_semaphore, #tpu.memory_space<semaphore_mem>>)
    %add3A_863 = arith.constant 240 : i32
    %add3A_864 = arith.addi %mul3A_2, %add3A_863 : i32
    %dma_wait3A_865 = arith.constant 3 : i32
    %dma_wait3A_866 = arith.constant 3 : i32
    %dma_wait3A_867 = arith.constant 0 : i32
    %dma_wait3A_868 = tpu.memref_slice %arg2[%dma_wait3A_865, %add3A_864, %dma_wait3A_867] : memref<4x8192x1024xf32, #tpu.memory_space<hbm>> -> memref<1x8x1024xf32, #tpu.memory_space<hbm>>
    %dma_wait3A_869 = tpu.memref_squeeze %dma_wait3A_868 : memref<1x8x1024xf32, #tpu.memory_space<hbm>> -> memref<8x1024xf32, #tpu.memory_space<hbm>>
    %dma_wait3A_870 = tpu.memref_slice %arg20[%dma_wait3A_866] : memref<12x!tpu.dma_semaphore, #tpu.memory_space<semaphore_mem>> -> memref<1x!tpu.dma_semaphore, #tpu.memory_space<semaphore_mem>>
    %dma_wait3A_871 = tpu.memref_squeeze %dma_wait3A_870 : memref<1x!tpu.dma_semaphore, #tpu.memory_space<semaphore_mem>> -> memref<!tpu.dma_semaphore, #tpu.memory_space<semaphore_mem>>
    %dma_wait3A_872 = arith.constant 0 : i32
    %dma_wait3A_873 = tpu.memref_slice %arg2[%dma_wait3A_865, %add3A_864, %dma_wait3A_872] : memref<4x8192x1024xf32, #tpu.memory_space<hbm>> -> memref<1x8x1024xf32, #tpu.memory_space<hbm>>
    %dma_wait3A_874 = tpu.memref_squeeze %dma_wait3A_873 : memref<1x8x1024xf32, #tpu.memory_space<hbm>> -> memref<8x1024xf32, #tpu.memory_space<hbm>>
    tpu.wait_dma2 semaphore(%dma_wait3A_871 : memref<!tpu.dma_semaphore, #tpu.memory_space<semaphore_mem>>) src(%dma_wait3A_874 : memref<8x1024xf32, #tpu.memory_space<hbm>>) dst(%arg8 : memref<8x1024xf32, #tpu.memory_space<vmem>>)
    %add3A_875 = arith.constant 232 : i32
    %add3A_876 = arith.addi %mul3A_2, %add3A_875 : i32
    %dma_wait3A_877 = arith.constant 3 : i32
    %dma_wait3A_878 = arith.constant 11 : i32
    %dma_wait3A_879 = arith.constant 0 : i32
    %dma_wait3A_880 = tpu.memref_slice %arg4[%dma_wait3A_877, %add3A_876, %dma_wait3A_879] : memref<4x8192x1024xf32, #tpu.memory_space<hbm>> -> memref<1x8x1024xf32, #tpu.memory_space<hbm>>
    %dma_wait3A_881 = tpu.memref_squeeze %dma_wait3A_880 : memref<1x8x1024xf32, #tpu.memory_space<hbm>> -> memref<8x1024xf32, #tpu.memory_space<hbm>>
    %dma_wait3A_882 = tpu.memref_slice %arg21[%dma_wait3A_878] : memref<12x!tpu.dma_semaphore, #tpu.memory_space<semaphore_mem>> -> memref<1x!tpu.dma_semaphore, #tpu.memory_space<semaphore_mem>>
    %dma_wait3A_883 = tpu.memref_squeeze %dma_wait3A_882 : memref<1x!tpu.dma_semaphore, #tpu.memory_space<semaphore_mem>> -> memref<!tpu.dma_semaphore, #tpu.memory_space<semaphore_mem>>
    %dma_wait3A_884 = arith.constant 0 : i32
    %dma_wait3A_885 = tpu.memref_slice %arg4[%dma_wait3A_877, %add3A_876, %dma_wait3A_884] : memref<4x8192x1024xf32, #tpu.memory_space<hbm>> -> memref<1x8x1024xf32, #tpu.memory_space<hbm>>
    %dma_wait3A_886 = tpu.memref_squeeze %dma_wait3A_885 : memref<1x8x1024xf32, #tpu.memory_space<hbm>> -> memref<8x1024xf32, #tpu.memory_space<hbm>>
    tpu.wait_dma2 semaphore(%dma_wait3A_883 : memref<!tpu.dma_semaphore, #tpu.memory_space<semaphore_mem>>) src(%arg16 : memref<8x1024xf32, #tpu.memory_space<vmem>>) dst(%dma_wait3A_886 : memref<8x1024xf32, #tpu.memory_space<hbm>>)
    %parallel_loop3A_887 = arith.constant 0 : i32
    %parallel_loop3A_888 = arith.constant 8192 : i32
    %parallel_loop3A_889 = arith.constant 16 : i32
    scf.for %parallel_loop3A_1115 = %parallel_loop3A_887 to %parallel_loop3A_888 step %parallel_loop3A_889  : i32 {
      %parallel_loop3A_1116 = arith.constant 10 : i32
      %parallel_loop3A_1117 = arith.shrsi %parallel_loop3A_1115, %parallel_loop3A_1116 : i32
      %parallel_loop3A_1118 = arith.constant 1023 : i32
      %parallel_loop3A_1119 = arith.andi %parallel_loop3A_1115, %parallel_loop3A_1118 : i32
      %parallel_loop3A_1120 = tpu.assume_multiple %parallel_loop3A_1119, 16 : i32
      %parallel_loop3A_1121 = arith.index_cast %parallel_loop3A_1117 : i32 to index
      %parallel_loop3A_1122 = arith.index_cast %parallel_loop3A_1120 : i32 to index
      %parallel_loop3A_1123 = tpu.vector_load %arg8[%parallel_loop3A_1121, %parallel_loop3A_1122] {strides = array<i32>} : memref<8x1024xf32, #tpu.memory_space<vmem>>, vector<1x16xf32>,
      %parallel_loop3A_1124 = vector.shape_cast %parallel_loop3A_1123 : vector<1x16xf32> to vector<16xf32>
      %parallel_loop3A_1125 = arith.index_cast %parallel_loop3A_1117 : i32 to index
      %parallel_loop3A_1126 = arith.index_cast %parallel_loop3A_1120 : i32 to index
      %parallel_loop3A_1127 = tpu.vector_load %arg17[%parallel_loop3A_1125, %parallel_loop3A_1126] {strides = array<i32>} : memref<8x1024xf32, #tpu.memory_space<vmem>>, vector<1x16xf32>,
      %parallel_loop3A_1128 = vector.shape_cast %parallel_loop3A_1127 : vector<1x16xf32> to vector<16xf32>
      %parallel_loop3A_1129 = arith.addf %parallel_loop3A_1124, %parallel_loop3A_1128 : vector<16xf32>
      %parallel_loop3A_1130 = arith.index_cast %parallel_loop3A_1117 : i32 to index
      %parallel_loop3A_1131 = arith.index_cast %parallel_loop3A_1120 : i32 to index
      %parallel_loop3A_1132 = tpu.vector_load %arg8[%parallel_loop3A_1130, %parallel_loop3A_1131] {strides = array<i32>} : memref<8x1024xf32, #tpu.memory_space<vmem>>, vector<1x16xf32>,
      %parallel_loop3A_1133 = vector.shape_cast %parallel_loop3A_1132 : vector<1x16xf32> to vector<16xf32>
      %parallel_loop3A_1134 = vector.shape_cast %parallel_loop3A_1129 : vector<16xf32> to vector<1x16xf32>
      tpu.vector_store %arg8[%parallel_loop3A_1130, %parallel_loop3A_1131], %parallel_loop3A_1134 {strides = array<i32>} : memref<8x1024xf32, #tpu.memory_space<vmem>>, vector<1x16xf32>,
    } {sc.loop_unroll_factor = 8 : i64, sc.parallel_access}
    %add3A_890 = arith.constant 240 : i32
    %add3A_891 = arith.addi %mul3A_2, %add3A_890 : i32
    %dma_start3A_892 = arith.constant 3 : i32
    %dma_start3A_893 = arith.constant 3 : i32
    %dma_start3A_894 = arith.constant 0 : i32
    %dma_start3A_895 = tpu.memref_slice %arg4[%dma_start3A_892, %add3A_891, %dma_start3A_894] : memref<4x8192x1024xf32, #tpu.memory_space<hbm>> -> memref<1x8x1024xf32, #tpu.memory_space<hbm>>
    %dma_start3A_896 = tpu.memref_squeeze %dma_start3A_895 : memref<1x8x1024xf32, #tpu.memory_space<hbm>> -> memref<8x1024xf32, #tpu.memory_space<hbm>>
    %dma_start3A_897 = tpu.memref_slice %arg21[%dma_start3A_893] : memref<12x!tpu.dma_semaphore, #tpu.memory_space<semaphore_mem>> -> memref<1x!tpu.dma_semaphore, #tpu.memory_space<semaphore_mem>>
    %dma_start3A_898 = tpu.memref_squeeze %dma_start3A_897 : memref<1x!tpu.dma_semaphore, #tpu.memory_space<semaphore_mem>> -> memref<!tpu.dma_semaphore, #tpu.memory_space<semaphore_mem>>
    %dma_start3A_899 = arith.constant 0 : i32
    %dma_start3A_900 = tpu.memref_slice %arg4[%dma_start3A_892, %add3A_891, %dma_start3A_899] : memref<4x8192x1024xf32, #tpu.memory_space<hbm>> -> memref<1x8x1024xf32, #tpu.memory_space<hbm>>
    %dma_start3A_901 = tpu.memref_squeeze %dma_start3A_900 : memref<1x8x1024xf32, #tpu.memory_space<hbm>> -> memref<8x1024xf32, #tpu.memory_space<hbm>>
    tpu.enqueue_dma source(%arg8 : memref<8x1024xf32, #tpu.memory_space<vmem>>) target(%dma_start3A_901 : memref<8x1024xf32, #tpu.memory_space<hbm>>) target_semaphore(%dma_start3A_898 : memref<!tpu.dma_semaphore, #tpu.memory_space<semaphore_mem>>)
    %add3A_902 = arith.constant 248 : i32
    %add3A_903 = arith.addi %mul3A_2, %add3A_902 : i32
    %dma_wait3A_904 = arith.constant 1 : i32
    %dma_wait3A_905 = arith.constant 0 : i32
    %dma_wait3A_906 = tpu.memref_slice %arg3[%add3A_903, %dma_wait3A_905] : memref<8192x1024xf32, #tpu.memory_space<hbm>> -> memref<8x1024xf32, #tpu.memory_space<hbm>>
    %dma_wait3A_907 = tpu.memref_slice %arg22[%dma_wait3A_904] : memref<3x!tpu.dma_semaphore, #tpu.memory_space<semaphore_mem>> -> memref<1x!tpu.dma_semaphore, #tpu.memory_space<semaphore_mem>>
    %dma_wait3A_908 = tpu.memref_squeeze %dma_wait3A_907 : memref<1x!tpu.dma_semaphore, #tpu.memory_space<semaphore_mem>> -> memref<!tpu.dma_semaphore, #tpu.memory_space<semaphore_mem>>
    %dma_wait3A_909 = arith.constant 0 : i32
    %dma_wait3A_910 = tpu.memref_slice %arg3[%add3A_903, %dma_wait3A_909] : memref<8192x1024xf32, #tpu.memory_space<hbm>> -> memref<8x1024xf32, #tpu.memory_space<hbm>>
    tpu.wait_dma2 semaphore(%dma_wait3A_908 : memref<!tpu.dma_semaphore, #tpu.memory_space<semaphore_mem>>) src(%dma_wait3A_910 : memref<8x1024xf32, #tpu.memory_space<hbm>>) dst(%arg18 : memref<8x1024xf32, #tpu.memory_space<vmem>>)
    %add3A_911 = arith.constant 248 : i32
    %add3A_912 = arith.addi %mul3A_2, %add3A_911 : i32
    %dma_wait3A_913 = arith.constant 0 : i32
    %dma_wait3A_914 = arith.constant 4 : i32
    %dma_wait3A_915 = arith.constant 0 : i32
    %dma_wait3A_916 = tpu.memref_slice %arg2[%dma_wait3A_913, %add3A_912, %dma_wait3A_915] : memref<4x8192x1024xf32, #tpu.memory_space<hbm>> -> memref<1x8x1024xf32, #tpu.memory_space<hbm>>
    %dma_wait3A_917 = tpu.memref_squeeze %dma_wait3A_916 : memref<1x8x1024xf32, #tpu.memory_space<hbm>> -> memref<8x1024xf32, #tpu.memory_space<hbm>>
    %dma_wait3A_918 = tpu.memref_slice %arg20[%dma_wait3A_914] : memref<12x!tpu.dma_semaphore, #tpu.memory_space<semaphore_mem>> -> memref<1x!tpu.dma_semaphore, #tpu.memory_space<semaphore_mem>>
    %dma_wait3A_919 = tpu.memref_squeeze %dma_wait3A_918 : memref<1x!tpu.dma_semaphore, #tpu.memory_space<semaphore_mem>> -> memref<!tpu.dma_semaphore, #tpu.memory_space<semaphore_mem>>
    %dma_wait3A_920 = arith.constant 0 : i32
    %dma_wait3A_921 = tpu.memref_slice %arg2[%dma_wait3A_913, %add3A_912, %dma_wait3A_920] : memref<4x8192x1024xf32, #tpu.memory_space<hbm>> -> memref<1x8x1024xf32, #tpu.memory_space<hbm>>
    %dma_wait3A_922 = tpu.memref_squeeze %dma_wait3A_921 : memref<1x8x1024xf32, #tpu.memory_space<hbm>> -> memref<8x1024xf32, #tpu.memory_space<hbm>>
    tpu.wait_dma2 semaphore(%dma_wait3A_919 : memref<!tpu.dma_semaphore, #tpu.memory_space<semaphore_mem>>) src(%dma_wait3A_922 : memref<8x1024xf32, #tpu.memory_space<hbm>>) dst(%arg9 : memref<8x1024xf32, #tpu.memory_space<vmem>>)
    %add3A_923 = arith.constant 240 : i32
    %add3A_924 = arith.addi %mul3A_2, %add3A_923 : i32
    %dma_wait3A_925 = arith.constant 0 : i32
    %dma_wait3A_926 = arith.constant 0 : i32
    %dma_wait3A_927 = arith.constant 0 : i32
    %dma_wait3A_928 = tpu.memref_slice %arg4[%dma_wait3A_925, %add3A_924, %dma_wait3A_927] : memref<4x8192x1024xf32, #tpu.memory_space<hbm>> -> memref<1x8x1024xf32, #tpu.memory_space<hbm>>
    %dma_wait3A_929 = tpu.memref_squeeze %dma_wait3A_928 : memref<1x8x1024xf32, #tpu.memory_space<hbm>> -> memref<8x1024xf32, #tpu.memory_space<hbm>>
    %dma_wait3A_930 = tpu.memref_slice %arg21[%dma_wait3A_926] : memref<12x!tpu.dma_semaphore, #tpu.memory_space<semaphore_mem>> -> memref<1x!tpu.dma_semaphore, #tpu.memory_space<semaphore_mem>>
    %dma_wait3A_931 = tpu.memref_squeeze %dma_wait3A_930 : memref<1x!tpu.dma_semaphore, #tpu.memory_space<semaphore_mem>> -> memref<!tpu.dma_semaphore, #tpu.memory_space<semaphore_mem>>
    %dma_wait3A_932 = arith.constant 0 : i32
    %dma_wait3A_933 = tpu.memref_slice %arg4[%dma_wait3A_925, %add3A_924, %dma_wait3A_932] : memref<4x8192x1024xf32, #tpu.memory_space<hbm>> -> memref<1x8x1024xf32, #tpu.memory_space<hbm>>
    %dma_wait3A_934 = tpu.memref_squeeze %dma_wait3A_933 : memref<1x8x1024xf32, #tpu.memory_space<hbm>> -> memref<8x1024xf32, #tpu.memory_space<hbm>>
    tpu.wait_dma2 semaphore(%dma_wait3A_931 : memref<!tpu.dma_semaphore, #tpu.memory_space<semaphore_mem>>) src(%arg5 : memref<8x1024xf32, #tpu.memory_space<vmem>>) dst(%dma_wait3A_934 : memref<8x1024xf32, #tpu.memory_space<hbm>>)
    %parallel_loop3A_935 = arith.constant 0 : i32
    %parallel_loop3A_936 = arith.constant 8192 : i32
    %parallel_loop3A_937 = arith.constant 16 : i32
    scf.for %parallel_loop3A_1115 = %parallel_loop3A_935 to %parallel_loop3A_936 step %parallel_loop3A_937  : i32 {
      %parallel_loop3A_1116 = arith.constant 10 : i32
      %parallel_loop3A_1117 = arith.shrsi %parallel_loop3A_1115, %parallel_loop3A_1116 : i32
      %parallel_loop3A_1118 = arith.constant 1023 : i32
      %parallel_loop3A_1119 = arith.andi %parallel_loop3A_1115, %parallel_loop3A_1118 : i32
      %parallel_loop3A_1120 = tpu.assume_multiple %parallel_loop3A_1119, 16 : i32
      %parallel_loop3A_1121 = arith.index_cast %parallel_loop3A_1117 : i32 to index
      %parallel_loop3A_1122 = arith.index_cast %parallel_loop3A_1120 : i32 to index
      %parallel_loop3A_1123 = tpu.vector_load %arg9[%parallel_loop3A_1121, %parallel_loop3A_1122] {strides = array<i32>} : memref<8x1024xf32, #tpu.memory_space<vmem>>, vector<1x16xf32>,
      %parallel_loop3A_1124 = vector.shape_cast %parallel_loop3A_1123 : vector<1x16xf32> to vector<16xf32>
      %parallel_loop3A_1125 = arith.index_cast %parallel_loop3A_1117 : i32 to index
      %parallel_loop3A_1126 = arith.index_cast %parallel_loop3A_1120 : i32 to index
      %parallel_loop3A_1127 = tpu.vector_load %arg18[%parallel_loop3A_1125, %parallel_loop3A_1126] {strides = array<i32>} : memref<8x1024xf32, #tpu.memory_space<vmem>>, vector<1x16xf32>,
      %parallel_loop3A_1128 = vector.shape_cast %parallel_loop3A_1127 : vector<1x16xf32> to vector<16xf32>
      %parallel_loop3A_1129 = arith.addf %parallel_loop3A_1124, %parallel_loop3A_1128 : vector<16xf32>
      %parallel_loop3A_1130 = arith.index_cast %parallel_loop3A_1117 : i32 to index
      %parallel_loop3A_1131 = arith.index_cast %parallel_loop3A_1120 : i32 to index
      %parallel_loop3A_1132 = tpu.vector_load %arg9[%parallel_loop3A_1130, %parallel_loop3A_1131] {strides = array<i32>} : memref<8x1024xf32, #tpu.memory_space<vmem>>, vector<1x16xf32>,
      %parallel_loop3A_1133 = vector.shape_cast %parallel_loop3A_1132 : vector<1x16xf32> to vector<16xf32>
      %parallel_loop3A_1134 = vector.shape_cast %parallel_loop3A_1129 : vector<16xf32> to vector<1x16xf32>
      tpu.vector_store %arg9[%parallel_loop3A_1130, %parallel_loop3A_1131], %parallel_loop3A_1134 {strides = array<i32>} : memref<8x1024xf32, #tpu.memory_space<vmem>>, vector<1x16xf32>,
    } {sc.loop_unroll_factor = 8 : i64, sc.parallel_access}
    %add3A_938 = arith.constant 248 : i32
    %add3A_939 = arith.addi %mul3A_2, %add3A_938 : i32
    %dma_start3A_940 = arith.constant 0 : i32
    %dma_start3A_941 = arith.constant 4 : i32
    %dma_start3A_942 = arith.constant 0 : i32
    %dma_start3A_943 = tpu.memref_slice %arg4[%dma_start3A_940, %add3A_939, %dma_start3A_942] : memref<4x8192x1024xf32, #tpu.memory_space<hbm>> -> memref<1x8x1024xf32, #tpu.memory_space<hbm>>
    %dma_start3A_944 = tpu.memref_squeeze %dma_start3A_943 : memref<1x8x1024xf32, #tpu.memory_space<hbm>> -> memref<8x1024xf32, #tpu.memory_space<hbm>>
    %dma_start3A_945 = tpu.memref_slice %arg21[%dma_start3A_941] : memref<12x!tpu.dma_semaphore, #tpu.memory_space<semaphore_mem>> -> memref<1x!tpu.dma_semaphore, #tpu.memory_space<semaphore_mem>>
    %dma_start3A_946 = tpu.memref_squeeze %dma_start3A_945 : memref<1x!tpu.dma_semaphore, #tpu.memory_space<semaphore_mem>> -> memref<!tpu.dma_semaphore, #tpu.memory_space<semaphore_mem>>
    %dma_start3A_947 = arith.constant 0 : i32
    %dma_start3A_948 = tpu.memref_slice %arg4[%dma_start3A_940, %add3A_939, %dma_start3A_947] : memref<4x8192x1024xf32, #tpu.memory_space<hbm>> -> memref<1x8x1024xf32, #tpu.memory_space<hbm>>
    %dma_start3A_949 = tpu.memref_squeeze %dma_start3A_948 : memref<1x8x1024xf32, #tpu.memory_space<hbm>> -> memref<8x1024xf32, #tpu.memory_space<hbm>>
    tpu.enqueue_dma source(%arg9 : memref<8x1024xf32, #tpu.memory_space<vmem>>) target(%dma_start3A_949 : memref<8x1024xf32, #tpu.memory_space<hbm>>) target_semaphore(%dma_start3A_946 : memref<!tpu.dma_semaphore, #tpu.memory_space<semaphore_mem>>)
    %add3A_950 = arith.constant 248 : i32
    %add3A_951 = arith.addi %mul3A_2, %add3A_950 : i32
    %dma_wait3A_952 = arith.constant 1 : i32
    %dma_wait3A_953 = arith.constant 5 : i32
    %dma_wait3A_954 = arith.constant 0 : i32
    %dma_wait3A_955 = tpu.memref_slice %arg2[%dma_wait3A_952, %add3A_951, %dma_wait3A_954] : memref<4x8192x1024xf32, #tpu.memory_space<hbm>> -> memref<1x8x1024xf32, #tpu.memory_space<hbm>>
    %dma_wait3A_956 = tpu.memref_squeeze %dma_wait3A_955 : memref<1x8x1024xf32, #tpu.memory_space<hbm>> -> memref<8x1024xf32, #tpu.memory_space<hbm>>
    %dma_wait3A_957 = tpu.memref_slice %arg20[%dma_wait3A_953] : memref<12x!tpu.dma_semaphore, #tpu.memory_space<semaphore_mem>> -> memref<1x!tpu.dma_semaphore, #tpu.memory_space<semaphore_mem>>
    %dma_wait3A_958 = tpu.memref_squeeze %dma_wait3A_957 : memref<1x!tpu.dma_semaphore, #tpu.memory_space<semaphore_mem>> -> memref<!tpu.dma_semaphore, #tpu.memory_space<semaphore_mem>>
    %dma_wait3A_959 = arith.constant 0 : i32
    %dma_wait3A_960 = tpu.memref_slice %arg2[%dma_wait3A_952, %add3A_951, %dma_wait3A_959] : memref<4x8192x1024xf32, #tpu.memory_space<hbm>> -> memref<1x8x1024xf32, #tpu.memory_space<hbm>>
    %dma_wait3A_961 = tpu.memref_squeeze %dma_wait3A_960 : memref<1x8x1024xf32, #tpu.memory_space<hbm>> -> memref<8x1024xf32, #tpu.memory_space<hbm>>
    tpu.wait_dma2 semaphore(%dma_wait3A_958 : memref<!tpu.dma_semaphore, #tpu.memory_space<semaphore_mem>>) src(%dma_wait3A_961 : memref<8x1024xf32, #tpu.memory_space<hbm>>) dst(%arg10 : memref<8x1024xf32, #tpu.memory_space<vmem>>)
    %add3A_962 = arith.constant 240 : i32
    %add3A_963 = arith.addi %mul3A_2, %add3A_962 : i32
    %dma_wait3A_964 = arith.constant 1 : i32
    %dma_wait3A_965 = arith.constant 1 : i32
    %dma_wait3A_966 = arith.constant 0 : i32
    %dma_wait3A_967 = tpu.memref_slice %arg4[%dma_wait3A_964, %add3A_963, %dma_wait3A_966] : memref<4x8192x1024xf32, #tpu.memory_space<hbm>> -> memref<1x8x1024xf32, #tpu.memory_space<hbm>>
    %dma_wait3A_968 = tpu.memref_squeeze %dma_wait3A_967 : memref<1x8x1024xf32, #tpu.memory_space<hbm>> -> memref<8x1024xf32, #tpu.memory_space<hbm>>
    %dma_wait3A_969 = tpu.memref_slice %arg21[%dma_wait3A_965] : memref<12x!tpu.dma_semaphore, #tpu.memory_space<semaphore_mem>> -> memref<1x!tpu.dma_semaphore, #tpu.memory_space<semaphore_mem>>
    %dma_wait3A_970 = tpu.memref_squeeze %dma_wait3A_969 : memref<1x!tpu.dma_semaphore, #tpu.memory_space<semaphore_mem>> -> memref<!tpu.dma_semaphore, #tpu.memory_space<semaphore_mem>>
    %dma_wait3A_971 = arith.constant 0 : i32
    %dma_wait3A_972 = tpu.memref_slice %arg4[%dma_wait3A_964, %add3A_963, %dma_wait3A_971] : memref<4x8192x1024xf32, #tpu.memory_space<hbm>> -> memref<1x8x1024xf32, #tpu.memory_space<hbm>>
    %dma_wait3A_973 = tpu.memref_squeeze %dma_wait3A_972 : memref<1x8x1024xf32, #tpu.memory_space<hbm>> -> memref<8x1024xf32, #tpu.memory_space<hbm>>
    tpu.wait_dma2 semaphore(%dma_wait3A_970 : memref<!tpu.dma_semaphore, #tpu.memory_space<semaphore_mem>>) src(%arg6 : memref<8x1024xf32, #tpu.memory_space<vmem>>) dst(%dma_wait3A_973 : memref<8x1024xf32, #tpu.memory_space<hbm>>)
    %parallel_loop3A_974 = arith.constant 0 : i32
    %parallel_loop3A_975 = arith.constant 8192 : i32
    %parallel_loop3A_976 = arith.constant 16 : i32
    scf.for %parallel_loop3A_1115 = %parallel_loop3A_974 to %parallel_loop3A_975 step %parallel_loop3A_976  : i32 {
      %parallel_loop3A_1116 = arith.constant 10 : i32
      %parallel_loop3A_1117 = arith.shrsi %parallel_loop3A_1115, %parallel_loop3A_1116 : i32
      %parallel_loop3A_1118 = arith.constant 1023 : i32
      %parallel_loop3A_1119 = arith.andi %parallel_loop3A_1115, %parallel_loop3A_1118 : i32
      %parallel_loop3A_1120 = tpu.assume_multiple %parallel_loop3A_1119, 16 : i32
      %parallel_loop3A_1121 = arith.index_cast %parallel_loop3A_1117 : i32 to index
      %parallel_loop3A_1122 = arith.index_cast %parallel_loop3A_1120 : i32 to index
      %parallel_loop3A_1123 = tpu.vector_load %arg10[%parallel_loop3A_1121, %parallel_loop3A_1122] {strides = array<i32>} : memref<8x1024xf32, #tpu.memory_space<vmem>>, vector<1x16xf32>,
      %parallel_loop3A_1124 = vector.shape_cast %parallel_loop3A_1123 : vector<1x16xf32> to vector<16xf32>
      %parallel_loop3A_1125 = arith.index_cast %parallel_loop3A_1117 : i32 to index
      %parallel_loop3A_1126 = arith.index_cast %parallel_loop3A_1120 : i32 to index
      %parallel_loop3A_1127 = tpu.vector_load %arg18[%parallel_loop3A_1125, %parallel_loop3A_1126] {strides = array<i32>} : memref<8x1024xf32, #tpu.memory_space<vmem>>, vector<1x16xf32>,
      %parallel_loop3A_1128 = vector.shape_cast %parallel_loop3A_1127 : vector<1x16xf32> to vector<16xf32>
      %parallel_loop3A_1129 = arith.addf %parallel_loop3A_1124, %parallel_loop3A_1128 : vector<16xf32>
      %parallel_loop3A_1130 = arith.index_cast %parallel_loop3A_1117 : i32 to index
      %parallel_loop3A_1131 = arith.index_cast %parallel_loop3A_1120 : i32 to index
      %parallel_loop3A_1132 = tpu.vector_load %arg10[%parallel_loop3A_1130, %parallel_loop3A_1131] {strides = array<i32>} : memref<8x1024xf32, #tpu.memory_space<vmem>>, vector<1x16xf32>,
      %parallel_loop3A_1133 = vector.shape_cast %parallel_loop3A_1132 : vector<1x16xf32> to vector<16xf32>
      %parallel_loop3A_1134 = vector.shape_cast %parallel_loop3A_1129 : vector<16xf32> to vector<1x16xf32>
      tpu.vector_store %arg10[%parallel_loop3A_1130, %parallel_loop3A_1131], %parallel_loop3A_1134 {strides = array<i32>} : memref<8x1024xf32, #tpu.memory_space<vmem>>, vector<1x16xf32>,
    } {sc.loop_unroll_factor = 8 : i64, sc.parallel_access}
    %add3A_977 = arith.constant 248 : i32
    %add3A_978 = arith.addi %mul3A_2, %add3A_977 : i32
    %dma_start3A_979 = arith.constant 1 : i32
    %dma_start3A_980 = arith.constant 5 : i32
    %dma_start3A_981 = arith.constant 0 : i32
    %dma_start3A_982 = tpu.memref_slice %arg4[%dma_start3A_979, %add3A_978, %dma_start3A_981] : memref<4x8192x1024xf32, #tpu.memory_space<hbm>> -> memref<1x8x1024xf32, #tpu.memory_space<hbm>>
    %dma_start3A_983 = tpu.memref_squeeze %dma_start3A_982 : memref<1x8x1024xf32, #tpu.memory_space<hbm>> -> memref<8x1024xf32, #tpu.memory_space<hbm>>
    %dma_start3A_984 = tpu.memref_slice %arg21[%dma_start3A_980] : memref<12x!tpu.dma_semaphore, #tpu.memory_space<semaphore_mem>> -> memref<1x!tpu.dma_semaphore, #tpu.memory_space<semaphore_mem>>
    %dma_start3A_985 = tpu.memref_squeeze %dma_start3A_984 : memref<1x!tpu.dma_semaphore, #tpu.memory_space<semaphore_mem>> -> memref<!tpu.dma_semaphore, #tpu.memory_space<semaphore_mem>>
    %dma_start3A_986 = arith.constant 0 : i32
    %dma_start3A_987 = tpu.memref_slice %arg4[%dma_start3A_979, %add3A_978, %dma_start3A_986] : memref<4x8192x1024xf32, #tpu.memory_space<hbm>> -> memref<1x8x1024xf32, #tpu.memory_space<hbm>>
    %dma_start3A_988 = tpu.memref_squeeze %dma_start3A_987 : memref<1x8x1024xf32, #tpu.memory_space<hbm>> -> memref<8x1024xf32, #tpu.memory_space<hbm>>
    tpu.enqueue_dma source(%arg10 : memref<8x1024xf32, #tpu.memory_space<vmem>>) target(%dma_start3A_988 : memref<8x1024xf32, #tpu.memory_space<hbm>>) target_semaphore(%dma_start3A_985 : memref<!tpu.dma_semaphore, #tpu.memory_space<semaphore_mem>>)
    %add3A_989 = arith.constant 248 : i32
    %add3A_990 = arith.addi %mul3A_2, %add3A_989 : i32
    %dma_wait3A_991 = arith.constant 2 : i32
    %dma_wait3A_992 = arith.constant 6 : i32
    %dma_wait3A_993 = arith.constant 0 : i32
    %dma_wait3A_994 = tpu.memref_slice %arg2[%dma_wait3A_991, %add3A_990, %dma_wait3A_993] : memref<4x8192x1024xf32, #tpu.memory_space<hbm>> -> memref<1x8x1024xf32, #tpu.memory_space<hbm>>
    %dma_wait3A_995 = tpu.memref_squeeze %dma_wait3A_994 : memref<1x8x1024xf32, #tpu.memory_space<hbm>> -> memref<8x1024xf32, #tpu.memory_space<hbm>>
    %dma_wait3A_996 = tpu.memref_slice %arg20[%dma_wait3A_992] : memref<12x!tpu.dma_semaphore, #tpu.memory_space<semaphore_mem>> -> memref<1x!tpu.dma_semaphore, #tpu.memory_space<semaphore_mem>>
    %dma_wait3A_997 = tpu.memref_squeeze %dma_wait3A_996 : memref<1x!tpu.dma_semaphore, #tpu.memory_space<semaphore_mem>> -> memref<!tpu.dma_semaphore, #tpu.memory_space<semaphore_mem>>
    %dma_wait3A_998 = arith.constant 0 : i32
    %dma_wait3A_999 = tpu.memref_slice %arg2[%dma_wait3A_991, %add3A_990, %dma_wait3A_998] : memref<4x8192x1024xf32, #tpu.memory_space<hbm>> -> memref<1x8x1024xf32, #tpu.memory_space<hbm>>
    %dma_wait3A_1000 = tpu.memref_squeeze %dma_wait3A_999 : memref<1x8x1024xf32, #tpu.memory_space<hbm>> -> memref<8x1024xf32, #tpu.memory_space<hbm>>
    tpu.wait_dma2 semaphore(%dma_wait3A_997 : memref<!tpu.dma_semaphore, #tpu.memory_space<semaphore_mem>>) src(%dma_wait3A_1000 : memref<8x1024xf32, #tpu.memory_space<hbm>>) dst(%arg11 : memref<8x1024xf32, #tpu.memory_space<vmem>>)
    %add3A_1001 = arith.constant 240 : i32
    %add3A_1002 = arith.addi %mul3A_2, %add3A_1001 : i32
    %dma_wait3A_1003 = arith.constant 2 : i32
    %dma_wait3A_1004 = arith.constant 2 : i32
    %dma_wait3A_1005 = arith.constant 0 : i32
    %dma_wait3A_1006 = tpu.memref_slice %arg4[%dma_wait3A_1003, %add3A_1002, %dma_wait3A_1005] : memref<4x8192x1024xf32, #tpu.memory_space<hbm>> -> memref<1x8x1024xf32, #tpu.memory_space<hbm>>
    %dma_wait3A_1007 = tpu.memref_squeeze %dma_wait3A_1006 : memref<1x8x1024xf32, #tpu.memory_space<hbm>> -> memref<8x1024xf32, #tpu.memory_space<hbm>>
    %dma_wait3A_1008 = tpu.memref_slice %arg21[%dma_wait3A_1004] : memref<12x!tpu.dma_semaphore, #tpu.memory_space<semaphore_mem>> -> memref<1x!tpu.dma_semaphore, #tpu.memory_space<semaphore_mem>>
    %dma_wait3A_1009 = tpu.memref_squeeze %dma_wait3A_1008 : memref<1x!tpu.dma_semaphore, #tpu.memory_space<semaphore_mem>> -> memref<!tpu.dma_semaphore, #tpu.memory_space<semaphore_mem>>
    %dma_wait3A_1010 = arith.constant 0 : i32
    %dma_wait3A_1011 = tpu.memref_slice %arg4[%dma_wait3A_1003, %add3A_1002, %dma_wait3A_1010] : memref<4x8192x1024xf32, #tpu.memory_space<hbm>> -> memref<1x8x1024xf32, #tpu.memory_space<hbm>>
    %dma_wait3A_1012 = tpu.memref_squeeze %dma_wait3A_1011 : memref<1x8x1024xf32, #tpu.memory_space<hbm>> -> memref<8x1024xf32, #tpu.memory_space<hbm>>
    tpu.wait_dma2 semaphore(%dma_wait3A_1009 : memref<!tpu.dma_semaphore, #tpu.memory_space<semaphore_mem>>) src(%arg7 : memref<8x1024xf32, #tpu.memory_space<vmem>>) dst(%dma_wait3A_1012 : memref<8x1024xf32, #tpu.memory_space<hbm>>)
    %parallel_loop3A_1013 = arith.constant 0 : i32
    %parallel_loop3A_1014 = arith.constant 8192 : i32
    %parallel_loop3A_1015 = arith.constant 16 : i32
    scf.for %parallel_loop3A_1115 = %parallel_loop3A_1013 to %parallel_loop3A_1014 step %parallel_loop3A_1015  : i32 {
      %parallel_loop3A_1116 = arith.constant 10 : i32
      %parallel_loop3A_1117 = arith.shrsi %parallel_loop3A_1115, %parallel_loop3A_1116 : i32
      %parallel_loop3A_1118 = arith.constant 1023 : i32
      %parallel_loop3A_1119 = arith.andi %parallel_loop3A_1115, %parallel_loop3A_1118 : i32
      %parallel_loop3A_1120 = tpu.assume_multiple %parallel_loop3A_1119, 16 : i32
      %parallel_loop3A_1121 = arith.index_cast %parallel_loop3A_1117 : i32 to index
      %parallel_loop3A_1122 = arith.index_cast %parallel_loop3A_1120 : i32 to index
      %parallel_loop3A_1123 = tpu.vector_load %arg11[%parallel_loop3A_1121, %parallel_loop3A_1122] {strides = array<i32>} : memref<8x1024xf32, #tpu.memory_space<vmem>>, vector<1x16xf32>,
      %parallel_loop3A_1124 = vector.shape_cast %parallel_loop3A_1123 : vector<1x16xf32> to vector<16xf32>
      %parallel_loop3A_1125 = arith.index_cast %parallel_loop3A_1117 : i32 to index
      %parallel_loop3A_1126 = arith.index_cast %parallel_loop3A_1120 : i32 to index
      %parallel_loop3A_1127 = tpu.vector_load %arg18[%parallel_loop3A_1125, %parallel_loop3A_1126] {strides = array<i32>} : memref<8x1024xf32, #tpu.memory_space<vmem>>, vector<1x16xf32>,
      %parallel_loop3A_1128 = vector.shape_cast %parallel_loop3A_1127 : vector<1x16xf32> to vector<16xf32>
      %parallel_loop3A_1129 = arith.addf %parallel_loop3A_1124, %parallel_loop3A_1128 : vector<16xf32>
      %parallel_loop3A_1130 = arith.index_cast %parallel_loop3A_1117 : i32 to index
      %parallel_loop3A_1131 = arith.index_cast %parallel_loop3A_1120 : i32 to index
      %parallel_loop3A_1132 = tpu.vector_load %arg11[%parallel_loop3A_1130, %parallel_loop3A_1131] {strides = array<i32>} : memref<8x1024xf32, #tpu.memory_space<vmem>>, vector<1x16xf32>,
      %parallel_loop3A_1133 = vector.shape_cast %parallel_loop3A_1132 : vector<1x16xf32> to vector<16xf32>
      %parallel_loop3A_1134 = vector.shape_cast %parallel_loop3A_1129 : vector<16xf32> to vector<1x16xf32>
      tpu.vector_store %arg11[%parallel_loop3A_1130, %parallel_loop3A_1131], %parallel_loop3A_1134 {strides = array<i32>} : memref<8x1024xf32, #tpu.memory_space<vmem>>, vector<1x16xf32>,
    } {sc.loop_unroll_factor = 8 : i64, sc.parallel_access}
    %add3A_1016 = arith.constant 248 : i32
    %add3A_1017 = arith.addi %mul3A_2, %add3A_1016 : i32
    %dma_start3A_1018 = arith.constant 2 : i32
    %dma_start3A_1019 = arith.constant 6 : i32
    %dma_start3A_1020 = arith.constant 0 : i32
    %dma_start3A_1021 = tpu.memref_slice %arg4[%dma_start3A_1018, %add3A_1017, %dma_start3A_1020] : memref<4x8192x1024xf32, #tpu.memory_space<hbm>> -> memref<1x8x1024xf32, #tpu.memory_space<hbm>>
    %dma_start3A_1022 = tpu.memref_squeeze %dma_start3A_1021 : memref<1x8x1024xf32, #tpu.memory_space<hbm>> -> memref<8x1024xf32, #tpu.memory_space<hbm>>
    %dma_start3A_1023 = tpu.memref_slice %arg21[%dma_start3A_1019] : memref<12x!tpu.dma_semaphore, #tpu.memory_space<semaphore_mem>> -> memref<1x!tpu.dma_semaphore, #tpu.memory_space<semaphore_mem>>
    %dma_start3A_1024 = tpu.memref_squeeze %dma_start3A_1023 : memref<1x!tpu.dma_semaphore, #tpu.memory_space<semaphore_mem>> -> memref<!tpu.dma_semaphore, #tpu.memory_space<semaphore_mem>>
    %dma_start3A_1025 = arith.constant 0 : i32
    %dma_start3A_1026 = tpu.memref_slice %arg4[%dma_start3A_1018, %add3A_1017, %dma_start3A_1025] : memref<4x8192x1024xf32, #tpu.memory_space<hbm>> -> memref<1x8x1024xf32, #tpu.memory_space<hbm>>
    %dma_start3A_1027 = tpu.memref_squeeze %dma_start3A_1026 : memref<1x8x1024xf32, #tpu.memory_space<hbm>> -> memref<8x1024xf32, #tpu.memory_space<hbm>>
    tpu.enqueue_dma source(%arg11 : memref<8x1024xf32, #tpu.memory_space<vmem>>) target(%dma_start3A_1027 : memref<8x1024xf32, #tpu.memory_space<hbm>>) target_semaphore(%dma_start3A_1024 : memref<!tpu.dma_semaphore, #tpu.memory_space<semaphore_mem>>)
    %add3A_1028 = arith.constant 248 : i32
    %add3A_1029 = arith.addi %mul3A_2, %add3A_1028 : i32
    %dma_wait3A_1030 = arith.constant 3 : i32
    %dma_wait3A_1031 = arith.constant 7 : i32
    %dma_wait3A_1032 = arith.constant 0 : i32
    %dma_wait3A_1033 = tpu.memref_slice %arg2[%dma_wait3A_1030, %add3A_1029, %dma_wait3A_1032] : memref<4x8192x1024xf32, #tpu.memory_space<hbm>> -> memref<1x8x1024xf32, #tpu.memory_space<hbm>>
    %dma_wait3A_1034 = tpu.memref_squeeze %dma_wait3A_1033 : memref<1x8x1024xf32, #tpu.memory_space<hbm>> -> memref<8x1024xf32, #tpu.memory_space<hbm>>
    %dma_wait3A_1035 = tpu.memref_slice %arg20[%dma_wait3A_1031] : memref<12x!tpu.dma_semaphore, #tpu.memory_space<semaphore_mem>> -> memref<1x!tpu.dma_semaphore, #tpu.memory_space<semaphore_mem>>
    %dma_wait3A_1036 = tpu.memref_squeeze %dma_wait3A_1035 : memref<1x!tpu.dma_semaphore, #tpu.memory_space<semaphore_mem>> -> memref<!tpu.dma_semaphore, #tpu.memory_space<semaphore_mem>>
    %dma_wait3A_1037 = arith.constant 0 : i32
    %dma_wait3A_1038 = tpu.memref_slice %arg2[%dma_wait3A_1030, %add3A_1029, %dma_wait3A_1037] : memref<4x8192x1024xf32, #tpu.memory_space<hbm>> -> memref<1x8x1024xf32, #tpu.memory_space<hbm>>
    %dma_wait3A_1039 = tpu.memref_squeeze %dma_wait3A_1038 : memref<1x8x1024xf32, #tpu.memory_space<hbm>> -> memref<8x1024xf32, #tpu.memory_space<hbm>>
    tpu.wait_dma2 semaphore(%dma_wait3A_1036 : memref<!tpu.dma_semaphore, #tpu.memory_space<semaphore_mem>>) src(%dma_wait3A_1039 : memref<8x1024xf32, #tpu.memory_space<hbm>>) dst(%arg12 : memref<8x1024xf32, #tpu.memory_space<vmem>>)
    %add3A_1040 = arith.constant 240 : i32
    %add3A_1041 = arith.addi %mul3A_2, %add3A_1040 : i32
    %dma_wait3A_1042 = arith.constant 3 : i32
    %dma_wait3A_1043 = arith.constant 3 : i32
    %dma_wait3A_1044 = arith.constant 0 : i32
    %dma_wait3A_1045 = tpu.memref_slice %arg4[%dma_wait3A_1042, %add3A_1041, %dma_wait3A_1044] : memref<4x8192x1024xf32, #tpu.memory_space<hbm>> -> memref<1x8x1024xf32, #tpu.memory_space<hbm>>
    %dma_wait3A_1046 = tpu.memref_squeeze %dma_wait3A_1045 : memref<1x8x1024xf32, #tpu.memory_space<hbm>> -> memref<8x1024xf32, #tpu.memory_space<hbm>>
    %dma_wait3A_1047 = tpu.memref_slice %arg21[%dma_wait3A_1043] : memref<12x!tpu.dma_semaphore, #tpu.memory_space<semaphore_mem>> -> memref<1x!tpu.dma_semaphore, #tpu.memory_space<semaphore_mem>>
    %dma_wait3A_1048 = tpu.memref_squeeze %dma_wait3A_1047 : memref<1x!tpu.dma_semaphore, #tpu.memory_space<semaphore_mem>> -> memref<!tpu.dma_semaphore, #tpu.memory_space<semaphore_mem>>
    %dma_wait3A_1049 = arith.constant 0 : i32
    %dma_wait3A_1050 = tpu.memref_slice %arg4[%dma_wait3A_1042, %add3A_1041, %dma_wait3A_1049] : memref<4x8192x1024xf32, #tpu.memory_space<hbm>> -> memref<1x8x1024xf32, #tpu.memory_space<hbm>>
    %dma_wait3A_1051 = tpu.memref_squeeze %dma_wait3A_1050 : memref<1x8x1024xf32, #tpu.memory_space<hbm>> -> memref<8x1024xf32, #tpu.memory_space<hbm>>
    tpu.wait_dma2 semaphore(%dma_wait3A_1048 : memref<!tpu.dma_semaphore, #tpu.memory_space<semaphore_mem>>) src(%arg8 : memref<8x1024xf32, #tpu.memory_space<vmem>>) dst(%dma_wait3A_1051 : memref<8x1024xf32, #tpu.memory_space<hbm>>)
    %parallel_loop3A_1052 = arith.constant 0 : i32
    %parallel_loop3A_1053 = arith.constant 8192 : i32
    %parallel_loop3A_1054 = arith.constant 16 : i32
    scf.for %parallel_loop3A_1115 = %parallel_loop3A_1052 to %parallel_loop3A_1053 step %parallel_loop3A_1054  : i32 {
      %parallel_loop3A_1116 = arith.constant 10 : i32
      %parallel_loop3A_1117 = arith.shrsi %parallel_loop3A_1115, %parallel_loop3A_1116 : i32
      %parallel_loop3A_1118 = arith.constant 1023 : i32
      %parallel_loop3A_1119 = arith.andi %parallel_loop3A_1115, %parallel_loop3A_1118 : i32
      %parallel_loop3A_1120 = tpu.assume_multiple %parallel_loop3A_1119, 16 : i32
      %parallel_loop3A_1121 = arith.index_cast %parallel_loop3A_1117 : i32 to index
      %parallel_loop3A_1122 = arith.index_cast %parallel_loop3A_1120 : i32 to index
      %parallel_loop3A_1123 = tpu.vector_load %arg12[%parallel_loop3A_1121, %parallel_loop3A_1122] {strides = array<i32>} : memref<8x1024xf32, #tpu.memory_space<vmem>>, vector<1x16xf32>,
      %parallel_loop3A_1124 = vector.shape_cast %parallel_loop3A_1123 : vector<1x16xf32> to vector<16xf32>
      %parallel_loop3A_1125 = arith.index_cast %parallel_loop3A_1117 : i32 to index
      %parallel_loop3A_1126 = arith.index_cast %parallel_loop3A_1120 : i32 to index
      %parallel_loop3A_1127 = tpu.vector_load %arg18[%parallel_loop3A_1125, %parallel_loop3A_1126] {strides = array<i32>} : memref<8x1024xf32, #tpu.memory_space<vmem>>, vector<1x16xf32>,
      %parallel_loop3A_1128 = vector.shape_cast %parallel_loop3A_1127 : vector<1x16xf32> to vector<16xf32>
      %parallel_loop3A_1129 = arith.addf %parallel_loop3A_1124, %parallel_loop3A_1128 : vector<16xf32>
      %parallel_loop3A_1130 = arith.index_cast %parallel_loop3A_1117 : i32 to index
      %parallel_loop3A_1131 = arith.index_cast %parallel_loop3A_1120 : i32 to index
      %parallel_loop3A_1132 = tpu.vector_load %arg12[%parallel_loop3A_1130, %parallel_loop3A_1131] {strides = array<i32>} : memref<8x1024xf32, #tpu.memory_space<vmem>>, vector<1x16xf32>,
      %parallel_loop3A_1133 = vector.shape_cast %parallel_loop3A_1132 : vector<1x16xf32> to vector<16xf32>
      %parallel_loop3A_1134 = vector.shape_cast %parallel_loop3A_1129 : vector<16xf32> to vector<1x16xf32>
      tpu.vector_store %arg12[%parallel_loop3A_1130, %parallel_loop3A_1131], %parallel_loop3A_1134 {strides = array<i32>} : memref<8x1024xf32, #tpu.memory_space<vmem>>, vector<1x16xf32>,
    } {sc.loop_unroll_factor = 8 : i64, sc.parallel_access}
    %add3A_1055 = arith.constant 248 : i32
    %add3A_1056 = arith.addi %mul3A_2, %add3A_1055 : i32
    %dma_start3A_1057 = arith.constant 3 : i32
    %dma_start3A_1058 = arith.constant 7 : i32
    %dma_start3A_1059 = arith.constant 0 : i32
    %dma_start3A_1060 = tpu.memref_slice %arg4[%dma_start3A_1057, %add3A_1056, %dma_start3A_1059] : memref<4x8192x1024xf32, #tpu.memory_space<hbm>> -> memref<1x8x1024xf32, #tpu.memory_space<hbm>>
    %dma_start3A_1061 = tpu.memref_squeeze %dma_start3A_1060 : memref<1x8x1024xf32, #tpu.memory_space<hbm>> -> memref<8x1024xf32, #tpu.memory_space<hbm>>
    %dma_start3A_1062 = tpu.memref_slice %arg21[%dma_start3A_1058] : memref<12x!tpu.dma_semaphore, #tpu.memory_space<semaphore_mem>> -> memref<1x!tpu.dma_semaphore, #tpu.memory_space<semaphore_mem>>
    %dma_start3A_1063 = tpu.memref_squeeze %dma_start3A_1062 : memref<1x!tpu.dma_semaphore, #tpu.memory_space<semaphore_mem>> -> memref<!tpu.dma_semaphore, #tpu.memory_space<semaphore_mem>>
    %dma_start3A_1064 = arith.constant 0 : i32
    %dma_start3A_1065 = tpu.memref_slice %arg4[%dma_start3A_1057, %add3A_1056, %dma_start3A_1064] : memref<4x8192x1024xf32, #tpu.memory_space<hbm>> -> memref<1x8x1024xf32, #tpu.memory_space<hbm>>
    %dma_start3A_1066 = tpu.memref_squeeze %dma_start3A_1065 : memref<1x8x1024xf32, #tpu.memory_space<hbm>> -> memref<8x1024xf32, #tpu.memory_space<hbm>>
    tpu.enqueue_dma source(%arg12 : memref<8x1024xf32, #tpu.memory_space<vmem>>) target(%dma_start3A_1066 : memref<8x1024xf32, #tpu.memory_space<hbm>>) target_semaphore(%dma_start3A_1063 : memref<!tpu.dma_semaphore, #tpu.memory_space<semaphore_mem>>)
    %add3A_1067 = arith.constant 248 : i32
    %add3A_1068 = arith.addi %mul3A_2, %add3A_1067 : i32
    %dma_wait3A_1069 = arith.constant 0 : i32
    %dma_wait3A_1070 = arith.constant 4 : i32
    %dma_wait3A_1071 = arith.constant 0 : i32
    %dma_wait3A_1072 = tpu.memref_slice %arg4[%dma_wait3A_1069, %add3A_1068, %dma_wait3A_1071] : memref<4x8192x1024xf32, #tpu.memory_space<hbm>> -> memref<1x8x1024xf32, #tpu.memory_space<hbm>>
    %dma_wait3A_1073 = tpu.memref_squeeze %dma_wait3A_1072 : memref<1x8x1024xf32, #tpu.memory_space<hbm>> -> memref<8x1024xf32, #tpu.memory_space<hbm>>
    %dma_wait3A_1074 = tpu.memref_slice %arg21[%dma_wait3A_1070] : memref<12x!tpu.dma_semaphore, #tpu.memory_space<semaphore_mem>> -> memref<1x!tpu.dma_semaphore, #tpu.memory_space<semaphore_mem>>
    %dma_wait3A_1075 = tpu.memref_squeeze %dma_wait3A_1074 : memref<1x!tpu.dma_semaphore, #tpu.memory_space<semaphore_mem>> -> memref<!tpu.dma_semaphore, #tpu.memory_space<semaphore_mem>>
    %dma_wait3A_1076 = arith.constant 0 : i32
    %dma_wait3A_1077 = tpu.memref_slice %arg4[%dma_wait3A_1069, %add3A_1068, %dma_wait3A_1076] : memref<4x8192x1024xf32, #tpu.memory_space<hbm>> -> memref<1x8x1024xf32, #tpu.memory_space<hbm>>
    %dma_wait3A_1078 = tpu.memref_squeeze %dma_wait3A_1077 : memref<1x8x1024xf32, #tpu.memory_space<hbm>> -> memref<8x1024xf32, #tpu.memory_space<hbm>>
    tpu.wait_dma2 semaphore(%dma_wait3A_1075 : memref<!tpu.dma_semaphore, #tpu.memory_space<semaphore_mem>>) src(%arg9 : memref<8x1024xf32, #tpu.memory_space<vmem>>) dst(%dma_wait3A_1078 : memref<8x1024xf32, #tpu.memory_space<hbm>>)
    %add3A_1079 = arith.constant 248 : i32
    %add3A_1080 = arith.addi %mul3A_2, %add3A_1079 : i32
    %dma_wait3A_1081 = arith.constant 1 : i32
    %dma_wait3A_1082 = arith.constant 5 : i32
    %dma_wait3A_1083 = arith.constant 0 : i32
    %dma_wait3A_1084 = tpu.memref_slice %arg4[%dma_wait3A_1081, %add3A_1080, %dma_wait3A_1083] : memref<4x8192x1024xf32, #tpu.memory_space<hbm>> -> memref<1x8x1024xf32, #tpu.memory_space<hbm>>
    %dma_wait3A_1085 = tpu.memref_squeeze %dma_wait3A_1084 : memref<1x8x1024xf32, #tpu.memory_space<hbm>> -> memref<8x1024xf32, #tpu.memory_space<hbm>>
    %dma_wait3A_1086 = tpu.memref_slice %arg21[%dma_wait3A_1082] : memref<12x!tpu.dma_semaphore, #tpu.memory_space<semaphore_mem>> -> memref<1x!tpu.dma_semaphore, #tpu.memory_space<semaphore_mem>>
    %dma_wait3A_1087 = tpu.memref_squeeze %dma_wait3A_1086 : memref<1x!tpu.dma_semaphore, #tpu.memory_space<semaphore_mem>> -> memref<!tpu.dma_semaphore, #tpu.memory_space<semaphore_mem>>
    %dma_wait3A_1088 = arith.constant 0 : i32
    %dma_wait3A_1089 = tpu.memref_slice %arg4[%dma_wait3A_1081, %add3A_1080, %dma_wait3A_1088] : memref<4x8192x1024xf32, #tpu.memory_space<hbm>> -> memref<1x8x1024xf32, #tpu.memory_space<hbm>>
    %dma_wait3A_1090 = tpu.memref_squeeze %dma_wait3A_1089 : memref<1x8x1024xf32, #tpu.memory_space<hbm>> -> memref<8x1024xf32, #tpu.memory_space<hbm>>
    tpu.wait_dma2 semaphore(%dma_wait3A_1087 : memref<!tpu.dma_semaphore, #tpu.memory_space<semaphore_mem>>) src(%arg10 : memref<8x1024xf32, #tpu.memory_space<vmem>>) dst(%dma_wait3A_1090 : memref<8x1024xf32, #tpu.memory_space<hbm>>)
    %add3A_1091 = arith.constant 248 : i32
    %add3A_1092 = arith.addi %mul3A_2, %add3A_1091 : i32
    %dma_wait3A_1093 = arith.constant 2 : i32
    %dma_wait3A_1094 = arith.constant 6 : i32
    %dma_wait3A_1095 = arith.constant 0 : i32
    %dma_wait3A_1096 = tpu.memref_slice %arg4[%dma_wait3A_1093, %add3A_1092, %dma_wait3A_1095] : memref<4x8192x1024xf32, #tpu.memory_space<hbm>> -> memref<1x8x1024xf32, #tpu.memory_space<hbm>>
    %dma_wait3A_1097 = tpu.memref_squeeze %dma_wait3A_1096 : memref<1x8x1024xf32, #tpu.memory_space<hbm>> -> memref<8x1024xf32, #tpu.memory_space<hbm>>
    %dma_wait3A_1098 = tpu.memref_slice %arg21[%dma_wait3A_1094] : memref<12x!tpu.dma_semaphore, #tpu.memory_space<semaphore_mem>> -> memref<1x!tpu.dma_semaphore, #tpu.memory_space<semaphore_mem>>
    %dma_wait3A_1099 = tpu.memref_squeeze %dma_wait3A_1098 : memref<1x!tpu.dma_semaphore, #tpu.memory_space<semaphore_mem>> -> memref<!tpu.dma_semaphore, #tpu.memory_space<semaphore_mem>>
    %dma_wait3A_1100 = arith.constant 0 : i32
    %dma_wait3A_1101 = tpu.memref_slice %arg4[%dma_wait3A_1093, %add3A_1092, %dma_wait3A_1100] : memref<4x8192x1024xf32, #tpu.memory_space<hbm>> -> memref<1x8x1024xf32, #tpu.memory_space<hbm>>
    %dma_wait3A_1102 = tpu.memref_squeeze %dma_wait3A_1101 : memref<1x8x1024xf32, #tpu.memory_space<hbm>> -> memref<8x1024xf32, #tpu.memory_space<hbm>>
    tpu.wait_dma2 semaphore(%dma_wait3A_1099 : memref<!tpu.dma_semaphore, #tpu.memory_space<semaphore_mem>>) src(%arg11 : memref<8x1024xf32, #tpu.memory_space<vmem>>) dst(%dma_wait3A_1102 : memref<8x1024xf32, #tpu.memory_space<hbm>>)
    %add3A_1103 = arith.constant 248 : i32
    %add3A_1104 = arith.addi %mul3A_2, %add3A_1103 : i32
    %dma_wait3A_1105 = arith.constant 3 : i32
    %dma_wait3A_1106 = arith.constant 7 : i32
    %dma_wait3A_1107 = arith.constant 0 : i32
    %dma_wait3A_1108 = tpu.memref_slice %arg4[%dma_wait3A_1105, %add3A_1104, %dma_wait3A_1107] : memref<4x8192x1024xf32, #tpu.memory_space<hbm>> -> memref<1x8x1024xf32, #tpu.memory_space<hbm>>
    %dma_wait3A_1109 = tpu.memref_squeeze %dma_wait3A_1108 : memref<1x8x1024xf32, #tpu.memory_space<hbm>> -> memref<8x1024xf32, #tpu.memory_space<hbm>>
    %dma_wait3A_1110 = tpu.memref_slice %arg21[%dma_wait3A_1106] : memref<12x!tpu.dma_semaphore, #tpu.memory_space<semaphore_mem>> -> memref<1x!tpu.dma_semaphore, #tpu.memory_space<semaphore_mem>>
    %dma_wait3A_1111 = tpu.memref_squeeze %dma_wait3A_1110 : memref<1x!tpu.dma_semaphore, #tpu.memory_space<semaphore_mem>> -> memref<!tpu.dma_semaphore, #tpu.memory_space<semaphore_mem>>
    %dma_wait3A_1112 = arith.constant 0 : i32
    %dma_wait3A_1113 = tpu.memref_slice %arg4[%dma_wait3A_1105, %add3A_1104, %dma_wait3A_1112] : memref<4x8192x1024xf32, #tpu.memory_space<hbm>> -> memref<1x8x1024xf32, #tpu.memory_space<hbm>>
    %dma_wait3A_1114 = tpu.memref_squeeze %dma_wait3A_1113 : memref<1x8x1024xf32, #tpu.memory_space<hbm>> -> memref<8x1024xf32, #tpu.memory_space<hbm>>
    tpu.wait_dma2 semaphore(%dma_wait3A_1111 : memref<!tpu.dma_semaphore, #tpu.memory_space<semaphore_mem>>) src(%arg12 : memref<8x1024xf32, #tpu.memory_space<vmem>>) dst(%dma_wait3A_1114 : memref<8x1024xf32, #tpu.memory_space<hbm>>)
    return
  }
}

</mosaic_0001>

<sc_bundles>
// kernel: kernel.3.cloned.1.call-start
scs
__scs_entry_jumppad:
0x0: {  	(pc) =	sbr.rel $0x88, $3  }
0x1: {  	(tag) =	ssettag $0x0;
	lr =	simm.s32 $0x1  }
0x2: {  	[smem:$0x3F9F] =	sst lr;
	_ =	strace $0xD0000000  }
0x3: {  	_ = 	snop  }
0x4: {  	_ = 	snop  }
0x5: {  	_ = 	snop  }
0x6: {  	_ = 	snop  }
0x7: {  	_ = 	snop  }
__scs_overlays_trampoline_lowered:
0x8: {  	[smem:$0x3FAE] =	sst s0  }
0x9: {  	[smem:$0x3FAF] =	sst s1  }
0xa: {  	[smem:$0x3FB0] =	sst s2  }
0xb: {  	[smem:$0x3FB1] =	sst s3  }
0xc: {  	[smem:$0x3FB2] =	sst s4  }
0xd: {  	[smem:$0x3FB3] =	sst s5  }
0xe: {  	[smem:$0x3FB4] =	sst s6  }
0xf: {  	[smem:$0x3FB5] =	sst s7  }
0x10: {  	[smem:$0x3FB6] =	sst s8  }
0x11: {  	[smem:$0x3FB7] =	sst s9;
	s0 =	simm.s32 @!p0 $0x0  }
0x12: {  	s1 =	sld [smem:$0x3F9D];
	s0 =	simm.s32 @p0 $0x1  }
0x13: {  	[smem:$0x3FB8] =	sst s0;
	s0 =	simm.s32 @!p1 $0x0  }
0x14: {  	s2 =	sld [smem:$0x3F9C];
	s0 =	simm.s32 @p1 $0x1  }
0x15: {  	[smem:$0x3FB9] =	sst s0;
	s0 =	simm.s32 @!p2 $0x0  }
0x16: {  	s3 =	sld [smem:$0x3FDB];
	s0 =	simm.s32 @p2 $0x1  }
0x17: {  	s4 =	simm.s32 $0x1BF5;
	[smem:$0x3FBB] =	sst s0  }
0x18: {  	s0 =	sld [smem:$0x3F9E];
	_ =	swait.ge [sflag:s4], $0x0  }
0x19: {  	s7 =	sld [smem:$0x3F9F]  }
0x1a: {  	s8 =	sadd.s32 $0xFFFFE003, lr  }
0x1b: {  	s9 =	sadd.s32 $0xFFFFFEF7, lr;
	s5 =	simm.s32 $0xFFFFFFFF;
	p2 =	slt.u32 s8, $0xFFFFF086  }
0x1c: {  	p1 =	slt.u32 s9, $0xF7A;
	s5 =	simm.s32 @!p2 $0x0  }
0x1d: {  	s5 =	simm.s32 @p1 $0x1;
	p0 =	seq.s32 s7, s2  }
0x1e: {  	s7 =	smul.u32 @!p0 $0xF7A, s2;
	p2 =	seq.s32 @!p0 s5, $0x0  }
0x1f: {  	s9 =	smul.u32 $0xF7A, s1;
	s8 =	simm.s32 @!p0 $0x1BF5;
	p2 =	por !p2, p0  }
0x20: {  	[sflag:s8] =	ssyncset.s32 @!p0 $0xFFFFF086;
	s6 =	sadd.s32 @!p0 s3, s7;
	s7 =	simm.s32 @!p0 $0x108  }
0x21: {  	s3 =	sadd.s32 s3, s9;
	s6 =	sadd.s32 @!p0 $0x88, s6;
	s7 =	simm.s32 @p2 $0x1082  }
0x22: {  	[simem:s7], [sflag:s8] =	dma.local @!p0 [hbm:s6], $0xF7A  }
0x23: {  	s9 =	sor.u32 $0xD0000000, s2;
	s6 =	simm.s32 $0x108;
	_ =	swait.ge @!p0 [sflag:s8], $0x0  }
0x24: {  	s3 =	sadd.s32 $0x88, s3;
	s6 =	simm.s32 @!p1 $0x1082;
	[sflag:s4] =	ssyncset.s32 $0xFFFFF086  }
0x25: {  	[simem:s6], [sflag:s4] =	dma.local [hbm:s3], $0xF7A  }
0x26: {  	[smem:$0x3F9F] =	sst s1;
	(tag) =	ssettag s2;
	_ =	strace s9  }
0x27: {  	s1 =	sld [smem:$0x3FAF]  }
0x28: {  	s2 =	sld [smem:$0x3FB0]  }
0x29: {  	s4 =	sld [smem:$0x3FB2]  }
0x2a: {  	p0 =	seq.s32 s5, $0x0;
	s5 =	sld [smem:$0x3FB3]  }
0x2b: {  	s6 =	sld [smem:$0x3FB4]  }
0x2c: {  	s7 =	sld [smem:$0x3FB5]  }
0x2d: {  	s3 =	simm.s32 $0x108;
	s8 =	sld [smem:$0x3FB6]  }
0x2e: {  	s3 =	simm.s32 @!p0 $0x1082;
	s9 =	sld [smem:$0x3FB7]  }
0x2f: {  	lr =	sadd.s32 s0, s3;
	s0 =	sld [smem:$0x3FAE]  }
0x30: {  	s3 =	sld [smem:$0x3FB1]  }
0x31: {  	[smem:$0x3FBA] =	sst s10  }
0x32: {  	s10 =	sld [smem:$0x3FB8];
	_ =	sdelay $0x3  }
0x33: {  	p0 =	seq.s32 s10, $0x1;
	s10 =	sld [smem:$0x3FBA];
	_ =	sdelay $0x3  }
0x34: {  	[smem:$0x3FBA] =	sst s10  }
0x35: {  	s10 =	sld [smem:$0x3FB9];
	_ =	sdelay $0x3  }
0x36: {  	p1 =	seq.s32 s10, $0x1;
	s10 =	sld [smem:$0x3FBA];
	_ =	sdelay $0x3  }
0x37: {  	[smem:$0x3FBA] =	sst s10  }
0x38: {  	s10 =	sld [smem:$0x3FBB]  }
0x39: {  	_ = 	snop;
	(pc) =	sbr.ind lr, $3  }
0x3a: {  	_ = 	snop  }
0x3b: {  	_ = 	snop  }
0x3c: {  	p2 =	seq.s32 s10, $0x1;
	s10 =	sld [smem:$0x3FBA]  }
0x3d: {  	_ =	shalt  }
0x3e: {  	_ =	shalt  }
0x3f: {  	_ =	shalt  }
0x40: {  	_ =	shalt  }
0x41: {  	_ =	shalt  }
0x42: {  	_ =	shalt  }
0x43: {  	_ =	shalt  }
0x44: {  	_ =	shalt  }
0x45: {  	_ =	shalt  }
0x46: {  	_ =	shalt  }
0x47: {  	_ =	shalt  }
0x48: {  	_ =	shalt  }
0x49: {  	_ =	shalt  }
0x4a: {  	_ =	shalt  }
0x4b: {  	_ =	shalt  }
0x4c: {  	_ =	shalt  }
0x4d: {  	_ =	shalt  }
0x4e: {  	_ =	shalt  }
0x4f: {  	_ =	shalt  }
0x50: {  	_ =	shalt  }
0x51: {  	_ =	shalt  }
0x52: {  	_ =	shalt  }
0x53: {  	_ =	shalt  }
0x54: {  	_ =	shalt  }
0x55: {  	_ =	shalt  }
0x56: {  	_ =	shalt  }
0x57: {  	_ =	shalt  }
0x58: {  	_ =	shalt  }
0x59: {  	_ =	shalt  }
0x5a: {  	_ =	shalt  }
0x5b: {  	_ =	shalt  }
0x5c: {  	_ =	shalt  }
0x5d: {  	_ =	shalt  }
0x5e: {  	_ =	shalt  }
0x5f: {  	_ =	shalt  }
0x60: {  	_ =	shalt  }
0x61: {  	_ =	shalt  }
0x62: {  	_ =	shalt  }
0x63: {  	_ =	shalt  }
0x64: {  	_ =	shalt  }
0x65: {  	_ =	shalt  }
0x66: {  	_ =	shalt  }
0x67: {  	_ =	shalt  }
0x68: {  	_ =	shalt  }
0x69: {  	_ =	shalt  }
0x6a: {  	_ =	shalt  }
0x6b: {  	_ =	shalt  }
0x6c: {  	_ =	shalt  }
0x6d: {  	_ =	shalt  }
0x6e: {  	_ =	shalt  }
0x6f: {  	_ =	shalt  }
0x70: {  	_ =	shalt  }
0x71: {  	_ =	shalt  }
0x72: {  	_ =	shalt  }
0x73: {  	_ =	shalt  }
0x74: {  	_ =	shalt  }
0x75: {  	_ =	shalt  }
0x76: {  	_ =	shalt  }
0x77: {  	_ =	shalt  }
0x78: {  	_ =	shalt  }
0x79: {  	_ =	shalt  }
0x7a: {  	_ =	shalt  }
0x7b: {  	_ =	shalt  }
0x7c: {  	_ =	shalt  }
0x7d: {  	_ =	shalt  }
0x7e: {  	_ =	shalt  }
0x7f: {  	_ =	shalt  }
0x80: {  	_ =	shalt  }
0x81: {  	_ =	shalt  }
0x82: {  	_ =	shalt  }
0x83: {  	_ =	shalt  }
0x84: {  	_ =	shalt  }
0x85: {  	_ =	shalt  }
0x86: {  	_ =	shalt  }
0x87: {  	_ =	shalt  }
.Lfunc_end0:
.L_simem_size_0:
called_computation_lowered:
.L_overlay_start_0:
0x88: {  	s2 =	sld [smem:$0x3FD9]  }
0x89: {  	s3 =	sld [smem:$0x3FFE];
	_ =	sdelay $0x1  }
0x8a: {  	s1 =	srdreg.scid  }
0x8b: {  	s0 =	sand.u32 $0x1, s1  }
0x8c: {  	s18 =	sshll.u32 s0, $0xA;
	s2 =	sadd.s32 s3, s2  }
0x8d: {  	s2 =	sadd.s32 s2, s18  }
0x8e: {  	[smem:$0x3FC6] =	sst s2  }
0x8f: {  	_ = 	snop  }
0x90: {  	s2 =	sld [smem:$0x3FC9]  }
0x91: {  	s19 =	sld [smem:$0x3FC8]  }
0x92: {  	s4 =	sld [smem:$0x3FD0];
	(tm) =	ssettm $0x1  }
0x93: {  	s5 =	sld [smem:$0x3FFB];
	_ =	sdelay $0x3  }
0x94: {  	_ =	strace s5  }
0x95: {  	s5 =	sld [smem:$0x3FFC];
	_ =	sdelay $0x3  }
0x96: {  	_ =	strace s5  }
0x97: {  	s5 =	sld [smem:$0x3FFD];
	_ =	sdelay $0x3  }
0x98: {  	_ =	strace s5  }
0x99: {  	_ =	strace $0x8FFFFFFF  }
0x9a: {  	s20 =	sld [smem:$0x3FDB];
	_ =	sdelay $0x1  }
0x9b: {  	s6 =	simm.s32 $_scs_section_size  }
0x9c: {  	s7 =	simm.s32 $_size__tile_overlayer_lowered;
	s8 =	simm.s32 $_tile_overlayer_lowered  }
0x9d: {  	s23 =	simm.s32 $0x1BFF;
	s22 =	sshll.u32 s8, $0x1;
	s5 =	sadd.s32 s6, s20  }
0x9e: {  	s9 =	simm.s32 $0x0;
	s21 =	sshll.u32 s7, $0x1;
	s7 =	sadd.s32 s22, s5  }
0x9f: {  	[timem:s9], [sflag:s23] =	dma.local [hbm:s7], s21  }
0xa0: {  	_ =	swait.ge [sflag:s23], s21  }
0xa1: {  	s6 =	ssub.s32 $0x0, s21;
	[sflag:s23] =	ssyncset.done $0x0  }
0xa2: {  	[sflag:s23] =	ssyncadd.s32 s6;
	_ =	sdelay $0x1  }
0xa3: {  	s24 =	simm.s32 $0x1B8B  }
0xa4: {  	_ =	swait.ge [sflag:s24], $0x1  }
0xa5: {  	[sflag:s24] =	ssyncset.done $0x0  }
0xa6: {  	s25 =	simm.s32 $0x1B8E;
	[sflag:s24] =	ssyncadd.s32 $0xFFFFFFFF  }
0xa7: {  	s26 =	simm.s32 $execute0_lowered;
	[smem:$0x3FD2] =	sst s25  }
0xa8: {  	s6 =	sshll.u32 s26, $0x1;
	_ =	strace $0x80000046;
	[dreg:$0x1] =	wrdreg $0xFFFFFFFF  }
0xa9: {  	s28 =	simm.s32 $_size_execute0_lowered;
	s5 =	sadd.s32 s5, s6;
	[dreg:$0x0] =	wrdreg $0x0  }
0xaa: {  	s6 =	sshll.u32 s28, $0x1;
	[dreg:$0x2] =	wrdreg s5  }
0xab: {  	[dreg:$0x3] =	wrdreg s6  }
0xac: {  	[dreg:$0x4] =	wrdreg $0xC0  }
0xad: {  	_ =	task [dreg:s9], $0x5FFFF  }
0xae: {  	[dreg:$0x1] =	wrdreg $0xFFFFFFFF  }
0xaf: {  	[dreg:$0x0] =	wrdreg $0x60  }
0xb0: {  	[dreg:$0x2] =	wrdreg s2  }
0xb1: {  	[dreg:$0x3] =	wrdreg s19  }
0xb2: {  	[dreg:$0x4] =	wrdreg s4  }
0xb3: {  	[dreg:$0x5] =	wrdreg $0x9  }
0xb4: {  	_ =	task.clear_ibuf [dreg:s9], $0x6FFFF;
	_ =	strace $0x90000046  }
0xb5: {  	s29 =	simm.s32 $0x9;
	_ =	strace $0x80000048  }
0xb6: {  	_ =	swait.ge [sflag:s29], $0x1  }
0xb7: {  	[sflag:s29] =	ssyncadd.s32 $0xFFFFFFFF  }
0xb8: {  	_ =	strace $0x90000048  }
0xb9: {  	_ =	sfence  }
0xba: {  	s30 =	sld [smem:$0x0];
	_ =	sdelay $0x2  }
0xbb: {  	s31 =	sshll.u32 s1, $0xD;
	s1 =	sshrl.u32 s1, $0x2  }
0xbc: {  	s3 =	sand.u32 $0x4000, s31;
	s1 =	sadd.s32 s1, s30  }
0xbd: {  	s0 =	sor.u32 s3, s0;
	s1 =	sshll.u32 s1, $0x11  }
0xbe: {  	s0 =	sor.u32 s1, s0  }
0xbf: {  	s0 =	sadd.s32 $0x8F2B, s0  }
0xc0: {  	[sflag:s0] =	ssyncadd.remote.s32 $0x1  }
0xc1: {  	_ =	sfence.sel $0xFFFF  }
0xc2: {  	[dreg:$0x0] =	wrdreg $0xFFFFFFFF;
	(pc) =	sbr.abs _section_cstart, $3  }
0xc3: {  	[dreg:$0x1] =	wrdreg $0xFFFFFFFF  }
0xc4: {  	_ =	task.clear_ibuf [dreg:s9], $0x2FFFF;
	_ =	strace $0x9FFFFFFF  }
0xc5: {  	(tm) =	ssettm $0x7FFFFFFF  }
tec
execute0_lowered:
.L_overlay_start_1:
0x0: {  	(tag) =	ssettag $0x1  }
0x1: {  	s1 =	rddreg [dreg:$0x0];
	s0 =	srdreg.scid  }
0x2: {  	s13 =	rddreg [dreg:$0x1];
	s2 =	stileid.u32  }
0x3: {  	s4 =	rddreg [dreg:$0x2];
	s15 =	simm.s32 $0x0;
	s0 =	sand.u32 $0x1, s0  }
0x4: {  	s2 =	sshll.u32 s2, $0x9;
	[smem:$0x7FF] =	sst s15;
	s3 =	sshll.u32 s0, $0x8  }
0x5: {  	s0 =	ssub.s32 $0x2, s0;
	_ =	strace $0x80000047;
	s2 =	sor.u32 s3, s2  }
0x6: {  	s5 =	sshrl.u32 s0, $0x1;
	s3 =	sshll.u32 s2, $0x7;
	s16 =	sor.u32 $0x10, s2  }
0x7: {  	s0 =	ssub.s32 s0, s5;
	s17 =	sor.u32 $0x28, s2;
	[dreg:$0x18] =	wrdreg s16  }
0x8: {  	s6 =	sor.u32 $0x100000, s3;
	[dreg:$0x19] =	wrdreg s17;
	s0 =	smax.u32 s0, $0x1  }
0x9: {  	s19 =	sor.u32 $0x200000, s3;
	s18 =	sadd.s32 s1, s6;
	[smem:$0x7F5] =	sst s0  }
0xa: {  	s20 =	sor.u32 $0x300000, s3;
	s7 =	sadd.s32 s1, s19;
	[dreg:$0x4] =	wrdreg s18  }
0xb: {  	s8 =	sor.u32 $0x400, s3;
	s9 =	sadd.s32 s1, s20;
	[dreg:$0x5] =	wrdreg s7  }
0xc: {  	s21 =	sadd.s32 s13, s8;
	[dreg:$0x6] =	wrdreg s9  }
0xd: {  	s22 =	sor.u32 $0x100400, s3;
	s10 =	sadd.s32 s1, s8;
	[dreg:$0x7] =	wrdreg s21  }
0xe: {  	s24 =	sor.u32 $0x800, s3;
	s23 =	sadd.s32 s1, s22;
	[dreg:$0x8] =	wrdreg s10  }
0xf: {  	s14 =	sadd.s32 s13, s24;
	[dreg:$0x9] =	wrdreg s23  }
0x10: {  	s6 =	sadd.s32 s4, s6;
	[dreg:$0xa] =	wrdreg s14  }
0x11: {  	s5 =	sadd.s32 s4, s19;
	[dreg:$0xc] =	wrdreg s6  }
0x12: {  	s25 =	sor.u32 $0xC00, s3;
	s26 =	sadd.s32 s4, s20;
	[dreg:$0xd] =	wrdreg s5  }
0x13: {  	s31 =	sadd.s32 s13, s25;
	[dreg:$0xe] =	wrdreg s26  }
0x14: {  	s19 =	sadd.s32 s13, s3;
	[dreg:$0xf] =	wrdreg s31  }
0x15: {  	s20 =	sadd.s32 s1, s3;
	[dreg:$0x1c] =	wrdreg s19  }
0x16: {  	s10 =	sadd.s32 s1, s24;
	[dreg:$0x1d] =	wrdreg s20  }
0x17: {  	s6 =	sadd.s32 s1, s25;
	[dreg:$0xb] =	wrdreg s10  }
0x18: {  	s7 =	sadd.s32 s4, s8;
	[dreg:$0x10] =	wrdreg s6  }
0x19: {  	s11 =	sor.u32 $0x200400, s3;
	s8 =	sadd.s32 s4, s22;
	[dreg:$0x11] =	wrdreg s7  }
0x1a: {  	s9 =	sadd.s32 s1, s11;
	[dreg:$0x12] =	wrdreg s8  }
0x1b: {  	s14 =	sor.u32 $0x20, s2;
	[dreg:$0x13] =	wrdreg s9  }
0x1c: {  	s18 =	sor.u32 $0x18, s2;
	[dreg:$0x17] =	wrdreg s14  }
0x1d: {  	s2 =	sor.u32 $0x30, s2;
	[dreg:$0x1a] =	wrdreg s18  }
0x1e: {  	s16 =	sadd.s32 $0x200C00, s20;
	[dreg:$0x1b] =	wrdreg s2  }
0x1f: {  	s17 =	sadd.s32 $0x300C00, s20;
	[smem:$0x7F3] =	sst s16  }
0x20: {  	s12 =	sor.u32 $0x300400, s3;
	s10 =	sadd.s32 s4, s11;
	[smem:$0x7F4] =	sst s17  }
0x21: {  	s11 =	sadd.s32 s1, s12;
	[dreg:$0x14] =	wrdreg s10  }
0x22: {  	s21 =	sor.u32 $0x7C00, s3;
	s12 =	sadd.s32 s4, s12;
	[dreg:$0x15] =	wrdreg s11  }
0x23: {  	s24 =	sadd.s32 s13, s21;
	[dreg:$0x16] =	wrdreg s12  }
0x24: {  	s25 =	sadd.s32 s1, s21;
	[dreg:$0x1f] =	wrdreg s24  }
0x25: {  	s22 =	sor.u32 $0x107C00, s3;
	s2 =	sadd.s32 s4, s21;
	[smem:$0x7E7] =	sst s25  }
0x26: {  	s26 =	sadd.s32 s1, s22;
	[smem:$0x7E8] =	sst s2  }
0x27: {  	s23 =	sor.u32 $0x207C00, s3;
	s31 =	sadd.s32 s4, s22;
	[smem:$0x7E9] =	sst s26  }
0x28: {  	s5 =	sadd.s32 s1, s23;
	[smem:$0x7EA] =	sst s31  }
0x29: {  	s6 =	sadd.s32 s4, s23;
	[smem:$0x7EB] =	sst s5  }
0x2a: {  	s9 =	sadd.s32 $0x100800, s20;
	[smem:$0x7EC] =	sst s6  }
0x2b: {  	s14 =	sadd.s32 $0x100C00, s20;
	[smem:$0x7ED] =	sst s9  }
0x2c: {  	s8 =	sadd.s32 s4, s3;
	[smem:$0x7F2] =	sst s14  }
0x2d: {  	s3 =	sor.u32 $0x307C00, s3;
	s10 =	sadd.s32 $0x200800, s20;
	[dreg:$0x1e] =	wrdreg s8  }
0x2e: {  	s11 =	sadd.s32 $0x300800, s20;
	[smem:$0x7EE] =	sst s10  }
0x2f: {  	s28 =	simm.s32 $0x8;
	s12 =	sadd.s32 s1, s3;
	[smem:$0x7EF] =	sst s11  }
0x30: {  	s29 =	simm.s32 $0x10;
	s13 =	sadd.s32 s4, s3;
	[smem:$0x7F0] =	sst s12  }
0x31: {  	s30 =	simm.s32 $0x0;
	s18 =	sadd.s32 $0x107400, s8;
	[smem:$0x7F1] =	sst s13  }
0x32: {  	s21 =	sadd.s32 $0x200000, s4;
	s19 =	sadd.s32 $0x207400, s8;
	[smem:$0x7F6] =	sst s18  }
0x33: {  	s22 =	sadd.s32 $0x200000, s1;
	s20 =	sadd.s32 $0x7400, s8;
	[smem:$0x7F7] =	sst s19  }
0x34: {  	s16 =	simm.s32 $0xA000;
	s23 =	sadd.s32 $0x307400, s8;
	[smem:$0x7F8] =	sst s20  }
0x35: {  	s17 =	simm.s32 $0x14;
	s24 =	sadd.s32 $0x107800, s8;
	[smem:$0x7F9] =	sst s23  }
0x36: {  	s25 =	sadd.s32 $0x7800, s8;
	s26 =	sadd.s32 $0x207800, s8;
	[smem:$0x7FA] =	sst s24  }
0x37: {  	s31 =	sadd.s32 $0x307800, s8;
	s5 =	simm.s32 $0xE;
	[smem:$0x7FB] =	sst s25  }
0x38: {  	s8 =	simm.s32 $0x11;
	s2 =	simm.s32 $0x12;
	[smem:$0x7FC] =	sst s26  }
0x39: {  	s14 =	simm.s32 $0x13;
	s3 =	simm.s32 $0x0;
	[smem:$0x7FD] =	sst s31  }
0x3a: {  	s23 =	simm.s32 $0x2000;
	s24 =	simm.s32 $0x6000;
	s20 =	simm.s32 $0x8000  }
0x3b: {  	s12 =	simm.s32 $0xE000;
	s25 =	simm.s32 $0x7;
	s26 =	simm.s32 $0xF  }
.LBB2_1:
0x3c: {  	[smem:$0x7E6] =	sst s3  }
0x3d: {  	s0 =	rddreg [dreg:$0x1c];
	s19 =	simm.s32 $0x18000  }
0x3e: {  	[tilespmem:s19], [sflag:$0x19] =	stream.linear.gather [hbm4b:s0+s15], $0x2000, $0x38;
	[tilespmem:$0x1E000] =	vst v63  }
0x3f: {  	s31 =	rddreg [dreg:$0x1d]  }
0x40: {  	[tilespmem:s15], [sflag:$0x1] =	stream.linear.gather [hbm4b:s31+s15], $0x2000, $0x38;
	[tilespmem:$0x1E000] =	vst v63  }
0x41: {  	s3 =	rddreg [dreg:$0x4]  }
0x42: {  	[tilespmem:s23], [sflag:$0x2] =	stream.linear.gather [hbm4b:s3+s15], $0x2000, $0x38;
	[tilespmem:$0x1E000] =	vst v63  }
0x43: {  	s6 =	rddreg [dreg:$0x5];
	s7 =	simm.s32 $0x4000  }
0x44: {  	[tilespmem:s7], [sflag:$0x3] =	stream.linear.gather [hbm4b:s6+s15], $0x2000, $0x38;
	[tilespmem:$0x1E000] =	vst v63  }
0x45: {  	s9 =	rddreg [dreg:$0x6]  }
0x46: {  	[tilespmem:s24], [sflag:$0x4] =	stream.linear.gather [hbm4b:s9+s15], $0x2000, $0x38;
	[tilespmem:$0x1E000] =	vst v63  }
0x47: {  	s10 =	rddreg [dreg:$0x7];
	s11 =	simm.s32 $0x1A000  }
0x48: {  	[tilespmem:s11], [sflag:$0x1A] =	stream.linear.gather [hbm4b:s10+s15], $0x2000, $0x38;
	[tilespmem:$0x1E000] =	vst v63  }
0x49: {  	s13 =	rddreg [dreg:$0x8]  }
0x4a: {  	[tilespmem:s20], [sflag:$0x5] =	stream.linear.gather [hbm4b:s13+s15], $0x2000, $0x38;
	[tilespmem:$0x1E000] =	vst v63  }
0x4b: {  	s18 =	rddreg [dreg:$0x9]  }
0x4c: {  	[tilespmem:s16], [sflag:$0x6] =	stream.linear.gather [hbm4b:s18+s15], $0x2000, $0x38;
	[tilespmem:$0x1E000] =	vst v63  }
0x4d: {  	s19 =	rddreg [dreg:$0x13];
	s31 =	simm.s32 $0xC000  }
0x4e: {  	[tilespmem:s31], [sflag:$0x7] =	stream.linear.gather [hbm4b:s19+s15], $0x2000, $0x38;
	[tilespmem:$0x1E000] =	vst v63  }
0x4f: {  	s3 =	rddreg [dreg:$0x15]  }
0x50: {  	[tilespmem:s12], [sflag:$0x8] =	stream.linear.gather [hbm4b:s3+s15], $0x2000, $0x38;
	[tilespmem:$0x1E000] =	vst v63  }
0x51: {  	s6 =	rddreg [dreg:$0xa];
	s7 =	simm.s32 $0x1C000;
	s9 =	simm.s32 $0x19  }
0x52: {  	[tilespmem:s7], [sflag:$0x1B] =	stream.linear.gather [hbm4b:s6+s15], $0x2000, $0x38;
	[tilespmem:$0x1E000] =	vst v63  }
0x53: {  	_ =	swait.ge [sflag:s9], $0x2000  }
0x54: {  	[sflag:s9] =	ssyncset.done $0x0  }
0x55: {  	s10 =	simm.s32 $0x1;
	[sflag:s9] =	ssyncadd.s32 $0xFFFFE000  }
0x56: {  	s18 =	sand.u32 $0x1C00, s15;
	_ =	swait.ge [sflag:s10], $0x2000  }
0x57: {  	s13 =	simm.s32 $0x10000;
	s19 =	sor.u32 s18, s15;
	[sflag:s10] =	ssyncset.done $0x0  }
0x58: {  	s6 =	sor.u32 $0x70, s19;
	s11 =	rddreg [dreg:$0xb];
	[sflag:s10] =	ssyncadd.s32 $0xFFFFE000  }
0x59: {  	[tilespmem:s13], [sflag:$0x9] =	stream.linear.gather [hbm4b:s11+s15], $0x2000, $0x38;
	[tilespmem:$0x1E000] =	vst v63  }
0x5a: {  	s31 =	sand.u32 $0x380, s15;
	v0 =	vld [tilespmem:s6+$0x0]  }
0x5b: {  	s3 =	sor.u32 s31, s18;
	v1 =	vld [tilespmem:s6+$0x18000]  }
0x5c: {  	v2 =	vld [tilespmem:s3+$0x0]  }
0x5d: {  	v3 =	vld [tilespmem:s3+$0x18000]  }
0x5e: {  	v5 =	vld [tilespmem:s3+$0x10]  }
0x5f: {  	v6 =	vld [tilespmem:s3+$0x18010]  }
0x60: {  	v7 =	vld [tilespmem:s3+$0x20]  }
0x61: {  	v8 =	vld [tilespmem:s3+$0x18020]  }
0x62: {  	v4 =	vld [tilespmem:s3+$0x18030];
	v1 =	vadd.f32 v1, v0  }
0x63: {  	v0 =	vld [tilespmem:s3+$0x30];
	v2 =	vadd.f32 v3, v2  }
0x64: {  	v3 =	vadd.f32 v6, v5;
	[tilespmem:s6+$0x0] =	vst v1;
	v1 =	vld [tilespmem:s3+$0x40]  }
0x65: {  	[tilespmem:s3+$0x0] =	vst v2;
	v2 =	vld [tilespmem:s3+$0x18040]  }
0x66: {  	s7 =	simm.s32 $0x400;
	s9 =	simm.s32 $0x0;
	v5 =	vadd.f32 v8, v7;
	s6 =	simm.s32 $0x0;
	[tilespmem:s3+$0x10] =	vst v3;
	v3 =	vld [tilespmem:s3+$0x50]  }
.LBB2_2:
0x67: {  	s0 =	sand.u32 $0x1C00, s7;
	v6 =	vld [tilespmem:s3+$0x18050];
	s9 =	sadd.s32 $0x10, s9  }
0x68: {  	s6 =	sadd.s32 $0x80, s6;
	s10 =	sand.u32 $0x380, s9;
	s11 =	sor.u32 s0, s9;
	[tilespmem:s3+$0x20] =	vst v5;
	v0 =	vadd.f32 v4, v0;
	v4 =	vld [tilespmem:s3+$0x60]  }
0x69: {  	p0 =	slt.u32 s6, $0x1F80;
	s0 =	sor.u32 s10, s0;
	s10 =	sor.u32 $0x70, s11;
	v5 =	vld [tilespmem:s3+$0x18060]  }
0x6a: {  	v7 =	vld [tilespmem:s10+$0x0];
	[tilespmem:s3+$0x30] =	vst v0;
	v0 =	vadd.f32 v2, v1  }
0x6b: {  	v1 =	vld [tilespmem:s10+$0x18000]  }
0x6c: {  	v2 =	vld [tilespmem:s0+$0x0];
	[tilespmem:s3+$0x40] =	vst v0;
	v0 =	vadd.f32 v6, v3  }
0x6d: {  	v3 =	vld [tilespmem:s0+$0x18000]  }
0x6e: {  	v6 =	vld [tilespmem:s0+$0x10];
	[tilespmem:s3+$0x50] =	vst v0;
	v0 =	vadd.f32 v5, v4  }
0x6f: {  	v5 =	vld [tilespmem:s0+$0x18010]  }
0x70: {  	v8 =	vld [tilespmem:s0+$0x20];
	v1 =	vadd.f32 v1, v7;
	[tilespmem:s3+$0x60] =	vst v0;
	s3 =	smov.u32 s0  }
0x71: {  	v7 =	vld [tilespmem:s3+$0x18020]  }
.Ltmp0:
0x72: {  	v2 =	vadd.f32 v3, v2;
	v0 =	vld [tilespmem:s3+$0x30];
	[tilespmem:s10+$0x0] =	vst v1;
	(pc) =	sbr.rel @p0 .LBB2_2-.Ltmp0, $4  }
0x73: {  	v4 =	vld [tilespmem:s3+$0x18030]  }
0x74: {  	[tilespmem:s3+$0x0] =	vst v2;
	v3 =	vadd.f32 v5, v6;
	v1 =	vld [tilespmem:s3+$0x40]  }
0x75: {  	v2 =	vld [tilespmem:s3+$0x18040]  }
0x76: {  	s7 =	sadd.s32 $0x400, s7;
	[tilespmem:s3+$0x10] =	vst v3;
	v5 =	vadd.f32 v7, v8;
	v3 =	vld [tilespmem:s3+$0x50]  }
0x77: {  	v6 =	vld [tilespmem:s3+$0x18050]  }
0x78: {  	v7 =	vld [tilespmem:s3+$0x60]  }
0x79: {  	v8 =	vld [tilespmem:s3+$0x18060];
	_ =	sdelay $0x1  }
0x7a: {  	v0 =	vadd.f32 v4, v0  }
0x7b: {  	[tilespmem:s3+$0x20] =	vst v5;
	v1 =	vadd.f32 v2, v1  }
0x7c: {  	[tilespmem:s3+$0x30] =	vst v0;
	v0 =	vadd.f32 v6, v3  }
0x7d: {  	[tilespmem:s3+$0x40] =	vst v1;
	v1 =	vadd.f32 v8, v7  }
0x7e: {  	[tilespmem:s3+$0x50] =	vst v0  }
0x7f: {  	[tilespmem:s3+$0x60] =	vst v1  }
0x80: {  	s6 =	simm.s32 $0x0;
	s11 =	simm.s32 $0x2;
	s0 =	rddreg [dreg:$0x1e]  }
0x81: {  	[hbm4b:s0+s6] =	stream.linear.scatter [tilespmem:s6], [sflag:$0xD], $0x2000, $0x38;
	[tilespmem:$0x1E000] =	vst v63  }
0x82: {  	_ =	swait.ge [sflag:s11], $0x2000  }
0x83: {  	s18 =	sand.u32 $0x1C00, s6;
	s13 =	sld [smem:$0x7ED]  }
0x84: {  	s19 =	sor.u32 s18, s6;
	[sflag:s11] =	ssyncset.done $0x0  }
0x85: {  	s15 =	simm.s32 $0x12000;
	s7 =	sor.u32 $0x70, s19;
	[sflag:s11] =	ssyncadd.s32 $0xFFFFE000  }
0x86: {  	[tilespmem:s15], [sflag:$0xA] =	stream.linear.gather [hbm4b:s13+s6], $0x2000, $0x38;
	[tilespmem:$0x1E000] =	vst v63  }
0x87: {  	s31 =	sand.u32 $0x380, s6;
	v0 =	vld [tilespmem:s7+$0x2000]  }
0x88: {  	s3 =	sor.u32 s31, s18;
	v1 =	vld [tilespmem:s7+$0x18000]  }
0x89: {  	v2 =	vld [tilespmem:s3+$0x2000]  }
0x8a: {  	v3 =	vld [tilespmem:s3+$0x18000]  }
0x8b: {  	v5 =	vld [tilespmem:s3+$0x2010]  }
0x8c: {  	v6 =	vld [tilespmem:s3+$0x18010]  }
0x8d: {  	v7 =	vld [tilespmem:s3+$0x2020]  }
0x8e: {  	v63 =	vld [tilespmem:s3+$0x18020]  }
0x8f: {  	v4 =	vld [tilespmem:s3+$0x18030];
	v1 =	vadd.f32 v1, v0  }
0x90: {  	v0 =	vld [tilespmem:s3+$0x2030];
	v2 =	vadd.f32 v3, v2  }
0x91: {  	v3 =	vadd.f32 v6, v5;
	[tilespmem:s7+$0x2000] =	vst v1;
	v1 =	vld [tilespmem:s3+$0x2040]  }
0x92: {  	[tilespmem:s3+$0x2000] =	vst v2;
	v2 =	vld [tilespmem:s3+$0x18040]  }
0x93: {  	s9 =	simm.s32 $0x400;
	v5 =	vadd.f32 v63, v7;
	s7 =	simm.s32 $0x0;
	[tilespmem:s3+$0x2010] =	vst v3;
	v3 =	vld [tilespmem:s3+$0x2050]  }
.LBB2_4:
0x94: {  	s0 =	sand.u32 $0x1C00, s9;
	v6 =	vld [tilespmem:s3+$0x18050];
	s6 =	sadd.s32 $0x10, s6  }
0x95: {  	s7 =	sadd.s32 $0x80, s7;
	s10 =	sand.u32 $0x380, s6;
	s11 =	sor.u32 s0, s6;
	[tilespmem:s3+$0x2020] =	vst v5;
	v0 =	vadd.f32 v4, v0;
	v4 =	vld [tilespmem:s3+$0x2060]  }
0x96: {  	p0 =	slt.u32 s7, $0x1F80;
	s0 =	sor.u32 s10, s0;
	s10 =	sor.u32 $0x70, s11;
	v5 =	vld [tilespmem:s3+$0x18060]  }
0x97: {  	v7 =	vld [tilespmem:s10+$0x2000];
	[tilespmem:s3+$0x2030] =	vst v0;
	v0 =	vadd.f32 v2, v1  }
0x98: {  	v1 =	vld [tilespmem:s10+$0x18000]  }
0x99: {  	v2 =	vld [tilespmem:s0+$0x2000];
	[tilespmem:s3+$0x2040] =	vst v0;
	v0 =	vadd.f32 v6, v3  }
0x9a: {  	v3 =	vld [tilespmem:s0+$0x18000]  }
0x9b: {  	v6 =	vld [tilespmem:s0+$0x2010];
	[tilespmem:s3+$0x2050] =	vst v0;
	v0 =	vadd.f32 v5, v4  }
0x9c: {  	v5 =	vld [tilespmem:s0+$0x18010]  }
0x9d: {  	v8 =	vld [tilespmem:s0+$0x2020];
	v1 =	vadd.f32 v1, v7;
	[tilespmem:s3+$0x2060] =	vst v0;
	s3 =	smov.u32 s0  }
0x9e: {  	v7 =	vld [tilespmem:s3+$0x18020]  }
.Ltmp1:
0x9f: {  	v2 =	vadd.f32 v3, v2;
	v0 =	vld [tilespmem:s3+$0x2030];
	[tilespmem:s10+$0x2000] =	vst v1;
	(pc) =	sbr.rel @p0 .LBB2_4-.Ltmp1, $4  }
0xa0: {  	v4 =	vld [tilespmem:s3+$0x18030]  }
0xa1: {  	[tilespmem:s3+$0x2000] =	vst v2;
	v3 =	vadd.f32 v5, v6;
	v1 =	vld [tilespmem:s3+$0x2040]  }
0xa2: {  	v2 =	vld [tilespmem:s3+$0x18040]  }
0xa3: {  	s9 =	sadd.s32 $0x400, s9;
	[tilespmem:s3+$0x2010] =	vst v3;
	v5 =	vadd.f32 v7, v8;
	v3 =	vld [tilespmem:s3+$0x2050]  }
0xa4: {  	v6 =	vld [tilespmem:s3+$0x18050]  }
0xa5: {  	v7 =	vld [tilespmem:s3+$0x2060]  }
0xa6: {  	v8 =	vld [tilespmem:s3+$0x18060];
	_ =	sdelay $0x1  }
0xa7: {  	v0 =	vadd.f32 v4, v0  }
0xa8: {  	[tilespmem:s3+$0x2020] =	vst v5;
	v1 =	vadd.f32 v2, v1  }
0xa9: {  	[tilespmem:s3+$0x2030] =	vst v0;
	v0 =	vadd.f32 v6, v3  }
0xaa: {  	[tilespmem:s3+$0x2040] =	vst v1;
	v1 =	vadd.f32 v8, v7  }
0xab: {  	[tilespmem:s3+$0x2050] =	vst v0  }
0xac: {  	[tilespmem:s3+$0x2060] =	vst v1  }
0xad: {  	s6 =	simm.s32 $0x0;
	s11 =	simm.s32 $0x3;
	s0 =	rddreg [dreg:$0xc]  }
0xae: {  	[hbm4b:s0+s6] =	stream.linear.scatter [tilespmem:s23], [sflag:$0xE], $0x2000, $0x38;
	[tilespmem:$0x1E000] =	vst v63  }
0xaf: {  	_ =	swait.ge [sflag:s11], $0x2000  }
0xb0: {  	s18 =	sand.u32 $0x1C00, s6;
	s13 =	sld [smem:$0x7EE]  }
0xb1: {  	s19 =	sor.u32 s18, s6;
	[sflag:s11] =	ssyncset.done $0x0  }
0xb2: {  	s15 =	simm.s32 $0x14000;
	s7 =	sor.u32 $0x70, s19;
	[sflag:s11] =	ssyncadd.s32 $0xFFFFE000  }
0xb3: {  	[tilespmem:s15], [sflag:$0xB] =	stream.linear.gather [hbm4b:s13+s6], $0x2000, $0x38;
	[tilespmem:$0x1E000] =	vst v63  }
0xb4: {  	s31 =	sand.u32 $0x380, s6;
	v0 =	vld [tilespmem:s7+$0x4000]  }
0xb5: {  	s3 =	sor.u32 s31, s18;
	v1 =	vld [tilespmem:s7+$0x18000]  }
0xb6: {  	v2 =	vld [tilespmem:s3+$0x4000]  }
0xb7: {  	v3 =	vld [tilespmem:s3+$0x18000]  }
0xb8: {  	v5 =	vld [tilespmem:s3+$0x4010]  }
0xb9: {  	v6 =	vld [tilespmem:s3+$0x18010]  }
0xba: {  	v7 =	vld [tilespmem:s3+$0x4020]  }
0xbb: {  	v63 =	vld [tilespmem:s3+$0x18020]  }
0xbc: {  	v4 =	vld [tilespmem:s3+$0x18030];
	v1 =	vadd.f32 v1, v0  }
0xbd: {  	v0 =	vld [tilespmem:s3+$0x4030];
	v2 =	vadd.f32 v3, v2  }
0xbe: {  	v3 =	vadd.f32 v6, v5;
	[tilespmem:s7+$0x4000] =	vst v1;
	v1 =	vld [tilespmem:s3+$0x4040]  }
0xbf: {  	[tilespmem:s3+$0x4000] =	vst v2;
	v2 =	vld [tilespmem:s3+$0x18040]  }
0xc0: {  	s9 =	simm.s32 $0x400;
	v5 =	vadd.f32 v63, v7;
	s7 =	simm.s32 $0x0;
	[tilespmem:s3+$0x4010] =	vst v3;
	v3 =	vld [tilespmem:s3+$0x4050]  }
.LBB2_6:
0xc1: {  	s0 =	sand.u32 $0x1C00, s9;
	v6 =	vld [tilespmem:s3+$0x18050];
	s6 =	sadd.s32 $0x10, s6  }
0xc2: {  	s7 =	sadd.s32 $0x80, s7;
	s10 =	sand.u32 $0x380, s6;
	s11 =	sor.u32 s0, s6;
	[tilespmem:s3+$0x4020] =	vst v5;
	v0 =	vadd.f32 v4, v0;
	v4 =	vld [tilespmem:s3+$0x4060]  }
0xc3: {  	p0 =	slt.u32 s7, $0x1F80;
	s0 =	sor.u32 s10, s0;
	s10 =	sor.u32 $0x70, s11;
	v5 =	vld [tilespmem:s3+$0x18060]  }
0xc4: {  	v7 =	vld [tilespmem:s10+$0x4000];
	[tilespmem:s3+$0x4030] =	vst v0;
	v0 =	vadd.f32 v2, v1  }
0xc5: {  	v1 =	vld [tilespmem:s10+$0x18000]  }
0xc6: {  	v2 =	vld [tilespmem:s0+$0x4000];
	[tilespmem:s3+$0x4040] =	vst v0;
	v0 =	vadd.f32 v6, v3  }
0xc7: {  	v3 =	vld [tilespmem:s0+$0x18000]  }
0xc8: {  	v6 =	vld [tilespmem:s0+$0x4010];
	[tilespmem:s3+$0x4050] =	vst v0;
	v0 =	vadd.f32 v5, v4  }
0xc9: {  	v5 =	vld [tilespmem:s0+$0x18010]  }
0xca: {  	v8 =	vld [tilespmem:s0+$0x4020];
	v1 =	vadd.f32 v1, v7;
	[tilespmem:s3+$0x4060] =	vst v0;
	s3 =	smov.u32 s0  }
0xcb: {  	v7 =	vld [tilespmem:s3+$0x18020]  }
.Ltmp2:
0xcc: {  	v2 =	vadd.f32 v3, v2;
	v0 =	vld [tilespmem:s3+$0x4030];
	[tilespmem:s10+$0x4000] =	vst v1;
	(pc) =	sbr.rel @p0 .LBB2_6-.Ltmp2, $4  }
0xcd: {  	v4 =	vld [tilespmem:s3+$0x18030]  }
0xce: {  	[tilespmem:s3+$0x4000] =	vst v2;
	v3 =	vadd.f32 v5, v6;
	v1 =	vld [tilespmem:s3+$0x4040]  }
0xcf: {  	v2 =	vld [tilespmem:s3+$0x18040]  }
0xd0: {  	s9 =	sadd.s32 $0x400, s9;
	[tilespmem:s3+$0x4010] =	vst v3;
	v5 =	vadd.f32 v7, v8;
	v3 =	vld [tilespmem:s3+$0x4050]  }
0xd1: {  	v6 =	vld [tilespmem:s3+$0x18050]  }
0xd2: {  	v7 =	vld [tilespmem:s3+$0x4060]  }
0xd3: {  	v8 =	vld [tilespmem:s3+$0x18060];
	_ =	sdelay $0x1  }
0xd4: {  	v0 =	vadd.f32 v4, v0  }
0xd5: {  	[tilespmem:s3+$0x4020] =	vst v5;
	v1 =	vadd.f32 v2, v1  }
0xd6: {  	[tilespmem:s3+$0x4030] =	vst v0;
	v0 =	vadd.f32 v6, v3  }
0xd7: {  	[tilespmem:s3+$0x4040] =	vst v1;
	v1 =	vadd.f32 v8, v7  }
0xd8: {  	[tilespmem:s3+$0x4050] =	vst v0  }
0xd9: {  	s6 =	simm.s32 $0x0;
	[tilespmem:s3+$0x4060] =	vst v1  }
0xda: {  	s10 =	simm.s32 $0x4000;
	s11 =	simm.s32 $0x4;
	s0 =	rddreg [dreg:$0xd]  }
0xdb: {  	[hbm4b:s0+s6] =	stream.linear.scatter [tilespmem:s10], [sflag:$0xF], $0x2000, $0x38;
	[tilespmem:$0x1E000] =	vst v63  }
0xdc: {  	_ =	swait.ge [sflag:s11], $0x2000  }
0xdd: {  	s18 =	sand.u32 $0x1C00, s6;
	s13 =	sld [smem:$0x7EF]  }
0xde: {  	s19 =	sor.u32 s18, s6;
	[sflag:s11] =	ssyncset.done $0x0  }
0xdf: {  	s15 =	simm.s32 $0x16000;
	s7 =	sor.u32 $0x70, s19;
	[sflag:s11] =	ssyncadd.s32 $0xFFFFE000  }
0xe0: {  	[tilespmem:s15], [sflag:$0xC] =	stream.linear.gather [hbm4b:s13+s6], $0x2000, $0x38;
	[tilespmem:$0x1E000] =	vst v63  }
0xe1: {  	s31 =	sand.u32 $0x380, s6;
	v0 =	vld [tilespmem:s7+$0x6000]  }
0xe2: {  	s3 =	sor.u32 s31, s18;
	v1 =	vld [tilespmem:s7+$0x18000]  }
0xe3: {  	v2 =	vld [tilespmem:s3+$0x6000]  }
0xe4: {  	v3 =	vld [tilespmem:s3+$0x18000]  }
0xe5: {  	v5 =	vld [tilespmem:s3+$0x6010]  }
0xe6: {  	v6 =	vld [tilespmem:s3+$0x18010]  }
0xe7: {  	v7 =	vld [tilespmem:s3+$0x6020]  }
0xe8: {  	v63 =	vld [tilespmem:s3+$0x18020]  }
0xe9: {  	v4 =	vld [tilespmem:s3+$0x18030];
	v1 =	vadd.f32 v1, v0  }
0xea: {  	v0 =	vld [tilespmem:s3+$0x6030];
	v2 =	vadd.f32 v3, v2  }
0xeb: {  	v3 =	vadd.f32 v6, v5;
	[tilespmem:s7+$0x6000] =	vst v1;
	v1 =	vld [tilespmem:s3+$0x6040]  }
0xec: {  	[tilespmem:s3+$0x6000] =	vst v2;
	v2 =	vld [tilespmem:s3+$0x18040]  }
0xed: {  	s9 =	simm.s32 $0x400;
	v5 =	vadd.f32 v63, v7;
	s7 =	simm.s32 $0x0;
	[tilespmem:s3+$0x6010] =	vst v3;
	v3 =	vld [tilespmem:s3+$0x6050]  }
.LBB2_8:
0xee: {  	s0 =	sand.u32 $0x1C00, s9;
	v6 =	vld [tilespmem:s3+$0x18050];
	s6 =	sadd.s32 $0x10, s6  }
0xef: {  	s7 =	sadd.s32 $0x80, s7;
	s10 =	sand.u32 $0x380, s6;
	s11 =	sor.u32 s0, s6;
	[tilespmem:s3+$0x6020] =	vst v5;
	v0 =	vadd.f32 v4, v0;
	v4 =	vld [tilespmem:s3+$0x6060]  }
0xf0: {  	p0 =	slt.u32 s7, $0x1F80;
	s0 =	sor.u32 s10, s0;
	s10 =	sor.u32 $0x70, s11;
	v5 =	vld [tilespmem:s3+$0x18060]  }
0xf1: {  	v7 =	vld [tilespmem:s10+$0x6000];
	[tilespmem:s3+$0x6030] =	vst v0;
	v0 =	vadd.f32 v2, v1  }
0xf2: {  	v1 =	vld [tilespmem:s10+$0x18000]  }
0xf3: {  	v2 =	vld [tilespmem:s0+$0x6000];
	[tilespmem:s3+$0x6040] =	vst v0;
	v0 =	vadd.f32 v6, v3  }
0xf4: {  	v3 =	vld [tilespmem:s0+$0x18000]  }
0xf5: {  	v6 =	vld [tilespmem:s0+$0x6010];
	[tilespmem:s3+$0x6050] =	vst v0;
	v0 =	vadd.f32 v5, v4  }
0xf6: {  	v5 =	vld [tilespmem:s0+$0x18010]  }
0xf7: {  	v8 =	vld [tilespmem:s0+$0x6020];
	v1 =	vadd.f32 v1, v7;
	[tilespmem:s3+$0x6060] =	vst v0;
	s3 =	smov.u32 s0  }
0xf8: {  	v7 =	vld [tilespmem:s3+$0x18020]  }
.Ltmp3:
0xf9: {  	v2 =	vadd.f32 v3, v2;
	v0 =	vld [tilespmem:s3+$0x6030];
	[tilespmem:s10+$0x6000] =	vst v1;
	(pc) =	sbr.rel @p0 .LBB2_8-.Ltmp3, $4  }
0xfa: {  	v4 =	vld [tilespmem:s3+$0x18030]  }
0xfb: {  	[tilespmem:s3+$0x6000] =	vst v2;
	v3 =	vadd.f32 v5, v6;
	v1 =	vld [tilespmem:s3+$0x6040]  }
0xfc: {  	v2 =	vld [tilespmem:s3+$0x18040]  }
0xfd: {  	s9 =	sadd.s32 $0x400, s9;
	[tilespmem:s3+$0x6010] =	vst v3;
	v5 =	vadd.f32 v7, v8;
	v3 =	vld [tilespmem:s3+$0x6050]  }
0xfe: {  	v6 =	vld [tilespmem:s3+$0x18050]  }
0xff: {  	v7 =	vld [tilespmem:s3+$0x6060]  }
0x100: {  	v8 =	vld [tilespmem:s3+$0x18060];
	_ =	sdelay $0x1  }
0x101: {  	v0 =	vadd.f32 v4, v0  }
0x102: {  	[tilespmem:s3+$0x6020] =	vst v5;
	v1 =	vadd.f32 v2, v1  }
0x103: {  	[tilespmem:s3+$0x6030] =	vst v0;
	v0 =	vadd.f32 v6, v3  }
0x104: {  	[tilespmem:s3+$0x6040] =	vst v1;
	v1 =	vadd.f32 v8, v7  }
0x105: {  	[tilespmem:s3+$0x6050] =	vst v0  }
0x106: {  	[tilespmem:s3+$0x6060] =	vst v1  }
0x107: {  	s3 =	simm.s32 $0x0;
	s0 =	rddreg [dreg:$0xe]  }
0x108: {  	[hbm4b:s0+s3] =	stream.linear.scatter [tilespmem:s24], [sflag:$0x10], $0x2000, $0x38;
	[tilespmem:$0x1E000] =	vst v63  }
0x109: {  	s6 =	simm.s32 $0x18000;
	s10 =	simm.s32 $0x1A;
	s9 =	rddreg [dreg:$0xf]  }
0x10a: {  	[tilespmem:s6], [sflag:$0x19] =	stream.linear.gather [hbm4b:s9+s3], $0x2000, $0x38;
	[tilespmem:$0x1E000] =	vst v63  }
0x10b: {  	_ =	swait.ge [sflag:s10], $0x2000  }
0x10c: {  	[sflag:s10] =	ssyncset.done $0x0  }
0x10d: {  	s11 =	simm.s32 $0x5;
	[sflag:s10] =	ssyncadd.s32 $0xFFFFE000  }
0x10e: {  	_ =	swait.ge [sflag:s11], $0x2000  }
0x10f: {  	[sflag:s11] =	ssyncset.done $0x0  }
0x110: {  	s13 =	simm.s32 $0xD;
	[sflag:s11] =	ssyncadd.s32 $0xFFFFE000  }
0x111: {  	s18 =	sand.u32 $0x1C00, s3;
	_ =	swait.ge [sflag:s13], $0x2000  }
0x112: {  	s19 =	sor.u32 s18, s3;
	[sflag:s13] =	ssyncset.done $0x0  }
0x113: {  	s7 =	sor.u32 $0x70, s19;
	s15 =	rddreg [dreg:$0x10];
	[sflag:s13] =	ssyncadd.s32 $0xFFFFE000  }
0x114: {  	[tilespmem:s3], [sflag:$0x1] =	stream.linear.gather [hbm4b:s15+s3], $0x2000, $0x38;
	[tilespmem:$0x1E000] =	vst v63  }
0x115: {  	s31 =	sand.u32 $0x380, s3;
	v0 =	vld [tilespmem:s7+$0x8000]  }
0x116: {  	s6 =	sor.u32 s31, s18;
	v1 =	vld [tilespmem:s7+$0x1A000]  }
0x117: {  	v2 =	vld [tilespmem:s6+$0x8000]  }
0x118: {  	v3 =	vld [tilespmem:s6+$0x1A000]  }
0x119: {  	v5 =	vld [tilespmem:s6+$0x8010]  }
0x11a: {  	v6 =	vld [tilespmem:s6+$0x1A010]  }
0x11b: {  	v7 =	vld [tilespmem:s6+$0x8020]  }
0x11c: {  	v63 =	vld [tilespmem:s6+$0x1A020]  }
0x11d: {  	v4 =	vld [tilespmem:s6+$0x1A030];
	v1 =	vadd.f32 v1, v0  }
0x11e: {  	v0 =	vld [tilespmem:s6+$0x8030];
	v2 =	vadd.f32 v3, v2  }
0x11f: {  	v3 =	vadd.f32 v6, v5;
	[tilespmem:s7+$0x8000] =	vst v1;
	v1 =	vld [tilespmem:s6+$0x8040]  }
0x120: {  	[tilespmem:s6+$0x8000] =	vst v2;
	v2 =	vld [tilespmem:s6+$0x1A040]  }
0x121: {  	s9 =	simm.s32 $0x400;
	v5 =	vadd.f32 v63, v7;
	s7 =	simm.s32 $0x0;
	[tilespmem:s6+$0x8010] =	vst v3;
	v3 =	vld [tilespmem:s6+$0x8050]  }
.LBB2_10:
0x122: {  	s0 =	sand.u32 $0x1C00, s9;
	v6 =	vld [tilespmem:s6+$0x1A050];
	s3 =	sadd.s32 $0x10, s3  }
0x123: {  	s7 =	sadd.s32 $0x80, s7;
	s10 =	sand.u32 $0x380, s3;
	s11 =	sor.u32 s0, s3;
	[tilespmem:s6+$0x8020] =	vst v5;
	v0 =	vadd.f32 v4, v0;
	v4 =	vld [tilespmem:s6+$0x8060]  }
0x124: {  	p0 =	slt.u32 s7, $0x1F80;
	s0 =	sor.u32 s10, s0;
	s10 =	sor.u32 $0x70, s11;
	v5 =	vld [tilespmem:s6+$0x1A060]  }
0x125: {  	v7 =	vld [tilespmem:s10+$0x8000];
	[tilespmem:s6+$0x8030] =	vst v0;
	v0 =	vadd.f32 v2, v1  }
0x126: {  	v1 =	vld [tilespmem:s10+$0x1A000]  }
0x127: {  	v2 =	vld [tilespmem:s0+$0x8000];
	[tilespmem:s6+$0x8040] =	vst v0;
	v0 =	vadd.f32 v6, v3  }
0x128: {  	v3 =	vld [tilespmem:s0+$0x1A000]  }
0x129: {  	v6 =	vld [tilespmem:s0+$0x8010];
	[tilespmem:s6+$0x8050] =	vst v0;
	v0 =	vadd.f32 v5, v4  }
0x12a: {  	v5 =	vld [tilespmem:s0+$0x1A010]  }
0x12b: {  	v8 =	vld [tilespmem:s0+$0x8020];
	v1 =	vadd.f32 v1, v7;
	[tilespmem:s6+$0x8060] =	vst v0;
	s6 =	smov.u32 s0  }
0x12c: {  	v7 =	vld [tilespmem:s6+$0x1A020]  }
.Ltmp4:
0x12d: {  	v2 =	vadd.f32 v3, v2;
	v0 =	vld [tilespmem:s6+$0x8030];
	[tilespmem:s10+$0x8000] =	vst v1;
	(pc) =	sbr.rel @p0 .LBB2_10-.Ltmp4, $4  }
0x12e: {  	v4 =	vld [tilespmem:s6+$0x1A030]  }
0x12f: {  	[tilespmem:s6+$0x8000] =	vst v2;
	v3 =	vadd.f32 v5, v6;
	v1 =	vld [tilespmem:s6+$0x8040]  }
0x130: {  	v2 =	vld [tilespmem:s6+$0x1A040]  }
0x131: {  	s9 =	sadd.s32 $0x400, s9;
	[tilespmem:s6+$0x8010] =	vst v3;
	v5 =	vadd.f32 v7, v8;
	v3 =	vld [tilespmem:s6+$0x8050]  }
0x132: {  	v6 =	vld [tilespmem:s6+$0x1A050]  }
0x133: {  	v7 =	vld [tilespmem:s6+$0x8060]  }
0x134: {  	v8 =	vld [tilespmem:s6+$0x1A060];
	_ =	sdelay $0x1  }
0x135: {  	v0 =	vadd.f32 v4, v0  }
0x136: {  	[tilespmem:s6+$0x8020] =	vst v5;
	v1 =	vadd.f32 v2, v1  }
0x137: {  	[tilespmem:s6+$0x8030] =	vst v0;
	v0 =	vadd.f32 v6, v3  }
0x138: {  	[tilespmem:s6+$0x8040] =	vst v1;
	v1 =	vadd.f32 v8, v7  }
0x139: {  	[tilespmem:s6+$0x8050] =	vst v0  }
0x13a: {  	[tilespmem:s6+$0x8060] =	vst v1  }
0x13b: {  	s3 =	simm.s32 $0x0;
	s15 =	simm.s32 $0x6;
	s0 =	rddreg [dreg:$0x11]  }
0x13c: {  	[hbm4b:s0+s3] =	stream.linear.scatter [tilespmem:s20], [sflag:$0x11], $0x2000, $0x38;
	[tilespmem:$0x1E000] =	vst v63  }
0x13d: {  	_ =	swait.ge [sflag:s15], $0x2000  }
0x13e: {  	[sflag:s15] =	ssyncset.done $0x0  }
0x13f: {  	[sflag:s15] =	ssyncadd.s32 $0xFFFFE000  }
0x140: {  	_ =	swait.ge [sflag:s5], $0x2000  }
0x141: {  	s18 =	sld [smem:$0x7F2]  }
0x142: {  	s19 =	sand.u32 $0x1C00, s3;
	s31 =	sand.u32 $0x380, s3;
	[sflag:s5] =	ssyncset.done $0x0  }
0x143: {  	s6 =	sor.u32 s31, s19;
	[sflag:s5] =	ssyncadd.s32 $0xFFFFE000  }
0x144: {  	[tilespmem:s23], [sflag:$0x2] =	stream.linear.gather [hbm4b:s18+s3], $0x2000, $0x38;
	[tilespmem:$0x1E000] =	vst v63  }
0x145: {  	v2 =	vld [tilespmem:s6+$0xA000]  }
0x146: {  	s23 =	sor.u32 s19, s3;
	v3 =	vld [tilespmem:s6+$0x1A000]  }
0x147: {  	s7 =	sor.u32 $0x70, s23;
	v5 =	vld [tilespmem:s6+$0xA010]  }
0x148: {  	v0 =	vld [tilespmem:s7+$0xA000]  }
0x149: {  	v1 =	vld [tilespmem:s7+$0x1A000]  }
0x14a: {  	v6 =	vld [tilespmem:s6+$0x1A010]  }
0x14b: {  	v7 =	vld [tilespmem:s6+$0xA020]  }
0x14c: {  	v63 =	vld [tilespmem:s6+$0x1A020]  }
0x14d: {  	v4 =	vld [tilespmem:s6+$0x1A030];
	v2 =	vadd.f32 v3, v2  }
0x14e: {  	v1 =	vadd.f32 v1, v0;
	v0 =	vld [tilespmem:s6+$0xA030]  }
0x14f: {  	v3 =	vadd.f32 v6, v5;
	[tilespmem:s6+$0xA000] =	vst v2;
	v2 =	vld [tilespmem:s6+$0x1A040]  }
0x150: {  	[tilespmem:s7+$0xA000] =	vst v1;
	v1 =	vld [tilespmem:s6+$0xA040]  }
0x151: {  	s9 =	simm.s32 $0x400;
	v5 =	vadd.f32 v63, v7;
	[tilespmem:s6+$0xA010] =	vst v3;
	v3 =	vld [tilespmem:s6+$0xA050];
	s7 =	simm.s32 $0x0  }
.LBB2_12:
0x152: {  	s0 =	sand.u32 $0x1C00, s9;
	v6 =	vld [tilespmem:s6+$0x1A050];
	s3 =	sadd.s32 $0x10, s3  }
0x153: {  	s7 =	sadd.s32 $0x80, s7;
	s10 =	sand.u32 $0x380, s3;
	s11 =	sor.u32 s0, s3;
	[tilespmem:s6+$0xA020] =	vst v5;
	v0 =	vadd.f32 v4, v0;
	v4 =	vld [tilespmem:s6+$0xA060]  }
0x154: {  	p0 =	slt.u32 s7, $0x1F80;
	s0 =	sor.u32 s10, s0;
	s10 =	sor.u32 $0x70, s11;
	v5 =	vld [tilespmem:s6+$0x1A060]  }
0x155: {  	v7 =	vld [tilespmem:s10+$0xA000];
	[tilespmem:s6+$0xA030] =	vst v0;
	v0 =	vadd.f32 v2, v1  }
0x156: {  	v1 =	vld [tilespmem:s10+$0x1A000]  }
0x157: {  	v2 =	vld [tilespmem:s0+$0xA000];
	[tilespmem:s6+$0xA040] =	vst v0;
	v0 =	vadd.f32 v6, v3  }
0x158: {  	v3 =	vld [tilespmem:s0+$0x1A000]  }
0x159: {  	v6 =	vld [tilespmem:s0+$0xA010];
	[tilespmem:s6+$0xA050] =	vst v0;
	v0 =	vadd.f32 v5, v4  }
0x15a: {  	v5 =	vld [tilespmem:s0+$0x1A010]  }
0x15b: {  	v8 =	vld [tilespmem:s0+$0xA020];
	v1 =	vadd.f32 v1, v7;
	[tilespmem:s6+$0xA060] =	vst v0;
	s6 =	smov.u32 s0  }
0x15c: {  	v7 =	vld [tilespmem:s6+$0x1A020]  }
.Ltmp5:
0x15d: {  	v2 =	vadd.f32 v3, v2;
	v0 =	vld [tilespmem:s6+$0xA030];
	[tilespmem:s10+$0xA000] =	vst v1;
	(pc) =	sbr.rel @p0 .LBB2_12-.Ltmp5, $4  }
0x15e: {  	v4 =	vld [tilespmem:s6+$0x1A030]  }
0x15f: {  	[tilespmem:s6+$0xA000] =	vst v2;
	v3 =	vadd.f32 v5, v6;
	v1 =	vld [tilespmem:s6+$0xA040]  }
0x160: {  	v2 =	vld [tilespmem:s6+$0x1A040]  }
0x161: {  	s9 =	sadd.s32 $0x400, s9;
	[tilespmem:s6+$0xA010] =	vst v3;
	v5 =	vadd.f32 v7, v8;
	v3 =	vld [tilespmem:s6+$0xA050]  }
0x162: {  	v6 =	vld [tilespmem:s6+$0x1A050]  }
0x163: {  	v7 =	vld [tilespmem:s6+$0xA060]  }
0x164: {  	v8 =	vld [tilespmem:s6+$0x1A060];
	_ =	sdelay $0x1  }
0x165: {  	v0 =	vadd.f32 v4, v0  }
0x166: {  	[tilespmem:s6+$0xA020] =	vst v5;
	v1 =	vadd.f32 v2, v1  }
0x167: {  	[tilespmem:s6+$0xA030] =	vst v0;
	v0 =	vadd.f32 v6, v3  }
0x168: {  	[tilespmem:s6+$0xA040] =	vst v1;
	v1 =	vadd.f32 v8, v7  }
0x169: {  	[tilespmem:s6+$0xA050] =	vst v0  }
0x16a: {  	[tilespmem:s6+$0xA060] =	vst v1  }
0x16b: {  	s3 =	simm.s32 $0x0;
	s0 =	rddreg [dreg:$0x12]  }
0x16c: {  	[hbm4b:s0+s3] =	stream.linear.scatter [tilespmem:s16], [sflag:$0x12], $0x2000, $0x38;
	[tilespmem:$0x1E000] =	vst v63  }
0x16d: {  	_ =	swait.ge [sflag:s25], $0x2000  }
0x16e: {  	[sflag:s25] =	ssyncset.done $0x0  }
0x16f: {  	[sflag:s25] =	ssyncadd.s32 $0xFFFFE000  }
0x170: {  	_ =	swait.ge [sflag:s26], $0x2000  }
0x171: {  	s19 =	sand.u32 $0x1C00, s3;
	s15 =	sld [smem:$0x7F3]  }
0x172: {  	s23 =	sor.u32 s19, s3;
	[sflag:s26] =	ssyncset.done $0x0  }
0x173: {  	s18 =	simm.s32 $0x4000;
	s7 =	sor.u32 $0x70, s23;
	[sflag:s26] =	ssyncadd.s32 $0xFFFFE000  }
0x174: {  	[tilespmem:s18], [sflag:$0x3] =	stream.linear.gather [hbm4b:s15+s3], $0x2000, $0x38;
	[tilespmem:$0x1E000] =	vst v63  }
0x175: {  	s31 =	sand.u32 $0x380, s3;
	v0 =	vld [tilespmem:s7+$0xC000]  }
0x176: {  	s6 =	sor.u32 s31, s19;
	v1 =	vld [tilespmem:s7+$0x1A000]  }
0x177: {  	v2 =	vld [tilespmem:s6+$0xC000]  }
0x178: {  	v3 =	vld [tilespmem:s6+$0x1A000]  }
0x179: {  	v5 =	vld [tilespmem:s6+$0xC010]  }
0x17a: {  	v6 =	vld [tilespmem:s6+$0x1A010]  }
0x17b: {  	v7 =	vld [tilespmem:s6+$0xC020]  }
0x17c: {  	v63 =	vld [tilespmem:s6+$0x1A020]  }
0x17d: {  	v4 =	vld [tilespmem:s6+$0x1A030];
	v1 =	vadd.f32 v1, v0  }
0x17e: {  	v0 =	vld [tilespmem:s6+$0xC030];
	v2 =	vadd.f32 v3, v2  }
0x17f: {  	v3 =	vadd.f32 v6, v5;
	[tilespmem:s7+$0xC000] =	vst v1;
	v1 =	vld [tilespmem:s6+$0xC040]  }
0x180: {  	[tilespmem:s6+$0xC000] =	vst v2;
	v2 =	vld [tilespmem:s6+$0x1A040]  }
0x181: {  	s9 =	simm.s32 $0x400;
	v5 =	vadd.f32 v63, v7;
	s7 =	simm.s32 $0x0;
	[tilespmem:s6+$0xC010] =	vst v3;
	v3 =	vld [tilespmem:s6+$0xC050]  }
.LBB2_14:
0x182: {  	s0 =	sand.u32 $0x1C00, s9;
	v6 =	vld [tilespmem:s6+$0x1A050];
	s3 =	sadd.s32 $0x10, s3  }
0x183: {  	s7 =	sadd.s32 $0x80, s7;
	s10 =	sand.u32 $0x380, s3;
	s11 =	sor.u32 s0, s3;
	[tilespmem:s6+$0xC020] =	vst v5;
	v0 =	vadd.f32 v4, v0;
	v4 =	vld [tilespmem:s6+$0xC060]  }
0x184: {  	p0 =	slt.u32 s7, $0x1F80;
	s0 =	sor.u32 s10, s0;
	s10 =	sor.u32 $0x70, s11;
	v5 =	vld [tilespmem:s6+$0x1A060]  }
0x185: {  	v7 =	vld [tilespmem:s10+$0xC000];
	[tilespmem:s6+$0xC030] =	vst v0;
	v0 =	vadd.f32 v2, v1  }
0x186: {  	v1 =	vld [tilespmem:s10+$0x1A000]  }
0x187: {  	v2 =	vld [tilespmem:s0+$0xC000];
	[tilespmem:s6+$0xC040] =	vst v0;
	v0 =	vadd.f32 v6, v3  }
0x188: {  	v3 =	vld [tilespmem:s0+$0x1A000]  }
0x189: {  	v6 =	vld [tilespmem:s0+$0xC010];
	[tilespmem:s6+$0xC050] =	vst v0;
	v0 =	vadd.f32 v5, v4  }
0x18a: {  	v5 =	vld [tilespmem:s0+$0x1A010]  }
0x18b: {  	v8 =	vld [tilespmem:s0+$0xC020];
	v1 =	vadd.f32 v1, v7;
	[tilespmem:s6+$0xC060] =	vst v0;
	s6 =	smov.u32 s0  }
0x18c: {  	v7 =	vld [tilespmem:s6+$0x1A020]  }
.Ltmp6:
0x18d: {  	v2 =	vadd.f32 v3, v2;
	v0 =	vld [tilespmem:s6+$0xC030];
	[tilespmem:s10+$0xC000] =	vst v1;
	(pc) =	sbr.rel @p0 .LBB2_14-.Ltmp6, $4  }
0x18e: {  	v4 =	vld [tilespmem:s6+$0x1A030]  }
0x18f: {  	[tilespmem:s6+$0xC000] =	vst v2;
	v3 =	vadd.f32 v5, v6;
	v1 =	vld [tilespmem:s6+$0xC040]  }
0x190: {  	v2 =	vld [tilespmem:s6+$0x1A040]  }
0x191: {  	s9 =	sadd.s32 $0x400, s9;
	[tilespmem:s6+$0xC010] =	vst v3;
	v5 =	vadd.f32 v7, v8;
	v3 =	vld [tilespmem:s6+$0xC050]  }
0x192: {  	v6 =	vld [tilespmem:s6+$0x1A050]  }
0x193: {  	v7 =	vld [tilespmem:s6+$0xC060]  }
0x194: {  	v8 =	vld [tilespmem:s6+$0x1A060];
	_ =	sdelay $0x1  }
0x195: {  	v0 =	vadd.f32 v4, v0  }
0x196: {  	[tilespmem:s6+$0xC020] =	vst v5;
	v1 =	vadd.f32 v2, v1  }
0x197: {  	[tilespmem:s6+$0xC030] =	vst v0;
	v0 =	vadd.f32 v6, v3  }
0x198: {  	[tilespmem:s6+$0xC040] =	vst v1;
	v1 =	vadd.f32 v8, v7  }
0x199: {  	[tilespmem:s6+$0xC050] =	vst v0  }
0x19a: {  	[tilespmem:s6+$0xC060] =	vst v1  }
0x19b: {  	s3 =	simm.s32 $0x0;
	s18 =	simm.s32 $0xC000;
	s0 =	rddreg [dreg:$0x14]  }
0x19c: {  	[hbm4b:s0+s3] =	stream.linear.scatter [tilespmem:s18], [sflag:$0x13], $0x2000, $0x38;
	[tilespmem:$0x1E000] =	vst v63  }
0x19d: {  	_ =	swait.ge [sflag:s28], $0x2000  }
0x19e: {  	[sflag:s28] =	ssyncset.done $0x0  }
0x19f: {  	[sflag:s28] =	ssyncadd.s32 $0xFFFFE000  }
0x1a0: {  	_ =	swait.ge [sflag:s29], $0x2000  }
0x1a1: {  	s19 =	sld [smem:$0x7F4]  }
0x1a2: {  	s23 =	sand.u32 $0x1C00, s3;
	s31 =	sand.u32 $0x380, s3;
	[sflag:s29] =	ssyncset.done $0x0  }
0x1a3: {  	s6 =	sor.u32 s31, s23;
	[sflag:s29] =	ssyncadd.s32 $0xFFFFE000  }
0x1a4: {  	[tilespmem:s24], [sflag:$0x4] =	stream.linear.gather [hbm4b:s19+s3], $0x2000, $0x38;
	[tilespmem:$0x1E000] =	vst v63  }
0x1a5: {  	v2 =	vld [tilespmem:s6+$0xE000]  }
0x1a6: {  	s24 =	sor.u32 s23, s3;
	v3 =	vld [tilespmem:s6+$0x1A000]  }
0x1a7: {  	s7 =	sor.u32 $0x70, s24;
	v5 =	vld [tilespmem:s6+$0xE010]  }
0x1a8: {  	v0 =	vld [tilespmem:s7+$0xE000]  }
0x1a9: {  	v1 =	vld [tilespmem:s7+$0x1A000]  }
0x1aa: {  	v6 =	vld [tilespmem:s6+$0x1A010]  }
0x1ab: {  	v7 =	vld [tilespmem:s6+$0xE020]  }
0x1ac: {  	v63 =	vld [tilespmem:s6+$0x1A020]  }
0x1ad: {  	v4 =	vld [tilespmem:s6+$0x1A030];
	v2 =	vadd.f32 v3, v2  }
0x1ae: {  	v1 =	vadd.f32 v1, v0;
	v0 =	vld [tilespmem:s6+$0xE030]  }
0x1af: {  	v3 =	vadd.f32 v6, v5;
	[tilespmem:s6+$0xE000] =	vst v2;
	v2 =	vld [tilespmem:s6+$0x1A040]  }
0x1b0: {  	[tilespmem:s7+$0xE000] =	vst v1;
	v1 =	vld [tilespmem:s6+$0xE040]  }
0x1b1: {  	s9 =	simm.s32 $0x400;
	v5 =	vadd.f32 v63, v7;
	[tilespmem:s6+$0xE010] =	vst v3;
	v3 =	vld [tilespmem:s6+$0xE050];
	s7 =	simm.s32 $0x0  }
.LBB2_16:
0x1b2: {  	s0 =	sand.u32 $0x1C00, s9;
	v6 =	vld [tilespmem:s6+$0x1A050];
	s3 =	sadd.s32 $0x10, s3  }
0x1b3: {  	s7 =	sadd.s32 $0x80, s7;
	s10 =	sand.u32 $0x380, s3;
	s11 =	sor.u32 s0, s3;
	[tilespmem:s6+$0xE020] =	vst v5;
	v0 =	vadd.f32 v4, v0;
	v4 =	vld [tilespmem:s6+$0xE060]  }
0x1b4: {  	p0 =	slt.u32 s7, $0x1F80;
	s0 =	sor.u32 s10, s0;
	s10 =	sor.u32 $0x70, s11;
	v5 =	vld [tilespmem:s6+$0x1A060]  }
0x1b5: {  	v7 =	vld [tilespmem:s10+$0xE000];
	[tilespmem:s6+$0xE030] =	vst v0;
	v0 =	vadd.f32 v2, v1  }
0x1b6: {  	v1 =	vld [tilespmem:s10+$0x1A000]  }
0x1b7: {  	v2 =	vld [tilespmem:s0+$0xE000];
	[tilespmem:s6+$0xE040] =	vst v0;
	v0 =	vadd.f32 v6, v3  }
0x1b8: {  	v3 =	vld [tilespmem:s0+$0x1A000]  }
0x1b9: {  	v6 =	vld [tilespmem:s0+$0xE010];
	[tilespmem:s6+$0xE050] =	vst v0;
	v0 =	vadd.f32 v5, v4  }
0x1ba: {  	v5 =	vld [tilespmem:s0+$0x1A010]  }
0x1bb: {  	v8 =	vld [tilespmem:s0+$0xE020];
	v1 =	vadd.f32 v1, v7;
	[tilespmem:s6+$0xE060] =	vst v0;
	s6 =	smov.u32 s0  }
0x1bc: {  	v7 =	vld [tilespmem:s6+$0x1A020]  }
.Ltmp7:
0x1bd: {  	v2 =	vadd.f32 v3, v2;
	v0 =	vld [tilespmem:s6+$0xE030];
	[tilespmem:s10+$0xE000] =	vst v1;
	(pc) =	sbr.rel @p0 .LBB2_16-.Ltmp7, $4  }
0x1be: {  	v4 =	vld [tilespmem:s6+$0x1A030]  }
0x1bf: {  	[tilespmem:s6+$0xE000] =	vst v2;
	v3 =	vadd.f32 v5, v6;
	v1 =	vld [tilespmem:s6+$0xE040]  }
0x1c0: {  	v2 =	vld [tilespmem:s6+$0x1A040]  }
0x1c1: {  	s9 =	sadd.s32 $0x400, s9;
	[tilespmem:s6+$0xE010] =	vst v3;
	v5 =	vadd.f32 v7, v8;
	v3 =	vld [tilespmem:s6+$0xE050]  }
0x1c2: {  	v6 =	vld [tilespmem:s6+$0x1A050]  }
0x1c3: {  	v7 =	vld [tilespmem:s6+$0xE060]  }
0x1c4: {  	v8 =	vld [tilespmem:s6+$0x1A060];
	_ =	sdelay $0x1  }
0x1c5: {  	v0 =	vadd.f32 v4, v0  }
0x1c6: {  	[tilespmem:s6+$0xE020] =	vst v5;
	v1 =	vadd.f32 v2, v1  }
0x1c7: {  	[tilespmem:s6+$0xE030] =	vst v0;
	v62 =	vadd.f32 v6, v3  }
0x1c8: {  	[tilespmem:s6+$0xE040] =	vst v1;
	v63 =	vadd.f32 v8, v7  }
0x1c9: {  	[tilespmem:s6+$0xE050] =	vst v62  }
0x1ca: {  	[tilespmem:s6+$0xE060] =	vst v63  }
0x1cb: {  	s6 =	simm.s32 $0x0;
	s0 =	rddreg [dreg:$0x16]  }
0x1cc: {  	[hbm4b:s0+s30] =	stream.linear.scatter [tilespmem:s12], [sflag:$0x14], $0x2000, $0x38;
	[tilespmem:$0x1E000] =	vst v63  }
.LBB2_18:
0x1cd: {  	s19 =	smul.u32 $0x18, s6  }
0x1ce: {  	s0 =	rddreg [dreg:$0x17]  }
0x1cf: {  	s3 =	sadd.s32 s19, s0  }
0x1d0: {  	s11 =	rddreg [dreg:$0x1];
	s10 =	sshll.u32 s3, $0x7  }
0x1d1: {  	s7 =	simm.s32 $0x1A000;
	s13 =	simm.s32 $0x1B;
	s0 =	sadd.s32 s11, s10  }
0x1d2: {  	[tilespmem:s7], [sflag:$0x1A] =	stream.linear.gather [hbm4b:s0+s30], $0x2000, $0x38;
	[tilespmem:$0x1E000] =	vst v63  }
0x1d3: {  	_ =	swait.ge [sflag:s13], $0x2000  }
0x1d4: {  	[sflag:s13] =	ssyncset.done $0x0  }
0x1d5: {  	s15 =	simm.s32 $0x9;
	[sflag:s13] =	ssyncadd.s32 $0xFFFFE000  }
0x1d6: {  	_ =	swait.ge [sflag:s15], $0x2000  }
0x1d7: {  	[sflag:s15] =	ssyncset.done $0x0  }
0x1d8: {  	[sflag:s15] =	ssyncadd.s32 $0xFFFFE000  }
0x1d9: {  	s23 =	sand.u32 $0x1C00, s30;
	_ =	swait.ge [sflag:s8], $0x2000  }
0x1da: {  	s24 =	sor.u32 s23, s30;
	[sflag:s8] =	ssyncset.done $0x0  }
0x1db: {  	s9 =	sor.u32 $0x70, s24;
	s18 =	sadd.s32 s1, s10;
	[sflag:s8] =	ssyncadd.s32 $0xFFFFE000  }
0x1dc: {  	[tilespmem:s20], [sflag:$0x5] =	stream.linear.gather [hbm4b:s18+s30], $0x2000, $0x38;
	[tilespmem:$0x1E000] =	vst v63  }
0x1dd: {  	s31 =	sand.u32 $0x380, s30;
	v0 =	vld [tilespmem:s9+$0x10000]  }
0x1de: {  	s7 =	sor.u32 s31, s23;
	v1 =	vld [tilespmem:s9+$0x1C000]  }
0x1df: {  	v2 =	vld [tilespmem:s7+$0x10000]  }
0x1e0: {  	v3 =	vld [tilespmem:s7+$0x1C000]  }
0x1e1: {  	v5 =	vld [tilespmem:s7+$0x10010]  }
0x1e2: {  	v6 =	vld [tilespmem:s7+$0x1C010]  }
0x1e3: {  	v7 =	vld [tilespmem:s7+$0x10020]  }
0x1e4: {  	v8 =	vld [tilespmem:s7+$0x1C020]  }
0x1e5: {  	v4 =	vld [tilespmem:s7+$0x1C030];
	v1 =	vadd.f32 v1, v0  }
0x1e6: {  	v0 =	vld [tilespmem:s7+$0x10030];
	v2 =	vadd.f32 v3, v2  }
0x1e7: {  	v3 =	vadd.f32 v6, v5;
	[tilespmem:s9+$0x10000] =	vst v1;
	v1 =	vld [tilespmem:s7+$0x10040]  }
0x1e8: {  	[tilespmem:s7+$0x10000] =	vst v2;
	v2 =	vld [tilespmem:s7+$0x1C040]  }
0x1e9: {  	s11 =	simm.s32 $0x400;
	s13 =	simm.s32 $0x0;
	v5 =	vadd.f32 v8, v7;
	s9 =	simm.s32 $0x0;
	[tilespmem:s7+$0x10010] =	vst v3;
	v3 =	vld [tilespmem:s7+$0x10050]  }
.LBB2_19:
0x1ea: {  	s0 =	sand.u32 $0x1C00, s11;
	v6 =	vld [tilespmem:s7+$0x1C050];
	s13 =	sadd.s32 $0x10, s13  }
0x1eb: {  	s9 =	sadd.s32 $0x80, s9;
	s15 =	sand.u32 $0x380, s13;
	s18 =	sor.u32 s0, s13;
	[tilespmem:s7+$0x10020] =	vst v5;
	v0 =	vadd.f32 v4, v0;
	v4 =	vld [tilespmem:s7+$0x10060]  }
0x1ec: {  	p0 =	slt.u32 s9, $0x1F80;
	s0 =	sor.u32 s15, s0;
	s15 =	sor.u32 $0x70, s18;
	v5 =	vld [tilespmem:s7+$0x1C060]  }
0x1ed: {  	v7 =	vld [tilespmem:s15+$0x10000];
	[tilespmem:s7+$0x10030] =	vst v0;
	v0 =	vadd.f32 v2, v1  }
0x1ee: {  	v1 =	vld [tilespmem:s15+$0x1C000]  }
0x1ef: {  	v2 =	vld [tilespmem:s0+$0x10000];
	[tilespmem:s7+$0x10040] =	vst v0;
	v0 =	vadd.f32 v6, v3  }
0x1f0: {  	v3 =	vld [tilespmem:s0+$0x1C000]  }
0x1f1: {  	v6 =	vld [tilespmem:s0+$0x10010];
	[tilespmem:s7+$0x10050] =	vst v0;
	v0 =	vadd.f32 v5, v4  }
0x1f2: {  	v5 =	vld [tilespmem:s0+$0x1C010]  }
0x1f3: {  	v8 =	vld [tilespmem:s0+$0x10020];
	v1 =	vadd.f32 v1, v7;
	[tilespmem:s7+$0x10060] =	vst v0;
	s7 =	smov.u32 s0  }
0x1f4: {  	v7 =	vld [tilespmem:s7+$0x1C020]  }
.Ltmp8:
0x1f5: {  	v2 =	vadd.f32 v3, v2;
	v0 =	vld [tilespmem:s7+$0x10030];
	[tilespmem:s15+$0x10000] =	vst v1;
	(pc) =	sbr.rel @p0 .LBB2_19-.Ltmp8, $4  }
0x1f6: {  	v4 =	vld [tilespmem:s7+$0x1C030]  }
0x1f7: {  	[tilespmem:s7+$0x10000] =	vst v2;
	v3 =	vadd.f32 v5, v6;
	v1 =	vld [tilespmem:s7+$0x10040]  }
0x1f8: {  	v2 =	vld [tilespmem:s7+$0x1C040]  }
0x1f9: {  	s11 =	sadd.s32 $0x400, s11;
	[tilespmem:s7+$0x10010] =	vst v3;
	v5 =	vadd.f32 v7, v8;
	v3 =	vld [tilespmem:s7+$0x10050]  }
0x1fa: {  	v6 =	vld [tilespmem:s7+$0x1C050]  }
0x1fb: {  	v7 =	vld [tilespmem:s7+$0x10060]  }
0x1fc: {  	v8 =	vld [tilespmem:s7+$0x1C060];
	v0 =	vadd.f32 v4, v0  }
0x1fd: {  	[tilespmem:s7+$0x10020] =	vst v5;
	v1 =	vadd.f32 v2, v1  }
0x1fe: {  	[tilespmem:s7+$0x10030] =	vst v0  }
0x1ff: {  	[tilespmem:s7+$0x10040] =	vst v1  }
0x200: {  	v0 =	vadd.f32 v6, v3;
	s0 =	rddreg [dreg:$0x18]  }
0x201: {  	v1 =	vadd.f32 v8, v7;
	s15 =	sadd.s32 s19, s0  }
0x202: {  	s20 =	simm.s32 $0x0;
	[tilespmem:s7+$0x10050] =	vst v0;
	s18 =	sshll.u32 s15, $0x7  }
0x203: {  	s31 =	simm.s32 $0x10000;
	[tilespmem:s7+$0x10060] =	vst v1;
	s0 =	simm.s32 $0xA;
	s24 =	sadd.s32 s4, s18  }
0x204: {  	[hbm4b:s24+s20] =	stream.linear.scatter [tilespmem:s31], [sflag:$0x15], $0x2000, $0x38;
	[tilespmem:$0x1E000] =	vst v63  }
0x205: {  	_ =	swait.ge [sflag:s0], $0x2000  }
0x206: {  	[sflag:s0] =	ssyncset.done $0x0  }
0x207: {  	s9 =	sshll.u32 s3, $0xA;
	[sflag:s0] =	ssyncadd.s32 $0xFFFFE000  }
0x208: {  	s3 =	sshrl.u32 s9, $0x3;
	s23 =	sand.u32 $0x1C00, s20;
	_ =	swait.ge [sflag:s2], $0x2000  }
0x209: {  	s13 =	sadd.s32 $0x100000, s3;
	s24 =	sor.u32 s23, s20;
	[sflag:s2] =	ssyncset.done $0x0  }
0x20a: {  	s11 =	sadd.s32 s1, s13;
	s9 =	sor.u32 $0x70, s24;
	[sflag:s2] =	ssyncadd.s32 $0xFFFFE000  }
0x20b: {  	[tilespmem:s16], [sflag:$0x6] =	stream.linear.gather [hbm4b:s11+s20], $0x2000, $0x38;
	[tilespmem:$0x1E000] =	vst v63  }
0x20c: {  	s31 =	sand.u32 $0x380, s20;
	v0 =	vld [tilespmem:s9+$0x12000]  }
0x20d: {  	s7 =	sor.u32 s31, s23;
	v1 =	vld [tilespmem:s9+$0x1C000]  }
0x20e: {  	v2 =	vld [tilespmem:s7+$0x12000]  }
0x20f: {  	v3 =	vld [tilespmem:s7+$0x1C000]  }
0x210: {  	v5 =	vld [tilespmem:s7+$0x12010]  }
0x211: {  	v6 =	vld [tilespmem:s7+$0x1C010]  }
0x212: {  	v7 =	vld [tilespmem:s7+$0x12020]  }
0x213: {  	v63 =	vld [tilespmem:s7+$0x1C020]  }
0x214: {  	v4 =	vld [tilespmem:s7+$0x1C030];
	v1 =	vadd.f32 v1, v0  }
0x215: {  	v0 =	vld [tilespmem:s7+$0x12030];
	v2 =	vadd.f32 v3, v2  }
0x216: {  	v3 =	vadd.f32 v6, v5;
	[tilespmem:s9+$0x12000] =	vst v1;
	v1 =	vld [tilespmem:s7+$0x12040]  }
0x217: {  	[tilespmem:s7+$0x12000] =	vst v2;
	v2 =	vld [tilespmem:s7+$0x1C040]  }
0x218: {  	s11 =	simm.s32 $0x400;
	v5 =	vadd.f32 v63, v7;
	s9 =	simm.s32 $0x0;
	[tilespmem:s7+$0x12010] =	vst v3;
	v3 =	vld [tilespmem:s7+$0x12050]  }
.LBB2_21:
0x219: {  	s0 =	sand.u32 $0x1C00, s11;
	v6 =	vld [tilespmem:s7+$0x1C050];
	s20 =	sadd.s32 $0x10, s20  }
0x21a: {  	s9 =	sadd.s32 $0x80, s9;
	s24 =	sand.u32 $0x380, s20;
	s31 =	sor.u32 s0, s20;
	[tilespmem:s7+$0x12020] =	vst v5;
	v0 =	vadd.f32 v4, v0;
	v4 =	vld [tilespmem:s7+$0x12060]  }
0x21b: {  	p0 =	slt.u32 s9, $0x1F80;
	s0 =	sor.u32 s24, s0;
	s24 =	sor.u32 $0x70, s31;
	v5 =	vld [tilespmem:s7+$0x1C060]  }
0x21c: {  	v7 =	vld [tilespmem:s24+$0x12000];
	[tilespmem:s7+$0x12030] =	vst v0;
	v0 =	vadd.f32 v2, v1  }
0x21d: {  	v1 =	vld [tilespmem:s24+$0x1C000]  }
0x21e: {  	v2 =	vld [tilespmem:s0+$0x12000];
	[tilespmem:s7+$0x12040] =	vst v0;
	v0 =	vadd.f32 v6, v3  }
0x21f: {  	v3 =	vld [tilespmem:s0+$0x1C000]  }
0x220: {  	v6 =	vld [tilespmem:s0+$0x12010];
	[tilespmem:s7+$0x12050] =	vst v0;
	v0 =	vadd.f32 v5, v4  }
0x221: {  	v5 =	vld [tilespmem:s0+$0x1C010]  }
0x222: {  	v8 =	vld [tilespmem:s0+$0x12020];
	v1 =	vadd.f32 v1, v7;
	[tilespmem:s7+$0x12060] =	vst v0;
	s7 =	smov.u32 s0  }
0x223: {  	v7 =	vld [tilespmem:s7+$0x1C020]  }
.Ltmp9:
0x224: {  	v2 =	vadd.f32 v3, v2;
	v0 =	vld [tilespmem:s7+$0x12030];
	[tilespmem:s24+$0x12000] =	vst v1;
	(pc) =	sbr.rel @p0 .LBB2_21-.Ltmp9, $4  }
0x225: {  	v4 =	vld [tilespmem:s7+$0x1C030]  }
0x226: {  	[tilespmem:s7+$0x12000] =	vst v2;
	v3 =	vadd.f32 v5, v6;
	v1 =	vld [tilespmem:s7+$0x12040]  }
0x227: {  	v2 =	vld [tilespmem:s7+$0x1C040]  }
0x228: {  	s11 =	sadd.s32 $0x400, s11;
	[tilespmem:s7+$0x12010] =	vst v3;
	v5 =	vadd.f32 v7, v8;
	v3 =	vld [tilespmem:s7+$0x12050]  }
0x229: {  	v6 =	vld [tilespmem:s7+$0x1C050]  }
0x22a: {  	v7 =	vld [tilespmem:s7+$0x12060]  }
0x22b: {  	v8 =	vld [tilespmem:s7+$0x1C060];
	_ =	sdelay $0x1  }
0x22c: {  	v0 =	vadd.f32 v4, v0  }
0x22d: {  	[tilespmem:s7+$0x12020] =	vst v5;
	v1 =	vadd.f32 v2, v1  }
0x22e: {  	s0 =	sshll.u32 s15, $0xA;
	[tilespmem:s7+$0x12030] =	vst v0;
	v0 =	vadd.f32 v6, v3  }
0x22f: {  	s0 =	sshrl.u32 s0, $0x3;
	[tilespmem:s7+$0x12040] =	vst v1;
	v1 =	vadd.f32 v8, v7  }
0x230: {  	s20 =	sadd.s32 s4, s0;
	[tilespmem:s7+$0x12050] =	vst v0  }
0x231: {  	s9 =	simm.s32 $0x12000;
	s0 =	sadd.s32 $0x100000, s20;
	[tilespmem:s7+$0x12060] =	vst v1;
	s7 =	simm.s32 $0x0  }
0x232: {  	[hbm4b:s0+s7] =	stream.linear.scatter [tilespmem:s9], [sflag:$0x16], $0x2000, $0x38;
	[tilespmem:$0x1E000] =	vst v63  }
0x233: {  	s9 =	simm.s32 $0xB  }
0x234: {  	_ =	swait.ge [sflag:s9], $0x2000  }
0x235: {  	[sflag:s9] =	ssyncset.done $0x0  }
0x236: {  	[sflag:s9] =	ssyncadd.s32 $0xFFFFE000  }
0x237: {  	s15 =	sor.u32 $0x200000, s10;
	_ =	swait.ge [sflag:s14], $0x2000  }
0x238: {  	s16 =	simm.s32 $0xC000;
	s23 =	sand.u32 $0x1C00, s7;
	[sflag:s14] =	ssyncset.done $0x0  }
0x239: {  	s11 =	sadd.s32 s1, s15;
	s24 =	sor.u32 s23, s7;
	[sflag:s14] =	ssyncadd.s32 $0xFFFFE000  }
0x23a: {  	[tilespmem:s16], [sflag:$0x7] =	stream.linear.gather [hbm4b:s11+s7], $0x2000, $0x38;
	[tilespmem:$0x1E000] =	vst v63  }
0x23b: {  	s11 =	sor.u32 $0x70, s24  }
0x23c: {  	s31 =	sand.u32 $0x380, s7;
	v0 =	vld [tilespmem:s11+$0x14000]  }
0x23d: {  	s9 =	sor.u32 s31, s23;
	v1 =	vld [tilespmem:s11+$0x1C000]  }
0x23e: {  	v2 =	vld [tilespmem:s9+$0x14000]  }
0x23f: {  	v3 =	vld [tilespmem:s9+$0x1C000]  }
0x240: {  	v5 =	vld [tilespmem:s9+$0x14010]  }
0x241: {  	v6 =	vld [tilespmem:s9+$0x1C010]  }
0x242: {  	v7 =	vld [tilespmem:s9+$0x14020]  }
0x243: {  	v63 =	vld [tilespmem:s9+$0x1C020]  }
0x244: {  	v4 =	vld [tilespmem:s9+$0x1C030];
	v1 =	vadd.f32 v1, v0  }
0x245: {  	v0 =	vld [tilespmem:s9+$0x14030];
	v2 =	vadd.f32 v3, v2  }
0x246: {  	v3 =	vadd.f32 v6, v5;
	[tilespmem:s11+$0x14000] =	vst v1;
	v1 =	vld [tilespmem:s9+$0x14040]  }
0x247: {  	[tilespmem:s9+$0x14000] =	vst v2;
	v2 =	vld [tilespmem:s9+$0x1C040]  }
0x248: {  	s24 =	simm.s32 $0x0;
	v5 =	vadd.f32 v63, v7;
	[tilespmem:s9+$0x14010] =	vst v3;
	v3 =	vld [tilespmem:s9+$0x14050];
	s11 =	simm.s32 $0x400  }
.LBB2_23:
0x249: {  	s0 =	sand.u32 $0x1C00, s11;
	v6 =	vld [tilespmem:s9+$0x1C050];
	s7 =	sadd.s32 $0x10, s7  }
0x24a: {  	s24 =	sadd.s32 $0x80, s24;
	s31 =	sand.u32 $0x380, s7;
	s23 =	sor.u32 s0, s7;
	[tilespmem:s9+$0x14020] =	vst v5;
	v0 =	vadd.f32 v4, v0;
	v4 =	vld [tilespmem:s9+$0x14060]  }
0x24b: {  	p0 =	slt.u32 s24, $0x1F80;
	s0 =	sor.u32 s31, s0;
	s23 =	sor.u32 $0x70, s23;
	v5 =	vld [tilespmem:s9+$0x1C060]  }
0x24c: {  	v7 =	vld [tilespmem:s23+$0x14000];
	[tilespmem:s9+$0x14030] =	vst v0;
	v0 =	vadd.f32 v2, v1  }
0x24d: {  	v1 =	vld [tilespmem:s23+$0x1C000]  }
0x24e: {  	v2 =	vld [tilespmem:s0+$0x14000];
	[tilespmem:s9+$0x14040] =	vst v0;
	v0 =	vadd.f32 v6, v3  }
0x24f: {  	v3 =	vld [tilespmem:s0+$0x1C000]  }
0x250: {  	v6 =	vld [tilespmem:s0+$0x14010];
	[tilespmem:s9+$0x14050] =	vst v0;
	v0 =	vadd.f32 v5, v4  }
0x251: {  	v5 =	vld [tilespmem:s0+$0x1C010]  }
0x252: {  	v8 =	vld [tilespmem:s0+$0x14020];
	v1 =	vadd.f32 v1, v7;
	[tilespmem:s9+$0x14060] =	vst v0;
	s9 =	smov.u32 s0  }
0x253: {  	v7 =	vld [tilespmem:s9+$0x1C020]  }
.Ltmp10:
0x254: {  	v2 =	vadd.f32 v3, v2;
	v0 =	vld [tilespmem:s9+$0x14030];
	[tilespmem:s23+$0x14000] =	vst v1;
	(pc) =	sbr.rel @p0 .LBB2_23-.Ltmp10, $4  }
0x255: {  	v4 =	vld [tilespmem:s9+$0x1C030]  }
0x256: {  	[tilespmem:s9+$0x14000] =	vst v2;
	v3 =	vadd.f32 v5, v6;
	v1 =	vld [tilespmem:s9+$0x14040]  }
0x257: {  	v2 =	vld [tilespmem:s9+$0x1C040]  }
0x258: {  	s11 =	sadd.s32 $0x400, s11;
	[tilespmem:s9+$0x14010] =	vst v3;
	v5 =	vadd.f32 v7, v8;
	v3 =	vld [tilespmem:s9+$0x14050]  }
0x259: {  	v6 =	vld [tilespmem:s9+$0x1C050]  }
0x25a: {  	v7 =	vld [tilespmem:s9+$0x14060]  }
0x25b: {  	v8 =	vld [tilespmem:s9+$0x1C060];
	_ =	sdelay $0x1  }
0x25c: {  	v0 =	vadd.f32 v4, v0  }
0x25d: {  	[tilespmem:s9+$0x14020] =	vst v5;
	v1 =	vadd.f32 v2, v1  }
0x25e: {  	[tilespmem:s9+$0x14030] =	vst v0;
	v0 =	vadd.f32 v6, v3  }
0x25f: {  	[tilespmem:s9+$0x14040] =	vst v1;
	v1 =	vadd.f32 v8, v7  }
0x260: {  	s0 =	sadd.s32 s18, s21;
	[tilespmem:s9+$0x14050] =	vst v0  }
0x261: {  	s7 =	simm.s32 $0x0;
	s31 =	simm.s32 $0x14000;
	[tilespmem:s9+$0x14060] =	vst v1;
	s9 =	simm.s32 $0xC  }
0x262: {  	[hbm4b:s0+s7] =	stream.linear.scatter [tilespmem:s31], [sflag:$0x17], $0x2000, $0x38;
	[tilespmem:$0x1E000] =	vst v63  }
0x263: {  	_ =	swait.ge [sflag:s9], $0x2000  }
0x264: {  	[sflag:s9] =	ssyncset.done $0x0  }
0x265: {  	[sflag:s9] =	ssyncadd.s32 $0xFFFFE000  }
0x266: {  	s16 =	sand.u32 $0x1C00, s7;
	_ =	swait.ge [sflag:s17], $0x2000  }
0x267: {  	s18 =	sadd.s32 $0x300000, s3;
	s23 =	sor.u32 s16, s7;
	[sflag:s17] =	ssyncset.done $0x0  }
0x268: {  	s11 =	sadd.s32 s1, s18;
	s24 =	sor.u32 $0x70, s23;
	[sflag:s17] =	ssyncadd.s32 $0xFFFFE000  }
0x269: {  	[tilespmem:s12], [sflag:$0x8] =	stream.linear.gather [hbm4b:s11+s7], $0x2000, $0x38;
	[tilespmem:$0x1E000] =	vst v63  }
0x26a: {  	s31 =	sand.u32 $0x380, s7;
	v0 =	vld [tilespmem:s24+$0x16000]  }
0x26b: {  	s3 =	sor.u32 s31, s16;
	v1 =	vld [tilespmem:s24+$0x1C000]  }
0x26c: {  	v2 =	vld [tilespmem:s3+$0x16000]  }
0x26d: {  	v3 =	vld [tilespmem:s3+$0x1C000]  }
0x26e: {  	v5 =	vld [tilespmem:s3+$0x16010]  }
0x26f: {  	v6 =	vld [tilespmem:s3+$0x1C010]  }
0x270: {  	v7 =	vld [tilespmem:s3+$0x16020]  }
0x271: {  	v63 =	vld [tilespmem:s3+$0x1C020]  }
0x272: {  	v4 =	vld [tilespmem:s3+$0x1C030];
	v1 =	vadd.f32 v1, v0  }
0x273: {  	v0 =	vld [tilespmem:s3+$0x16030];
	v2 =	vadd.f32 v3, v2  }
0x274: {  	v3 =	vadd.f32 v6, v5;
	[tilespmem:s24+$0x16000] =	vst v1;
	v1 =	vld [tilespmem:s3+$0x16040]  }
0x275: {  	[tilespmem:s3+$0x16000] =	vst v2;
	v2 =	vld [tilespmem:s3+$0x1C040]  }
0x276: {  	s9 =	simm.s32 $0x0;
	s11 =	simm.s32 $0x400;
	v5 =	vadd.f32 v63, v7;
	[tilespmem:s3+$0x16010] =	vst v3;
	v3 =	vld [tilespmem:s3+$0x16050]  }
.LBB2_25:
0x277: {  	s0 =	sand.u32 $0x1C00, s11;
	v6 =	vld [tilespmem:s3+$0x1C050];
	s7 =	sadd.s32 $0x10, s7  }
0x278: {  	s9 =	sadd.s32 $0x80, s9;
	s23 =	sand.u32 $0x380, s7;
	s24 =	sor.u32 s0, s7;
	[tilespmem:s3+$0x16020] =	vst v5;
	v0 =	vadd.f32 v4, v0;
	v4 =	vld [tilespmem:s3+$0x16060]  }
0x279: {  	p0 =	slt.u32 s9, $0x1F80;
	s0 =	sor.u32 s23, s0;
	s23 =	sor.u32 $0x70, s24;
	v5 =	vld [tilespmem:s3+$0x1C060]  }
0x27a: {  	v7 =	vld [tilespmem:s23+$0x16000];
	[tilespmem:s3+$0x16030] =	vst v0;
	v0 =	vadd.f32 v2, v1  }
0x27b: {  	v1 =	vld [tilespmem:s23+$0x1C000]  }
0x27c: {  	v2 =	vld [tilespmem:s0+$0x16000];
	[tilespmem:s3+$0x16040] =	vst v0;
	v0 =	vadd.f32 v6, v3  }
0x27d: {  	v3 =	vld [tilespmem:s0+$0x1C000]  }
0x27e: {  	v6 =	vld [tilespmem:s0+$0x16010];
	[tilespmem:s3+$0x16050] =	vst v0;
	v0 =	vadd.f32 v5, v4  }
0x27f: {  	v5 =	vld [tilespmem:s0+$0x1C010]  }
0x280: {  	v8 =	vld [tilespmem:s0+$0x16020];
	v1 =	vadd.f32 v1, v7;
	[tilespmem:s3+$0x16060] =	vst v0;
	s3 =	smov.u32 s0  }
0x281: {  	v7 =	vld [tilespmem:s3+$0x1C020]  }
.Ltmp11:
0x282: {  	v2 =	vadd.f32 v3, v2;
	v0 =	vld [tilespmem:s3+$0x16030];
	[tilespmem:s23+$0x16000] =	vst v1;
	(pc) =	sbr.rel @p0 .LBB2_25-.Ltmp11, $4  }
0x283: {  	v4 =	vld [tilespmem:s3+$0x1C030]  }
0x284: {  	[tilespmem:s3+$0x16000] =	vst v2;
	v3 =	vadd.f32 v5, v6;
	v1 =	vld [tilespmem:s3+$0x16040]  }
0x285: {  	v2 =	vld [tilespmem:s3+$0x1C040]  }
0x286: {  	s11 =	sadd.s32 $0x400, s11;
	[tilespmem:s3+$0x16010] =	vst v3;
	v5 =	vadd.f32 v7, v8;
	v3 =	vld [tilespmem:s3+$0x16050]  }
0x287: {  	v6 =	vld [tilespmem:s3+$0x1C050]  }
0x288: {  	v7 =	vld [tilespmem:s3+$0x16060]  }
0x289: {  	v8 =	vld [tilespmem:s3+$0x1C060];
	_ =	sdelay $0x1  }
0x28a: {  	v0 =	vadd.f32 v4, v0  }
0x28b: {  	[tilespmem:s3+$0x16020] =	vst v5;
	v1 =	vadd.f32 v2, v1  }
0x28c: {  	[tilespmem:s3+$0x16030] =	vst v0;
	v0 =	vadd.f32 v6, v3  }
0x28d: {  	[tilespmem:s3+$0x16040] =	vst v1;
	v1 =	vadd.f32 v8, v7  }
0x28e: {  	[tilespmem:s3+$0x16050] =	vst v0  }
0x28f: {  	s0 =	sadd.s32 $0x300000, s20;
	s7 =	simm.s32 $0x16000;
	[tilespmem:s3+$0x16060] =	vst v1;
	s3 =	simm.s32 $0x0  }
0x290: {  	[hbm4b:s0+s3] =	stream.linear.scatter [tilespmem:s7], [sflag:$0x18], $0x2000, $0x38;
	[tilespmem:$0x1E000] =	vst v63  }
0x291: {  	s12 =	rddreg [dreg:$0x19]  }
0x292: {  	s24 =	sadd.s32 s19, s12  }
0x293: {  	s16 =	rddreg [dreg:$0x1];
	s20 =	sshll.u32 s24, $0x7  }
0x294: {  	s23 =	simm.s32 $0x1C000;
	s31 =	simm.s32 $0x19;
	s0 =	sadd.s32 s16, s20  }
0x295: {  	[tilespmem:s23], [sflag:$0x1B] =	stream.linear.gather [hbm4b:s0+s3], $0x2000, $0x38;
	[tilespmem:$0x1E000] =	vst v63  }
0x296: {  	_ =	swait.ge [sflag:s31], $0x2000  }
0x297: {  	[sflag:s31] =	ssyncset.done $0x0  }
0x298: {  	s7 =	simm.s32 $0x1;
	[sflag:s31] =	ssyncadd.s32 $0xFFFFE000  }
0x299: {  	_ =	swait.ge [sflag:s7], $0x2000  }
0x29a: {  	[sflag:s7] =	ssyncset.done $0x0  }
0x29b: {  	s9 =	simm.s32 $0x15;
	[sflag:s7] =	ssyncadd.s32 $0xFFFFE000  }
0x29c: {  	s16 =	sand.u32 $0x1C00, s3;
	_ =	swait.ge [sflag:s9], $0x2000  }
0x29d: {  	s12 =	simm.s32 $0x10000;
	s23 =	sor.u32 s16, s3;
	[sflag:s9] =	ssyncset.done $0x0  }
0x29e: {  	s11 =	sadd.s32 s1, s20;
	[sflag:s9] =	ssyncadd.s32 $0xFFFFE000;
	s9 =	sor.u32 $0x70, s23  }
0x29f: {  	[tilespmem:s12], [sflag:$0x9] =	stream.linear.gather [hbm4b:s11+s3], $0x2000, $0x38;
	[tilespmem:$0x1E000] =	vst v63  }
0x2a0: {  	s31 =	sand.u32 $0x380, s3;
	v0 =	vld [tilespmem:s9+$0x0]  }
0x2a1: {  	s7 =	sor.u32 s31, s16;
	v1 =	vld [tilespmem:s9+$0x18000]  }
0x2a2: {  	v2 =	vld [tilespmem:s7+$0x0]  }
0x2a3: {  	v3 =	vld [tilespmem:s7+$0x18000]  }
0x2a4: {  	v5 =	vld [tilespmem:s7+$0x10]  }
0x2a5: {  	v6 =	vld [tilespmem:s7+$0x18010]  }
0x2a6: {  	v7 =	vld [tilespmem:s7+$0x20]  }
0x2a7: {  	v63 =	vld [tilespmem:s7+$0x18020]  }
0x2a8: {  	v4 =	vld [tilespmem:s7+$0x18030];
	v1 =	vadd.f32 v1, v0  }
0x2a9: {  	v0 =	vld [tilespmem:s7+$0x30];
	v2 =	vadd.f32 v3, v2  }
0x2aa: {  	v3 =	vadd.f32 v6, v5;
	[tilespmem:s9+$0x0] =	vst v1;
	v1 =	vld [tilespmem:s7+$0x40]  }
0x2ab: {  	[tilespmem:s7+$0x0] =	vst v2;
	v2 =	vld [tilespmem:s7+$0x18040]  }
0x2ac: {  	s11 =	simm.s32 $0x400;
	v5 =	vadd.f32 v63, v7;
	s9 =	simm.s32 $0x0;
	[tilespmem:s7+$0x10] =	vst v3;
	v3 =	vld [tilespmem:s7+$0x50]  }
.LBB2_27:
0x2ad: {  	s0 =	sand.u32 $0x1C00, s11;
	v6 =	vld [tilespmem:s7+$0x18050];
	s3 =	sadd.s32 $0x10, s3  }
0x2ae: {  	s9 =	sadd.s32 $0x80, s9;
	s23 =	sand.u32 $0x380, s3;
	s31 =	sor.u32 s0, s3;
	[tilespmem:s7+$0x20] =	vst v5;
	v0 =	vadd.f32 v4, v0;
	v4 =	vld [tilespmem:s7+$0x60]  }
0x2af: {  	p0 =	slt.u32 s9, $0x1F80;
	s0 =	sor.u32 s23, s0;
	s23 =	sor.u32 $0x70, s31;
	v5 =	vld [tilespmem:s7+$0x18060]  }
0x2b0: {  	v7 =	vld [tilespmem:s23+$0x0];
	[tilespmem:s7+$0x30] =	vst v0;
	v0 =	vadd.f32 v2, v1  }
0x2b1: {  	v1 =	vld [tilespmem:s23+$0x18000]  }
0x2b2: {  	v2 =	vld [tilespmem:s0+$0x0];
	[tilespmem:s7+$0x40] =	vst v0;
	v0 =	vadd.f32 v6, v3  }
0x2b3: {  	v3 =	vld [tilespmem:s0+$0x18000]  }
0x2b4: {  	v6 =	vld [tilespmem:s0+$0x10];
	[tilespmem:s7+$0x50] =	vst v0;
	v0 =	vadd.f32 v5, v4  }
0x2b5: {  	v5 =	vld [tilespmem:s0+$0x18010]  }
0x2b6: {  	v8 =	vld [tilespmem:s0+$0x20];
	v1 =	vadd.f32 v1, v7;
	[tilespmem:s7+$0x60] =	vst v0;
	s7 =	smov.u32 s0  }
0x2b7: {  	v7 =	vld [tilespmem:s7+$0x18020]  }
.Ltmp12:
0x2b8: {  	v2 =	vadd.f32 v3, v2;
	v0 =	vld [tilespmem:s7+$0x30];
	[tilespmem:s23+$0x0] =	vst v1;
	(pc) =	sbr.rel @p0 .LBB2_27-.Ltmp12, $4  }
0x2b9: {  	v4 =	vld [tilespmem:s7+$0x18030]  }
0x2ba: {  	[tilespmem:s7+$0x0] =	vst v2;
	v3 =	vadd.f32 v5, v6;
	v1 =	vld [tilespmem:s7+$0x40]  }
0x2bb: {  	v2 =	vld [tilespmem:s7+$0x18040]  }
0x2bc: {  	s11 =	sadd.s32 $0x400, s11;
	[tilespmem:s7+$0x10] =	vst v3;
	v5 =	vadd.f32 v7, v8;
	v3 =	vld [tilespmem:s7+$0x50]  }
0x2bd: {  	v6 =	vld [tilespmem:s7+$0x18050]  }
0x2be: {  	v7 =	vld [tilespmem:s7+$0x60]  }
0x2bf: {  	v8 =	vld [tilespmem:s7+$0x18060];
	v0 =	vadd.f32 v4, v0  }
0x2c0: {  	[tilespmem:s7+$0x20] =	vst v5;
	v1 =	vadd.f32 v2, v1  }
0x2c1: {  	[tilespmem:s7+$0x30] =	vst v0  }
0x2c2: {  	[tilespmem:s7+$0x40] =	vst v1  }
0x2c3: {  	v0 =	vadd.f32 v6, v3;
	s0 =	rddreg [dreg:$0x1a]  }
0x2c4: {  	v1 =	vadd.f32 v8, v7;
	s31 =	sadd.s32 s19, s0  }
0x2c5: {  	[tilespmem:s7+$0x50] =	vst v0;
	s3 =	sshll.u32 s31, $0x7  }
0x2c6: {  	s9 =	simm.s32 $0x2;
	[tilespmem:s7+$0x60] =	vst v1;
	s7 =	simm.s32 $0x0;
	s12 =	sadd.s32 s4, s3  }
0x2c7: {  	[hbm4b:s12+s7] =	stream.linear.scatter [tilespmem:s7], [sflag:$0xD], $0x2000, $0x38;
	[tilespmem:$0x1E000] =	vst v63  }
0x2c8: {  	_ =	swait.ge [sflag:s9], $0x2000  }
0x2c9: {  	[sflag:s9] =	ssyncset.done $0x0  }
0x2ca: {  	s16 =	sshll.u32 s24, $0xA;
	s23 =	simm.s32 $0x16;
	[sflag:s9] =	ssyncadd.s32 $0xFFFFE000  }
0x2cb: {  	s11 =	simm.s32 $0x12000;
	s0 =	sshrl.u32 s16, $0x3;
	_ =	swait.ge [sflag:s23], $0x2000  }
0x2cc: {  	s24 =	sadd.s32 s1, s0;
	s12 =	sand.u32 $0x1C00, s7;
	[sflag:s23] =	ssyncset.done $0x0  }
0x2cd: {  	s0 =	sadd.s32 $0x100000, s24;
	s16 =	sor.u32 s12, s7;
	[sflag:s23] =	ssyncadd.s32 $0xFFFFE000  }
0x2ce: {  	[tilespmem:s11], [sflag:$0xA] =	stream.linear.gather [hbm4b:s0+s7], $0x2000, $0x38;
	[tilespmem:$0x1E000] =	vst v63  }
0x2cf: {  	s11 =	sor.u32 $0x70, s16  }
0x2d0: {  	s23 =	sand.u32 $0x380, s7;
	v0 =	vld [tilespmem:s11+$0x2000]  }
0x2d1: {  	s9 =	sor.u32 s23, s12;
	v1 =	vld [tilespmem:s11+$0x18000]  }
0x2d2: {  	v2 =	vld [tilespmem:s9+$0x2000]  }
0x2d3: {  	v3 =	vld [tilespmem:s9+$0x18000]  }
0x2d4: {  	v5 =	vld [tilespmem:s9+$0x2010]  }
0x2d5: {  	v6 =	vld [tilespmem:s9+$0x18010]  }
0x2d6: {  	v7 =	vld [tilespmem:s9+$0x2020]  }
0x2d7: {  	v63 =	vld [tilespmem:s9+$0x18020]  }
0x2d8: {  	v4 =	vld [tilespmem:s9+$0x18030];
	v1 =	vadd.f32 v1, v0  }
0x2d9: {  	v0 =	vld [tilespmem:s9+$0x2030];
	v2 =	vadd.f32 v3, v2  }
0x2da: {  	v3 =	vadd.f32 v6, v5;
	[tilespmem:s11+$0x2000] =	vst v1;
	v1 =	vld [tilespmem:s9+$0x2040]  }
0x2db: {  	[tilespmem:s9+$0x2000] =	vst v2;
	v2 =	vld [tilespmem:s9+$0x18040]  }
0x2dc: {  	s0 =	simm.s32 $0x400;
	v5 =	vadd.f32 v63, v7;
	s11 =	simm.s32 $0x0;
	[tilespmem:s9+$0x2010] =	vst v3;
	v3 =	vld [tilespmem:s9+$0x2050]  }
.LBB2_29:
0x2dd: {  	s23 =	sand.u32 $0x1C00, s0;
	v6 =	vld [tilespmem:s9+$0x18050];
	s7 =	sadd.s32 $0x10, s7  }
0x2de: {  	s11 =	sadd.s32 $0x80, s11;
	s12 =	sand.u32 $0x380, s7;
	s16 =	sor.u32 s23, s7;
	[tilespmem:s9+$0x2020] =	vst v5;
	v0 =	vadd.f32 v4, v0;
	v4 =	vld [tilespmem:s9+$0x2060]  }
0x2df: {  	p0 =	slt.u32 s11, $0x1F80;
	s12 =	sor.u32 s12, s23;
	s16 =	sor.u32 $0x70, s16;
	v5 =	vld [tilespmem:s9+$0x18060]  }
0x2e0: {  	v7 =	vld [tilespmem:s16+$0x2000];
	[tilespmem:s9+$0x2030] =	vst v0;
	v0 =	vadd.f32 v2, v1  }
0x2e1: {  	v1 =	vld [tilespmem:s16+$0x18000]  }
0x2e2: {  	v2 =	vld [tilespmem:s12+$0x2000];
	[tilespmem:s9+$0x2040] =	vst v0;
	v0 =	vadd.f32 v6, v3  }
0x2e3: {  	v3 =	vld [tilespmem:s12+$0x18000]  }
0x2e4: {  	v6 =	vld [tilespmem:s12+$0x2010];
	[tilespmem:s9+$0x2050] =	vst v0;
	v0 =	vadd.f32 v5, v4  }
0x2e5: {  	v5 =	vld [tilespmem:s12+$0x18010]  }
0x2e6: {  	v8 =	vld [tilespmem:s12+$0x2020];
	v1 =	vadd.f32 v1, v7;
	[tilespmem:s9+$0x2060] =	vst v0;
	s9 =	smov.u32 s12  }
0x2e7: {  	v7 =	vld [tilespmem:s9+$0x18020]  }
.Ltmp13:
0x2e8: {  	v2 =	vadd.f32 v3, v2;
	v0 =	vld [tilespmem:s9+$0x2030];
	[tilespmem:s16+$0x2000] =	vst v1;
	(pc) =	sbr.rel @p0 .LBB2_29-.Ltmp13, $4  }
0x2e9: {  	v4 =	vld [tilespmem:s9+$0x18030]  }
0x2ea: {  	[tilespmem:s9+$0x2000] =	vst v2;
	v3 =	vadd.f32 v5, v6;
	v1 =	vld [tilespmem:s9+$0x2040]  }
0x2eb: {  	v2 =	vld [tilespmem:s9+$0x18040]  }
0x2ec: {  	s0 =	sadd.s32 $0x400, s0;
	[tilespmem:s9+$0x2010] =	vst v3;
	v5 =	vadd.f32 v7, v8;
	v3 =	vld [tilespmem:s9+$0x2050]  }
0x2ed: {  	v6 =	vld [tilespmem:s9+$0x18050]  }
0x2ee: {  	v7 =	vld [tilespmem:s9+$0x2060]  }
0x2ef: {  	v8 =	vld [tilespmem:s9+$0x18060];
	_ =	sdelay $0x1  }
0x2f0: {  	v0 =	vadd.f32 v4, v0  }
0x2f1: {  	[tilespmem:s9+$0x2020] =	vst v5;
	v1 =	vadd.f32 v2, v1  }
0x2f2: {  	s0 =	sshll.u32 s31, $0xA;
	[tilespmem:s9+$0x2030] =	vst v0;
	v0 =	vadd.f32 v6, v3  }
0x2f3: {  	s0 =	sshrl.u32 s0, $0x3;
	[tilespmem:s9+$0x2040] =	vst v1;
	v1 =	vadd.f32 v8, v7  }
0x2f4: {  	s7 =	simm.s32 $0x0;
	s31 =	sadd.s32 s4, s0;
	[tilespmem:s9+$0x2050] =	vst v0  }
0x2f5: {  	s23 =	simm.s32 $0x2000;
	s12 =	simm.s32 $0x3;
	s0 =	sadd.s32 $0x100000, s31;
	[tilespmem:s9+$0x2060] =	vst v1  }
0x2f6: {  	[hbm4b:s0+s7] =	stream.linear.scatter [tilespmem:s23], [sflag:$0xE], $0x2000, $0x38;
	[tilespmem:$0x1E000] =	vst v63  }
0x2f7: {  	_ =	swait.ge [sflag:s12], $0x2000  }
0x2f8: {  	[sflag:s12] =	ssyncset.done $0x0  }
0x2f9: {  	s16 =	simm.s32 $0x17;
	[sflag:s12] =	ssyncadd.s32 $0xFFFFE000  }
0x2fa: {  	_ =	swait.ge [sflag:s16], $0x2000  }
0x2fb: {  	s11 =	simm.s32 $0x14000;
	s12 =	sand.u32 $0x1C00, s7;
	[sflag:s16] =	ssyncset.done $0x0  }
0x2fc: {  	s9 =	sadd.s32 s20, s22;
	[sflag:s16] =	ssyncadd.s32 $0xFFFFE000;
	s16 =	sor.u32 s12, s7  }
0x2fd: {  	[tilespmem:s11], [sflag:$0xB] =	stream.linear.gather [hbm4b:s9+s7], $0x2000, $0x38;
	[tilespmem:$0x1E000] =	vst v63  }
0x2fe: {  	s11 =	sor.u32 $0x70, s16  }
0x2ff: {  	s20 =	sand.u32 $0x380, s7;
	v0 =	vld [tilespmem:s11+$0x4000]  }
0x300: {  	s9 =	sor.u32 s20, s12;
	v1 =	vld [tilespmem:s11+$0x18000]  }
0x301: {  	v2 =	vld [tilespmem:s9+$0x4000]  }
0x302: {  	v3 =	vld [tilespmem:s9+$0x18000]  }
0x303: {  	v5 =	vld [tilespmem:s9+$0x4010]  }
0x304: {  	v6 =	vld [tilespmem:s9+$0x18010]  }
0x305: {  	v7 =	vld [tilespmem:s9+$0x4020]  }
0x306: {  	v63 =	vld [tilespmem:s9+$0x18020]  }
0x307: {  	v4 =	vld [tilespmem:s9+$0x18030];
	v1 =	vadd.f32 v1, v0  }
0x308: {  	v0 =	vld [tilespmem:s9+$0x4030];
	v2 =	vadd.f32 v3, v2  }
0x309: {  	v3 =	vadd.f32 v6, v5;
	[tilespmem:s11+$0x4000] =	vst v1;
	v1 =	vld [tilespmem:s9+$0x4040]  }
0x30a: {  	[tilespmem:s9+$0x4000] =	vst v2;
	v2 =	vld [tilespmem:s9+$0x18040]  }
0x30b: {  	s0 =	simm.s32 $0x400;
	v5 =	vadd.f32 v63, v7;
	s11 =	simm.s32 $0x0;
	[tilespmem:s9+$0x4010] =	vst v3;
	v3 =	vld [tilespmem:s9+$0x4050]  }
.LBB2_31:
0x30c: {  	s12 =	sand.u32 $0x1C00, s0;
	v6 =	vld [tilespmem:s9+$0x18050];
	s7 =	sadd.s32 $0x10, s7  }
0x30d: {  	s11 =	sadd.s32 $0x80, s11;
	s16 =	sand.u32 $0x380, s7;
	s20 =	sor.u32 s12, s7;
	[tilespmem:s9+$0x4020] =	vst v5;
	v0 =	vadd.f32 v4, v0;
	v4 =	vld [tilespmem:s9+$0x4060]  }
0x30e: {  	p0 =	slt.u32 s11, $0x1F80;
	s12 =	sor.u32 s16, s12;
	s16 =	sor.u32 $0x70, s20;
	v5 =	vld [tilespmem:s9+$0x18060]  }
0x30f: {  	v7 =	vld [tilespmem:s16+$0x4000];
	[tilespmem:s9+$0x4030] =	vst v0;
	v0 =	vadd.f32 v2, v1  }
0x310: {  	v1 =	vld [tilespmem:s16+$0x18000]  }
0x311: {  	v2 =	vld [tilespmem:s12+$0x4000];
	[tilespmem:s9+$0x4040] =	vst v0;
	v0 =	vadd.f32 v6, v3  }
0x312: {  	v3 =	vld [tilespmem:s12+$0x18000]  }
0x313: {  	v6 =	vld [tilespmem:s12+$0x4010];
	[tilespmem:s9+$0x4050] =	vst v0;
	v0 =	vadd.f32 v5, v4  }
0x314: {  	v5 =	vld [tilespmem:s12+$0x18010]  }
0x315: {  	v8 =	vld [tilespmem:s12+$0x4020];
	v1 =	vadd.f32 v1, v7;
	[tilespmem:s9+$0x4060] =	vst v0;
	s9 =	smov.u32 s12  }
0x316: {  	v7 =	vld [tilespmem:s9+$0x18020]  }
.Ltmp14:
0x317: {  	v2 =	vadd.f32 v3, v2;
	v0 =	vld [tilespmem:s9+$0x4030];
	[tilespmem:s16+$0x4000] =	vst v1;
	(pc) =	sbr.rel @p0 .LBB2_31-.Ltmp14, $4  }
0x318: {  	v4 =	vld [tilespmem:s9+$0x18030]  }
0x319: {  	[tilespmem:s9+$0x4000] =	vst v2;
	v3 =	vadd.f32 v5, v6;
	v1 =	vld [tilespmem:s9+$0x4040]  }
0x31a: {  	v2 =	vld [tilespmem:s9+$0x18040]  }
0x31b: {  	s0 =	sadd.s32 $0x400, s0;
	[tilespmem:s9+$0x4010] =	vst v3;
	v5 =	vadd.f32 v7, v8;
	v3 =	vld [tilespmem:s9+$0x4050]  }
0x31c: {  	v6 =	vld [tilespmem:s9+$0x18050]  }
0x31d: {  	v7 =	vld [tilespmem:s9+$0x4060]  }
0x31e: {  	v8 =	vld [tilespmem:s9+$0x18060];
	_ =	sdelay $0x1  }
0x31f: {  	v0 =	vadd.f32 v4, v0  }
0x320: {  	[tilespmem:s9+$0x4020] =	vst v5;
	v1 =	vadd.f32 v2, v1  }
0x321: {  	[tilespmem:s9+$0x4030] =	vst v0;
	v0 =	vadd.f32 v6, v3  }
0x322: {  	[tilespmem:s9+$0x4040] =	vst v1;
	v1 =	vadd.f32 v8, v7  }
0x323: {  	s0 =	sadd.s32 s3, s21;
	[tilespmem:s9+$0x4050] =	vst v0  }
0x324: {  	s3 =	simm.s32 $0x0;
	s7 =	simm.s32 $0x4000;
	s20 =	simm.s32 $0x4;
	[tilespmem:s9+$0x4060] =	vst v1  }
0x325: {  	[hbm4b:s0+s3] =	stream.linear.scatter [tilespmem:s7], [sflag:$0xF], $0x2000, $0x38;
	[tilespmem:$0x1E000] =	vst v63  }
0x326: {  	_ =	swait.ge [sflag:s20], $0x2000  }
0x327: {  	[sflag:s20] =	ssyncset.done $0x0  }
0x328: {  	s7 =	simm.s32 $0x18;
	[sflag:s20] =	ssyncadd.s32 $0xFFFFE000  }
0x329: {  	s12 =	sand.u32 $0x1C00, s3;
	_ =	swait.ge [sflag:s7], $0x2000  }
0x32a: {  	s11 =	simm.s32 $0x16000;
	s16 =	sor.u32 s12, s3;
	[sflag:s7] =	ssyncset.done $0x0  }
0x32b: {  	s9 =	sadd.s32 $0x300000, s24;
	s20 =	sor.u32 $0x70, s16;
	[sflag:s7] =	ssyncadd.s32 $0xFFFFE000  }
0x32c: {  	[tilespmem:s11], [sflag:$0xC] =	stream.linear.gather [hbm4b:s9+s3], $0x2000, $0x38;
	[tilespmem:$0x1E000] =	vst v63  }
0x32d: {  	s24 =	sand.u32 $0x380, s3;
	v0 =	vld [tilespmem:s20+$0x6000]  }
0x32e: {  	s7 =	sor.u32 s24, s12;
	v1 =	vld [tilespmem:s20+$0x18000]  }
0x32f: {  	v2 =	vld [tilespmem:s7+$0x6000]  }
0x330: {  	v3 =	vld [tilespmem:s7+$0x18000]  }
0x331: {  	v5 =	vld [tilespmem:s7+$0x6010]  }
0x332: {  	v6 =	vld [tilespmem:s7+$0x18010]  }
0x333: {  	v7 =	vld [tilespmem:s7+$0x6020]  }
0x334: {  	v63 =	vld [tilespmem:s7+$0x18020]  }
0x335: {  	v4 =	vld [tilespmem:s7+$0x18030];
	v1 =	vadd.f32 v1, v0  }
0x336: {  	v0 =	vld [tilespmem:s7+$0x6030];
	v2 =	vadd.f32 v3, v2  }
0x337: {  	v3 =	vadd.f32 v6, v5;
	[tilespmem:s20+$0x6000] =	vst v1;
	v1 =	vld [tilespmem:s7+$0x6040]  }
0x338: {  	[tilespmem:s7+$0x6000] =	vst v2;
	v2 =	vld [tilespmem:s7+$0x18040]  }
0x339: {  	s0 =	simm.s32 $0x400;
	s9 =	simm.s32 $0x0;
	v5 =	vadd.f32 v63, v7;
	[tilespmem:s7+$0x6010] =	vst v3;
	v3 =	vld [tilespmem:s7+$0x6050]  }
.LBB2_33:
0x33a: {  	s11 =	sand.u32 $0x1C00, s0;
	v6 =	vld [tilespmem:s7+$0x18050];
	s3 =	sadd.s32 $0x10, s3  }
0x33b: {  	s9 =	sadd.s32 $0x80, s9;
	s12 =	sand.u32 $0x380, s3;
	s16 =	sor.u32 s11, s3;
	[tilespmem:s7+$0x6020] =	vst v5;
	v0 =	vadd.f32 v4, v0;
	v4 =	vld [tilespmem:s7+$0x6060]  }
0x33c: {  	p0 =	slt.u32 s9, $0x1F80;
	s11 =	sor.u32 s12, s11;
	s12 =	sor.u32 $0x70, s16;
	v5 =	vld [tilespmem:s7+$0x18060]  }
0x33d: {  	v7 =	vld [tilespmem:s12+$0x6000];
	[tilespmem:s7+$0x6030] =	vst v0;
	v0 =	vadd.f32 v2, v1  }
0x33e: {  	v1 =	vld [tilespmem:s12+$0x18000]  }
0x33f: {  	v2 =	vld [tilespmem:s11+$0x6000];
	[tilespmem:s7+$0x6040] =	vst v0;
	v0 =	vadd.f32 v6, v3  }
0x340: {  	v3 =	vld [tilespmem:s11+$0x18000]  }
0x341: {  	v6 =	vld [tilespmem:s11+$0x6010];
	[tilespmem:s7+$0x6050] =	vst v0;
	v0 =	vadd.f32 v5, v4  }
0x342: {  	v5 =	vld [tilespmem:s11+$0x18010]  }
0x343: {  	v8 =	vld [tilespmem:s11+$0x6020];
	v1 =	vadd.f32 v1, v7;
	[tilespmem:s7+$0x6060] =	vst v0;
	s7 =	smov.u32 s11  }
0x344: {  	v7 =	vld [tilespmem:s7+$0x18020]  }
.Ltmp15:
0x345: {  	v2 =	vadd.f32 v3, v2;
	v0 =	vld [tilespmem:s7+$0x6030];
	[tilespmem:s12+$0x6000] =	vst v1;
	(pc) =	sbr.rel @p0 .LBB2_33-.Ltmp15, $4  }
0x346: {  	v4 =	vld [tilespmem:s7+$0x18030]  }
0x347: {  	[tilespmem:s7+$0x6000] =	vst v2;
	v3 =	vadd.f32 v5, v6;
	v1 =	vld [tilespmem:s7+$0x6040]  }
0x348: {  	v2 =	vld [tilespmem:s7+$0x18040]  }
0x349: {  	s0 =	sadd.s32 $0x400, s0;
	[tilespmem:s7+$0x6010] =	vst v3;
	v5 =	vadd.f32 v7, v8;
	v3 =	vld [tilespmem:s7+$0x6050]  }
0x34a: {  	v6 =	vld [tilespmem:s7+$0x18050]  }
0x34b: {  	v7 =	vld [tilespmem:s7+$0x6060]  }
0x34c: {  	v8 =	vld [tilespmem:s7+$0x18060];
	_ =	sdelay $0x1  }
0x34d: {  	v0 =	vadd.f32 v4, v0  }
0x34e: {  	[tilespmem:s7+$0x6020] =	vst v5;
	v1 =	vadd.f32 v2, v1  }
0x34f: {  	[tilespmem:s7+$0x6030] =	vst v0;
	v0 =	vadd.f32 v6, v3  }
0x350: {  	[tilespmem:s7+$0x6040] =	vst v1;
	v1 =	vadd.f32 v8, v7  }
0x351: {  	[tilespmem:s7+$0x6050] =	vst v0  }
0x352: {  	s0 =	sadd.s32 $0x300000, s31;
	s20 =	simm.s32 $0x0;
	s24 =	simm.s32 $0x6000;
	[tilespmem:s7+$0x6060] =	vst v1  }
0x353: {  	[hbm4b:s0+s20] =	stream.linear.scatter [tilespmem:s24], [sflag:$0x10], $0x2000, $0x38;
	[tilespmem:$0x1E000] =	vst v63  }
0x354: {  	s11 =	rddreg [dreg:$0x1b]  }
0x355: {  	s3 =	sadd.s32 s19, s11  }
0x356: {  	s12 =	rddreg [dreg:$0x1];
	s19 =	sshll.u32 s3, $0x7  }
0x357: {  	s16 =	simm.s32 $0x18000;
	s31 =	simm.s32 $0x1A;
	s0 =	sadd.s32 s12, s19  }
0x358: {  	[tilespmem:s16], [sflag:$0x19] =	stream.linear.gather [hbm4b:s0+s20], $0x2000, $0x38;
	[tilespmem:$0x1E000] =	vst v63  }
0x359: {  	_ =	swait.ge [sflag:s31], $0x2000  }
0x35a: {  	[sflag:s31] =	ssyncset.done $0x0  }
0x35b: {  	s7 =	simm.s32 $0x5;
	[sflag:s31] =	ssyncadd.s32 $0xFFFFE000  }
0x35c: {  	_ =	swait.ge [sflag:s7], $0x2000  }
0x35d: {  	[sflag:s7] =	ssyncset.done $0x0  }
0x35e: {  	s9 =	simm.s32 $0xD;
	[sflag:s7] =	ssyncadd.s32 $0xFFFFE000  }
0x35f: {  	s12 =	sand.u32 $0x1C00, s20;
	_ =	swait.ge [sflag:s9], $0x2000  }
0x360: {  	s16 =	sor.u32 s12, s20;
	[sflag:s9] =	ssyncset.done $0x0  }
0x361: {  	s11 =	sadd.s32 s1, s19;
	[sflag:s9] =	ssyncadd.s32 $0xFFFFE000;
	s9 =	sor.u32 $0x70, s16  }
0x362: {  	[tilespmem:s20], [sflag:$0x1] =	stream.linear.gather [hbm4b:s11+s20], $0x2000, $0x38;
	[tilespmem:$0x1E000] =	vst v63  }
0x363: {  	s31 =	sand.u32 $0x380, s20;
	v0 =	vld [tilespmem:s9+$0x8000]  }
0x364: {  	s7 =	sor.u32 s31, s12;
	v1 =	vld [tilespmem:s9+$0x1A000]  }
0x365: {  	v2 =	vld [tilespmem:s7+$0x8000]  }
0x366: {  	v3 =	vld [tilespmem:s7+$0x1A000]  }
0x367: {  	v5 =	vld [tilespmem:s7+$0x8010]  }
0x368: {  	v6 =	vld [tilespmem:s7+$0x1A010]  }
0x369: {  	v7 =	vld [tilespmem:s7+$0x8020]  }
0x36a: {  	v63 =	vld [tilespmem:s7+$0x1A020]  }
0x36b: {  	v4 =	vld [tilespmem:s7+$0x1A030];
	v1 =	vadd.f32 v1, v0  }
0x36c: {  	v0 =	vld [tilespmem:s7+$0x8030];
	v2 =	vadd.f32 v3, v2  }
0x36d: {  	v3 =	vadd.f32 v6, v5;
	[tilespmem:s9+$0x8000] =	vst v1;
	v1 =	vld [tilespmem:s7+$0x8040]  }
0x36e: {  	[tilespmem:s7+$0x8000] =	vst v2;
	v2 =	vld [tilespmem:s7+$0x1A040]  }
0x36f: {  	s0 =	simm.s32 $0x400;
	v5 =	vadd.f32 v63, v7;
	s9 =	simm.s32 $0x0;
	[tilespmem:s7+$0x8010] =	vst v3;
	v3 =	vld [tilespmem:s7+$0x8050]  }
.LBB2_35:
0x370: {  	s11 =	sand.u32 $0x1C00, s0;
	v6 =	vld [tilespmem:s7+$0x1A050];
	s20 =	sadd.s32 $0x10, s20  }
0x371: {  	s9 =	sadd.s32 $0x80, s9;
	s12 =	sand.u32 $0x380, s20;
	s16 =	sor.u32 s11, s20;
	[tilespmem:s7+$0x8020] =	vst v5;
	v0 =	vadd.f32 v4, v0;
	v4 =	vld [tilespmem:s7+$0x8060]  }
0x372: {  	p0 =	slt.u32 s9, $0x1F80;
	s11 =	sor.u32 s12, s11;
	s12 =	sor.u32 $0x70, s16;
	v5 =	vld [tilespmem:s7+$0x1A060]  }
0x373: {  	v7 =	vld [tilespmem:s12+$0x8000];
	[tilespmem:s7+$0x8030] =	vst v0;
	v0 =	vadd.f32 v2, v1  }
0x374: {  	v1 =	vld [tilespmem:s12+$0x1A000]  }
0x375: {  	v2 =	vld [tilespmem:s11+$0x8000];
	[tilespmem:s7+$0x8040] =	vst v0;
	v0 =	vadd.f32 v6, v3  }
0x376: {  	v3 =	vld [tilespmem:s11+$0x1A000]  }
0x377: {  	v6 =	vld [tilespmem:s11+$0x8010];
	[tilespmem:s7+$0x8050] =	vst v0;
	v0 =	vadd.f32 v5, v4  }
0x378: {  	v5 =	vld [tilespmem:s11+$0x1A010]  }
0x379: {  	v8 =	vld [tilespmem:s11+$0x8020];
	v1 =	vadd.f32 v1, v7;
	[tilespmem:s7+$0x8060] =	vst v0;
	s7 =	smov.u32 s11  }
0x37a: {  	v7 =	vld [tilespmem:s7+$0x1A020]  }
.Ltmp16:
0x37b: {  	v2 =	vadd.f32 v3, v2;
	v0 =	vld [tilespmem:s7+$0x8030];
	[tilespmem:s12+$0x8000] =	vst v1;
	(pc) =	sbr.rel @p0 .LBB2_35-.Ltmp16, $4  }
0x37c: {  	v4 =	vld [tilespmem:s7+$0x1A030]  }
0x37d: {  	[tilespmem:s7+$0x8000] =	vst v2;
	v3 =	vadd.f32 v5, v6;
	v1 =	vld [tilespmem:s7+$0x8040]  }
0x37e: {  	v2 =	vld [tilespmem:s7+$0x1A040]  }
0x37f: {  	s0 =	sadd.s32 $0x400, s0;
	[tilespmem:s7+$0x8010] =	vst v3;
	v5 =	vadd.f32 v7, v8;
	v3 =	vld [tilespmem:s7+$0x8050]  }
0x380: {  	v6 =	vld [tilespmem:s7+$0x1A050]  }
0x381: {  	v7 =	vld [tilespmem:s7+$0x8060]  }
0x382: {  	v8 =	vld [tilespmem:s7+$0x1A060];
	_ =	sdelay $0x1  }
0x383: {  	v0 =	vadd.f32 v4, v0  }
0x384: {  	[tilespmem:s7+$0x8020] =	vst v5;
	v1 =	vadd.f32 v2, v1  }
0x385: {  	[tilespmem:s7+$0x8030] =	vst v0;
	v0 =	vadd.f32 v6, v3  }
0x386: {  	[tilespmem:s7+$0x8040] =	vst v1;
	v1 =	vadd.f32 v8, v7  }
0x387: {  	s0 =	sadd.s32 s4, s10;
	[tilespmem:s7+$0x8050] =	vst v0  }
0x388: {  	s20 =	simm.s32 $0x8000;
	s9 =	simm.s32 $0x6;
	[tilespmem:s7+$0x8060] =	vst v1;
	s7 =	simm.s32 $0x0  }
0x389: {  	[hbm4b:s0+s7] =	stream.linear.scatter [tilespmem:s20], [sflag:$0x11], $0x2000, $0x38;
	[tilespmem:$0x1E000] =	vst v63  }
0x38a: {  	_ =	swait.ge [sflag:s9], $0x2000  }
0x38b: {  	[sflag:s9] =	ssyncset.done $0x0  }
0x38c: {  	s10 =	sshll.u32 s3, $0xA;
	[sflag:s9] =	ssyncadd.s32 $0xFFFFE000  }
0x38d: {  	s0 =	sshrl.u32 s10, $0x3;
	s11 =	sand.u32 $0x1C00, s7;
	_ =	swait.ge [sflag:s5], $0x2000  }
0x38e: {  	s3 =	sadd.s32 s1, s0;
	s12 =	sor.u32 s11, s7;
	[sflag:s5] =	ssyncset.done $0x0  }
0x38f: {  	s0 =	sadd.s32 $0x100000, s3;
	s16 =	sor.u32 $0x70, s12;
	[sflag:s5] =	ssyncadd.s32 $0xFFFFE000  }
0x390: {  	[tilespmem:s23], [sflag:$0x2] =	stream.linear.gather [hbm4b:s0+s7], $0x2000, $0x38;
	[tilespmem:$0x1E000] =	vst v63  }
0x391: {  	s31 =	sand.u32 $0x380, s7;
	v0 =	vld [tilespmem:s16+$0xA000]  }
0x392: {  	s9 =	sor.u32 s31, s11;
	v1 =	vld [tilespmem:s16+$0x1A000]  }
0x393: {  	v2 =	vld [tilespmem:s9+$0xA000]  }
0x394: {  	v3 =	vld [tilespmem:s9+$0x1A000]  }
0x395: {  	v5 =	vld [tilespmem:s9+$0xA010]  }
0x396: {  	v6 =	vld [tilespmem:s9+$0x1A010]  }
0x397: {  	v7 =	vld [tilespmem:s9+$0xA020]  }
0x398: {  	v63 =	vld [tilespmem:s9+$0x1A020]  }
0x399: {  	v4 =	vld [tilespmem:s9+$0x1A030];
	v1 =	vadd.f32 v1, v0  }
0x39a: {  	v0 =	vld [tilespmem:s9+$0xA030];
	v2 =	vadd.f32 v3, v2  }
0x39b: {  	v3 =	vadd.f32 v6, v5;
	[tilespmem:s16+$0xA000] =	vst v1;
	v1 =	vld [tilespmem:s9+$0xA040]  }
0x39c: {  	[tilespmem:s9+$0xA000] =	vst v2;
	v2 =	vld [tilespmem:s9+$0x1A040]  }
0x39d: {  	s10 =	simm.s32 $0x0;
	s0 =	simm.s32 $0x400;
	v5 =	vadd.f32 v63, v7;
	[tilespmem:s9+$0xA010] =	vst v3;
	v3 =	vld [tilespmem:s9+$0xA050]  }
.LBB2_37:
0x39e: {  	s11 =	sand.u32 $0x1C00, s0;
	v6 =	vld [tilespmem:s9+$0x1A050];
	s7 =	sadd.s32 $0x10, s7  }
0x39f: {  	s10 =	sadd.s32 $0x80, s10;
	s12 =	sand.u32 $0x380, s7;
	s16 =	sor.u32 s11, s7;
	[tilespmem:s9+$0xA020] =	vst v5;
	v0 =	vadd.f32 v4, v0;
	v4 =	vld [tilespmem:s9+$0xA060]  }
0x3a0: {  	p0 =	slt.u32 s10, $0x1F80;
	s11 =	sor.u32 s12, s11;
	s12 =	sor.u32 $0x70, s16;
	v5 =	vld [tilespmem:s9+$0x1A060]  }
0x3a1: {  	v7 =	vld [tilespmem:s12+$0xA000];
	[tilespmem:s9+$0xA030] =	vst v0;
	v0 =	vadd.f32 v2, v1  }
0x3a2: {  	v1 =	vld [tilespmem:s12+$0x1A000]  }
0x3a3: {  	v2 =	vld [tilespmem:s11+$0xA000];
	[tilespmem:s9+$0xA040] =	vst v0;
	v0 =	vadd.f32 v6, v3  }
0x3a4: {  	v3 =	vld [tilespmem:s11+$0x1A000]  }
0x3a5: {  	v6 =	vld [tilespmem:s11+$0xA010];
	[tilespmem:s9+$0xA050] =	vst v0;
	v0 =	vadd.f32 v5, v4  }
0x3a6: {  	v5 =	vld [tilespmem:s11+$0x1A010]  }
0x3a7: {  	v8 =	vld [tilespmem:s11+$0xA020];
	v1 =	vadd.f32 v1, v7;
	[tilespmem:s9+$0xA060] =	vst v0;
	s9 =	smov.u32 s11  }
0x3a8: {  	v7 =	vld [tilespmem:s9+$0x1A020]  }
.Ltmp17:
0x3a9: {  	v2 =	vadd.f32 v3, v2;
	v0 =	vld [tilespmem:s9+$0xA030];
	[tilespmem:s12+$0xA000] =	vst v1;
	(pc) =	sbr.rel @p0 .LBB2_37-.Ltmp17, $4  }
0x3aa: {  	v4 =	vld [tilespmem:s9+$0x1A030]  }
0x3ab: {  	[tilespmem:s9+$0xA000] =	vst v2;
	v3 =	vadd.f32 v5, v6;
	v1 =	vld [tilespmem:s9+$0xA040]  }
0x3ac: {  	v2 =	vld [tilespmem:s9+$0x1A040]  }
0x3ad: {  	s0 =	sadd.s32 $0x400, s0;
	[tilespmem:s9+$0xA010] =	vst v3;
	v5 =	vadd.f32 v7, v8;
	v3 =	vld [tilespmem:s9+$0xA050]  }
0x3ae: {  	v6 =	vld [tilespmem:s9+$0x1A050]  }
0x3af: {  	v7 =	vld [tilespmem:s9+$0xA060]  }
0x3b0: {  	v8 =	vld [tilespmem:s9+$0x1A060];
	_ =	sdelay $0x1  }
0x3b1: {  	v0 =	vadd.f32 v4, v0  }
0x3b2: {  	[tilespmem:s9+$0xA020] =	vst v5;
	v1 =	vadd.f32 v2, v1  }
0x3b3: {  	[tilespmem:s9+$0xA030] =	vst v0;
	v0 =	vadd.f32 v6, v3  }
0x3b4: {  	[tilespmem:s9+$0xA040] =	vst v1;
	v1 =	vadd.f32 v8, v7  }
0x3b5: {  	[tilespmem:s9+$0xA050] =	vst v0  }
0x3b6: {  	s0 =	sadd.s32 s4, s13;
	s7 =	simm.s32 $0x0;
	s16 =	simm.s32 $0xA000;
	[tilespmem:s9+$0xA060] =	vst v1  }
0x3b7: {  	[hbm4b:s0+s7] =	stream.linear.scatter [tilespmem:s16], [sflag:$0x12], $0x2000, $0x38;
	[tilespmem:$0x1E000] =	vst v63  }
0x3b8: {  	_ =	swait.ge [sflag:s25], $0x2000  }
0x3b9: {  	[sflag:s25] =	ssyncset.done $0x0  }
0x3ba: {  	[sflag:s25] =	ssyncadd.s32 $0xFFFFE000  }
0x3bb: {  	s13 =	sand.u32 $0x1C00, s7;
	_ =	swait.ge [sflag:s26], $0x2000  }
0x3bc: {  	s11 =	sadd.s32 s19, s22;
	s19 =	sor.u32 s13, s7;
	[sflag:s26] =	ssyncset.done $0x0  }
0x3bd: {  	s12 =	simm.s32 $0x4000;
	s10 =	sor.u32 $0x70, s19;
	[sflag:s26] =	ssyncadd.s32 $0xFFFFE000  }
0x3be: {  	[tilespmem:s12], [sflag:$0x3] =	stream.linear.gather [hbm4b:s11+s7], $0x2000, $0x38;
	[tilespmem:$0x1E000] =	vst v63  }
0x3bf: {  	s31 =	sand.u32 $0x380, s7;
	v0 =	vld [tilespmem:s10+$0xC000]  }
0x3c0: {  	s9 =	sor.u32 s31, s13;
	v1 =	vld [tilespmem:s10+$0x1A000]  }
0x3c1: {  	v2 =	vld [tilespmem:s9+$0xC000]  }
0x3c2: {  	v3 =	vld [tilespmem:s9+$0x1A000]  }
0x3c3: {  	v5 =	vld [tilespmem:s9+$0xC010]  }
0x3c4: {  	v6 =	vld [tilespmem:s9+$0x1A010]  }
0x3c5: {  	v7 =	vld [tilespmem:s9+$0xC020]  }
0x3c6: {  	v63 =	vld [tilespmem:s9+$0x1A020]  }
0x3c7: {  	v4 =	vld [tilespmem:s9+$0x1A030];
	v1 =	vadd.f32 v1, v0  }
0x3c8: {  	v0 =	vld [tilespmem:s9+$0xC030];
	v2 =	vadd.f32 v3, v2  }
0x3c9: {  	v3 =	vadd.f32 v6, v5;
	[tilespmem:s10+$0xC000] =	vst v1;
	v1 =	vld [tilespmem:s9+$0xC040]  }
0x3ca: {  	[tilespmem:s9+$0xC000] =	vst v2;
	v2 =	vld [tilespmem:s9+$0x1A040]  }
0x3cb: {  	s0 =	simm.s32 $0x400;
	v5 =	vadd.f32 v63, v7;
	s10 =	simm.s32 $0x0;
	[tilespmem:s9+$0xC010] =	vst v3;
	v3 =	vld [tilespmem:s9+$0xC050]  }
.LBB2_39:
0x3cc: {  	s11 =	sand.u32 $0x1C00, s0;
	v6 =	vld [tilespmem:s9+$0x1A050];
	s7 =	sadd.s32 $0x10, s7  }
0x3cd: {  	s10 =	sadd.s32 $0x80, s10;
	s12 =	sand.u32 $0x380, s7;
	s13 =	sor.u32 s11, s7;
	[tilespmem:s9+$0xC020] =	vst v5;
	v0 =	vadd.f32 v4, v0;
	v4 =	vld [tilespmem:s9+$0xC060]  }
0x3ce: {  	p0 =	slt.u32 s10, $0x1F80;
	s11 =	sor.u32 s12, s11;
	s12 =	sor.u32 $0x70, s13;
	v5 =	vld [tilespmem:s9+$0x1A060]  }
0x3cf: {  	v7 =	vld [tilespmem:s12+$0xC000];
	[tilespmem:s9+$0xC030] =	vst v0;
	v0 =	vadd.f32 v2, v1  }
0x3d0: {  	v1 =	vld [tilespmem:s12+$0x1A000]  }
0x3d1: {  	v2 =	vld [tilespmem:s11+$0xC000];
	[tilespmem:s9+$0xC040] =	vst v0;
	v0 =	vadd.f32 v6, v3  }
0x3d2: {  	v3 =	vld [tilespmem:s11+$0x1A000]  }
0x3d3: {  	v6 =	vld [tilespmem:s11+$0xC010];
	[tilespmem:s9+$0xC050] =	vst v0;
	v0 =	vadd.f32 v5, v4  }
0x3d4: {  	v5 =	vld [tilespmem:s11+$0x1A010]  }
0x3d5: {  	v8 =	vld [tilespmem:s11+$0xC020];
	v1 =	vadd.f32 v1, v7;
	[tilespmem:s9+$0xC060] =	vst v0;
	s9 =	smov.u32 s11  }
0x3d6: {  	v7 =	vld [tilespmem:s9+$0x1A020]  }
.Ltmp18:
0x3d7: {  	v2 =	vadd.f32 v3, v2;
	v0 =	vld [tilespmem:s9+$0xC030];
	[tilespmem:s12+$0xC000] =	vst v1;
	(pc) =	sbr.rel @p0 .LBB2_39-.Ltmp18, $4  }
0x3d8: {  	v4 =	vld [tilespmem:s9+$0x1A030]  }
0x3d9: {  	[tilespmem:s9+$0xC000] =	vst v2;
	v3 =	vadd.f32 v5, v6;
	v1 =	vld [tilespmem:s9+$0xC040]  }
0x3da: {  	v2 =	vld [tilespmem:s9+$0x1A040]  }
0x3db: {  	s0 =	sadd.s32 $0x400, s0;
	[tilespmem:s9+$0xC010] =	vst v3;
	v5 =	vadd.f32 v7, v8;
	v3 =	vld [tilespmem:s9+$0xC050]  }
0x3dc: {  	v6 =	vld [tilespmem:s9+$0x1A050]  }
0x3dd: {  	v7 =	vld [tilespmem:s9+$0xC060]  }
0x3de: {  	v8 =	vld [tilespmem:s9+$0x1A060];
	_ =	sdelay $0x1  }
0x3df: {  	v0 =	vadd.f32 v4, v0  }
0x3e0: {  	[tilespmem:s9+$0xC020] =	vst v5;
	v1 =	vadd.f32 v2, v1  }
0x3e1: {  	[tilespmem:s9+$0xC030] =	vst v0;
	v0 =	vadd.f32 v6, v3  }
0x3e2: {  	[tilespmem:s9+$0xC040] =	vst v1;
	v1 =	vadd.f32 v8, v7  }
0x3e3: {  	[tilespmem:s9+$0xC050] =	vst v0  }
0x3e4: {  	s0 =	sadd.s32 s4, s15;
	s7 =	simm.s32 $0x0;
	s11 =	simm.s32 $0xC000;
	[tilespmem:s9+$0xC060] =	vst v1  }
0x3e5: {  	[hbm4b:s0+s7] =	stream.linear.scatter [tilespmem:s11], [sflag:$0x13], $0x2000, $0x38;
	[tilespmem:$0x1E000] =	vst v63  }
0x3e6: {  	_ =	swait.ge [sflag:s28], $0x2000  }
0x3e7: {  	[sflag:s28] =	ssyncset.done $0x0  }
0x3e8: {  	[sflag:s28] =	ssyncadd.s32 $0xFFFFE000  }
0x3e9: {  	s13 =	sand.u32 $0x1C00, s7;
	_ =	swait.ge [sflag:s29], $0x2000  }
0x3ea: {  	s15 =	sor.u32 s13, s7;
	[sflag:s29] =	ssyncset.done $0x0  }
0x3eb: {  	s12 =	sadd.s32 $0x300000, s3;
	s19 =	sor.u32 $0x70, s15;
	[sflag:s29] =	ssyncadd.s32 $0xFFFFE000  }
0x3ec: {  	[tilespmem:s24], [sflag:$0x4] =	stream.linear.gather [hbm4b:s12+s7], $0x2000, $0x38;
	[tilespmem:$0x1E000] =	vst v63  }
0x3ed: {  	s31 =	sand.u32 $0x380, s7;
	v0 =	vld [tilespmem:s19+$0xE000]  }
0x3ee: {  	s3 =	sor.u32 s31, s13;
	v1 =	vld [tilespmem:s19+$0x1A000]  }
0x3ef: {  	v2 =	vld [tilespmem:s3+$0xE000]  }
0x3f0: {  	v3 =	vld [tilespmem:s3+$0x1A000]  }
0x3f1: {  	v5 =	vld [tilespmem:s3+$0xE010]  }
0x3f2: {  	v6 =	vld [tilespmem:s3+$0x1A010]  }
0x3f3: {  	v7 =	vld [tilespmem:s3+$0xE020]  }
0x3f4: {  	v63 =	vld [tilespmem:s3+$0x1A020]  }
0x3f5: {  	v4 =	vld [tilespmem:s3+$0x1A030];
	v1 =	vadd.f32 v1, v0  }
0x3f6: {  	v0 =	vld [tilespmem:s3+$0xE030];
	v2 =	vadd.f32 v3, v2  }
0x3f7: {  	v3 =	vadd.f32 v6, v5;
	[tilespmem:s19+$0xE000] =	vst v1;
	v1 =	vld [tilespmem:s3+$0xE040]  }
0x3f8: {  	[tilespmem:s3+$0xE000] =	vst v2;
	v2 =	vld [tilespmem:s3+$0x1A040]  }
0x3f9: {  	s9 =	simm.s32 $0x0;
	s0 =	simm.s32 $0x400;
	v5 =	vadd.f32 v63, v7;
	[tilespmem:s3+$0xE010] =	vst v3;
	v3 =	vld [tilespmem:s3+$0xE050]  }
.LBB2_41:
0x3fa: {  	s10 =	sand.u32 $0x1C00, s0;
	v6 =	vld [tilespmem:s3+$0x1A050];
	s7 =	sadd.s32 $0x10, s7  }
0x3fb: {  	s9 =	sadd.s32 $0x80, s9;
	s11 =	sand.u32 $0x380, s7;
	s12 =	sor.u32 s10, s7;
	[tilespmem:s3+$0xE020] =	vst v5;
	v0 =	vadd.f32 v4, v0;
	v4 =	vld [tilespmem:s3+$0xE060]  }
0x3fc: {  	p0 =	slt.u32 s9, $0x1F80;
	s10 =	sor.u32 s11, s10;
	s11 =	sor.u32 $0x70, s12;
	v5 =	vld [tilespmem:s3+$0x1A060]  }
0x3fd: {  	v7 =	vld [tilespmem:s11+$0xE000];
	[tilespmem:s3+$0xE030] =	vst v0;
	v0 =	vadd.f32 v2, v1  }
0x3fe: {  	v1 =	vld [tilespmem:s11+$0x1A000]  }
0x3ff: {  	v2 =	vld [tilespmem:s10+$0xE000];
	[tilespmem:s3+$0xE040] =	vst v0;
	v0 =	vadd.f32 v6, v3  }
0x400: {  	v3 =	vld [tilespmem:s10+$0x1A000]  }
0x401: {  	v6 =	vld [tilespmem:s10+$0xE010];
	[tilespmem:s3+$0xE050] =	vst v0;
	v0 =	vadd.f32 v5, v4  }
0x402: {  	v5 =	vld [tilespmem:s10+$0x1A010]  }
0x403: {  	v8 =	vld [tilespmem:s10+$0xE020];
	v1 =	vadd.f32 v1, v7;
	[tilespmem:s3+$0xE060] =	vst v0;
	s3 =	smov.u32 s10  }
0x404: {  	v7 =	vld [tilespmem:s3+$0x1A020]  }
.Ltmp19:
0x405: {  	v2 =	vadd.f32 v3, v2;
	v0 =	vld [tilespmem:s3+$0xE030];
	[tilespmem:s11+$0xE000] =	vst v1;
	(pc) =	sbr.rel @p0 .LBB2_41-.Ltmp19, $4  }
0x406: {  	v4 =	vld [tilespmem:s3+$0x1A030]  }
0x407: {  	[tilespmem:s3+$0xE000] =	vst v2;
	v3 =	vadd.f32 v5, v6;
	v1 =	vld [tilespmem:s3+$0xE040]  }
0x408: {  	v2 =	vld [tilespmem:s3+$0x1A040]  }
0x409: {  	s0 =	sadd.s32 $0x400, s0;
	[tilespmem:s3+$0xE010] =	vst v3;
	v5 =	vadd.f32 v7, v8;
	v3 =	vld [tilespmem:s3+$0xE050]  }
0x40a: {  	v6 =	vld [tilespmem:s3+$0x1A050]  }
0x40b: {  	v7 =	vld [tilespmem:s3+$0xE060]  }
0x40c: {  	v8 =	vld [tilespmem:s3+$0x1A060];
	_ =	sdelay $0x1  }
0x40d: {  	s6 =	sadd.s32 $0x1, s6;
	v0 =	vadd.f32 v4, v0  }
0x40e: {  	[tilespmem:s3+$0xE020] =	vst v5;
	p0 =	sne.s32 s6, $0x9;
	v1 =	vadd.f32 v2, v1  }
.Ltmp20:
0x40f: {  	[tilespmem:s3+$0xE030] =	vst v0;
	v62 =	vadd.f32 v6, v3;
	(pc) =	sbr.rel @p0 .LBB2_18-.Ltmp20, $4  }
0x410: {  	[tilespmem:s3+$0xE040] =	vst v1;
	v63 =	vadd.f32 v8, v7  }
0x411: {  	[tilespmem:s3+$0xE050] =	vst v62  }
0x412: {  	s0 =	sadd.s32 s4, s18;
	s15 =	simm.s32 $0x0;
	s12 =	simm.s32 $0xE000;
	[tilespmem:s3+$0xE060] =	vst v63  }
0x413: {  	[hbm4b:s0+s15] =	stream.linear.scatter [tilespmem:s12], [sflag:$0x14], $0x2000, $0x38;
	[tilespmem:$0x1E000] =	vst v63  }
0x414: {  	s3 =	simm.s32 $0x0  }
0x415: {  	s0 =	rddreg [dreg:$0x1f];
	s6 =	simm.s32 $0x1A000;
	s10 =	simm.s32 $0x1B  }
0x416: {  	[tilespmem:s6], [sflag:$0x1A] =	stream.linear.gather [hbm4b:s0+s3], $0x2000, $0x38;
	[tilespmem:$0x1E000] =	vst v63  }
0x417: {  	_ =	swait.ge [sflag:s10], $0x2000  }
0x418: {  	[sflag:s10] =	ssyncset.done $0x0  }
0x419: {  	s11 =	simm.s32 $0x9;
	[sflag:s10] =	ssyncadd.s32 $0xFFFFE000  }
0x41a: {  	_ =	swait.ge [sflag:s11], $0x2000  }
0x41b: {  	[sflag:s11] =	ssyncset.done $0x0  }
0x41c: {  	[sflag:s11] =	ssyncadd.s32 $0xFFFFE000  }
0x41d: {  	_ =	swait.ge [sflag:s8], $0x2000  }
0x41e: {  	s18 =	sand.u32 $0x1C00, s3;
	s13 =	sld [smem:$0x7E7]  }
0x41f: {  	s19 =	sor.u32 s18, s3;
	[sflag:s8] =	ssyncset.done $0x0  }
0x420: {  	s7 =	sor.u32 $0x70, s19;
	[sflag:s8] =	ssyncadd.s32 $0xFFFFE000  }
0x421: {  	[tilespmem:s20], [sflag:$0x5] =	stream.linear.gather [hbm4b:s13+s3], $0x2000, $0x38;
	[tilespmem:$0x1E000] =	vst v63  }
0x422: {  	s31 =	sand.u32 $0x380, s3;
	v0 =	vld [tilespmem:s7+$0x10000]  }
0x423: {  	s6 =	sor.u32 s31, s18;
	v1 =	vld [tilespmem:s7+$0x1C000]  }
0x424: {  	v2 =	vld [tilespmem:s6+$0x10000]  }
0x425: {  	v3 =	vld [tilespmem:s6+$0x1C000]  }
0x426: {  	v5 =	vld [tilespmem:s6+$0x10010]  }
0x427: {  	v6 =	vld [tilespmem:s6+$0x1C010]  }
0x428: {  	v7 =	vld [tilespmem:s6+$0x10020]  }
0x429: {  	v8 =	vld [tilespmem:s6+$0x1C020]  }
0x42a: {  	v4 =	vld [tilespmem:s6+$0x1C030];
	v1 =	vadd.f32 v1, v0  }
0x42b: {  	v0 =	vld [tilespmem:s6+$0x10030];
	v2 =	vadd.f32 v3, v2  }
0x42c: {  	v3 =	vadd.f32 v6, v5;
	[tilespmem:s7+$0x10000] =	vst v1;
	v1 =	vld [tilespmem:s6+$0x10040]  }
0x42d: {  	[tilespmem:s6+$0x10000] =	vst v2;
	v2 =	vld [tilespmem:s6+$0x1C040]  }
0x42e: {  	s0 =	simm.s32 $0x400;
	v5 =	vadd.f32 v8, v7;
	s7 =	simm.s32 $0x0;
	[tilespmem:s6+$0x10010] =	vst v3;
	v3 =	vld [tilespmem:s6+$0x10050]  }
.LBB2_44:
0x42f: {  	s9 =	sand.u32 $0x1C00, s0;
	v6 =	vld [tilespmem:s6+$0x1C050];
	s3 =	sadd.s32 $0x10, s3  }
0x430: {  	s7 =	sadd.s32 $0x80, s7;
	s10 =	sand.u32 $0x380, s3;
	s11 =	sor.u32 s9, s3;
	[tilespmem:s6+$0x10020] =	vst v5;
	v0 =	vadd.f32 v4, v0;
	v4 =	vld [tilespmem:s6+$0x10060]  }
0x431: {  	p0 =	slt.u32 s7, $0x1F80;
	s9 =	sor.u32 s10, s9;
	s10 =	sor.u32 $0x70, s11;
	v5 =	vld [tilespmem:s6+$0x1C060]  }
0x432: {  	v7 =	vld [tilespmem:s10+$0x10000];
	[tilespmem:s6+$0x10030] =	vst v0;
	v0 =	vadd.f32 v2, v1  }
0x433: {  	v1 =	vld [tilespmem:s10+$0x1C000]  }
0x434: {  	v2 =	vld [tilespmem:s9+$0x10000];
	[tilespmem:s6+$0x10040] =	vst v0;
	v0 =	vadd.f32 v6, v3  }
0x435: {  	v3 =	vld [tilespmem:s9+$0x1C000]  }
0x436: {  	v6 =	vld [tilespmem:s9+$0x10010];
	[tilespmem:s6+$0x10050] =	vst v0;
	v0 =	vadd.f32 v5, v4  }
0x437: {  	v5 =	vld [tilespmem:s9+$0x1C010]  }
0x438: {  	v8 =	vld [tilespmem:s9+$0x10020];
	v1 =	vadd.f32 v1, v7;
	[tilespmem:s6+$0x10060] =	vst v0;
	s6 =	smov.u32 s9  }
0x439: {  	v7 =	vld [tilespmem:s6+$0x1C020]  }
.Ltmp21:
0x43a: {  	v2 =	vadd.f32 v3, v2;
	v0 =	vld [tilespmem:s6+$0x10030];
	[tilespmem:s10+$0x10000] =	vst v1;
	(pc) =	sbr.rel @p0 .LBB2_44-.Ltmp21, $4  }
0x43b: {  	v4 =	vld [tilespmem:s6+$0x1C030]  }
0x43c: {  	[tilespmem:s6+$0x10000] =	vst v2;
	v3 =	vadd.f32 v5, v6;
	v1 =	vld [tilespmem:s6+$0x10040]  }
0x43d: {  	v2 =	vld [tilespmem:s6+$0x1C040]  }
0x43e: {  	s0 =	sadd.s32 $0x400, s0;
	[tilespmem:s6+$0x10010] =	vst v3;
	v5 =	vadd.f32 v7, v8;
	v3 =	vld [tilespmem:s6+$0x10050]  }
0x43f: {  	v6 =	vld [tilespmem:s6+$0x1C050]  }
0x440: {  	v7 =	vld [tilespmem:s6+$0x10060]  }
0x441: {  	v8 =	vld [tilespmem:s6+$0x1C060];
	_ =	sdelay $0x1  }
0x442: {  	v0 =	vadd.f32 v4, v0  }
0x443: {  	[tilespmem:s6+$0x10020] =	vst v5;
	v1 =	vadd.f32 v2, v1  }
0x444: {  	[tilespmem:s6+$0x10030] =	vst v0;
	v0 =	vadd.f32 v6, v3  }
0x445: {  	[tilespmem:s6+$0x10040] =	vst v1;
	v1 =	vadd.f32 v8, v7  }
0x446: {  	[tilespmem:s6+$0x10050] =	vst v0  }
0x447: {  	[tilespmem:s6+$0x10060] =	vst v1  }
0x448: {  	s0 =	sld [smem:$0x7F8];
	_ =	sdelay $0x1  }
0x449: {  	s3 =	simm.s32 $0x0;
	s10 =	simm.s32 $0x10000;
	s11 =	simm.s32 $0xA  }
0x44a: {  	[hbm4b:s0+s3] =	stream.linear.scatter [tilespmem:s10], [sflag:$0x15], $0x2000, $0x38;
	[tilespmem:$0x1E000] =	vst v63  }
0x44b: {  	_ =	swait.ge [sflag:s11], $0x2000  }
0x44c: {  	[sflag:s11] =	ssyncset.done $0x0  }
0x44d: {  	[sflag:s11] =	ssyncadd.s32 $0xFFFFE000  }
0x44e: {  	_ =	swait.ge [sflag:s2], $0x2000  }
0x44f: {  	s18 =	sand.u32 $0x1C00, s3;
	s13 =	sld [smem:$0x7E9]  }
0x450: {  	s19 =	sor.u32 s18, s3;
	[sflag:s2] =	ssyncset.done $0x0  }
0x451: {  	s7 =	sor.u32 $0x70, s19;
	[sflag:s2] =	ssyncadd.s32 $0xFFFFE000  }
0x452: {  	[tilespmem:s16], [sflag:$0x6] =	stream.linear.gather [hbm4b:s13+s3], $0x2000, $0x38;
	[tilespmem:$0x1E000] =	vst v63  }
0x453: {  	s31 =	sand.u32 $0x380, s3;
	v0 =	vld [tilespmem:s7+$0x12000]  }
0x454: {  	s6 =	sor.u32 s31, s18;
	v1 =	vld [tilespmem:s7+$0x1C000]  }
0x455: {  	v2 =	vld [tilespmem:s6+$0x12000]  }
0x456: {  	v3 =	vld [tilespmem:s6+$0x1C000]  }
0x457: {  	v5 =	vld [tilespmem:s6+$0x12010]  }
0x458: {  	v6 =	vld [tilespmem:s6+$0x1C010]  }
0x459: {  	v7 =	vld [tilespmem:s6+$0x12020]  }
0x45a: {  	v63 =	vld [tilespmem:s6+$0x1C020]  }
0x45b: {  	v4 =	vld [tilespmem:s6+$0x1C030];
	v1 =	vadd.f32 v1, v0  }
0x45c: {  	v0 =	vld [tilespmem:s6+$0x12030];
	v2 =	vadd.f32 v3, v2  }
0x45d: {  	v3 =	vadd.f32 v6, v5;
	[tilespmem:s7+$0x12000] =	vst v1;
	v1 =	vld [tilespmem:s6+$0x12040]  }
0x45e: {  	[tilespmem:s6+$0x12000] =	vst v2;
	v2 =	vld [tilespmem:s6+$0x1C040]  }
0x45f: {  	s0 =	simm.s32 $0x400;
	v5 =	vadd.f32 v63, v7;
	s7 =	simm.s32 $0x0;
	[tilespmem:s6+$0x12010] =	vst v3;
	v3 =	vld [tilespmem:s6+$0x12050]  }
.LBB2_46:
0x460: {  	s9 =	sand.u32 $0x1C00, s0;
	v6 =	vld [tilespmem:s6+$0x1C050];
	s3 =	sadd.s32 $0x10, s3  }
0x461: {  	s7 =	sadd.s32 $0x80, s7;
	s10 =	sand.u32 $0x380, s3;
	s11 =	sor.u32 s9, s3;
	[tilespmem:s6+$0x12020] =	vst v5;
	v0 =	vadd.f32 v4, v0;
	v4 =	vld [tilespmem:s6+$0x12060]  }
0x462: {  	p0 =	slt.u32 s7, $0x1F80;
	s9 =	sor.u32 s10, s9;
	s10 =	sor.u32 $0x70, s11;
	v5 =	vld [tilespmem:s6+$0x1C060]  }
0x463: {  	v7 =	vld [tilespmem:s10+$0x12000];
	[tilespmem:s6+$0x12030] =	vst v0;
	v0 =	vadd.f32 v2, v1  }
0x464: {  	v1 =	vld [tilespmem:s10+$0x1C000]  }
0x465: {  	v2 =	vld [tilespmem:s9+$0x12000];
	[tilespmem:s6+$0x12040] =	vst v0;
	v0 =	vadd.f32 v6, v3  }
0x466: {  	v3 =	vld [tilespmem:s9+$0x1C000]  }
0x467: {  	v6 =	vld [tilespmem:s9+$0x12010];
	[tilespmem:s6+$0x12050] =	vst v0;
	v0 =	vadd.f32 v5, v4  }
0x468: {  	v5 =	vld [tilespmem:s9+$0x1C010]  }
0x469: {  	v8 =	vld [tilespmem:s9+$0x12020];
	v1 =	vadd.f32 v1, v7;
	[tilespmem:s6+$0x12060] =	vst v0;
	s6 =	smov.u32 s9  }
0x46a: {  	v7 =	vld [tilespmem:s6+$0x1C020]  }
.Ltmp22:
0x46b: {  	v2 =	vadd.f32 v3, v2;
	v0 =	vld [tilespmem:s6+$0x12030];
	[tilespmem:s10+$0x12000] =	vst v1;
	(pc) =	sbr.rel @p0 .LBB2_46-.Ltmp22, $4  }
0x46c: {  	v4 =	vld [tilespmem:s6+$0x1C030]  }
0x46d: {  	[tilespmem:s6+$0x12000] =	vst v2;
	v3 =	vadd.f32 v5, v6;
	v1 =	vld [tilespmem:s6+$0x12040]  }
0x46e: {  	v2 =	vld [tilespmem:s6+$0x1C040]  }
0x46f: {  	s0 =	sadd.s32 $0x400, s0;
	[tilespmem:s6+$0x12010] =	vst v3;
	v5 =	vadd.f32 v7, v8;
	v3 =	vld [tilespmem:s6+$0x12050]  }
0x470: {  	v6 =	vld [tilespmem:s6+$0x1C050]  }
0x471: {  	v7 =	vld [tilespmem:s6+$0x12060]  }
0x472: {  	v8 =	vld [tilespmem:s6+$0x1C060];
	_ =	sdelay $0x1  }
0x473: {  	v0 =	vadd.f32 v4, v0  }
0x474: {  	[tilespmem:s6+$0x12020] =	vst v5;
	v1 =	vadd.f32 v2, v1  }
0x475: {  	[tilespmem:s6+$0x12030] =	vst v0;
	v0 =	vadd.f32 v6, v3  }
0x476: {  	[tilespmem:s6+$0x12040] =	vst v1;
	v1 =	vadd.f32 v8, v7  }
0x477: {  	[tilespmem:s6+$0x12050] =	vst v0  }
0x478: {  	[tilespmem:s6+$0x12060] =	vst v1  }
0x479: {  	s0 =	sld [smem:$0x7F6];
	_ =	sdelay $0x1  }
0x47a: {  	s3 =	simm.s32 $0x0;
	s9 =	simm.s32 $0x12000;
	s10 =	simm.s32 $0xB  }
0x47b: {  	[hbm4b:s0+s3] =	stream.linear.scatter [tilespmem:s9], [sflag:$0x16], $0x2000, $0x38;
	[tilespmem:$0x1E000] =	vst v63  }
0x47c: {  	_ =	swait.ge [sflag:s10], $0x2000  }
0x47d: {  	[sflag:s10] =	ssyncset.done $0x0  }
0x47e: {  	[sflag:s10] =	ssyncadd.s32 $0xFFFFE000  }
0x47f: {  	_ =	swait.ge [sflag:s14], $0x2000  }
0x480: {  	s18 =	sand.u32 $0x1C00, s3;
	s11 =	sld [smem:$0x7EB]  }
0x481: {  	s19 =	sor.u32 s18, s3;
	[sflag:s14] =	ssyncset.done $0x0  }
0x482: {  	s13 =	simm.s32 $0xC000;
	s7 =	sor.u32 $0x70, s19;
	[sflag:s14] =	ssyncadd.s32 $0xFFFFE000  }
0x483: {  	[tilespmem:s13], [sflag:$0x7] =	stream.linear.gather [hbm4b:s11+s3], $0x2000, $0x38;
	[tilespmem:$0x1E000] =	vst v63  }
0x484: {  	s31 =	sand.u32 $0x380, s3;
	v0 =	vld [tilespmem:s7+$0x14000]  }
0x485: {  	s6 =	sor.u32 s31, s18;
	v1 =	vld [tilespmem:s7+$0x1C000]  }
0x486: {  	v2 =	vld [tilespmem:s6+$0x14000]  }
0x487: {  	v3 =	vld [tilespmem:s6+$0x1C000]  }
0x488: {  	v5 =	vld [tilespmem:s6+$0x14010]  }
0x489: {  	v6 =	vld [tilespmem:s6+$0x1C010]  }
0x48a: {  	v7 =	vld [tilespmem:s6+$0x14020]  }
0x48b: {  	v63 =	vld [tilespmem:s6+$0x1C020]  }
0x48c: {  	v4 =	vld [tilespmem:s6+$0x1C030];
	v1 =	vadd.f32 v1, v0  }
0x48d: {  	v0 =	vld [tilespmem:s6+$0x14030];
	v2 =	vadd.f32 v3, v2  }
0x48e: {  	v3 =	vadd.f32 v6, v5;
	[tilespmem:s7+$0x14000] =	vst v1;
	v1 =	vld [tilespmem:s6+$0x14040]  }
0x48f: {  	[tilespmem:s6+$0x14000] =	vst v2;
	v2 =	vld [tilespmem:s6+$0x1C040]  }
0x490: {  	s0 =	simm.s32 $0x400;
	v5 =	vadd.f32 v63, v7;
	s7 =	simm.s32 $0x0;
	[tilespmem:s6+$0x14010] =	vst v3;
	v3 =	vld [tilespmem:s6+$0x14050]  }
.LBB2_48:
0x491: {  	s9 =	sand.u32 $0x1C00, s0;
	v6 =	vld [tilespmem:s6+$0x1C050];
	s3 =	sadd.s32 $0x10, s3  }
0x492: {  	s7 =	sadd.s32 $0x80, s7;
	s10 =	sand.u32 $0x380, s3;
	s11 =	sor.u32 s9, s3;
	[tilespmem:s6+$0x14020] =	vst v5;
	v0 =	vadd.f32 v4, v0;
	v4 =	vld [tilespmem:s6+$0x14060]  }
0x493: {  	p0 =	slt.u32 s7, $0x1F80;
	s9 =	sor.u32 s10, s9;
	s10 =	sor.u32 $0x70, s11;
	v5 =	vld [tilespmem:s6+$0x1C060]  }
0x494: {  	v7 =	vld [tilespmem:s10+$0x14000];
	[tilespmem:s6+$0x14030] =	vst v0;
	v0 =	vadd.f32 v2, v1  }
0x495: {  	v1 =	vld [tilespmem:s10+$0x1C000]  }
0x496: {  	v2 =	vld [tilespmem:s9+$0x14000];
	[tilespmem:s6+$0x14040] =	vst v0;
	v0 =	vadd.f32 v6, v3  }
0x497: {  	v3 =	vld [tilespmem:s9+$0x1C000]  }
0x498: {  	v6 =	vld [tilespmem:s9+$0x14010];
	[tilespmem:s6+$0x14050] =	vst v0;
	v0 =	vadd.f32 v5, v4  }
0x499: {  	v5 =	vld [tilespmem:s9+$0x1C010]  }
0x49a: {  	v8 =	vld [tilespmem:s9+$0x14020];
	v1 =	vadd.f32 v1, v7;
	[tilespmem:s6+$0x14060] =	vst v0;
	s6 =	smov.u32 s9  }
0x49b: {  	v7 =	vld [tilespmem:s6+$0x1C020]  }
.Ltmp23:
0x49c: {  	v2 =	vadd.f32 v3, v2;
	v0 =	vld [tilespmem:s6+$0x14030];
	[tilespmem:s10+$0x14000] =	vst v1;
	(pc) =	sbr.rel @p0 .LBB2_48-.Ltmp23, $4  }
0x49d: {  	v4 =	vld [tilespmem:s6+$0x1C030]  }
0x49e: {  	[tilespmem:s6+$0x14000] =	vst v2;
	v3 =	vadd.f32 v5, v6;
	v1 =	vld [tilespmem:s6+$0x14040]  }
0x49f: {  	v2 =	vld [tilespmem:s6+$0x1C040]  }
0x4a0: {  	s0 =	sadd.s32 $0x400, s0;
	[tilespmem:s6+$0x14010] =	vst v3;
	v5 =	vadd.f32 v7, v8;
	v3 =	vld [tilespmem:s6+$0x14050]  }
0x4a1: {  	v6 =	vld [tilespmem:s6+$0x1C050]  }
0x4a2: {  	v7 =	vld [tilespmem:s6+$0x14060]  }
0x4a3: {  	v8 =	vld [tilespmem:s6+$0x1C060];
	_ =	sdelay $0x1  }
0x4a4: {  	v0 =	vadd.f32 v4, v0  }
0x4a5: {  	[tilespmem:s6+$0x14020] =	vst v5;
	v1 =	vadd.f32 v2, v1  }
0x4a6: {  	[tilespmem:s6+$0x14030] =	vst v0;
	v0 =	vadd.f32 v6, v3  }
0x4a7: {  	[tilespmem:s6+$0x14040] =	vst v1;
	v1 =	vadd.f32 v8, v7  }
0x4a8: {  	[tilespmem:s6+$0x14050] =	vst v0  }
0x4a9: {  	[tilespmem:s6+$0x14060] =	vst v1  }
0x4aa: {  	s0 =	sld [smem:$0x7F7];
	_ =	sdelay $0x1  }
0x4ab: {  	s3 =	simm.s32 $0x0;
	s10 =	simm.s32 $0x14000;
	s11 =	simm.s32 $0xC  }
0x4ac: {  	[hbm4b:s0+s3] =	stream.linear.scatter [tilespmem:s10], [sflag:$0x17], $0x2000, $0x38;
	[tilespmem:$0x1E000] =	vst v63  }
0x4ad: {  	_ =	swait.ge [sflag:s11], $0x2000  }
0x4ae: {  	[sflag:s11] =	ssyncset.done $0x0  }
0x4af: {  	[sflag:s11] =	ssyncadd.s32 $0xFFFFE000  }
0x4b0: {  	_ =	swait.ge [sflag:s17], $0x2000  }
0x4b1: {  	s18 =	sand.u32 $0x1C00, s3;
	s13 =	sld [smem:$0x7F0]  }
0x4b2: {  	s19 =	sor.u32 s18, s3;
	[sflag:s17] =	ssyncset.done $0x0  }
0x4b3: {  	s7 =	sor.u32 $0x70, s19;
	[sflag:s17] =	ssyncadd.s32 $0xFFFFE000  }
0x4b4: {  	[tilespmem:s12], [sflag:$0x8] =	stream.linear.gather [hbm4b:s13+s3], $0x2000, $0x38;
	[tilespmem:$0x1E000] =	vst v63  }
0x4b5: {  	s31 =	sand.u32 $0x380, s3;
	v0 =	vld [tilespmem:s7+$0x16000]  }
0x4b6: {  	s6 =	sor.u32 s31, s18;
	v1 =	vld [tilespmem:s7+$0x1C000]  }
0x4b7: {  	v2 =	vld [tilespmem:s6+$0x16000]  }
0x4b8: {  	v3 =	vld [tilespmem:s6+$0x1C000]  }
0x4b9: {  	v5 =	vld [tilespmem:s6+$0x16010]  }
0x4ba: {  	v6 =	vld [tilespmem:s6+$0x1C010]  }
0x4bb: {  	v7 =	vld [tilespmem:s6+$0x16020]  }
0x4bc: {  	v63 =	vld [tilespmem:s6+$0x1C020]  }
0x4bd: {  	v4 =	vld [tilespmem:s6+$0x1C030];
	v1 =	vadd.f32 v1, v0  }
0x4be: {  	v0 =	vld [tilespmem:s6+$0x16030];
	v2 =	vadd.f32 v3, v2  }
0x4bf: {  	v3 =	vadd.f32 v6, v5;
	[tilespmem:s7+$0x16000] =	vst v1;
	v1 =	vld [tilespmem:s6+$0x16040]  }
0x4c0: {  	[tilespmem:s6+$0x16000] =	vst v2;
	v2 =	vld [tilespmem:s6+$0x1C040]  }
0x4c1: {  	s0 =	simm.s32 $0x400;
	v5 =	vadd.f32 v63, v7;
	s7 =	simm.s32 $0x0;
	[tilespmem:s6+$0x16010] =	vst v3;
	v3 =	vld [tilespmem:s6+$0x16050]  }
.LBB2_50:
0x4c2: {  	s9 =	sand.u32 $0x1C00, s0;
	v6 =	vld [tilespmem:s6+$0x1C050];
	s3 =	sadd.s32 $0x10, s3  }
0x4c3: {  	s7 =	sadd.s32 $0x80, s7;
	s10 =	sand.u32 $0x380, s3;
	s11 =	sor.u32 s9, s3;
	[tilespmem:s6+$0x16020] =	vst v5;
	v0 =	vadd.f32 v4, v0;
	v4 =	vld [tilespmem:s6+$0x16060]  }
0x4c4: {  	p0 =	slt.u32 s7, $0x1F80;
	s9 =	sor.u32 s10, s9;
	s10 =	sor.u32 $0x70, s11;
	v5 =	vld [tilespmem:s6+$0x1C060]  }
0x4c5: {  	v7 =	vld [tilespmem:s10+$0x16000];
	[tilespmem:s6+$0x16030] =	vst v0;
	v0 =	vadd.f32 v2, v1  }
0x4c6: {  	v1 =	vld [tilespmem:s10+$0x1C000]  }
0x4c7: {  	v2 =	vld [tilespmem:s9+$0x16000];
	[tilespmem:s6+$0x16040] =	vst v0;
	v0 =	vadd.f32 v6, v3  }
0x4c8: {  	v3 =	vld [tilespmem:s9+$0x1C000]  }
0x4c9: {  	v6 =	vld [tilespmem:s9+$0x16010];
	[tilespmem:s6+$0x16050] =	vst v0;
	v0 =	vadd.f32 v5, v4  }
0x4ca: {  	v5 =	vld [tilespmem:s9+$0x1C010]  }
0x4cb: {  	v8 =	vld [tilespmem:s9+$0x16020];
	v1 =	vadd.f32 v1, v7;
	[tilespmem:s6+$0x16060] =	vst v0;
	s6 =	smov.u32 s9  }
0x4cc: {  	v7 =	vld [tilespmem:s6+$0x1C020]  }
.Ltmp24:
0x4cd: {  	v2 =	vadd.f32 v3, v2;
	v0 =	vld [tilespmem:s6+$0x16030];
	[tilespmem:s10+$0x16000] =	vst v1;
	(pc) =	sbr.rel @p0 .LBB2_50-.Ltmp24, $4  }
0x4ce: {  	v4 =	vld [tilespmem:s6+$0x1C030]  }
0x4cf: {  	[tilespmem:s6+$0x16000] =	vst v2;
	v3 =	vadd.f32 v5, v6;
	v1 =	vld [tilespmem:s6+$0x16040]  }
0x4d0: {  	v2 =	vld [tilespmem:s6+$0x1C040]  }
0x4d1: {  	s0 =	sadd.s32 $0x400, s0;
	[tilespmem:s6+$0x16010] =	vst v3;
	v5 =	vadd.f32 v7, v8;
	v3 =	vld [tilespmem:s6+$0x16050]  }
0x4d2: {  	v6 =	vld [tilespmem:s6+$0x1C050]  }
0x4d3: {  	v7 =	vld [tilespmem:s6+$0x16060]  }
0x4d4: {  	v8 =	vld [tilespmem:s6+$0x1C060];
	_ =	sdelay $0x1  }
0x4d5: {  	v0 =	vadd.f32 v4, v0  }
0x4d6: {  	[tilespmem:s6+$0x16020] =	vst v5;
	v1 =	vadd.f32 v2, v1  }
0x4d7: {  	[tilespmem:s6+$0x16030] =	vst v0;
	v0 =	vadd.f32 v6, v3  }
0x4d8: {  	[tilespmem:s6+$0x16040] =	vst v1;
	v1 =	vadd.f32 v8, v7  }
0x4d9: {  	[tilespmem:s6+$0x16050] =	vst v0  }
0x4da: {  	[tilespmem:s6+$0x16060] =	vst v1  }
0x4db: {  	s0 =	sld [smem:$0x7F9];
	_ =	sdelay $0x1  }
0x4dc: {  	s3 =	simm.s32 $0x0;
	s9 =	simm.s32 $0x16000;
	s10 =	simm.s32 $0x19  }
0x4dd: {  	[hbm4b:s0+s3] =	stream.linear.scatter [tilespmem:s9], [sflag:$0x18], $0x2000, $0x38;
	[tilespmem:$0x1E000] =	vst v63  }
0x4de: {  	_ =	swait.ge [sflag:s10], $0x2000  }
0x4df: {  	[sflag:s10] =	ssyncset.done $0x0  }
0x4e0: {  	s11 =	simm.s32 $0x1;
	[sflag:s10] =	ssyncadd.s32 $0xFFFFE000  }
0x4e1: {  	_ =	swait.ge [sflag:s11], $0x2000  }
0x4e2: {  	[sflag:s11] =	ssyncset.done $0x0  }
0x4e3: {  	s7 =	simm.s32 $0x15;
	[sflag:s11] =	ssyncadd.s32 $0xFFFFE000  }
0x4e4: {  	s13 =	sand.u32 $0x1C00, s3;
	_ =	swait.ge [sflag:s7], $0x2000  }
0x4e5: {  	s18 =	sor.u32 s13, s3;
	[sflag:s7] =	ssyncset.done $0x0  }
0x4e6: {  	s19 =	sor.u32 $0x70, s18;
	[sflag:s7] =	ssyncadd.s32 $0xFFFFE000  }
0x4e7: {  	s31 =	sand.u32 $0x380, s3;
	v0 =	vld [tilespmem:s19+$0x0]  }
0x4e8: {  	s6 =	sor.u32 s31, s13;
	v1 =	vld [tilespmem:s19+$0x18000]  }
0x4e9: {  	v2 =	vld [tilespmem:s6+$0x0]  }
0x4ea: {  	v3 =	vld [tilespmem:s6+$0x18000]  }
0x4eb: {  	v5 =	vld [tilespmem:s6+$0x10]  }
0x4ec: {  	v6 =	vld [tilespmem:s6+$0x18010]  }
0x4ed: {  	v7 =	vld [tilespmem:s6+$0x20]  }
0x4ee: {  	v63 =	vld [tilespmem:s6+$0x18020]  }
0x4ef: {  	v4 =	vld [tilespmem:s6+$0x18030];
	v1 =	vadd.f32 v1, v0  }
0x4f0: {  	v0 =	vld [tilespmem:s6+$0x30];
	v2 =	vadd.f32 v3, v2  }
0x4f1: {  	v3 =	vadd.f32 v6, v5;
	[tilespmem:s19+$0x0] =	vst v1;
	v1 =	vld [tilespmem:s6+$0x40]  }
0x4f2: {  	[tilespmem:s6+$0x0] =	vst v2;
	v2 =	vld [tilespmem:s6+$0x18040]  }
0x4f3: {  	s0 =	simm.s32 $0x400;
	s7 =	simm.s32 $0x0;
	v5 =	vadd.f32 v63, v7;
	[tilespmem:s6+$0x10] =	vst v3;
	v3 =	vld [tilespmem:s6+$0x50]  }
.LBB2_52:
0x4f4: {  	s9 =	sand.u32 $0x1C00, s0;
	v6 =	vld [tilespmem:s6+$0x18050];
	s3 =	sadd.s32 $0x10, s3  }
0x4f5: {  	s7 =	sadd.s32 $0x80, s7;
	s10 =	sand.u32 $0x380, s3;
	s11 =	sor.u32 s9, s3;
	[tilespmem:s6+$0x20] =	vst v5;
	v0 =	vadd.f32 v4, v0;
	v4 =	vld [tilespmem:s6+$0x60]  }
0x4f6: {  	p0 =	slt.u32 s7, $0x1F80;
	s9 =	sor.u32 s10, s9;
	s10 =	sor.u32 $0x70, s11;
	v5 =	vld [tilespmem:s6+$0x18060]  }
0x4f7: {  	v7 =	vld [tilespmem:s10+$0x0];
	[tilespmem:s6+$0x30] =	vst v0;
	v0 =	vadd.f32 v2, v1  }
0x4f8: {  	v1 =	vld [tilespmem:s10+$0x18000]  }
0x4f9: {  	v2 =	vld [tilespmem:s9+$0x0];
	[tilespmem:s6+$0x40] =	vst v0;
	v0 =	vadd.f32 v6, v3  }
0x4fa: {  	v3 =	vld [tilespmem:s9+$0x18000]  }
0x4fb: {  	v6 =	vld [tilespmem:s9+$0x10];
	[tilespmem:s6+$0x50] =	vst v0;
	v0 =	vadd.f32 v5, v4  }
0x4fc: {  	v5 =	vld [tilespmem:s9+$0x18010]  }
0x4fd: {  	v8 =	vld [tilespmem:s9+$0x20];
	v1 =	vadd.f32 v1, v7;
	[tilespmem:s6+$0x60] =	vst v0;
	s6 =	smov.u32 s9  }
0x4fe: {  	v7 =	vld [tilespmem:s6+$0x18020]  }
.Ltmp25:
0x4ff: {  	v2 =	vadd.f32 v3, v2;
	v0 =	vld [tilespmem:s6+$0x30];
	[tilespmem:s10+$0x0] =	vst v1;
	(pc) =	sbr.rel @p0 .LBB2_52-.Ltmp25, $4  }
0x500: {  	v4 =	vld [tilespmem:s6+$0x18030]  }
0x501: {  	[tilespmem:s6+$0x0] =	vst v2;
	v3 =	vadd.f32 v5, v6;
	v1 =	vld [tilespmem:s6+$0x40]  }
0x502: {  	v2 =	vld [tilespmem:s6+$0x18040]  }
0x503: {  	s0 =	sadd.s32 $0x400, s0;
	[tilespmem:s6+$0x10] =	vst v3;
	v5 =	vadd.f32 v7, v8;
	v3 =	vld [tilespmem:s6+$0x50]  }
0x504: {  	v6 =	vld [tilespmem:s6+$0x18050]  }
0x505: {  	v7 =	vld [tilespmem:s6+$0x60]  }
0x506: {  	v8 =	vld [tilespmem:s6+$0x18060];
	_ =	sdelay $0x1  }
0x507: {  	v0 =	vadd.f32 v4, v0  }
0x508: {  	[tilespmem:s6+$0x20] =	vst v5;
	v1 =	vadd.f32 v2, v1  }
0x509: {  	[tilespmem:s6+$0x30] =	vst v0;
	v0 =	vadd.f32 v6, v3  }
0x50a: {  	[tilespmem:s6+$0x40] =	vst v1;
	v1 =	vadd.f32 v8, v7  }
0x50b: {  	[tilespmem:s6+$0x50] =	vst v0  }
0x50c: {  	[tilespmem:s6+$0x60] =	vst v1  }
0x50d: {  	s0 =	sld [smem:$0x7FB];
	_ =	sdelay $0x1  }
0x50e: {  	s3 =	simm.s32 $0x0;
	s11 =	simm.s32 $0x2  }
0x50f: {  	[hbm4b:s0+s3] =	stream.linear.scatter [tilespmem:s3], [sflag:$0xD], $0x2000, $0x38;
	[tilespmem:$0x1E000] =	vst v63  }
0x510: {  	_ =	swait.ge [sflag:s11], $0x2000  }
0x511: {  	[sflag:s11] =	ssyncset.done $0x0  }
0x512: {  	s7 =	simm.s32 $0x16;
	[sflag:s11] =	ssyncadd.s32 $0xFFFFE000  }
0x513: {  	s13 =	sand.u32 $0x1C00, s3;
	_ =	swait.ge [sflag:s7], $0x2000  }
0x514: {  	s18 =	sor.u32 s13, s3;
	[sflag:s7] =	ssyncset.done $0x0  }
0x515: {  	s19 =	sor.u32 $0x70, s18;
	[sflag:s7] =	ssyncadd.s32 $0xFFFFE000  }
0x516: {  	s31 =	sand.u32 $0x380, s3;
	v0 =	vld [tilespmem:s19+$0x2000]  }
0x517: {  	s6 =	sor.u32 s31, s13;
	v1 =	vld [tilespmem:s19+$0x18000]  }
0x518: {  	v2 =	vld [tilespmem:s6+$0x2000]  }
0x519: {  	v3 =	vld [tilespmem:s6+$0x18000]  }
0x51a: {  	v5 =	vld [tilespmem:s6+$0x2010]  }
0x51b: {  	v6 =	vld [tilespmem:s6+$0x18010]  }
0x51c: {  	v7 =	vld [tilespmem:s6+$0x2020]  }
0x51d: {  	v63 =	vld [tilespmem:s6+$0x18020]  }
0x51e: {  	v4 =	vld [tilespmem:s6+$0x18030];
	v1 =	vadd.f32 v1, v0  }
0x51f: {  	v0 =	vld [tilespmem:s6+$0x2030];
	v2 =	vadd.f32 v3, v2  }
0x520: {  	v3 =	vadd.f32 v6, v5;
	[tilespmem:s19+$0x2000] =	vst v1;
	v1 =	vld [tilespmem:s6+$0x2040]  }
0x521: {  	[tilespmem:s6+$0x2000] =	vst v2;
	v2 =	vld [tilespmem:s6+$0x18040]  }
0x522: {  	s0 =	simm.s32 $0x400;
	s7 =	simm.s32 $0x0;
	v5 =	vadd.f32 v63, v7;
	[tilespmem:s6+$0x2010] =	vst v3;
	v3 =	vld [tilespmem:s6+$0x2050]  }
.LBB2_54:
0x523: {  	s9 =	sand.u32 $0x1C00, s0;
	v6 =	vld [tilespmem:s6+$0x18050];
	s3 =	sadd.s32 $0x10, s3  }
0x524: {  	s7 =	sadd.s32 $0x80, s7;
	s10 =	sand.u32 $0x380, s3;
	s11 =	sor.u32 s9, s3;
	[tilespmem:s6+$0x2020] =	vst v5;
	v0 =	vadd.f32 v4, v0;
	v4 =	vld [tilespmem:s6+$0x2060]  }
0x525: {  	p0 =	slt.u32 s7, $0x1F80;
	s9 =	sor.u32 s10, s9;
	s10 =	sor.u32 $0x70, s11;
	v5 =	vld [tilespmem:s6+$0x18060]  }
0x526: {  	v7 =	vld [tilespmem:s10+$0x2000];
	[tilespmem:s6+$0x2030] =	vst v0;
	v0 =	vadd.f32 v2, v1  }
0x527: {  	v1 =	vld [tilespmem:s10+$0x18000]  }
0x528: {  	v2 =	vld [tilespmem:s9+$0x2000];
	[tilespmem:s6+$0x2040] =	vst v0;
	v0 =	vadd.f32 v6, v3  }
0x529: {  	v3 =	vld [tilespmem:s9+$0x18000]  }
0x52a: {  	v6 =	vld [tilespmem:s9+$0x2010];
	[tilespmem:s6+$0x2050] =	vst v0;
	v0 =	vadd.f32 v5, v4  }
0x52b: {  	v5 =	vld [tilespmem:s9+$0x18010]  }
0x52c: {  	v8 =	vld [tilespmem:s9+$0x2020];
	v1 =	vadd.f32 v1, v7;
	[tilespmem:s6+$0x2060] =	vst v0;
	s6 =	smov.u32 s9  }
0x52d: {  	v7 =	vld [tilespmem:s6+$0x18020]  }
.Ltmp26:
0x52e: {  	v2 =	vadd.f32 v3, v2;
	v0 =	vld [tilespmem:s6+$0x2030];
	[tilespmem:s10+$0x2000] =	vst v1;
	(pc) =	sbr.rel @p0 .LBB2_54-.Ltmp26, $4  }
0x52f: {  	v4 =	vld [tilespmem:s6+$0x18030]  }
0x530: {  	[tilespmem:s6+$0x2000] =	vst v2;
	v3 =	vadd.f32 v5, v6;
	v1 =	vld [tilespmem:s6+$0x2040]  }
0x531: {  	v2 =	vld [tilespmem:s6+$0x18040]  }
0x532: {  	s0 =	sadd.s32 $0x400, s0;
	[tilespmem:s6+$0x2010] =	vst v3;
	v5 =	vadd.f32 v7, v8;
	v3 =	vld [tilespmem:s6+$0x2050]  }
0x533: {  	v6 =	vld [tilespmem:s6+$0x18050]  }
0x534: {  	v7 =	vld [tilespmem:s6+$0x2060]  }
0x535: {  	v8 =	vld [tilespmem:s6+$0x18060];
	_ =	sdelay $0x1  }
0x536: {  	v0 =	vadd.f32 v4, v0  }
0x537: {  	[tilespmem:s6+$0x2020] =	vst v5;
	v1 =	vadd.f32 v2, v1  }
0x538: {  	[tilespmem:s6+$0x2030] =	vst v0;
	v0 =	vadd.f32 v6, v3  }
0x539: {  	[tilespmem:s6+$0x2040] =	vst v1;
	v1 =	vadd.f32 v8, v7  }
0x53a: {  	[tilespmem:s6+$0x2050] =	vst v0  }
0x53b: {  	[tilespmem:s6+$0x2060] =	vst v1  }
0x53c: {  	s0 =	sld [smem:$0x7FA];
	_ =	sdelay $0x1  }
0x53d: {  	s3 =	simm.s32 $0x0;
	s11 =	simm.s32 $0x3  }
0x53e: {  	[hbm4b:s0+s3] =	stream.linear.scatter [tilespmem:s23], [sflag:$0xE], $0x2000, $0x38;
	[tilespmem:$0x1E000] =	vst v63  }
0x53f: {  	_ =	swait.ge [sflag:s11], $0x2000  }
0x540: {  	[sflag:s11] =	ssyncset.done $0x0  }
0x541: {  	s7 =	simm.s32 $0x17;
	[sflag:s11] =	ssyncadd.s32 $0xFFFFE000  }
0x542: {  	s13 =	sand.u32 $0x1C00, s3;
	_ =	swait.ge [sflag:s7], $0x2000  }
0x543: {  	s18 =	sor.u32 s13, s3;
	[sflag:s7] =	ssyncset.done $0x0  }
0x544: {  	s19 =	sor.u32 $0x70, s18;
	[sflag:s7] =	ssyncadd.s32 $0xFFFFE000  }
0x545: {  	s31 =	sand.u32 $0x380, s3;
	v0 =	vld [tilespmem:s19+$0x4000]  }
0x546: {  	s6 =	sor.u32 s31, s13;
	v1 =	vld [tilespmem:s19+$0x18000]  }
0x547: {  	v2 =	vld [tilespmem:s6+$0x4000]  }
0x548: {  	v3 =	vld [tilespmem:s6+$0x18000]  }
0x549: {  	v5 =	vld [tilespmem:s6+$0x4010]  }
0x54a: {  	v6 =	vld [tilespmem:s6+$0x18010]  }
0x54b: {  	v7 =	vld [tilespmem:s6+$0x4020]  }
0x54c: {  	v63 =	vld [tilespmem:s6+$0x18020]  }
0x54d: {  	v4 =	vld [tilespmem:s6+$0x18030];
	v1 =	vadd.f32 v1, v0  }
0x54e: {  	v0 =	vld [tilespmem:s6+$0x4030];
	v2 =	vadd.f32 v3, v2  }
0x54f: {  	v3 =	vadd.f32 v6, v5;
	[tilespmem:s19+$0x4000] =	vst v1;
	v1 =	vld [tilespmem:s6+$0x4040]  }
0x550: {  	[tilespmem:s6+$0x4000] =	vst v2;
	v2 =	vld [tilespmem:s6+$0x18040]  }
0x551: {  	s0 =	simm.s32 $0x400;
	s7 =	simm.s32 $0x0;
	v5 =	vadd.f32 v63, v7;
	[tilespmem:s6+$0x4010] =	vst v3;
	v3 =	vld [tilespmem:s6+$0x4050]  }
.LBB2_56:
0x552: {  	s9 =	sand.u32 $0x1C00, s0;
	v6 =	vld [tilespmem:s6+$0x18050];
	s3 =	sadd.s32 $0x10, s3  }
0x553: {  	s7 =	sadd.s32 $0x80, s7;
	s10 =	sand.u32 $0x380, s3;
	s11 =	sor.u32 s9, s3;
	[tilespmem:s6+$0x4020] =	vst v5;
	v0 =	vadd.f32 v4, v0;
	v4 =	vld [tilespmem:s6+$0x4060]  }
0x554: {  	p0 =	slt.u32 s7, $0x1F80;
	s9 =	sor.u32 s10, s9;
	s10 =	sor.u32 $0x70, s11;
	v5 =	vld [tilespmem:s6+$0x18060]  }
0x555: {  	v7 =	vld [tilespmem:s10+$0x4000];
	[tilespmem:s6+$0x4030] =	vst v0;
	v0 =	vadd.f32 v2, v1  }
0x556: {  	v1 =	vld [tilespmem:s10+$0x18000]  }
0x557: {  	v2 =	vld [tilespmem:s9+$0x4000];
	[tilespmem:s6+$0x4040] =	vst v0;
	v0 =	vadd.f32 v6, v3  }
0x558: {  	v3 =	vld [tilespmem:s9+$0x18000]  }
0x559: {  	v6 =	vld [tilespmem:s9+$0x4010];
	[tilespmem:s6+$0x4050] =	vst v0;
	v0 =	vadd.f32 v5, v4  }
0x55a: {  	v5 =	vld [tilespmem:s9+$0x18010]  }
0x55b: {  	v8 =	vld [tilespmem:s9+$0x4020];
	v1 =	vadd.f32 v1, v7;
	[tilespmem:s6+$0x4060] =	vst v0;
	s6 =	smov.u32 s9  }
0x55c: {  	v7 =	vld [tilespmem:s6+$0x18020]  }
.Ltmp27:
0x55d: {  	v2 =	vadd.f32 v3, v2;
	v0 =	vld [tilespmem:s6+$0x4030];
	[tilespmem:s10+$0x4000] =	vst v1;
	(pc) =	sbr.rel @p0 .LBB2_56-.Ltmp27, $4  }
0x55e: {  	v4 =	vld [tilespmem:s6+$0x18030]  }
0x55f: {  	[tilespmem:s6+$0x4000] =	vst v2;
	v3 =	vadd.f32 v5, v6;
	v1 =	vld [tilespmem:s6+$0x4040]  }
0x560: {  	v2 =	vld [tilespmem:s6+$0x18040]  }
0x561: {  	s0 =	sadd.s32 $0x400, s0;
	[tilespmem:s6+$0x4010] =	vst v3;
	v5 =	vadd.f32 v7, v8;
	v3 =	vld [tilespmem:s6+$0x4050]  }
0x562: {  	v6 =	vld [tilespmem:s6+$0x18050]  }
0x563: {  	v7 =	vld [tilespmem:s6+$0x4060]  }
0x564: {  	v8 =	vld [tilespmem:s6+$0x18060];
	_ =	sdelay $0x1  }
0x565: {  	v0 =	vadd.f32 v4, v0  }
0x566: {  	[tilespmem:s6+$0x4020] =	vst v5;
	v1 =	vadd.f32 v2, v1  }
0x567: {  	[tilespmem:s6+$0x4030] =	vst v0;
	v0 =	vadd.f32 v6, v3  }
0x568: {  	[tilespmem:s6+$0x4040] =	vst v1;
	v1 =	vadd.f32 v8, v7  }
0x569: {  	[tilespmem:s6+$0x4050] =	vst v0  }
0x56a: {  	[tilespmem:s6+$0x4060] =	vst v1  }
0x56b: {  	s0 =	sld [smem:$0x7FC];
	_ =	sdelay $0x1  }
0x56c: {  	s3 =	simm.s32 $0x0;
	s10 =	simm.s32 $0x4000;
	s11 =	simm.s32 $0x4  }
0x56d: {  	[hbm4b:s0+s3] =	stream.linear.scatter [tilespmem:s10], [sflag:$0xF], $0x2000, $0x38;
	[tilespmem:$0x1E000] =	vst v63  }
0x56e: {  	_ =	swait.ge [sflag:s11], $0x2000  }
0x56f: {  	[sflag:s11] =	ssyncset.done $0x0  }
0x570: {  	s7 =	simm.s32 $0x18;
	[sflag:s11] =	ssyncadd.s32 $0xFFFFE000  }
0x571: {  	s13 =	sand.u32 $0x1C00, s3;
	_ =	swait.ge [sflag:s7], $0x2000  }
0x572: {  	s18 =	sor.u32 s13, s3;
	[sflag:s7] =	ssyncset.done $0x0  }
0x573: {  	s19 =	sor.u32 $0x70, s18;
	[sflag:s7] =	ssyncadd.s32 $0xFFFFE000  }
0x574: {  	s31 =	sand.u32 $0x380, s3;
	v0 =	vld [tilespmem:s19+$0x6000]  }
0x575: {  	s6 =	sor.u32 s31, s13;
	v1 =	vld [tilespmem:s19+$0x18000]  }
0x576: {  	v2 =	vld [tilespmem:s6+$0x6000]  }
0x577: {  	v3 =	vld [tilespmem:s6+$0x18000]  }
0x578: {  	v5 =	vld [tilespmem:s6+$0x6010]  }
0x579: {  	v6 =	vld [tilespmem:s6+$0x18010]  }
0x57a: {  	v7 =	vld [tilespmem:s6+$0x6020]  }
0x57b: {  	v63 =	vld [tilespmem:s6+$0x18020]  }
0x57c: {  	v4 =	vld [tilespmem:s6+$0x18030];
	v1 =	vadd.f32 v1, v0  }
0x57d: {  	v0 =	vld [tilespmem:s6+$0x6030];
	v2 =	vadd.f32 v3, v2  }
0x57e: {  	v3 =	vadd.f32 v6, v5;
	[tilespmem:s19+$0x6000] =	vst v1;
	v1 =	vld [tilespmem:s6+$0x6040]  }
0x57f: {  	[tilespmem:s6+$0x6000] =	vst v2;
	v2 =	vld [tilespmem:s6+$0x18040]  }
0x580: {  	s0 =	simm.s32 $0x400;
	s7 =	simm.s32 $0x0;
	v5 =	vadd.f32 v63, v7;
	[tilespmem:s6+$0x6010] =	vst v3;
	v3 =	vld [tilespmem:s6+$0x6050]  }
.LBB2_58:
0x581: {  	s9 =	sand.u32 $0x1C00, s0;
	v6 =	vld [tilespmem:s6+$0x18050];
	s3 =	sadd.s32 $0x10, s3  }
0x582: {  	s7 =	sadd.s32 $0x80, s7;
	s10 =	sand.u32 $0x380, s3;
	s11 =	sor.u32 s9, s3;
	[tilespmem:s6+$0x6020] =	vst v5;
	v0 =	vadd.f32 v4, v0;
	v4 =	vld [tilespmem:s6+$0x6060]  }
0x583: {  	p0 =	slt.u32 s7, $0x1F80;
	s9 =	sor.u32 s10, s9;
	s10 =	sor.u32 $0x70, s11;
	v5 =	vld [tilespmem:s6+$0x18060]  }
0x584: {  	v7 =	vld [tilespmem:s10+$0x6000];
	[tilespmem:s6+$0x6030] =	vst v0;
	v0 =	vadd.f32 v2, v1  }
0x585: {  	v1 =	vld [tilespmem:s10+$0x18000]  }
0x586: {  	v2 =	vld [tilespmem:s9+$0x6000];
	[tilespmem:s6+$0x6040] =	vst v0;
	v0 =	vadd.f32 v6, v3  }
0x587: {  	v3 =	vld [tilespmem:s9+$0x18000]  }
0x588: {  	v6 =	vld [tilespmem:s9+$0x6010];
	[tilespmem:s6+$0x6050] =	vst v0;
	v0 =	vadd.f32 v5, v4  }
0x589: {  	v5 =	vld [tilespmem:s9+$0x18010]  }
0x58a: {  	v8 =	vld [tilespmem:s9+$0x6020];
	v1 =	vadd.f32 v1, v7;
	[tilespmem:s6+$0x6060] =	vst v0;
	s6 =	smov.u32 s9  }
0x58b: {  	v7 =	vld [tilespmem:s6+$0x18020]  }
.Ltmp28:
0x58c: {  	v2 =	vadd.f32 v3, v2;
	v0 =	vld [tilespmem:s6+$0x6030];
	[tilespmem:s10+$0x6000] =	vst v1;
	(pc) =	sbr.rel @p0 .LBB2_58-.Ltmp28, $4  }
0x58d: {  	v4 =	vld [tilespmem:s6+$0x18030]  }
0x58e: {  	[tilespmem:s6+$0x6000] =	vst v2;
	v3 =	vadd.f32 v5, v6;
	v1 =	vld [tilespmem:s6+$0x6040]  }
0x58f: {  	v2 =	vld [tilespmem:s6+$0x18040]  }
0x590: {  	s0 =	sadd.s32 $0x400, s0;
	[tilespmem:s6+$0x6010] =	vst v3;
	v5 =	vadd.f32 v7, v8;
	v3 =	vld [tilespmem:s6+$0x6050]  }
0x591: {  	v6 =	vld [tilespmem:s6+$0x18050]  }
0x592: {  	v7 =	vld [tilespmem:s6+$0x6060]  }
0x593: {  	v8 =	vld [tilespmem:s6+$0x18060];
	_ =	sdelay $0x1  }
0x594: {  	v0 =	vadd.f32 v4, v0  }
0x595: {  	[tilespmem:s6+$0x6020] =	vst v5;
	v1 =	vadd.f32 v2, v1  }
0x596: {  	[tilespmem:s6+$0x6030] =	vst v0;
	v0 =	vadd.f32 v6, v3  }
0x597: {  	[tilespmem:s6+$0x6040] =	vst v1;
	v1 =	vadd.f32 v8, v7  }
0x598: {  	[tilespmem:s6+$0x6050] =	vst v0  }
0x599: {  	[tilespmem:s6+$0x6060] =	vst v1  }
0x59a: {  	s0 =	sld [smem:$0x7FD];
	_ =	sdelay $0x1  }
0x59b: {  	s3 =	simm.s32 $0x0;
	s10 =	simm.s32 $0x1A  }
0x59c: {  	[hbm4b:s0+s3] =	stream.linear.scatter [tilespmem:s24], [sflag:$0x10], $0x2000, $0x38;
	[tilespmem:$0x1E000] =	vst v63  }
0x59d: {  	_ =	swait.ge [sflag:s10], $0x2000  }
0x59e: {  	[sflag:s10] =	ssyncset.done $0x0  }
0x59f: {  	s11 =	simm.s32 $0x5;
	[sflag:s10] =	ssyncadd.s32 $0xFFFFE000  }
0x5a0: {  	_ =	swait.ge [sflag:s11], $0x2000  }
0x5a1: {  	[sflag:s11] =	ssyncset.done $0x0  }
0x5a2: {  	s7 =	simm.s32 $0xD;
	[sflag:s11] =	ssyncadd.s32 $0xFFFFE000  }
0x5a3: {  	s13 =	sand.u32 $0x1C00, s3;
	_ =	swait.ge [sflag:s7], $0x2000  }
0x5a4: {  	s18 =	sor.u32 s13, s3;
	[sflag:s7] =	ssyncset.done $0x0  }
0x5a5: {  	s19 =	sor.u32 $0x70, s18;
	[sflag:s7] =	ssyncadd.s32 $0xFFFFE000  }
0x5a6: {  	s31 =	sand.u32 $0x380, s3;
	v0 =	vld [tilespmem:s19+$0x8000]  }
0x5a7: {  	s6 =	sor.u32 s31, s13;
	v1 =	vld [tilespmem:s19+$0x1A000]  }
0x5a8: {  	v2 =	vld [tilespmem:s6+$0x8000]  }
0x5a9: {  	v3 =	vld [tilespmem:s6+$0x1A000]  }
0x5aa: {  	v5 =	vld [tilespmem:s6+$0x8010]  }
0x5ab: {  	v6 =	vld [tilespmem:s6+$0x1A010]  }
0x5ac: {  	v7 =	vld [tilespmem:s6+$0x8020]  }
0x5ad: {  	v63 =	vld [tilespmem:s6+$0x1A020]  }
0x5ae: {  	v4 =	vld [tilespmem:s6+$0x1A030];
	v1 =	vadd.f32 v1, v0  }
0x5af: {  	v0 =	vld [tilespmem:s6+$0x8030];
	v2 =	vadd.f32 v3, v2  }
0x5b0: {  	v3 =	vadd.f32 v6, v5;
	[tilespmem:s19+$0x8000] =	vst v1;
	v1 =	vld [tilespmem:s6+$0x8040]  }
0x5b1: {  	[tilespmem:s6+$0x8000] =	vst v2;
	v2 =	vld [tilespmem:s6+$0x1A040]  }
0x5b2: {  	s0 =	simm.s32 $0x400;
	s7 =	simm.s32 $0x0;
	v5 =	vadd.f32 v63, v7;
	[tilespmem:s6+$0x8010] =	vst v3;
	v3 =	vld [tilespmem:s6+$0x8050]  }
.LBB2_60:
0x5b3: {  	s9 =	sand.u32 $0x1C00, s0;
	v6 =	vld [tilespmem:s6+$0x1A050];
	s3 =	sadd.s32 $0x10, s3  }
0x5b4: {  	s7 =	sadd.s32 $0x80, s7;
	s10 =	sand.u32 $0x380, s3;
	s11 =	sor.u32 s9, s3;
	[tilespmem:s6+$0x8020] =	vst v5;
	v0 =	vadd.f32 v4, v0;
	v4 =	vld [tilespmem:s6+$0x8060]  }
0x5b5: {  	p0 =	slt.u32 s7, $0x1F80;
	s9 =	sor.u32 s10, s9;
	s10 =	sor.u32 $0x70, s11;
	v5 =	vld [tilespmem:s6+$0x1A060]  }
0x5b6: {  	v7 =	vld [tilespmem:s10+$0x8000];
	[tilespmem:s6+$0x8030] =	vst v0;
	v0 =	vadd.f32 v2, v1  }
0x5b7: {  	v1 =	vld [tilespmem:s10+$0x1A000]  }
0x5b8: {  	v2 =	vld [tilespmem:s9+$0x8000];
	[tilespmem:s6+$0x8040] =	vst v0;
	v0 =	vadd.f32 v6, v3  }
0x5b9: {  	v3 =	vld [tilespmem:s9+$0x1A000]  }
0x5ba: {  	v6 =	vld [tilespmem:s9+$0x8010];
	[tilespmem:s6+$0x8050] =	vst v0;
	v0 =	vadd.f32 v5, v4  }
0x5bb: {  	v5 =	vld [tilespmem:s9+$0x1A010]  }
0x5bc: {  	v8 =	vld [tilespmem:s9+$0x8020];
	v1 =	vadd.f32 v1, v7;
	[tilespmem:s6+$0x8060] =	vst v0;
	s6 =	smov.u32 s9  }
0x5bd: {  	v7 =	vld [tilespmem:s6+$0x1A020]  }
.Ltmp29:
0x5be: {  	v2 =	vadd.f32 v3, v2;
	v0 =	vld [tilespmem:s6+$0x8030];
	[tilespmem:s10+$0x8000] =	vst v1;
	(pc) =	sbr.rel @p0 .LBB2_60-.Ltmp29, $4  }
0x5bf: {  	v4 =	vld [tilespmem:s6+$0x1A030]  }
0x5c0: {  	[tilespmem:s6+$0x8000] =	vst v2;
	v3 =	vadd.f32 v5, v6;
	v1 =	vld [tilespmem:s6+$0x8040]  }
0x5c1: {  	v2 =	vld [tilespmem:s6+$0x1A040]  }
0x5c2: {  	s0 =	sadd.s32 $0x400, s0;
	[tilespmem:s6+$0x8010] =	vst v3;
	v5 =	vadd.f32 v7, v8;
	v3 =	vld [tilespmem:s6+$0x8050]  }
0x5c3: {  	v6 =	vld [tilespmem:s6+$0x1A050]  }
0x5c4: {  	v7 =	vld [tilespmem:s6+$0x8060]  }
0x5c5: {  	v8 =	vld [tilespmem:s6+$0x1A060];
	_ =	sdelay $0x1  }
0x5c6: {  	v0 =	vadd.f32 v4, v0  }
0x5c7: {  	[tilespmem:s6+$0x8020] =	vst v5;
	v1 =	vadd.f32 v2, v1  }
0x5c8: {  	[tilespmem:s6+$0x8030] =	vst v0;
	v0 =	vadd.f32 v6, v3  }
0x5c9: {  	[tilespmem:s6+$0x8040] =	vst v1;
	v1 =	vadd.f32 v8, v7  }
0x5ca: {  	[tilespmem:s6+$0x8050] =	vst v0  }
0x5cb: {  	[tilespmem:s6+$0x8060] =	vst v1  }
0x5cc: {  	s0 =	sld [smem:$0x7E8];
	_ =	sdelay $0x1  }
0x5cd: {  	s3 =	simm.s32 $0x0;
	s13 =	simm.s32 $0x6  }
0x5ce: {  	[hbm4b:s0+s3] =	stream.linear.scatter [tilespmem:s20], [sflag:$0x11], $0x2000, $0x38;
	[tilespmem:$0x1E000] =	vst v63  }
0x5cf: {  	_ =	swait.ge [sflag:s13], $0x2000  }
0x5d0: {  	[sflag:s13] =	ssyncset.done $0x0  }
0x5d1: {  	[sflag:s13] =	ssyncadd.s32 $0xFFFFE000  }
0x5d2: {  	s18 =	sand.u32 $0x1C00, s3;
	_ =	swait.ge [sflag:s5], $0x2000  }
0x5d3: {  	s19 =	sor.u32 s18, s3;
	[sflag:s5] =	ssyncset.done $0x0  }
0x5d4: {  	s7 =	sor.u32 $0x70, s19;
	[sflag:s5] =	ssyncadd.s32 $0xFFFFE000  }
0x5d5: {  	s31 =	sand.u32 $0x380, s3;
	v0 =	vld [tilespmem:s7+$0xA000]  }
0x5d6: {  	s6 =	sor.u32 s31, s18;
	v1 =	vld [tilespmem:s7+$0x1A000]  }
0x5d7: {  	v2 =	vld [tilespmem:s6+$0xA000]  }
0x5d8: {  	v3 =	vld [tilespmem:s6+$0x1A000]  }
0x5d9: {  	v5 =	vld [tilespmem:s6+$0xA010]  }
0x5da: {  	v6 =	vld [tilespmem:s6+$0x1A010]  }
0x5db: {  	v7 =	vld [tilespmem:s6+$0xA020]  }
0x5dc: {  	v63 =	vld [tilespmem:s6+$0x1A020]  }
0x5dd: {  	v4 =	vld [tilespmem:s6+$0x1A030];
	v1 =	vadd.f32 v1, v0  }
0x5de: {  	v0 =	vld [tilespmem:s6+$0xA030];
	v2 =	vadd.f32 v3, v2  }
0x5df: {  	v3 =	vadd.f32 v6, v5;
	[tilespmem:s7+$0xA000] =	vst v1;
	v1 =	vld [tilespmem:s6+$0xA040]  }
0x5e0: {  	[tilespmem:s6+$0xA000] =	vst v2;
	v2 =	vld [tilespmem:s6+$0x1A040]  }
0x5e1: {  	s0 =	simm.s32 $0x400;
	v5 =	vadd.f32 v63, v7;
	s7 =	simm.s32 $0x0;
	[tilespmem:s6+$0xA010] =	vst v3;
	v3 =	vld [tilespmem:s6+$0xA050]  }
.LBB2_62:
0x5e2: {  	s9 =	sand.u32 $0x1C00, s0;
	v6 =	vld [tilespmem:s6+$0x1A050];
	s3 =	sadd.s32 $0x10, s3  }
0x5e3: {  	s7 =	sadd.s32 $0x80, s7;
	s10 =	sand.u32 $0x380, s3;
	s11 =	sor.u32 s9, s3;
	[tilespmem:s6+$0xA020] =	vst v5;
	v0 =	vadd.f32 v4, v0;
	v4 =	vld [tilespmem:s6+$0xA060]  }
0x5e4: {  	p0 =	slt.u32 s7, $0x1F80;
	s9 =	sor.u32 s10, s9;
	s10 =	sor.u32 $0x70, s11;
	v5 =	vld [tilespmem:s6+$0x1A060]  }
0x5e5: {  	v7 =	vld [tilespmem:s10+$0xA000];
	[tilespmem:s6+$0xA030] =	vst v0;
	v0 =	vadd.f32 v2, v1  }
0x5e6: {  	v1 =	vld [tilespmem:s10+$0x1A000]  }
0x5e7: {  	v2 =	vld [tilespmem:s9+$0xA000];
	[tilespmem:s6+$0xA040] =	vst v0;
	v0 =	vadd.f32 v6, v3  }
0x5e8: {  	v3 =	vld [tilespmem:s9+$0x1A000]  }
0x5e9: {  	v6 =	vld [tilespmem:s9+$0xA010];
	[tilespmem:s6+$0xA050] =	vst v0;
	v0 =	vadd.f32 v5, v4  }
0x5ea: {  	v5 =	vld [tilespmem:s9+$0x1A010]  }
0x5eb: {  	v8 =	vld [tilespmem:s9+$0xA020];
	v1 =	vadd.f32 v1, v7;
	[tilespmem:s6+$0xA060] =	vst v0;
	s6 =	smov.u32 s9  }
0x5ec: {  	v7 =	vld [tilespmem:s6+$0x1A020]  }
.Ltmp30:
0x5ed: {  	v2 =	vadd.f32 v3, v2;
	v0 =	vld [tilespmem:s6+$0xA030];
	[tilespmem:s10+$0xA000] =	vst v1;
	(pc) =	sbr.rel @p0 .LBB2_62-.Ltmp30, $4  }
0x5ee: {  	v4 =	vld [tilespmem:s6+$0x1A030]  }
0x5ef: {  	[tilespmem:s6+$0xA000] =	vst v2;
	v3 =	vadd.f32 v5, v6;
	v1 =	vld [tilespmem:s6+$0xA040]  }
0x5f0: {  	v2 =	vld [tilespmem:s6+$0x1A040]  }
0x5f1: {  	s0 =	sadd.s32 $0x400, s0;
	[tilespmem:s6+$0xA010] =	vst v3;
	v5 =	vadd.f32 v7, v8;
	v3 =	vld [tilespmem:s6+$0xA050]  }
0x5f2: {  	v6 =	vld [tilespmem:s6+$0x1A050]  }
0x5f3: {  	v7 =	vld [tilespmem:s6+$0xA060]  }
0x5f4: {  	v8 =	vld [tilespmem:s6+$0x1A060];
	_ =	sdelay $0x1  }
0x5f5: {  	v0 =	vadd.f32 v4, v0  }
0x5f6: {  	[tilespmem:s6+$0xA020] =	vst v5;
	v1 =	vadd.f32 v2, v1  }
0x5f7: {  	[tilespmem:s6+$0xA030] =	vst v0;
	v0 =	vadd.f32 v6, v3  }
0x5f8: {  	[tilespmem:s6+$0xA040] =	vst v1;
	v1 =	vadd.f32 v8, v7  }
0x5f9: {  	[tilespmem:s6+$0xA050] =	vst v0  }
0x5fa: {  	[tilespmem:s6+$0xA060] =	vst v1  }
0x5fb: {  	s0 =	sld [smem:$0x7EA];
	_ =	sdelay $0x1  }
0x5fc: {  	s3 =	simm.s32 $0x0  }
0x5fd: {  	[hbm4b:s0+s3] =	stream.linear.scatter [tilespmem:s16], [sflag:$0x12], $0x2000, $0x38;
	[tilespmem:$0x1E000] =	vst v63  }
0x5fe: {  	_ =	swait.ge [sflag:s25], $0x2000  }
0x5ff: {  	[sflag:s25] =	ssyncset.done $0x0  }
0x600: {  	[sflag:s25] =	ssyncadd.s32 $0xFFFFE000  }
0x601: {  	s18 =	sand.u32 $0x1C00, s3;
	_ =	swait.ge [sflag:s26], $0x2000  }
0x602: {  	s19 =	sor.u32 s18, s3;
	[sflag:s26] =	ssyncset.done $0x0  }
0x603: {  	s7 =	sor.u32 $0x70, s19;
	[sflag:s26] =	ssyncadd.s32 $0xFFFFE000  }
0x604: {  	s31 =	sand.u32 $0x380, s3;
	v0 =	vld [tilespmem:s7+$0xC000]  }
0x605: {  	s6 =	sor.u32 s31, s18;
	v1 =	vld [tilespmem:s7+$0x1A000]  }
0x606: {  	v2 =	vld [tilespmem:s6+$0xC000]  }
0x607: {  	v3 =	vld [tilespmem:s6+$0x1A000]  }
0x608: {  	v5 =	vld [tilespmem:s6+$0xC010]  }
0x609: {  	v6 =	vld [tilespmem:s6+$0x1A010]  }
0x60a: {  	v7 =	vld [tilespmem:s6+$0xC020]  }
0x60b: {  	v63 =	vld [tilespmem:s6+$0x1A020]  }
0x60c: {  	v4 =	vld [tilespmem:s6+$0x1A030];
	v1 =	vadd.f32 v1, v0  }
0x60d: {  	v0 =	vld [tilespmem:s6+$0xC030];
	v2 =	vadd.f32 v3, v2  }
0x60e: {  	v3 =	vadd.f32 v6, v5;
	[tilespmem:s7+$0xC000] =	vst v1;
	v1 =	vld [tilespmem:s6+$0xC040]  }
0x60f: {  	[tilespmem:s6+$0xC000] =	vst v2;
	v2 =	vld [tilespmem:s6+$0x1A040]  }
0x610: {  	s0 =	simm.s32 $0x400;
	v5 =	vadd.f32 v63, v7;
	s7 =	simm.s32 $0x0;
	[tilespmem:s6+$0xC010] =	vst v3;
	v3 =	vld [tilespmem:s6+$0xC050]  }
.LBB2_64:
0x611: {  	s9 =	sand.u32 $0x1C00, s0;
	v6 =	vld [tilespmem:s6+$0x1A050];
	s3 =	sadd.s32 $0x10, s3  }
0x612: {  	s7 =	sadd.s32 $0x80, s7;
	s10 =	sand.u32 $0x380, s3;
	s11 =	sor.u32 s9, s3;
	[tilespmem:s6+$0xC020] =	vst v5;
	v0 =	vadd.f32 v4, v0;
	v4 =	vld [tilespmem:s6+$0xC060]  }
0x613: {  	p0 =	slt.u32 s7, $0x1F80;
	s9 =	sor.u32 s10, s9;
	s10 =	sor.u32 $0x70, s11;
	v5 =	vld [tilespmem:s6+$0x1A060]  }
0x614: {  	v7 =	vld [tilespmem:s10+$0xC000];
	[tilespmem:s6+$0xC030] =	vst v0;
	v0 =	vadd.f32 v2, v1  }
0x615: {  	v1 =	vld [tilespmem:s10+$0x1A000]  }
0x616: {  	v2 =	vld [tilespmem:s9+$0xC000];
	[tilespmem:s6+$0xC040] =	vst v0;
	v0 =	vadd.f32 v6, v3  }
0x617: {  	v3 =	vld [tilespmem:s9+$0x1A000]  }
0x618: {  	v6 =	vld [tilespmem:s9+$0xC010];
	[tilespmem:s6+$0xC050] =	vst v0;
	v0 =	vadd.f32 v5, v4  }
0x619: {  	v5 =	vld [tilespmem:s9+$0x1A010]  }
0x61a: {  	v8 =	vld [tilespmem:s9+$0xC020];
	v1 =	vadd.f32 v1, v7;
	[tilespmem:s6+$0xC060] =	vst v0;
	s6 =	smov.u32 s9  }
0x61b: {  	v7 =	vld [tilespmem:s6+$0x1A020]  }
.Ltmp31:
0x61c: {  	v2 =	vadd.f32 v3, v2;
	v0 =	vld [tilespmem:s6+$0xC030];
	[tilespmem:s10+$0xC000] =	vst v1;
	(pc) =	sbr.rel @p0 .LBB2_64-.Ltmp31, $4  }
0x61d: {  	v4 =	vld [tilespmem:s6+$0x1A030]  }
0x61e: {  	[tilespmem:s6+$0xC000] =	vst v2;
	v3 =	vadd.f32 v5, v6;
	v1 =	vld [tilespmem:s6+$0xC040]  }
0x61f: {  	v2 =	vld [tilespmem:s6+$0x1A040]  }
0x620: {  	s0 =	sadd.s32 $0x400, s0;
	[tilespmem:s6+$0xC010] =	vst v3;
	v5 =	vadd.f32 v7, v8;
	v3 =	vld [tilespmem:s6+$0xC050]  }
0x621: {  	v6 =	vld [tilespmem:s6+$0x1A050]  }
0x622: {  	v7 =	vld [tilespmem:s6+$0xC060]  }
0x623: {  	v8 =	vld [tilespmem:s6+$0x1A060];
	_ =	sdelay $0x1  }
0x624: {  	v0 =	vadd.f32 v4, v0  }
0x625: {  	[tilespmem:s6+$0xC020] =	vst v5;
	v1 =	vadd.f32 v2, v1  }
0x626: {  	[tilespmem:s6+$0xC030] =	vst v0;
	v0 =	vadd.f32 v6, v3  }
0x627: {  	[tilespmem:s6+$0xC040] =	vst v1;
	v1 =	vadd.f32 v8, v7  }
0x628: {  	[tilespmem:s6+$0xC050] =	vst v0  }
0x629: {  	[tilespmem:s6+$0xC060] =	vst v1  }
0x62a: {  	s0 =	sld [smem:$0x7EC];
	_ =	sdelay $0x1  }
0x62b: {  	s3 =	simm.s32 $0x0;
	s13 =	simm.s32 $0xC000  }
0x62c: {  	[hbm4b:s0+s3] =	stream.linear.scatter [tilespmem:s13], [sflag:$0x13], $0x2000, $0x38;
	[tilespmem:$0x1E000] =	vst v63  }
0x62d: {  	_ =	swait.ge [sflag:s28], $0x2000  }
0x62e: {  	[sflag:s28] =	ssyncset.done $0x0  }
0x62f: {  	[sflag:s28] =	ssyncadd.s32 $0xFFFFE000  }
0x630: {  	s18 =	sand.u32 $0x1C00, s3;
	_ =	swait.ge [sflag:s29], $0x2000  }
0x631: {  	s19 =	sor.u32 s18, s3;
	[sflag:s29] =	ssyncset.done $0x0  }
0x632: {  	s7 =	sor.u32 $0x70, s19;
	[sflag:s29] =	ssyncadd.s32 $0xFFFFE000  }
0x633: {  	s31 =	sand.u32 $0x380, s3;
	v0 =	vld [tilespmem:s7+$0xE000]  }
0x634: {  	s6 =	sor.u32 s31, s18;
	v1 =	vld [tilespmem:s7+$0x1A000]  }
0x635: {  	v2 =	vld [tilespmem:s6+$0xE000]  }
0x636: {  	v3 =	vld [tilespmem:s6+$0x1A000]  }
0x637: {  	v5 =	vld [tilespmem:s6+$0xE010]  }
0x638: {  	v6 =	vld [tilespmem:s6+$0x1A010]  }
0x639: {  	v7 =	vld [tilespmem:s6+$0xE020]  }
0x63a: {  	v63 =	vld [tilespmem:s6+$0x1A020]  }
0x63b: {  	v4 =	vld [tilespmem:s6+$0x1A030];
	v1 =	vadd.f32 v1, v0  }
0x63c: {  	v0 =	vld [tilespmem:s6+$0xE030];
	v2 =	vadd.f32 v3, v2  }
0x63d: {  	v3 =	vadd.f32 v6, v5;
	[tilespmem:s7+$0xE000] =	vst v1;
	v1 =	vld [tilespmem:s6+$0xE040]  }
0x63e: {  	[tilespmem:s6+$0xE000] =	vst v2;
	v2 =	vld [tilespmem:s6+$0x1A040]  }
0x63f: {  	s0 =	simm.s32 $0x400;
	v5 =	vadd.f32 v63, v7;
	s7 =	simm.s32 $0x0;
	[tilespmem:s6+$0xE010] =	vst v3;
	v3 =	vld [tilespmem:s6+$0xE050]  }
.LBB2_66:
0x640: {  	s9 =	sand.u32 $0x1C00, s0;
	v6 =	vld [tilespmem:s6+$0x1A050];
	s3 =	sadd.s32 $0x10, s3  }
0x641: {  	s7 =	sadd.s32 $0x80, s7;
	s10 =	sand.u32 $0x380, s3;
	s11 =	sor.u32 s9, s3;
	[tilespmem:s6+$0xE020] =	vst v5;
	v0 =	vadd.f32 v4, v0;
	v4 =	vld [tilespmem:s6+$0xE060]  }
0x642: {  	p0 =	slt.u32 s7, $0x1F80;
	s9 =	sor.u32 s10, s9;
	s10 =	sor.u32 $0x70, s11;
	v5 =	vld [tilespmem:s6+$0x1A060]  }
0x643: {  	v7 =	vld [tilespmem:s10+$0xE000];
	[tilespmem:s6+$0xE030] =	vst v0;
	v0 =	vadd.f32 v2, v1  }
0x644: {  	v1 =	vld [tilespmem:s10+$0x1A000]  }
0x645: {  	v2 =	vld [tilespmem:s9+$0xE000];
	[tilespmem:s6+$0xE040] =	vst v0;
	v0 =	vadd.f32 v6, v3  }
0x646: {  	v3 =	vld [tilespmem:s9+$0x1A000]  }
0x647: {  	v6 =	vld [tilespmem:s9+$0xE010];
	[tilespmem:s6+$0xE050] =	vst v0;
	v0 =	vadd.f32 v5, v4  }
0x648: {  	v5 =	vld [tilespmem:s9+$0x1A010]  }
0x649: {  	v8 =	vld [tilespmem:s9+$0xE020];
	v1 =	vadd.f32 v1, v7;
	[tilespmem:s6+$0xE060] =	vst v0;
	s6 =	smov.u32 s9  }
0x64a: {  	v7 =	vld [tilespmem:s6+$0x1A020]  }
.Ltmp32:
0x64b: {  	v2 =	vadd.f32 v3, v2;
	v0 =	vld [tilespmem:s6+$0xE030];
	[tilespmem:s10+$0xE000] =	vst v1;
	(pc) =	sbr.rel @p0 .LBB2_66-.Ltmp32, $4  }
0x64c: {  	v4 =	vld [tilespmem:s6+$0x1A030]  }
0x64d: {  	[tilespmem:s6+$0xE000] =	vst v2;
	v3 =	vadd.f32 v5, v6;
	v1 =	vld [tilespmem:s6+$0xE040]  }
0x64e: {  	v2 =	vld [tilespmem:s6+$0x1A040]  }
0x64f: {  	s0 =	sadd.s32 $0x400, s0;
	[tilespmem:s6+$0xE010] =	vst v3;
	v5 =	vadd.f32 v7, v8;
	v3 =	vld [tilespmem:s6+$0xE050]  }
0x650: {  	v6 =	vld [tilespmem:s6+$0x1A050]  }
0x651: {  	v7 =	vld [tilespmem:s6+$0xE060]  }
0x652: {  	v8 =	vld [tilespmem:s6+$0x1A060];
	_ =	sdelay $0x1  }
0x653: {  	v0 =	vadd.f32 v4, v0  }
0x654: {  	[tilespmem:s6+$0xE020] =	vst v5;
	v1 =	vadd.f32 v2, v1  }
0x655: {  	[tilespmem:s6+$0xE030] =	vst v0;
	v62 =	vadd.f32 v6, v3  }
0x656: {  	[tilespmem:s6+$0xE040] =	vst v1;
	v63 =	vadd.f32 v8, v7  }
0x657: {  	[tilespmem:s6+$0xE050] =	vst v62  }
0x658: {  	[tilespmem:s6+$0xE060] =	vst v63  }
0x659: {  	s0 =	sld [smem:$0x7F1];
	_ =	sdelay $0x2  }
0x65a: {  	[hbm4b:s0+s15] =	stream.linear.scatter [tilespmem:s12], [sflag:$0x14], $0x2000, $0x38;
	[tilespmem:$0x1E000] =	vst v63  }
0x65b: {  	_ =	swait.ge [sflag:s8], $0x2000  }
0x65c: {  	[sflag:s8] =	ssyncset.done $0x0  }
0x65d: {  	[sflag:s8] =	ssyncadd.s32 $0xFFFFE000  }
0x65e: {  	_ =	swait.ge [sflag:s2], $0x2000  }
0x65f: {  	[sflag:s2] =	ssyncset.done $0x0  }
0x660: {  	[sflag:s2] =	ssyncadd.s32 $0xFFFFE000  }
0x661: {  	_ =	swait.ge [sflag:s14], $0x2000  }
0x662: {  	[sflag:s14] =	ssyncset.done $0x0  }
0x663: {  	[sflag:s14] =	ssyncadd.s32 $0xFFFFE000  }
0x664: {  	_ =	swait.ge [sflag:s17], $0x2000  }
0x665: {  	s3 =	sld [smem:$0x7E6]  }
0x666: {  	s31 =	sld [smem:$0x7F5];
	_ =	sdelay $0x1  }
0x667: {  	s3 =	sadd.s32 $0x1, s3  }
0x668: {  	p0 =	sne.s32 s3, s31  }
.Ltmp33:
0x669: {  	_ = 	snop;
	(pc) =	sbr.rel @p0 .LBB2_1-.Ltmp33, $3  }
0x66a: {  	_ =	sdelay $0x1  }
0x66b: {  	[sflag:s17] =	ssyncset.done $0x0  }
0x66c: {  	[sflag:s17] =	ssyncadd.s32 $0xFFFFE000  }
0x66d: {  	_ =	sfence.sel $0x180000  }
0x66e: {  	[bflag:$0x0] =	sbarrier.arrive $0xFFFF  }
0x66f: {  	_ =	strace $0x90000047  }
0x670: {  	s0 =	stileid.u32;
	[bflag:$0x2] =	sbarrier.arrive $0xFFFF  }
0x671: {  	p0 =	sne.s32 s0, $0x0;
	s0 =	rddreg [dreg:$0x3]  }
0x672: {  	s0 =	sadd.s32 @!p0 $0x100000, s0  }
0x673: {  	[sflag:s0] =	ssyncadd.tile.s32 @!p0 $0x1;
	_ =	shalt  }
.Lfunc_end2:
_tile_overlayer_lowered:
.L_overlay_start_2:
0x674: {  	(tag) =	ssettag $0x2  }
0x675: {  	s0 =	rddreg [dreg:$0x0];
	s2 =	stileid.u32  }
0x676: {  	s1 =	rddreg [dreg:$0x1];
	p0 =	sne.s32 s2, $0x0  }
0x677: {  	s3 =	rddreg [dreg:$0x2];
	[bflag:$0x3] =	sbarrier.arrive $0xFFFF;
	s2 =	simm.s32 @!p0 $0x1C1C  }
0x678: {  	[timem:s3], [sflag:s2] =	dma.local @!p0 [hbm:s0], s1  }
0x679: {  	s0 =	simm.s32 @!p0 $0x1C  }
0x67a: {  	_ =	swait.ge @!p0 [sflag:s0], s1  }
0x67b: {  	s1 =	ssub.s32 @!p0 $0x0, s1;
	[sflag:s0] =	ssyncset.done @!p0 $0x0  }
0x67c: {  	[sflag:s0] =	ssyncadd.s32 @!p0 s1  }
0x67d: {  	[bflag:$0x3] =	sbarrier.arrive $0xFFFF  }
0x67e: {  	_ =	shalt  }

</sc_bundles>
